<compile_context>
chip_gen: v7x
topology: tpu7x:2x2x1
jax: 0.10.2.dev20260603
libtpu: 0.0.44.dev20260713+nightly
codegen_flags: <defaults>
</compile_context>

<pallas_src>
import functools

import jax
import jax.numpy as jnp
from jax import lax
from jax.experimental import pallas as pl
from jax.experimental.pallas import tpu as pltpu
from jax.experimental.pallas import tpu_sc as plsc

N = 10000
E = 320000
C = 128
K = 27
EPS = 1e-5

NUM_CORES = 2
NUM_SUBCORES = 16
NW = NUM_CORES * NUM_SUBCORES
EPW = E // NW
CHUNK = 80
NCH = EPW // CHUNK
BCH = 25
NBLK_E = NCH // BCH
ZB = 80
NZB = N // ZB

MM_ROWS = 10000
NBLK_MM = N // MM_ROWS
ST_ROWS = 2000
NBLK_ST = N // ST_ROWS


def _xw_matmul(x, W):
    def body(x_ref, w_ref, o_ref):
        o_ref[...] = jnp.dot(x_ref[...], w_ref[0],
                             preferred_element_type=jnp.float32
)

    return pl.pallas_call(
        body,
        grid=(NBLK_MM, K),
        in_specs=[
            pl.BlockSpec((MM_ROWS, C), lambda b, k: (b, 0)),
            pl.BlockSpec((1, C, C), lambda b, k: (k, 0, 0)),
        ],
        out_specs=pl.BlockSpec((MM_ROWS, C),
                               lambda b, k: (k * NBLK_MM + b, 0)),
        out_shape=jax.ShapeDtypeStruct((K * N, C), jnp.float32),
    )(x, W)


def _sc_edge_scatter(xw, er, kidr):
    mesh = plsc.VectorSubcoreMesh(core_axis_name="c", subcore_axis_name="s")

    @functools.partial(
        pl.kernel,
        mesh=mesh,
        out_type=jax.ShapeDtypeStruct((NUM_CORES, N, C), jnp.float32),
        scratch_types=[
            pltpu.VMEM((BCH, CHUNK), jnp.int32),
            pltpu.VMEM((BCH, CHUNK), jnp.int32),
            pltpu.VMEM((BCH, CHUNK), jnp.int32),
            pltpu.VMEM((BCH, CHUNK), jnp.int32),
            pltpu.VMEM((CHUNK, C), jnp.float32),
            pltpu.VMEM((CHUNK, C), jnp.float32),
            pltpu.VMEM((CHUNK, C), jnp.float32),
            pltpu.VMEM_SHARED((N, C), jnp.float32),
            pltpu.SemaphoreType.DMA,
            pltpu.SemaphoreType.DMA,
            pltpu.SemaphoreType.DMA,
            pltpu.SemaphoreType.DMA,
            pltpu.SemaphoreType.DMA,
        ],
    )
    def k(er_hbm, kid_hbm, xw_hbm, out_hbm,
          p2a, p2b, d2a, d2b, rows_a, rows_b, rows_c, acc,
          sem_a, sem_b, sem_c, sem_ma, sem_mb):
        cid = lax.axis_index("c")
        sid = lax.axis_index("s")
        wid = sid * NUM_CORES + cid

        pltpu.make_async_copy(er_hbm.at[0, wid, 0], p2a, sem_ma).start()
        pltpu.make_async_copy(kid_hbm.at[wid, 0], d2a, sem_ma).start()

        def zrow(i, carry):
            for j in range(C // 16):
                rows_a[i, pl.ds(j * 16, 16)] = jnp.zeros((16,), jnp.float32)
            return carry
        lax.fori_loop(0, CHUNK, zrow, 0)
        for t in range(NZB // NUM_SUBCORES + 1):
            b = sid + t * NUM_SUBCORES

            @pl.when(b < NZB)
            def _():
                pltpu.make_async_copy(rows_a, acc.at[pl.ds(b * ZB, ZB)],
                                      sem_a).start()
        for t in range(NZB // NUM_SUBCORES + 1):
            b = sid + t * NUM_SUBCORES

            @pl.when(b < NZB)
            def _():
                pltpu.make_async_copy(rows_a, acc.at[pl.ds(b * ZB, ZB)],
                                      sem_a).wait()

        def make_gidx(pb, kb):
            def gidx(i, carry):
                for j in range(CHUNK // 16):
                    sl = pl.ds(j * 16, 16)
                    pb[i, sl] = kb[i, sl] * N + pb[i, sl]
                return carry
            return gidx

        pltpu.make_async_copy(er_hbm.at[0, wid, 0], p2a, sem_ma).wait()
        pltpu.make_async_copy(kid_hbm.at[wid, 0], d2a, sem_ma).wait()
        lax.fori_loop(0, BCH, make_gidx(p2a, d2a), 0)
        pltpu.make_async_copy(er_hbm.at[1, wid, 0], d2a, sem_ma).start()
        pltpu.make_async_copy(er_hbm.at[0, wid, 1], p2b, sem_mb).start()
        pltpu.make_async_copy(kid_hbm.at[wid, 1], d2b, sem_mb).start()

        plsc.subcore_barrier()

        for bi in range(NBLK_E):
            if bi % 2 == 0:
                pb, db, sm = p2a, d2a, sem_ma
                pn, dn, smn = p2b, d2b, sem_mb
            else:
                pb, db, sm = p2b, d2b, sem_mb
                pn, dn, smn = p2a, d2a, sem_ma

            def gather(ci, rows, sem, pb=pb):
                return pltpu.make_async_copy(xw_hbm.at[pb.at[ci]], rows, sem)

            gather(0, rows_a, sem_a).start()
            gather(1, rows_b, sem_b).start()
            gather(2, rows_c, sem_c).start()

            if bi + 1 < NBLK_E:
                pltpu.make_async_copy(er_hbm.at[0, wid, bi + 1], pn,
                                      smn).wait()
                pltpu.make_async_copy(kid_hbm.at[wid, bi + 1], dn,
                                      smn).wait()
                lax.fori_loop(0, BCH, make_gidx(pn, dn), 0)
                pltpu.make_async_copy(er_hbm.at[1, wid, bi + 1], dn,
                                      smn).start()

            pltpu.make_async_copy(er_hbm.at[1, wid, bi], db, sm).wait()

            def step(t, carry, gather=gather, db=db):
                c = 3 * t
                for lane, (rw, sm_) in enumerate([(rows_a, sem_a),
                                                  (rows_b, sem_b),
                                                  (rows_c, sem_c)]):
                    gather(c + lane, rw, sm_).wait()
                    pltpu.sync_copy(rw, acc.at[db.at[c + lane]], add=True)

                    @pl.when(c + lane + 3 < BCH)
                    def _(gather=gather, c=c, lane=lane, rw=rw, sm_=sm_):
                        gather(c + lane + 3, rw, sm_).start()
                return carry
            lax.fori_loop(0, (BCH - 1) // 3, step, 0)

            gather(BCH - 1, rows_a, sem_a).wait()
            pltpu.sync_copy(rows_a, acc.at[db.at[BCH - 1]], add=True)

            if bi + 2 < NBLK_E:
                pltpu.make_async_copy(er_hbm.at[0, wid, bi + 2], pb,
                                      sm).start()
                pltpu.make_async_copy(kid_hbm.at[wid, bi + 2], db,
                                      sm).start()

        plsc.subcore_barrier()

        for t in range(NZB // NUM_SUBCORES + 1):
            b = sid + t * NUM_SUBCORES

            @pl.when(b < NZB)
            def _():
                pltpu.make_async_copy(acc.at[pl.ds(b * ZB, ZB)],
                                      out_hbm.at[cid, pl.ds(b * ZB, ZB)],
                                      sem_a).start()
        for t in range(NZB // NUM_SUBCORES + 1):
            b = sid + t * NUM_SUBCORES

            @pl.when(b < NZB)
            def _():
                pltpu.make_async_copy(acc.at[pl.ds(b * ZB, ZB)],
                                      out_hbm.at[cid, pl.ds(b * ZB, ZB)],
                                      sem_a).wait()

    return k(er, kidr, xw)


def _bn_relu(partial, gamma2, beta2):
    def body(p_ref, g_ref, b_ref, o_ref, s_vmem, st_vmem):
        p = pl.program_id(0)
        b = pl.program_id(1)

        @pl.when(p == 0)
        def _():
            s = p_ref[0] + p_ref[1]
            s_vmem[pl.ds(b * ST_ROWS, ST_ROWS), :] = s

            @pl.when(b == 0)
            def _():
                st_vmem[...] = jnp.zeros_like(st_vmem)

            st_vmem[0, :] += jnp.sum(s, axis=0)
            st_vmem[1, :] += jnp.sum(s * s, axis=0)
            o_ref[...] = s

        @pl.when(p == 1)
        def _():
            mean = st_vmem[0:1, :] * (1.0 / N)
            var = st_vmem[1:2, :] * (1.0 / N) - mean * mean
            scale = g_ref[...] * lax.rsqrt(var + EPS)
            s = s_vmem[pl.ds(b * ST_ROWS, ST_ROWS), :]
            o_ref[...] = jnp.maximum((s - mean) * scale + b_ref[...], 0.0)

    return pl.pallas_call(
        body,
        grid=(2, NBLK_ST),
        in_specs=[
            pl.BlockSpec((NUM_CORES, ST_ROWS, C),
                         lambda p, b: (0, b * (1 - p), 0)),
            pl.BlockSpec((1, C), lambda p, b: (0, 0)),
            pl.BlockSpec((1, C), lambda p, b: (0, 0)),
        ],
        out_specs=pl.BlockSpec((ST_ROWS, C), lambda p, b: (b, 0)),
        out_shape=jax.ShapeDtypeStruct((N, C), jnp.float32),
        scratch_shapes=[
            pltpu.VMEM((N, C), jnp.float32),
            pltpu.VMEM((8, C), jnp.float32),
        ],
    )(partial, gamma2, beta2)


def kernel(x, edge_index, kernel_id, W, gamma, beta):
    er = edge_index.astype(jnp.int32).reshape(2, NW, NBLK_E, BCH, CHUNK)
    kidr = kernel_id.astype(jnp.int32).reshape(NW, NBLK_E, BCH, CHUNK)

    xw = _xw_matmul(x, W)
    partial = _sc_edge_scatter(xw, er, kidr)
    return _bn_relu(partial, gamma.reshape(1, C), beta.reshape(1, C))

# --- scband reference (transcript-rebuilt; emitter-appended) ---
"""Pipeline reference for scband-conv-bn-re-lu3-dsparse-52149492908562 (READ-ONLY COPY).

The authoritative reference and input builder live on the scoring server;
editing this copy changes nothing except your own understanding.
"""

import jax, jax.numpy as jnp
import numpy as np

N = 10000        # number of active voxels (sparse tensor rows)
E = 320000       # number of (input_voxel, output_voxel, kernel_offset) pairs from the kernel map
C_IN = 128
C_OUT = 128
K = 27           # 3x3x3 kernel offsets
EPS = 1e-5


def setup_inputs(seed: int = 0) -> dict:
    key = jax.random.key(seed)
    k1, k2, k3, k4, k5, k6 = jax.random.split(key, 6)
    x = jax.random.normal(k1, (N, C_IN), dtype=jnp.float32)
    edge_index = jax.random.randint(k2, (2, E), 0, N).astype(jnp.int64)
    kernel_id = jax.random.randint(k3, (E,), 0, K).astype(jnp.int64)
    # learned parameters
    W = jax.random.normal(k4, (K, C_IN, C_OUT), dtype=jnp.float32) * (1.0 / np.sqrt(C_IN * K))
    gamma = jnp.ones((C_OUT,), dtype=jnp.float32)
    beta = jnp.zeros((C_OUT,), dtype=jnp.float32)
    return {"x": x, "edge_index": edge_index, "kernel_id": kernel_id,
            "W": W, "gamma": gamma, "beta": beta}


def reference(x, edge_index, kernel_id, W, gamma, beta):
    # Sparse 3D conv as message passing over the precomputed kernel map:
    #   out[dst] += x[src] @ W[kernel_offset]
    src = edge_index[0]
    dst = edge_index[1]
    # Transform every node feature by every kernel-offset weight matrix,
    # then gather the (src, offset) pair per edge and scatter-add into dst.
    xW = jnp.einsum('nc,kco->nko', x, W)          # (N, K, C_OUT)
    msgs = xW[src, kernel_id]                      # gather -> (E, C_OUT)
    out = jax.ops.segment_sum(msgs, dst, num_segments=N)  # scatter-add

    # BatchNorm (training mode: batch statistics over active voxels)
    mean = jnp.mean(out, axis=0)
    var = jnp.var(out, axis=0)
    y = (out - mean) / jnp.sqrt(var + EPS) * gamma + beta

    # ReLU
    return jnp.maximum(y, 0.0)

if __name__ == "__main__":
    import jax
    _d = setup_inputs()
    print(jax.jit(kernel)(*tuple(_d.values())))

</pallas_src>

<mosaic_0001>
#map = affine_map<(d0, d1) -> (0, 0, 0, 0, 0)>
#map1 = affine_map<(d0, d1) -> (0, 0, 0, 0)>
#map2 = affine_map<(d0, d1) -> (0, 0)>
#map3 = affine_map<(d0, d1) -> (0, 0, 0)>
module attributes {stable_mosaic.version = 14 : i64} {
  func.func @k(%arg0: i32, %arg1: i32, %arg2: memref<2x32x5x25x80xi32, #tpu.memory_space<hbm>>, %arg3: memref<32x5x25x80xi32, #tpu.memory_space<hbm>>, %arg4: memref<270000x128xf32, #tpu.memory_space<hbm>>, %arg5: memref<2x10000x128xf32, #tpu.memory_space<hbm>>, %arg6: memref<25x80xi32, #tpu.memory_space<vmem>>, %arg7: memref<25x80xi32, #tpu.memory_space<vmem>>, %arg8: memref<25x80xi32, #tpu.memory_space<vmem>>, %arg9: memref<25x80xi32, #tpu.memory_space<vmem>>, %arg10: memref<80x128xf32, #tpu.memory_space<vmem>>, %arg11: memref<80x128xf32, #tpu.memory_space<vmem>>, %arg12: memref<80x128xf32, #tpu.memory_space<vmem>>, %arg13: memref<10000x128xf32, #tpu.memory_space<vmem_shared>>, %arg14: memref<!tpu.dma_semaphore, #tpu.memory_space<semaphore_mem>>, %arg15: memref<!tpu.dma_semaphore, #tpu.memory_space<semaphore_mem>>, %arg16: memref<!tpu.dma_semaphore, #tpu.memory_space<semaphore_mem>>, %arg17: memref<!tpu.dma_semaphore, #tpu.memory_space<semaphore_mem>>, %arg18: memref<!tpu.dma_semaphore, #tpu.memory_space<semaphore_mem>>) attributes {dimension_semantics = [#tpu.dimension_semantics<core_parallel>, #tpu.dimension_semantics<subcore_parallel>], iteration_bounds = array<i64: 2, 16>, scalar_prefetch = 0 : i64, scratch_operands = 13 : i64, tpu.core_type = #tpu.core_type<sc_vector_subcore>, window_params = [{transform_indices = #map}, {transform_indices = #map1}, {transform_indices = #map2}, {transform_indices = #map3}]} {
    %mul3A = arith.constant 2 : i32
    %mul3A_0 = arith.muli %arg1, %mul3A : i32
    %add3A = arith.addi %mul3A_0, %arg0 : i32
    %dma_start3A = arith.constant 0 : i32
    %dma_start3A_1 = arith.constant 0 : i32
    %dma_start3A_2 = arith.constant 0 : i32
    %dma_start3A_3 = arith.constant 0 : i32
    %dma_start3A_4 = tpu.memref_slice %arg2[%dma_start3A, %add3A, %dma_start3A_1, %dma_start3A_2, %dma_start3A_3] : memref<2x32x5x25x80xi32, #tpu.memory_space<hbm>> -> memref<1x1x1x25x80xi32, #tpu.memory_space<hbm>>
    %dma_start3A_5 = tpu.memref_squeeze %dma_start3A_4 : memref<1x1x1x25x80xi32, #tpu.memory_space<hbm>> -> memref<25x80xi32, #tpu.memory_space<hbm>>
    %dma_start3A_6 = arith.constant 0 : i32
    %dma_start3A_7 = arith.constant 0 : i32
    %dma_start3A_8 = tpu.memref_slice %arg2[%dma_start3A, %add3A, %dma_start3A_1, %dma_start3A_6, %dma_start3A_7] : memref<2x32x5x25x80xi32, #tpu.memory_space<hbm>> -> memref<1x1x1x25x80xi32, #tpu.memory_space<hbm>>
    %dma_start3A_9 = tpu.memref_squeeze %dma_start3A_8 : memref<1x1x1x25x80xi32, #tpu.memory_space<hbm>> -> memref<25x80xi32, #tpu.memory_space<hbm>>
    tpu.enqueue_dma source(%dma_start3A_9 : memref<25x80xi32, #tpu.memory_space<hbm>>) target(%arg6 : memref<25x80xi32, #tpu.memory_space<vmem>>) target_semaphore(%arg17 : memref<!tpu.dma_semaphore, #tpu.memory_space<semaphore_mem>>)
    %dma_start3A_10 = arith.constant 0 : i32
    %dma_start3A_11 = arith.constant 0 : i32
    %dma_start3A_12 = arith.constant 0 : i32
    %dma_start3A_13 = tpu.memref_slice %arg3[%add3A, %dma_start3A_10, %dma_start3A_11, %dma_start3A_12] : memref<32x5x25x80xi32, #tpu.memory_space<hbm>> -> memref<1x1x25x80xi32, #tpu.memory_space<hbm>>
    %dma_start3A_14 = tpu.memref_squeeze %dma_start3A_13 : memref<1x1x25x80xi32, #tpu.memory_space<hbm>> -> memref<25x80xi32, #tpu.memory_space<hbm>>
    %dma_start3A_15 = arith.constant 0 : i32
    %dma_start3A_16 = arith.constant 0 : i32
    %dma_start3A_17 = tpu.memref_slice %arg3[%add3A, %dma_start3A_10, %dma_start3A_15, %dma_start3A_16] : memref<32x5x25x80xi32, #tpu.memory_space<hbm>> -> memref<1x1x25x80xi32, #tpu.memory_space<hbm>>
    %dma_start3A_18 = tpu.memref_squeeze %dma_start3A_17 : memref<1x1x25x80xi32, #tpu.memory_space<hbm>> -> memref<25x80xi32, #tpu.memory_space<hbm>>
    tpu.enqueue_dma source(%dma_start3A_18 : memref<25x80xi32, #tpu.memory_space<hbm>>) target(%arg8 : memref<25x80xi32, #tpu.memory_space<vmem>>) target_semaphore(%arg17 : memref<!tpu.dma_semaphore, #tpu.memory_space<semaphore_mem>>)
    %scan3A = arith.constant 0 : i32
    %scan3A_19 = arith.constant 0 : i32
    %scan3A_20 = arith.constant 80 : i32
    %scan3A_21 = arith.addi %scan3A_19, %scan3A_20 : i32
    %scan3A_22 = arith.constant 1 : i32
    scf.for %scan3A_720 = %scan3A_19 to %scan3A_21 step %scan3A_22  : i32 {
      %broadcast_in_dim3A = arith.constant 0.000000e+00 : f32
      %broadcast_in_dim3A_721 = vector.broadcast %broadcast_in_dim3A : f32 to vector<16xf32>
      %swap3A = arith.index_cast %scan3A_720 : i32 to index
      %swap3A_722 = arith.constant 0 : index
      %swap3A_723 = tpu.vector_load %arg10[%swap3A, %swap3A_722] {strides = array<i32>} : memref<80x128xf32, #tpu.memory_space<vmem>>, vector<1x16xf32>,
      %swap3A_724 = vector.shape_cast %swap3A_723 : vector<1x16xf32> to vector<16xf32>
      %swap3A_725 = vector.shape_cast %broadcast_in_dim3A_721 : vector<16xf32> to vector<1x16xf32>
      tpu.vector_store %arg10[%swap3A, %swap3A_722], %swap3A_725 {strides = array<i32>} : memref<80x128xf32, #tpu.memory_space<vmem>>, vector<1x16xf32>,
      %broadcast_in_dim3A_726 = arith.constant 0.000000e+00 : f32
      %broadcast_in_dim3A_727 = vector.broadcast %broadcast_in_dim3A_726 : f32 to vector<16xf32>
      %swap3A_728 = arith.index_cast %scan3A_720 : i32 to index
      %swap3A_729 = arith.constant 16 : index
      %swap3A_730 = tpu.vector_load %arg10[%swap3A_728, %swap3A_729] {strides = array<i32>} : memref<80x128xf32, #tpu.memory_space<vmem>>, vector<1x16xf32>,
      %swap3A_731 = vector.shape_cast %swap3A_730 : vector<1x16xf32> to vector<16xf32>
      %swap3A_732 = vector.shape_cast %broadcast_in_dim3A_727 : vector<16xf32> to vector<1x16xf32>
      tpu.vector_store %arg10[%swap3A_728, %swap3A_729], %swap3A_732 {strides = array<i32>} : memref<80x128xf32, #tpu.memory_space<vmem>>, vector<1x16xf32>,
      %broadcast_in_dim3A_733 = arith.constant 0.000000e+00 : f32
      %broadcast_in_dim3A_734 = vector.broadcast %broadcast_in_dim3A_733 : f32 to vector<16xf32>
      %swap3A_735 = arith.index_cast %scan3A_720 : i32 to index
      %swap3A_736 = arith.constant 32 : index
      %swap3A_737 = tpu.vector_load %arg10[%swap3A_735, %swap3A_736] {strides = array<i32>} : memref<80x128xf32, #tpu.memory_space<vmem>>, vector<1x16xf32>,
      %swap3A_738 = vector.shape_cast %swap3A_737 : vector<1x16xf32> to vector<16xf32>
      %swap3A_739 = vector.shape_cast %broadcast_in_dim3A_734 : vector<16xf32> to vector<1x16xf32>
      tpu.vector_store %arg10[%swap3A_735, %swap3A_736], %swap3A_739 {strides = array<i32>} : memref<80x128xf32, #tpu.memory_space<vmem>>, vector<1x16xf32>,
      %broadcast_in_dim3A_740 = arith.constant 0.000000e+00 : f32
      %broadcast_in_dim3A_741 = vector.broadcast %broadcast_in_dim3A_740 : f32 to vector<16xf32>
      %swap3A_742 = arith.index_cast %scan3A_720 : i32 to index
      %swap3A_743 = arith.constant 48 : index
      %swap3A_744 = tpu.vector_load %arg10[%swap3A_742, %swap3A_743] {strides = array<i32>} : memref<80x128xf32, #tpu.memory_space<vmem>>, vector<1x16xf32>,
      %swap3A_745 = vector.shape_cast %swap3A_744 : vector<1x16xf32> to vector<16xf32>
      %swap3A_746 = vector.shape_cast %broadcast_in_dim3A_741 : vector<16xf32> to vector<1x16xf32>
      tpu.vector_store %arg10[%swap3A_742, %swap3A_743], %swap3A_746 {strides = array<i32>} : memref<80x128xf32, #tpu.memory_space<vmem>>, vector<1x16xf32>,
      %broadcast_in_dim3A_747 = arith.constant 0.000000e+00 : f32
      %broadcast_in_dim3A_748 = vector.broadcast %broadcast_in_dim3A_747 : f32 to vector<16xf32>
      %swap3A_749 = arith.index_cast %scan3A_720 : i32 to index
      %swap3A_750 = arith.constant 64 : index
      %swap3A_751 = tpu.vector_load %arg10[%swap3A_749, %swap3A_750] {strides = array<i32>} : memref<80x128xf32, #tpu.memory_space<vmem>>, vector<1x16xf32>,
      %swap3A_752 = vector.shape_cast %swap3A_751 : vector<1x16xf32> to vector<16xf32>
      %swap3A_753 = vector.shape_cast %broadcast_in_dim3A_748 : vector<16xf32> to vector<1x16xf32>
      tpu.vector_store %arg10[%swap3A_749, %swap3A_750], %swap3A_753 {strides = array<i32>} : memref<80x128xf32, #tpu.memory_space<vmem>>, vector<1x16xf32>,
      %broadcast_in_dim3A_754 = arith.constant 0.000000e+00 : f32
      %broadcast_in_dim3A_755 = vector.broadcast %broadcast_in_dim3A_754 : f32 to vector<16xf32>
      %swap3A_756 = arith.index_cast %scan3A_720 : i32 to index
      %swap3A_757 = arith.constant 80 : index
      %swap3A_758 = tpu.vector_load %arg10[%swap3A_756, %swap3A_757] {strides = array<i32>} : memref<80x128xf32, #tpu.memory_space<vmem>>, vector<1x16xf32>,
      %swap3A_759 = vector.shape_cast %swap3A_758 : vector<1x16xf32> to vector<16xf32>
      %swap3A_760 = vector.shape_cast %broadcast_in_dim3A_755 : vector<16xf32> to vector<1x16xf32>
      tpu.vector_store %arg10[%swap3A_756, %swap3A_757], %swap3A_760 {strides = array<i32>} : memref<80x128xf32, #tpu.memory_space<vmem>>, vector<1x16xf32>,
      %broadcast_in_dim3A_761 = arith.constant 0.000000e+00 : f32
      %broadcast_in_dim3A_762 = vector.broadcast %broadcast_in_dim3A_761 : f32 to vector<16xf32>
      %swap3A_763 = arith.index_cast %scan3A_720 : i32 to index
      %swap3A_764 = arith.constant 96 : index
      %swap3A_765 = tpu.vector_load %arg10[%swap3A_763, %swap3A_764] {strides = array<i32>} : memref<80x128xf32, #tpu.memory_space<vmem>>, vector<1x16xf32>,
      %swap3A_766 = vector.shape_cast %swap3A_765 : vector<1x16xf32> to vector<16xf32>
      %swap3A_767 = vector.shape_cast %broadcast_in_dim3A_762 : vector<16xf32> to vector<1x16xf32>
      tpu.vector_store %arg10[%swap3A_763, %swap3A_764], %swap3A_767 {strides = array<i32>} : memref<80x128xf32, #tpu.memory_space<vmem>>, vector<1x16xf32>,
      %broadcast_in_dim3A_768 = arith.constant 0.000000e+00 : f32
      %broadcast_in_dim3A_769 = vector.broadcast %broadcast_in_dim3A_768 : f32 to vector<16xf32>
      %swap3A_770 = arith.index_cast %scan3A_720 : i32 to index
      %swap3A_771 = arith.constant 112 : index
      %swap3A_772 = tpu.vector_load %arg10[%swap3A_770, %swap3A_771] {strides = array<i32>} : memref<80x128xf32, #tpu.memory_space<vmem>>, vector<1x16xf32>,
      %swap3A_773 = vector.shape_cast %swap3A_772 : vector<1x16xf32> to vector<16xf32>
      %swap3A_774 = vector.shape_cast %broadcast_in_dim3A_769 : vector<16xf32> to vector<1x16xf32>
      tpu.vector_store %arg10[%swap3A_770, %swap3A_771], %swap3A_774 {strides = array<i32>} : memref<80x128xf32, #tpu.memory_space<vmem>>, vector<1x16xf32>,
    }
    %scan3A_23 = arith.constant 80 : i32
    %add3A_24 = arith.constant 0 : i32
    %add3A_25 = arith.addi %arg1, %add3A_24 : i32
    %lt3A = arith.constant 125 : i32
    %lt3A_26 = arith.cmpi slt, %add3A_25, %lt3A : i32
    %convert_element_type3A = arith.extui %lt3A_26 : i1 to i32
    %cond3A = arith.constant 0 : i32
    %cond3A_27 = arith.cmpi ne, %convert_element_type3A, %cond3A : i32
    scf.if %cond3A_27 {
      %mul3A_720 = arith.constant 80 : i32
      %mul3A_721 = arith.muli %add3A_25, %mul3A_720 : i32
      %dma_start3A_722 = arith.constant 0 : i32
      %dma_start3A_723 = tpu.memref_slice %arg13[%mul3A_721, %dma_start3A_722] : memref<10000x128xf32, #tpu.memory_space<vmem_shared>> -> memref<80x128xf32, #tpu.memory_space<vmem_shared>>
      %dma_start3A_724 = arith.constant 0 : i32
      %dma_start3A_725 = tpu.memref_slice %arg13[%mul3A_721, %dma_start3A_724] : memref<10000x128xf32, #tpu.memory_space<vmem_shared>> -> memref<80x128xf32, #tpu.memory_space<vmem_shared>>
      tpu.enqueue_dma source(%arg10 : memref<80x128xf32, #tpu.memory_space<vmem>>) target(%dma_start3A_725 : memref<80x128xf32, #tpu.memory_space<vmem_shared>>) target_semaphore(%arg14 : memref<!tpu.dma_semaphore, #tpu.memory_space<semaphore_mem>>)
    } else {
    }
    %add3A_28 = arith.constant 16 : i32
    %add3A_29 = arith.addi %arg1, %add3A_28 : i32
    %lt3A_30 = arith.constant 125 : i32
    %lt3A_31 = arith.cmpi slt, %add3A_29, %lt3A_30 : i32
    %convert_element_type3A_32 = arith.extui %lt3A_31 : i1 to i32
    %cond3A_33 = arith.constant 0 : i32
    %cond3A_34 = arith.cmpi ne, %convert_element_type3A_32, %cond3A_33 : i32
    scf.if %cond3A_34 {
      %mul3A_720 = arith.constant 80 : i32
      %mul3A_721 = arith.muli %add3A_29, %mul3A_720 : i32
      %dma_start3A_722 = arith.constant 0 : i32
      %dma_start3A_723 = tpu.memref_slice %arg13[%mul3A_721, %dma_start3A_722] : memref<10000x128xf32, #tpu.memory_space<vmem_shared>> -> memref<80x128xf32, #tpu.memory_space<vmem_shared>>
      %dma_start3A_724 = arith.constant 0 : i32
      %dma_start3A_725 = tpu.memref_slice %arg13[%mul3A_721, %dma_start3A_724] : memref<10000x128xf32, #tpu.memory_space<vmem_shared>> -> memref<80x128xf32, #tpu.memory_space<vmem_shared>>
      tpu.enqueue_dma source(%arg10 : memref<80x128xf32, #tpu.memory_space<vmem>>) target(%dma_start3A_725 : memref<80x128xf32, #tpu.memory_space<vmem_shared>>) target_semaphore(%arg14 : memref<!tpu.dma_semaphore, #tpu.memory_space<semaphore_mem>>)
    } else {
    }
    %add3A_35 = arith.constant 32 : i32
    %add3A_36 = arith.addi %arg1, %add3A_35 : i32
    %lt3A_37 = arith.constant 125 : i32
    %lt3A_38 = arith.cmpi slt, %add3A_36, %lt3A_37 : i32
    %convert_element_type3A_39 = arith.extui %lt3A_38 : i1 to i32
    %cond3A_40 = arith.constant 0 : i32
    %cond3A_41 = arith.cmpi ne, %convert_element_type3A_39, %cond3A_40 : i32
    scf.if %cond3A_41 {
      %mul3A_720 = arith.constant 80 : i32
      %mul3A_721 = arith.muli %add3A_36, %mul3A_720 : i32
      %dma_start3A_722 = arith.constant 0 : i32
      %dma_start3A_723 = tpu.memref_slice %arg13[%mul3A_721, %dma_start3A_722] : memref<10000x128xf32, #tpu.memory_space<vmem_shared>> -> memref<80x128xf32, #tpu.memory_space<vmem_shared>>
      %dma_start3A_724 = arith.constant 0 : i32
      %dma_start3A_725 = tpu.memref_slice %arg13[%mul3A_721, %dma_start3A_724] : memref<10000x128xf32, #tpu.memory_space<vmem_shared>> -> memref<80x128xf32, #tpu.memory_space<vmem_shared>>
      tpu.enqueue_dma source(%arg10 : memref<80x128xf32, #tpu.memory_space<vmem>>) target(%dma_start3A_725 : memref<80x128xf32, #tpu.memory_space<vmem_shared>>) target_semaphore(%arg14 : memref<!tpu.dma_semaphore, #tpu.memory_space<semaphore_mem>>)
    } else {
    }
    %add3A_42 = arith.constant 48 : i32
    %add3A_43 = arith.addi %arg1, %add3A_42 : i32
    %lt3A_44 = arith.constant 125 : i32
    %lt3A_45 = arith.cmpi slt, %add3A_43, %lt3A_44 : i32
    %convert_element_type3A_46 = arith.extui %lt3A_45 : i1 to i32
    %cond3A_47 = arith.constant 0 : i32
    %cond3A_48 = arith.cmpi ne, %convert_element_type3A_46, %cond3A_47 : i32
    scf.if %cond3A_48 {
      %mul3A_720 = arith.constant 80 : i32
      %mul3A_721 = arith.muli %add3A_43, %mul3A_720 : i32
      %dma_start3A_722 = arith.constant 0 : i32
      %dma_start3A_723 = tpu.memref_slice %arg13[%mul3A_721, %dma_start3A_722] : memref<10000x128xf32, #tpu.memory_space<vmem_shared>> -> memref<80x128xf32, #tpu.memory_space<vmem_shared>>
      %dma_start3A_724 = arith.constant 0 : i32
      %dma_start3A_725 = tpu.memref_slice %arg13[%mul3A_721, %dma_start3A_724] : memref<10000x128xf32, #tpu.memory_space<vmem_shared>> -> memref<80x128xf32, #tpu.memory_space<vmem_shared>>
      tpu.enqueue_dma source(%arg10 : memref<80x128xf32, #tpu.memory_space<vmem>>) target(%dma_start3A_725 : memref<80x128xf32, #tpu.memory_space<vmem_shared>>) target_semaphore(%arg14 : memref<!tpu.dma_semaphore, #tpu.memory_space<semaphore_mem>>)
    } else {
    }
    %add3A_49 = arith.constant 64 : i32
    %add3A_50 = arith.addi %arg1, %add3A_49 : i32
    %lt3A_51 = arith.constant 125 : i32
    %lt3A_52 = arith.cmpi slt, %add3A_50, %lt3A_51 : i32
    %convert_element_type3A_53 = arith.extui %lt3A_52 : i1 to i32
    %cond3A_54 = arith.constant 0 : i32
    %cond3A_55 = arith.cmpi ne, %convert_element_type3A_53, %cond3A_54 : i32
    scf.if %cond3A_55 {
      %mul3A_720 = arith.constant 80 : i32
      %mul3A_721 = arith.muli %add3A_50, %mul3A_720 : i32
      %dma_start3A_722 = arith.constant 0 : i32
      %dma_start3A_723 = tpu.memref_slice %arg13[%mul3A_721, %dma_start3A_722] : memref<10000x128xf32, #tpu.memory_space<vmem_shared>> -> memref<80x128xf32, #tpu.memory_space<vmem_shared>>
      %dma_start3A_724 = arith.constant 0 : i32
      %dma_start3A_725 = tpu.memref_slice %arg13[%mul3A_721, %dma_start3A_724] : memref<10000x128xf32, #tpu.memory_space<vmem_shared>> -> memref<80x128xf32, #tpu.memory_space<vmem_shared>>
      tpu.enqueue_dma source(%arg10 : memref<80x128xf32, #tpu.memory_space<vmem>>) target(%dma_start3A_725 : memref<80x128xf32, #tpu.memory_space<vmem_shared>>) target_semaphore(%arg14 : memref<!tpu.dma_semaphore, #tpu.memory_space<semaphore_mem>>)
    } else {
    }
    %add3A_56 = arith.constant 80 : i32
    %add3A_57 = arith.addi %arg1, %add3A_56 : i32
    %lt3A_58 = arith.constant 125 : i32
    %lt3A_59 = arith.cmpi slt, %add3A_57, %lt3A_58 : i32
    %convert_element_type3A_60 = arith.extui %lt3A_59 : i1 to i32
    %cond3A_61 = arith.constant 0 : i32
    %cond3A_62 = arith.cmpi ne, %convert_element_type3A_60, %cond3A_61 : i32
    scf.if %cond3A_62 {
      %mul3A_720 = arith.constant 80 : i32
      %mul3A_721 = arith.muli %add3A_57, %mul3A_720 : i32
      %dma_start3A_722 = arith.constant 0 : i32
      %dma_start3A_723 = tpu.memref_slice %arg13[%mul3A_721, %dma_start3A_722] : memref<10000x128xf32, #tpu.memory_space<vmem_shared>> -> memref<80x128xf32, #tpu.memory_space<vmem_shared>>
      %dma_start3A_724 = arith.constant 0 : i32
      %dma_start3A_725 = tpu.memref_slice %arg13[%mul3A_721, %dma_start3A_724] : memref<10000x128xf32, #tpu.memory_space<vmem_shared>> -> memref<80x128xf32, #tpu.memory_space<vmem_shared>>
      tpu.enqueue_dma source(%arg10 : memref<80x128xf32, #tpu.memory_space<vmem>>) target(%dma_start3A_725 : memref<80x128xf32, #tpu.memory_space<vmem_shared>>) target_semaphore(%arg14 : memref<!tpu.dma_semaphore, #tpu.memory_space<semaphore_mem>>)
    } else {
    }
    %add3A_63 = arith.constant 96 : i32
    %add3A_64 = arith.addi %arg1, %add3A_63 : i32
    %lt3A_65 = arith.constant 125 : i32
    %lt3A_66 = arith.cmpi slt, %add3A_64, %lt3A_65 : i32
    %convert_element_type3A_67 = arith.extui %lt3A_66 : i1 to i32
    %cond3A_68 = arith.constant 0 : i32
    %cond3A_69 = arith.cmpi ne, %convert_element_type3A_67, %cond3A_68 : i32
    scf.if %cond3A_69 {
      %mul3A_720 = arith.constant 80 : i32
      %mul3A_721 = arith.muli %add3A_64, %mul3A_720 : i32
      %dma_start3A_722 = arith.constant 0 : i32
      %dma_start3A_723 = tpu.memref_slice %arg13[%mul3A_721, %dma_start3A_722] : memref<10000x128xf32, #tpu.memory_space<vmem_shared>> -> memref<80x128xf32, #tpu.memory_space<vmem_shared>>
      %dma_start3A_724 = arith.constant 0 : i32
      %dma_start3A_725 = tpu.memref_slice %arg13[%mul3A_721, %dma_start3A_724] : memref<10000x128xf32, #tpu.memory_space<vmem_shared>> -> memref<80x128xf32, #tpu.memory_space<vmem_shared>>
      tpu.enqueue_dma source(%arg10 : memref<80x128xf32, #tpu.memory_space<vmem>>) target(%dma_start3A_725 : memref<80x128xf32, #tpu.memory_space<vmem_shared>>) target_semaphore(%arg14 : memref<!tpu.dma_semaphore, #tpu.memory_space<semaphore_mem>>)
    } else {
    }
    %add3A_70 = arith.constant 112 : i32
    %add3A_71 = arith.addi %arg1, %add3A_70 : i32
    %lt3A_72 = arith.constant 125 : i32
    %lt3A_73 = arith.cmpi slt, %add3A_71, %lt3A_72 : i32
    %convert_element_type3A_74 = arith.extui %lt3A_73 : i1 to i32
    %cond3A_75 = arith.constant 0 : i32
    %cond3A_76 = arith.cmpi ne, %convert_element_type3A_74, %cond3A_75 : i32
    scf.if %cond3A_76 {
      %mul3A_720 = arith.constant 80 : i32
      %mul3A_721 = arith.muli %add3A_71, %mul3A_720 : i32
      %dma_start3A_722 = arith.constant 0 : i32
      %dma_start3A_723 = tpu.memref_slice %arg13[%mul3A_721, %dma_start3A_722] : memref<10000x128xf32, #tpu.memory_space<vmem_shared>> -> memref<80x128xf32, #tpu.memory_space<vmem_shared>>
      %dma_start3A_724 = arith.constant 0 : i32
      %dma_start3A_725 = tpu.memref_slice %arg13[%mul3A_721, %dma_start3A_724] : memref<10000x128xf32, #tpu.memory_space<vmem_shared>> -> memref<80x128xf32, #tpu.memory_space<vmem_shared>>
      tpu.enqueue_dma source(%arg10 : memref<80x128xf32, #tpu.memory_space<vmem>>) target(%dma_start3A_725 : memref<80x128xf32, #tpu.memory_space<vmem_shared>>) target_semaphore(%arg14 : memref<!tpu.dma_semaphore, #tpu.memory_space<semaphore_mem>>)
    } else {
    }
    %add3A_77 = arith.constant 0 : i32
    %add3A_78 = arith.addi %arg1, %add3A_77 : i32
    %lt3A_79 = arith.constant 125 : i32
    %lt3A_80 = arith.cmpi slt, %add3A_78, %lt3A_79 : i32
    %convert_element_type3A_81 = arith.extui %lt3A_80 : i1 to i32
    %cond3A_82 = arith.constant 0 : i32
    %cond3A_83 = arith.cmpi ne, %convert_element_type3A_81, %cond3A_82 : i32
    scf.if %cond3A_83 {
      %mul3A_720 = arith.constant 80 : i32
      %mul3A_721 = arith.muli %add3A_78, %mul3A_720 : i32
      %dma_wait3A_722 = arith.constant 0 : i32
      %dma_wait3A_723 = tpu.memref_slice %arg13[%mul3A_721, %dma_wait3A_722] : memref<10000x128xf32, #tpu.memory_space<vmem_shared>> -> memref<80x128xf32, #tpu.memory_space<vmem_shared>>
      %dma_wait3A_724 = arith.constant 0 : i32
      %dma_wait3A_725 = tpu.memref_slice %arg13[%mul3A_721, %dma_wait3A_724] : memref<10000x128xf32, #tpu.memory_space<vmem_shared>> -> memref<80x128xf32, #tpu.memory_space<vmem_shared>>
      tpu.wait_dma2 semaphore(%arg14 : memref<!tpu.dma_semaphore, #tpu.memory_space<semaphore_mem>>) src(%arg10 : memref<80x128xf32, #tpu.memory_space<vmem>>) dst(%dma_wait3A_725 : memref<80x128xf32, #tpu.memory_space<vmem_shared>>)
    } else {
    }
    %add3A_84 = arith.constant 16 : i32
    %add3A_85 = arith.addi %arg1, %add3A_84 : i32
    %lt3A_86 = arith.constant 125 : i32
    %lt3A_87 = arith.cmpi slt, %add3A_85, %lt3A_86 : i32
    %convert_element_type3A_88 = arith.extui %lt3A_87 : i1 to i32
    %cond3A_89 = arith.constant 0 : i32
    %cond3A_90 = arith.cmpi ne, %convert_element_type3A_88, %cond3A_89 : i32
    scf.if %cond3A_90 {
      %mul3A_720 = arith.constant 80 : i32
      %mul3A_721 = arith.muli %add3A_85, %mul3A_720 : i32
      %dma_wait3A_722 = arith.constant 0 : i32
      %dma_wait3A_723 = tpu.memref_slice %arg13[%mul3A_721, %dma_wait3A_722] : memref<10000x128xf32, #tpu.memory_space<vmem_shared>> -> memref<80x128xf32, #tpu.memory_space<vmem_shared>>
      %dma_wait3A_724 = arith.constant 0 : i32
      %dma_wait3A_725 = tpu.memref_slice %arg13[%mul3A_721, %dma_wait3A_724] : memref<10000x128xf32, #tpu.memory_space<vmem_shared>> -> memref<80x128xf32, #tpu.memory_space<vmem_shared>>
      tpu.wait_dma2 semaphore(%arg14 : memref<!tpu.dma_semaphore, #tpu.memory_space<semaphore_mem>>) src(%arg10 : memref<80x128xf32, #tpu.memory_space<vmem>>) dst(%dma_wait3A_725 : memref<80x128xf32, #tpu.memory_space<vmem_shared>>)
    } else {
    }
    %add3A_91 = arith.constant 32 : i32
    %add3A_92 = arith.addi %arg1, %add3A_91 : i32
    %lt3A_93 = arith.constant 125 : i32
    %lt3A_94 = arith.cmpi slt, %add3A_92, %lt3A_93 : i32
    %convert_element_type3A_95 = arith.extui %lt3A_94 : i1 to i32
    %cond3A_96 = arith.constant 0 : i32
    %cond3A_97 = arith.cmpi ne, %convert_element_type3A_95, %cond3A_96 : i32
    scf.if %cond3A_97 {
      %mul3A_720 = arith.constant 80 : i32
      %mul3A_721 = arith.muli %add3A_92, %mul3A_720 : i32
      %dma_wait3A_722 = arith.constant 0 : i32
      %dma_wait3A_723 = tpu.memref_slice %arg13[%mul3A_721, %dma_wait3A_722] : memref<10000x128xf32, #tpu.memory_space<vmem_shared>> -> memref<80x128xf32, #tpu.memory_space<vmem_shared>>
      %dma_wait3A_724 = arith.constant 0 : i32
      %dma_wait3A_725 = tpu.memref_slice %arg13[%mul3A_721, %dma_wait3A_724] : memref<10000x128xf32, #tpu.memory_space<vmem_shared>> -> memref<80x128xf32, #tpu.memory_space<vmem_shared>>
      tpu.wait_dma2 semaphore(%arg14 : memref<!tpu.dma_semaphore, #tpu.memory_space<semaphore_mem>>) src(%arg10 : memref<80x128xf32, #tpu.memory_space<vmem>>) dst(%dma_wait3A_725 : memref<80x128xf32, #tpu.memory_space<vmem_shared>>)
    } else {
    }
    %add3A_98 = arith.constant 48 : i32
    %add3A_99 = arith.addi %arg1, %add3A_98 : i32
    %lt3A_100 = arith.constant 125 : i32
    %lt3A_101 = arith.cmpi slt, %add3A_99, %lt3A_100 : i32
    %convert_element_type3A_102 = arith.extui %lt3A_101 : i1 to i32
    %cond3A_103 = arith.constant 0 : i32
    %cond3A_104 = arith.cmpi ne, %convert_element_type3A_102, %cond3A_103 : i32
    scf.if %cond3A_104 {
      %mul3A_720 = arith.constant 80 : i32
      %mul3A_721 = arith.muli %add3A_99, %mul3A_720 : i32
      %dma_wait3A_722 = arith.constant 0 : i32
      %dma_wait3A_723 = tpu.memref_slice %arg13[%mul3A_721, %dma_wait3A_722] : memref<10000x128xf32, #tpu.memory_space<vmem_shared>> -> memref<80x128xf32, #tpu.memory_space<vmem_shared>>
      %dma_wait3A_724 = arith.constant 0 : i32
      %dma_wait3A_725 = tpu.memref_slice %arg13[%mul3A_721, %dma_wait3A_724] : memref<10000x128xf32, #tpu.memory_space<vmem_shared>> -> memref<80x128xf32, #tpu.memory_space<vmem_shared>>
      tpu.wait_dma2 semaphore(%arg14 : memref<!tpu.dma_semaphore, #tpu.memory_space<semaphore_mem>>) src(%arg10 : memref<80x128xf32, #tpu.memory_space<vmem>>) dst(%dma_wait3A_725 : memref<80x128xf32, #tpu.memory_space<vmem_shared>>)
    } else {
    }
    %add3A_105 = arith.constant 64 : i32
    %add3A_106 = arith.addi %arg1, %add3A_105 : i32
    %lt3A_107 = arith.constant 125 : i32
    %lt3A_108 = arith.cmpi slt, %add3A_106, %lt3A_107 : i32
    %convert_element_type3A_109 = arith.extui %lt3A_108 : i1 to i32
    %cond3A_110 = arith.constant 0 : i32
    %cond3A_111 = arith.cmpi ne, %convert_element_type3A_109, %cond3A_110 : i32
    scf.if %cond3A_111 {
      %mul3A_720 = arith.constant 80 : i32
      %mul3A_721 = arith.muli %add3A_106, %mul3A_720 : i32
      %dma_wait3A_722 = arith.constant 0 : i32
      %dma_wait3A_723 = tpu.memref_slice %arg13[%mul3A_721, %dma_wait3A_722] : memref<10000x128xf32, #tpu.memory_space<vmem_shared>> -> memref<80x128xf32, #tpu.memory_space<vmem_shared>>
      %dma_wait3A_724 = arith.constant 0 : i32
      %dma_wait3A_725 = tpu.memref_slice %arg13[%mul3A_721, %dma_wait3A_724] : memref<10000x128xf32, #tpu.memory_space<vmem_shared>> -> memref<80x128xf32, #tpu.memory_space<vmem_shared>>
      tpu.wait_dma2 semaphore(%arg14 : memref<!tpu.dma_semaphore, #tpu.memory_space<semaphore_mem>>) src(%arg10 : memref<80x128xf32, #tpu.memory_space<vmem>>) dst(%dma_wait3A_725 : memref<80x128xf32, #tpu.memory_space<vmem_shared>>)
    } else {
    }
    %add3A_112 = arith.constant 80 : i32
    %add3A_113 = arith.addi %arg1, %add3A_112 : i32
    %lt3A_114 = arith.constant 125 : i32
    %lt3A_115 = arith.cmpi slt, %add3A_113, %lt3A_114 : i32
    %convert_element_type3A_116 = arith.extui %lt3A_115 : i1 to i32
    %cond3A_117 = arith.constant 0 : i32
    %cond3A_118 = arith.cmpi ne, %convert_element_type3A_116, %cond3A_117 : i32
    scf.if %cond3A_118 {
      %mul3A_720 = arith.constant 80 : i32
      %mul3A_721 = arith.muli %add3A_113, %mul3A_720 : i32
      %dma_wait3A_722 = arith.constant 0 : i32
      %dma_wait3A_723 = tpu.memref_slice %arg13[%mul3A_721, %dma_wait3A_722] : memref<10000x128xf32, #tpu.memory_space<vmem_shared>> -> memref<80x128xf32, #tpu.memory_space<vmem_shared>>
      %dma_wait3A_724 = arith.constant 0 : i32
      %dma_wait3A_725 = tpu.memref_slice %arg13[%mul3A_721, %dma_wait3A_724] : memref<10000x128xf32, #tpu.memory_space<vmem_shared>> -> memref<80x128xf32, #tpu.memory_space<vmem_shared>>
      tpu.wait_dma2 semaphore(%arg14 : memref<!tpu.dma_semaphore, #tpu.memory_space<semaphore_mem>>) src(%arg10 : memref<80x128xf32, #tpu.memory_space<vmem>>) dst(%dma_wait3A_725 : memref<80x128xf32, #tpu.memory_space<vmem_shared>>)
    } else {
    }
    %add3A_119 = arith.constant 96 : i32
    %add3A_120 = arith.addi %arg1, %add3A_119 : i32
    %lt3A_121 = arith.constant 125 : i32
    %lt3A_122 = arith.cmpi slt, %add3A_120, %lt3A_121 : i32
    %convert_element_type3A_123 = arith.extui %lt3A_122 : i1 to i32
    %cond3A_124 = arith.constant 0 : i32
    %cond3A_125 = arith.cmpi ne, %convert_element_type3A_123, %cond3A_124 : i32
    scf.if %cond3A_125 {
      %mul3A_720 = arith.constant 80 : i32
      %mul3A_721 = arith.muli %add3A_120, %mul3A_720 : i32
      %dma_wait3A_722 = arith.constant 0 : i32
      %dma_wait3A_723 = tpu.memref_slice %arg13[%mul3A_721, %dma_wait3A_722] : memref<10000x128xf32, #tpu.memory_space<vmem_shared>> -> memref<80x128xf32, #tpu.memory_space<vmem_shared>>
      %dma_wait3A_724 = arith.constant 0 : i32
      %dma_wait3A_725 = tpu.memref_slice %arg13[%mul3A_721, %dma_wait3A_724] : memref<10000x128xf32, #tpu.memory_space<vmem_shared>> -> memref<80x128xf32, #tpu.memory_space<vmem_shared>>
      tpu.wait_dma2 semaphore(%arg14 : memref<!tpu.dma_semaphore, #tpu.memory_space<semaphore_mem>>) src(%arg10 : memref<80x128xf32, #tpu.memory_space<vmem>>) dst(%dma_wait3A_725 : memref<80x128xf32, #tpu.memory_space<vmem_shared>>)
    } else {
    }
    %add3A_126 = arith.constant 112 : i32
    %add3A_127 = arith.addi %arg1, %add3A_126 : i32
    %lt3A_128 = arith.constant 125 : i32
    %lt3A_129 = arith.cmpi slt, %add3A_127, %lt3A_128 : i32
    %convert_element_type3A_130 = arith.extui %lt3A_129 : i1 to i32
    %cond3A_131 = arith.constant 0 : i32
    %cond3A_132 = arith.cmpi ne, %convert_element_type3A_130, %cond3A_131 : i32
    scf.if %cond3A_132 {
      %mul3A_720 = arith.constant 80 : i32
      %mul3A_721 = arith.muli %add3A_127, %mul3A_720 : i32
      %dma_wait3A_722 = arith.constant 0 : i32
      %dma_wait3A_723 = tpu.memref_slice %arg13[%mul3A_721, %dma_wait3A_722] : memref<10000x128xf32, #tpu.memory_space<vmem_shared>> -> memref<80x128xf32, #tpu.memory_space<vmem_shared>>
      %dma_wait3A_724 = arith.constant 0 : i32
      %dma_wait3A_725 = tpu.memref_slice %arg13[%mul3A_721, %dma_wait3A_724] : memref<10000x128xf32, #tpu.memory_space<vmem_shared>> -> memref<80x128xf32, #tpu.memory_space<vmem_shared>>
      tpu.wait_dma2 semaphore(%arg14 : memref<!tpu.dma_semaphore, #tpu.memory_space<semaphore_mem>>) src(%arg10 : memref<80x128xf32, #tpu.memory_space<vmem>>) dst(%dma_wait3A_725 : memref<80x128xf32, #tpu.memory_space<vmem_shared>>)
    } else {
    }
    %dma_wait3A = arith.constant 0 : i32
    %dma_wait3A_133 = arith.constant 0 : i32
    %dma_wait3A_134 = arith.constant 0 : i32
    %dma_wait3A_135 = arith.constant 0 : i32
    %dma_wait3A_136 = tpu.memref_slice %arg2[%dma_wait3A, %add3A, %dma_wait3A_133, %dma_wait3A_134, %dma_wait3A_135] : memref<2x32x5x25x80xi32, #tpu.memory_space<hbm>> -> memref<1x1x1x25x80xi32, #tpu.memory_space<hbm>>
    %dma_wait3A_137 = tpu.memref_squeeze %dma_wait3A_136 : memref<1x1x1x25x80xi32, #tpu.memory_space<hbm>> -> memref<25x80xi32, #tpu.memory_space<hbm>>
    %dma_wait3A_138 = arith.constant 0 : i32
    %dma_wait3A_139 = arith.constant 0 : i32
    %dma_wait3A_140 = tpu.memref_slice %arg2[%dma_wait3A, %add3A, %dma_wait3A_133, %dma_wait3A_138, %dma_wait3A_139] : memref<2x32x5x25x80xi32, #tpu.memory_space<hbm>> -> memref<1x1x1x25x80xi32, #tpu.memory_space<hbm>>
    %dma_wait3A_141 = tpu.memref_squeeze %dma_wait3A_140 : memref<1x1x1x25x80xi32, #tpu.memory_space<hbm>> -> memref<25x80xi32, #tpu.memory_space<hbm>>
    tpu.wait_dma2 semaphore(%arg17 : memref<!tpu.dma_semaphore, #tpu.memory_space<semaphore_mem>>) src(%dma_wait3A_141 : memref<25x80xi32, #tpu.memory_space<hbm>>) dst(%arg6 : memref<25x80xi32, #tpu.memory_space<vmem>>)
    %dma_wait3A_142 = arith.constant 0 : i32
    %dma_wait3A_143 = arith.constant 0 : i32
    %dma_wait3A_144 = arith.constant 0 : i32
    %dma_wait3A_145 = tpu.memref_slice %arg3[%add3A, %dma_wait3A_142, %dma_wait3A_143, %dma_wait3A_144] : memref<32x5x25x80xi32, #tpu.memory_space<hbm>> -> memref<1x1x25x80xi32, #tpu.memory_space<hbm>>
    %dma_wait3A_146 = tpu.memref_squeeze %dma_wait3A_145 : memref<1x1x25x80xi32, #tpu.memory_space<hbm>> -> memref<25x80xi32, #tpu.memory_space<hbm>>
    %dma_wait3A_147 = arith.constant 0 : i32
    %dma_wait3A_148 = arith.constant 0 : i32
    %dma_wait3A_149 = tpu.memref_slice %arg3[%add3A, %dma_wait3A_142, %dma_wait3A_147, %dma_wait3A_148] : memref<32x5x25x80xi32, #tpu.memory_space<hbm>> -> memref<1x1x25x80xi32, #tpu.memory_space<hbm>>
    %dma_wait3A_150 = tpu.memref_squeeze %dma_wait3A_149 : memref<1x1x25x80xi32, #tpu.memory_space<hbm>> -> memref<25x80xi32, #tpu.memory_space<hbm>>
    tpu.wait_dma2 semaphore(%arg17 : memref<!tpu.dma_semaphore, #tpu.memory_space<semaphore_mem>>) src(%dma_wait3A_150 : memref<25x80xi32, #tpu.memory_space<hbm>>) dst(%arg8 : memref<25x80xi32, #tpu.memory_space<vmem>>)
    %scan3A_151 = arith.constant 0 : i32
    %scan3A_152 = arith.constant 0 : i32
    %scan3A_153 = arith.constant 25 : i32
    %scan3A_154 = arith.addi %scan3A_152, %scan3A_153 : i32
    %scan3A_155 = arith.constant 1 : i32
    scf.for %scan3A_720 = %scan3A_152 to %scan3A_154 step %scan3A_155  : i32 {
      %get3A = arith.index_cast %scan3A_720 : i32 to index
      %get3A_721 = arith.constant 0 : index
      %get3A_722 = tpu.vector_load %arg8[%get3A, %get3A_721] {strides = array<i32>} : memref<25x80xi32, #tpu.memory_space<vmem>>, vector<1x16xi32>,
      %get3A_723 = vector.shape_cast %get3A_722 : vector<1x16xi32> to vector<16xi32>
      %mul3A_724 = arith.constant 10000 : i32
      %mul3A_725 = vector.broadcast %mul3A_724 : i32 to vector<16xi32>
      %mul3A_726 = arith.muli %get3A_723, %mul3A_725 : vector<16xi32>
      %get3A_727 = arith.index_cast %scan3A_720 : i32 to index
      %get3A_728 = arith.constant 0 : index
      %get3A_729 = tpu.vector_load %arg6[%get3A_727, %get3A_728] {strides = array<i32>} : memref<25x80xi32, #tpu.memory_space<vmem>>, vector<1x16xi32>,
      %get3A_730 = vector.shape_cast %get3A_729 : vector<1x16xi32> to vector<16xi32>
      %add3A_731 = arith.addi %mul3A_726, %get3A_730 : vector<16xi32>
      %swap3A = arith.index_cast %scan3A_720 : i32 to index
      %swap3A_732 = arith.constant 0 : index
      %swap3A_733 = tpu.vector_load %arg6[%swap3A, %swap3A_732] {strides = array<i32>} : memref<25x80xi32, #tpu.memory_space<vmem>>, vector<1x16xi32>,
      %swap3A_734 = vector.shape_cast %swap3A_733 : vector<1x16xi32> to vector<16xi32>
      %swap3A_735 = vector.shape_cast %add3A_731 : vector<16xi32> to vector<1x16xi32>
      tpu.vector_store %arg6[%swap3A, %swap3A_732], %swap3A_735 {strides = array<i32>} : memref<25x80xi32, #tpu.memory_space<vmem>>, vector<1x16xi32>,
      %get3A_736 = arith.index_cast %scan3A_720 : i32 to index
      %get3A_737 = arith.constant 16 : index
      %get3A_738 = tpu.vector_load %arg8[%get3A_736, %get3A_737] {strides = array<i32>} : memref<25x80xi32, #tpu.memory_space<vmem>>, vector<1x16xi32>,
      %get3A_739 = vector.shape_cast %get3A_738 : vector<1x16xi32> to vector<16xi32>
      %mul3A_740 = arith.constant 10000 : i32
      %mul3A_741 = vector.broadcast %mul3A_740 : i32 to vector<16xi32>
      %mul3A_742 = arith.muli %get3A_739, %mul3A_741 : vector<16xi32>
      %get3A_743 = arith.index_cast %scan3A_720 : i32 to index
      %get3A_744 = arith.constant 16 : index
      %get3A_745 = tpu.vector_load %arg6[%get3A_743, %get3A_744] {strides = array<i32>} : memref<25x80xi32, #tpu.memory_space<vmem>>, vector<1x16xi32>,
      %get3A_746 = vector.shape_cast %get3A_745 : vector<1x16xi32> to vector<16xi32>
      %add3A_747 = arith.addi %mul3A_742, %get3A_746 : vector<16xi32>
      %swap3A_748 = arith.index_cast %scan3A_720 : i32 to index
      %swap3A_749 = arith.constant 16 : index
      %swap3A_750 = tpu.vector_load %arg6[%swap3A_748, %swap3A_749] {strides = array<i32>} : memref<25x80xi32, #tpu.memory_space<vmem>>, vector<1x16xi32>,
      %swap3A_751 = vector.shape_cast %swap3A_750 : vector<1x16xi32> to vector<16xi32>
      %swap3A_752 = vector.shape_cast %add3A_747 : vector<16xi32> to vector<1x16xi32>
      tpu.vector_store %arg6[%swap3A_748, %swap3A_749], %swap3A_752 {strides = array<i32>} : memref<25x80xi32, #tpu.memory_space<vmem>>, vector<1x16xi32>,
      %get3A_753 = arith.index_cast %scan3A_720 : i32 to index
      %get3A_754 = arith.constant 32 : index
      %get3A_755 = tpu.vector_load %arg8[%get3A_753, %get3A_754] {strides = array<i32>} : memref<25x80xi32, #tpu.memory_space<vmem>>, vector<1x16xi32>,
      %get3A_756 = vector.shape_cast %get3A_755 : vector<1x16xi32> to vector<16xi32>
      %mul3A_757 = arith.constant 10000 : i32
      %mul3A_758 = vector.broadcast %mul3A_757 : i32 to vector<16xi32>
      %mul3A_759 = arith.muli %get3A_756, %mul3A_758 : vector<16xi32>
      %get3A_760 = arith.index_cast %scan3A_720 : i32 to index
      %get3A_761 = arith.constant 32 : index
      %get3A_762 = tpu.vector_load %arg6[%get3A_760, %get3A_761] {strides = array<i32>} : memref<25x80xi32, #tpu.memory_space<vmem>>, vector<1x16xi32>,
      %get3A_763 = vector.shape_cast %get3A_762 : vector<1x16xi32> to vector<16xi32>
      %add3A_764 = arith.addi %mul3A_759, %get3A_763 : vector<16xi32>
      %swap3A_765 = arith.index_cast %scan3A_720 : i32 to index
      %swap3A_766 = arith.constant 32 : index
      %swap3A_767 = tpu.vector_load %arg6[%swap3A_765, %swap3A_766] {strides = array<i32>} : memref<25x80xi32, #tpu.memory_space<vmem>>, vector<1x16xi32>,
      %swap3A_768 = vector.shape_cast %swap3A_767 : vector<1x16xi32> to vector<16xi32>
      %swap3A_769 = vector.shape_cast %add3A_764 : vector<16xi32> to vector<1x16xi32>
      tpu.vector_store %arg6[%swap3A_765, %swap3A_766], %swap3A_769 {strides = array<i32>} : memref<25x80xi32, #tpu.memory_space<vmem>>, vector<1x16xi32>,
      %get3A_770 = arith.index_cast %scan3A_720 : i32 to index
      %get3A_771 = arith.constant 48 : index
      %get3A_772 = tpu.vector_load %arg8[%get3A_770, %get3A_771] {strides = array<i32>} : memref<25x80xi32, #tpu.memory_space<vmem>>, vector<1x16xi32>,
      %get3A_773 = vector.shape_cast %get3A_772 : vector<1x16xi32> to vector<16xi32>
      %mul3A_774 = arith.constant 10000 : i32
      %mul3A_775 = vector.broadcast %mul3A_774 : i32 to vector<16xi32>
      %mul3A_776 = arith.muli %get3A_773, %mul3A_775 : vector<16xi32>
      %get3A_777 = arith.index_cast %scan3A_720 : i32 to index
      %get3A_778 = arith.constant 48 : index
      %get3A_779 = tpu.vector_load %arg6[%get3A_777, %get3A_778] {strides = array<i32>} : memref<25x80xi32, #tpu.memory_space<vmem>>, vector<1x16xi32>,
      %get3A_780 = vector.shape_cast %get3A_779 : vector<1x16xi32> to vector<16xi32>
      %add3A_781 = arith.addi %mul3A_776, %get3A_780 : vector<16xi32>
      %swap3A_782 = arith.index_cast %scan3A_720 : i32 to index
      %swap3A_783 = arith.constant 48 : index
      %swap3A_784 = tpu.vector_load %arg6[%swap3A_782, %swap3A_783] {strides = array<i32>} : memref<25x80xi32, #tpu.memory_space<vmem>>, vector<1x16xi32>,
      %swap3A_785 = vector.shape_cast %swap3A_784 : vector<1x16xi32> to vector<16xi32>
      %swap3A_786 = vector.shape_cast %add3A_781 : vector<16xi32> to vector<1x16xi32>
      tpu.vector_store %arg6[%swap3A_782, %swap3A_783], %swap3A_786 {strides = array<i32>} : memref<25x80xi32, #tpu.memory_space<vmem>>, vector<1x16xi32>,
      %get3A_787 = arith.index_cast %scan3A_720 : i32 to index
      %get3A_788 = arith.constant 64 : index
      %get3A_789 = tpu.vector_load %arg8[%get3A_787, %get3A_788] {strides = array<i32>} : memref<25x80xi32, #tpu.memory_space<vmem>>, vector<1x16xi32>,
      %get3A_790 = vector.shape_cast %get3A_789 : vector<1x16xi32> to vector<16xi32>
      %mul3A_791 = arith.constant 10000 : i32
      %mul3A_792 = vector.broadcast %mul3A_791 : i32 to vector<16xi32>
      %mul3A_793 = arith.muli %get3A_790, %mul3A_792 : vector<16xi32>
      %get3A_794 = arith.index_cast %scan3A_720 : i32 to index
      %get3A_795 = arith.constant 64 : index
      %get3A_796 = tpu.vector_load %arg6[%get3A_794, %get3A_795] {strides = array<i32>} : memref<25x80xi32, #tpu.memory_space<vmem>>, vector<1x16xi32>,
      %get3A_797 = vector.shape_cast %get3A_796 : vector<1x16xi32> to vector<16xi32>
      %add3A_798 = arith.addi %mul3A_793, %get3A_797 : vector<16xi32>
      %swap3A_799 = arith.index_cast %scan3A_720 : i32 to index
      %swap3A_800 = arith.constant 64 : index
      %swap3A_801 = tpu.vector_load %arg6[%swap3A_799, %swap3A_800] {strides = array<i32>} : memref<25x80xi32, #tpu.memory_space<vmem>>, vector<1x16xi32>,
      %swap3A_802 = vector.shape_cast %swap3A_801 : vector<1x16xi32> to vector<16xi32>
      %swap3A_803 = vector.shape_cast %add3A_798 : vector<16xi32> to vector<1x16xi32>
      tpu.vector_store %arg6[%swap3A_799, %swap3A_800], %swap3A_803 {strides = array<i32>} : memref<25x80xi32, #tpu.memory_space<vmem>>, vector<1x16xi32>,
    }
    %scan3A_156 = arith.constant 25 : i32
    %dma_start3A_157 = arith.constant 1 : i32
    %dma_start3A_158 = arith.constant 0 : i32
    %dma_start3A_159 = arith.constant 0 : i32
    %dma_start3A_160 = arith.constant 0 : i32
    %dma_start3A_161 = tpu.memref_slice %arg2[%dma_start3A_157, %add3A, %dma_start3A_158, %dma_start3A_159, %dma_start3A_160] : memref<2x32x5x25x80xi32, #tpu.memory_space<hbm>> -> memref<1x1x1x25x80xi32, #tpu.memory_space<hbm>>
    %dma_start3A_162 = tpu.memref_squeeze %dma_start3A_161 : memref<1x1x1x25x80xi32, #tpu.memory_space<hbm>> -> memref<25x80xi32, #tpu.memory_space<hbm>>
    %dma_start3A_163 = arith.constant 0 : i32
    %dma_start3A_164 = arith.constant 0 : i32
    %dma_start3A_165 = tpu.memref_slice %arg2[%dma_start3A_157, %add3A, %dma_start3A_158, %dma_start3A_163, %dma_start3A_164] : memref<2x32x5x25x80xi32, #tpu.memory_space<hbm>> -> memref<1x1x1x25x80xi32, #tpu.memory_space<hbm>>
    %dma_start3A_166 = tpu.memref_squeeze %dma_start3A_165 : memref<1x1x1x25x80xi32, #tpu.memory_space<hbm>> -> memref<25x80xi32, #tpu.memory_space<hbm>>
    tpu.enqueue_dma source(%dma_start3A_166 : memref<25x80xi32, #tpu.memory_space<hbm>>) target(%arg8 : memref<25x80xi32, #tpu.memory_space<vmem>>) target_semaphore(%arg17 : memref<!tpu.dma_semaphore, #tpu.memory_space<semaphore_mem>>)
    %dma_start3A_167 = arith.constant 0 : i32
    %dma_start3A_168 = arith.constant 1 : i32
    %dma_start3A_169 = arith.constant 0 : i32
    %dma_start3A_170 = arith.constant 0 : i32
    %dma_start3A_171 = tpu.memref_slice %arg2[%dma_start3A_167, %add3A, %dma_start3A_168, %dma_start3A_169, %dma_start3A_170] : memref<2x32x5x25x80xi32, #tpu.memory_space<hbm>> -> memref<1x1x1x25x80xi32, #tpu.memory_space<hbm>>
    %dma_start3A_172 = tpu.memref_squeeze %dma_start3A_171 : memref<1x1x1x25x80xi32, #tpu.memory_space<hbm>> -> memref<25x80xi32, #tpu.memory_space<hbm>>
    %dma_start3A_173 = arith.constant 0 : i32
    %dma_start3A_174 = arith.constant 0 : i32
    %dma_start3A_175 = tpu.memref_slice %arg2[%dma_start3A_167, %add3A, %dma_start3A_168, %dma_start3A_173, %dma_start3A_174] : memref<2x32x5x25x80xi32, #tpu.memory_space<hbm>> -> memref<1x1x1x25x80xi32, #tpu.memory_space<hbm>>
    %dma_start3A_176 = tpu.memref_squeeze %dma_start3A_175 : memref<1x1x1x25x80xi32, #tpu.memory_space<hbm>> -> memref<25x80xi32, #tpu.memory_space<hbm>>
    tpu.enqueue_dma source(%dma_start3A_176 : memref<25x80xi32, #tpu.memory_space<hbm>>) target(%arg7 : memref<25x80xi32, #tpu.memory_space<vmem>>) target_semaphore(%arg18 : memref<!tpu.dma_semaphore, #tpu.memory_space<semaphore_mem>>)
    %dma_start3A_177 = arith.constant 1 : i32
    %dma_start3A_178 = arith.constant 0 : i32
    %dma_start3A_179 = arith.constant 0 : i32
    %dma_start3A_180 = tpu.memref_slice %arg3[%add3A, %dma_start3A_177, %dma_start3A_178, %dma_start3A_179] : memref<32x5x25x80xi32, #tpu.memory_space<hbm>> -> memref<1x1x25x80xi32, #tpu.memory_space<hbm>>
    %dma_start3A_181 = tpu.memref_squeeze %dma_start3A_180 : memref<1x1x25x80xi32, #tpu.memory_space<hbm>> -> memref<25x80xi32, #tpu.memory_space<hbm>>
    %dma_start3A_182 = arith.constant 0 : i32
    %dma_start3A_183 = arith.constant 0 : i32
    %dma_start3A_184 = tpu.memref_slice %arg3[%add3A, %dma_start3A_177, %dma_start3A_182, %dma_start3A_183] : memref<32x5x25x80xi32, #tpu.memory_space<hbm>> -> memref<1x1x25x80xi32, #tpu.memory_space<hbm>>
    %dma_start3A_185 = tpu.memref_squeeze %dma_start3A_184 : memref<1x1x25x80xi32, #tpu.memory_space<hbm>> -> memref<25x80xi32, #tpu.memory_space<hbm>>
    tpu.enqueue_dma source(%dma_start3A_185 : memref<25x80xi32, #tpu.memory_space<hbm>>) target(%arg9 : memref<25x80xi32, #tpu.memory_space<vmem>>) target_semaphore(%arg18 : memref<!tpu.dma_semaphore, #tpu.memory_space<semaphore_mem>>)
    %barrier3A = arith.constant 0 : index
    tpu.barrier barrier_id(%barrier3A)
    %dma_start3A_186 = arith.constant 0 : i32
    %dma_start3A_187 = arith.constant 0 : i32
    %dma_start3A_188 = tpu.memref_slice %arg6[%dma_start3A_186, %dma_start3A_187] : memref<25x80xi32, #tpu.memory_space<vmem>> -> memref<1x80xi32, #tpu.memory_space<vmem>>
    %dma_start3A_189 = tpu.memref_squeeze %dma_start3A_188 : memref<1x80xi32, #tpu.memory_space<vmem>> -> memref<80xi32, #tpu.memory_space<vmem>>
    %dma_start3A_190 = arith.constant 0 : i32
    %dma_start3A_191 = arith.constant 0 : i32
    %dma_start3A_192 = tpu.memref_slice %arg4[%dma_start3A_190, %dma_start3A_191] : memref<270000x128xf32, #tpu.memory_space<hbm>> -> memref<270000x128xf32, #tpu.memory_space<hbm>>
    tpu.enqueue_indirect_dma source(%dma_start3A_192 : memref<270000x128xf32, #tpu.memory_space<hbm>>) target(%arg10 : memref<80x128xf32, #tpu.memory_space<vmem>>) offsets(%dma_start3A_189 : memref<80xi32, #tpu.memory_space<vmem>>) semaphore(%arg14 : memref<!tpu.dma_semaphore, #tpu.memory_space<semaphore_mem>>)
    %dma_start3A_193 = arith.constant 1 : i32
    %dma_start3A_194 = arith.constant 0 : i32
    %dma_start3A_195 = tpu.memref_slice %arg6[%dma_start3A_193, %dma_start3A_194] : memref<25x80xi32, #tpu.memory_space<vmem>> -> memref<1x80xi32, #tpu.memory_space<vmem>>
    %dma_start3A_196 = tpu.memref_squeeze %dma_start3A_195 : memref<1x80xi32, #tpu.memory_space<vmem>> -> memref<80xi32, #tpu.memory_space<vmem>>
    %dma_start3A_197 = arith.constant 0 : i32
    %dma_start3A_198 = arith.constant 0 : i32
    %dma_start3A_199 = tpu.memref_slice %arg4[%dma_start3A_197, %dma_start3A_198] : memref<270000x128xf32, #tpu.memory_space<hbm>> -> memref<270000x128xf32, #tpu.memory_space<hbm>>
    tpu.enqueue_indirect_dma source(%dma_start3A_199 : memref<270000x128xf32, #tpu.memory_space<hbm>>) target(%arg11 : memref<80x128xf32, #tpu.memory_space<vmem>>) offsets(%dma_start3A_196 : memref<80xi32, #tpu.memory_space<vmem>>) semaphore(%arg15 : memref<!tpu.dma_semaphore, #tpu.memory_space<semaphore_mem>>)
    %dma_start3A_200 = arith.constant 2 : i32
    %dma_start3A_201 = arith.constant 0 : i32
    %dma_start3A_202 = tpu.memref_slice %arg6[%dma_start3A_200, %dma_start3A_201] : memref<25x80xi32, #tpu.memory_space<vmem>> -> memref<1x80xi32, #tpu.memory_space<vmem>>
    %dma_start3A_203 = tpu.memref_squeeze %dma_start3A_202 : memref<1x80xi32, #tpu.memory_space<vmem>> -> memref<80xi32, #tpu.memory_space<vmem>>
    %dma_start3A_204 = arith.constant 0 : i32
    %dma_start3A_205 = arith.constant 0 : i32
    %dma_start3A_206 = tpu.memref_slice %arg4[%dma_start3A_204, %dma_start3A_205] : memref<270000x128xf32, #tpu.memory_space<hbm>> -> memref<270000x128xf32, #tpu.memory_space<hbm>>
    tpu.enqueue_indirect_dma source(%dma_start3A_206 : memref<270000x128xf32, #tpu.memory_space<hbm>>) target(%arg12 : memref<80x128xf32, #tpu.memory_space<vmem>>) offsets(%dma_start3A_203 : memref<80xi32, #tpu.memory_space<vmem>>) semaphore(%arg16 : memref<!tpu.dma_semaphore, #tpu.memory_space<semaphore_mem>>)
    %dma_wait3A_207 = arith.constant 0 : i32
    %dma_wait3A_208 = arith.constant 1 : i32
    %dma_wait3A_209 = arith.constant 0 : i32
    %dma_wait3A_210 = arith.constant 0 : i32
    %dma_wait3A_211 = tpu.memref_slice %arg2[%dma_wait3A_207, %add3A, %dma_wait3A_208, %dma_wait3A_209, %dma_wait3A_210] : memref<2x32x5x25x80xi32, #tpu.memory_space<hbm>> -> memref<1x1x1x25x80xi32, #tpu.memory_space<hbm>>
    %dma_wait3A_212 = tpu.memref_squeeze %dma_wait3A_211 : memref<1x1x1x25x80xi32, #tpu.memory_space<hbm>> -> memref<25x80xi32, #tpu.memory_space<hbm>>
    %dma_wait3A_213 = arith.constant 0 : i32
    %dma_wait3A_214 = arith.constant 0 : i32
    %dma_wait3A_215 = tpu.memref_slice %arg2[%dma_wait3A_207, %add3A, %dma_wait3A_208, %dma_wait3A_213, %dma_wait3A_214] : memref<2x32x5x25x80xi32, #tpu.memory_space<hbm>> -> memref<1x1x1x25x80xi32, #tpu.memory_space<hbm>>
    %dma_wait3A_216 = tpu.memref_squeeze %dma_wait3A_215 : memref<1x1x1x25x80xi32, #tpu.memory_space<hbm>> -> memref<25x80xi32, #tpu.memory_space<hbm>>
    tpu.wait_dma2 semaphore(%arg18 : memref<!tpu.dma_semaphore, #tpu.memory_space<semaphore_mem>>) src(%dma_wait3A_216 : memref<25x80xi32, #tpu.memory_space<hbm>>) dst(%arg7 : memref<25x80xi32, #tpu.memory_space<vmem>>)
    %dma_wait3A_217 = arith.constant 1 : i32
    %dma_wait3A_218 = arith.constant 0 : i32
    %dma_wait3A_219 = arith.constant 0 : i32
    %dma_wait3A_220 = tpu.memref_slice %arg3[%add3A, %dma_wait3A_217, %dma_wait3A_218, %dma_wait3A_219] : memref<32x5x25x80xi32, #tpu.memory_space<hbm>> -> memref<1x1x25x80xi32, #tpu.memory_space<hbm>>
    %dma_wait3A_221 = tpu.memref_squeeze %dma_wait3A_220 : memref<1x1x25x80xi32, #tpu.memory_space<hbm>> -> memref<25x80xi32, #tpu.memory_space<hbm>>
    %dma_wait3A_222 = arith.constant 0 : i32
    %dma_wait3A_223 = arith.constant 0 : i32
    %dma_wait3A_224 = tpu.memref_slice %arg3[%add3A, %dma_wait3A_217, %dma_wait3A_222, %dma_wait3A_223] : memref<32x5x25x80xi32, #tpu.memory_space<hbm>> -> memref<1x1x25x80xi32, #tpu.memory_space<hbm>>
    %dma_wait3A_225 = tpu.memref_squeeze %dma_wait3A_224 : memref<1x1x25x80xi32, #tpu.memory_space<hbm>> -> memref<25x80xi32, #tpu.memory_space<hbm>>
    tpu.wait_dma2 semaphore(%arg18 : memref<!tpu.dma_semaphore, #tpu.memory_space<semaphore_mem>>) src(%dma_wait3A_225 : memref<25x80xi32, #tpu.memory_space<hbm>>) dst(%arg9 : memref<25x80xi32, #tpu.memory_space<vmem>>)
    %scan3A_226 = arith.constant 0 : i32
    %scan3A_227 = arith.constant 0 : i32
    %scan3A_228 = arith.constant 25 : i32
    %scan3A_229 = arith.addi %scan3A_227, %scan3A_228 : i32
    %scan3A_230 = arith.constant 1 : i32
    scf.for %scan3A_720 = %scan3A_227 to %scan3A_229 step %scan3A_230  : i32 {
      %get3A = arith.index_cast %scan3A_720 : i32 to index
      %get3A_721 = arith.constant 0 : index
      %get3A_722 = tpu.vector_load %arg9[%get3A, %get3A_721] {strides = array<i32>} : memref<25x80xi32, #tpu.memory_space<vmem>>, vector<1x16xi32>,
      %get3A_723 = vector.shape_cast %get3A_722 : vector<1x16xi32> to vector<16xi32>
      %mul3A_724 = arith.constant 10000 : i32
      %mul3A_725 = vector.broadcast %mul3A_724 : i32 to vector<16xi32>
      %mul3A_726 = arith.muli %get3A_723, %mul3A_725 : vector<16xi32>
      %get3A_727 = arith.index_cast %scan3A_720 : i32 to index
      %get3A_728 = arith.constant 0 : index
      %get3A_729 = tpu.vector_load %arg7[%get3A_727, %get3A_728] {strides = array<i32>} : memref<25x80xi32, #tpu.memory_space<vmem>>, vector<1x16xi32>,
      %get3A_730 = vector.shape_cast %get3A_729 : vector<1x16xi32> to vector<16xi32>
      %add3A_731 = arith.addi %mul3A_726, %get3A_730 : vector<16xi32>
      %swap3A = arith.index_cast %scan3A_720 : i32 to index
      %swap3A_732 = arith.constant 0 : index
      %swap3A_733 = tpu.vector_load %arg7[%swap3A, %swap3A_732] {strides = array<i32>} : memref<25x80xi32, #tpu.memory_space<vmem>>, vector<1x16xi32>,
      %swap3A_734 = vector.shape_cast %swap3A_733 : vector<1x16xi32> to vector<16xi32>
      %swap3A_735 = vector.shape_cast %add3A_731 : vector<16xi32> to vector<1x16xi32>
      tpu.vector_store %arg7[%swap3A, %swap3A_732], %swap3A_735 {strides = array<i32>} : memref<25x80xi32, #tpu.memory_space<vmem>>, vector<1x16xi32>,
      %get3A_736 = arith.index_cast %scan3A_720 : i32 to index
      %get3A_737 = arith.constant 16 : index
      %get3A_738 = tpu.vector_load %arg9[%get3A_736, %get3A_737] {strides = array<i32>} : memref<25x80xi32, #tpu.memory_space<vmem>>, vector<1x16xi32>,
      %get3A_739 = vector.shape_cast %get3A_738 : vector<1x16xi32> to vector<16xi32>
      %mul3A_740 = arith.constant 10000 : i32
      %mul3A_741 = vector.broadcast %mul3A_740 : i32 to vector<16xi32>
      %mul3A_742 = arith.muli %get3A_739, %mul3A_741 : vector<16xi32>
      %get3A_743 = arith.index_cast %scan3A_720 : i32 to index
      %get3A_744 = arith.constant 16 : index
      %get3A_745 = tpu.vector_load %arg7[%get3A_743, %get3A_744] {strides = array<i32>} : memref<25x80xi32, #tpu.memory_space<vmem>>, vector<1x16xi32>,
      %get3A_746 = vector.shape_cast %get3A_745 : vector<1x16xi32> to vector<16xi32>
      %add3A_747 = arith.addi %mul3A_742, %get3A_746 : vector<16xi32>
      %swap3A_748 = arith.index_cast %scan3A_720 : i32 to index
      %swap3A_749 = arith.constant 16 : index
      %swap3A_750 = tpu.vector_load %arg7[%swap3A_748, %swap3A_749] {strides = array<i32>} : memref<25x80xi32, #tpu.memory_space<vmem>>, vector<1x16xi32>,
      %swap3A_751 = vector.shape_cast %swap3A_750 : vector<1x16xi32> to vector<16xi32>
      %swap3A_752 = vector.shape_cast %add3A_747 : vector<16xi32> to vector<1x16xi32>
      tpu.vector_store %arg7[%swap3A_748, %swap3A_749], %swap3A_752 {strides = array<i32>} : memref<25x80xi32, #tpu.memory_space<vmem>>, vector<1x16xi32>,
      %get3A_753 = arith.index_cast %scan3A_720 : i32 to index
      %get3A_754 = arith.constant 32 : index
      %get3A_755 = tpu.vector_load %arg9[%get3A_753, %get3A_754] {strides = array<i32>} : memref<25x80xi32, #tpu.memory_space<vmem>>, vector<1x16xi32>,
      %get3A_756 = vector.shape_cast %get3A_755 : vector<1x16xi32> to vector<16xi32>
      %mul3A_757 = arith.constant 10000 : i32
      %mul3A_758 = vector.broadcast %mul3A_757 : i32 to vector<16xi32>
      %mul3A_759 = arith.muli %get3A_756, %mul3A_758 : vector<16xi32>
      %get3A_760 = arith.index_cast %scan3A_720 : i32 to index
      %get3A_761 = arith.constant 32 : index
      %get3A_762 = tpu.vector_load %arg7[%get3A_760, %get3A_761] {strides = array<i32>} : memref<25x80xi32, #tpu.memory_space<vmem>>, vector<1x16xi32>,
      %get3A_763 = vector.shape_cast %get3A_762 : vector<1x16xi32> to vector<16xi32>
      %add3A_764 = arith.addi %mul3A_759, %get3A_763 : vector<16xi32>
      %swap3A_765 = arith.index_cast %scan3A_720 : i32 to index
      %swap3A_766 = arith.constant 32 : index
      %swap3A_767 = tpu.vector_load %arg7[%swap3A_765, %swap3A_766] {strides = array<i32>} : memref<25x80xi32, #tpu.memory_space<vmem>>, vector<1x16xi32>,
      %swap3A_768 = vector.shape_cast %swap3A_767 : vector<1x16xi32> to vector<16xi32>
      %swap3A_769 = vector.shape_cast %add3A_764 : vector<16xi32> to vector<1x16xi32>
      tpu.vector_store %arg7[%swap3A_765, %swap3A_766], %swap3A_769 {strides = array<i32>} : memref<25x80xi32, #tpu.memory_space<vmem>>, vector<1x16xi32>,
      %get3A_770 = arith.index_cast %scan3A_720 : i32 to index
      %get3A_771 = arith.constant 48 : index
      %get3A_772 = tpu.vector_load %arg9[%get3A_770, %get3A_771] {strides = array<i32>} : memref<25x80xi32, #tpu.memory_space<vmem>>, vector<1x16xi32>,
      %get3A_773 = vector.shape_cast %get3A_772 : vector<1x16xi32> to vector<16xi32>
      %mul3A_774 = arith.constant 10000 : i32
      %mul3A_775 = vector.broadcast %mul3A_774 : i32 to vector<16xi32>
      %mul3A_776 = arith.muli %get3A_773, %mul3A_775 : vector<16xi32>
      %get3A_777 = arith.index_cast %scan3A_720 : i32 to index
      %get3A_778 = arith.constant 48 : index
      %get3A_779 = tpu.vector_load %arg7[%get3A_777, %get3A_778] {strides = array<i32>} : memref<25x80xi32, #tpu.memory_space<vmem>>, vector<1x16xi32>,
      %get3A_780 = vector.shape_cast %get3A_779 : vector<1x16xi32> to vector<16xi32>
      %add3A_781 = arith.addi %mul3A_776, %get3A_780 : vector<16xi32>
      %swap3A_782 = arith.index_cast %scan3A_720 : i32 to index
      %swap3A_783 = arith.constant 48 : index
      %swap3A_784 = tpu.vector_load %arg7[%swap3A_782, %swap3A_783] {strides = array<i32>} : memref<25x80xi32, #tpu.memory_space<vmem>>, vector<1x16xi32>,
      %swap3A_785 = vector.shape_cast %swap3A_784 : vector<1x16xi32> to vector<16xi32>
      %swap3A_786 = vector.shape_cast %add3A_781 : vector<16xi32> to vector<1x16xi32>
      tpu.vector_store %arg7[%swap3A_782, %swap3A_783], %swap3A_786 {strides = array<i32>} : memref<25x80xi32, #tpu.memory_space<vmem>>, vector<1x16xi32>,
      %get3A_787 = arith.index_cast %scan3A_720 : i32 to index
      %get3A_788 = arith.constant 64 : index
      %get3A_789 = tpu.vector_load %arg9[%get3A_787, %get3A_788] {strides = array<i32>} : memref<25x80xi32, #tpu.memory_space<vmem>>, vector<1x16xi32>,
      %get3A_790 = vector.shape_cast %get3A_789 : vector<1x16xi32> to vector<16xi32>
      %mul3A_791 = arith.constant 10000 : i32
      %mul3A_792 = vector.broadcast %mul3A_791 : i32 to vector<16xi32>
      %mul3A_793 = arith.muli %get3A_790, %mul3A_792 : vector<16xi32>
      %get3A_794 = arith.index_cast %scan3A_720 : i32 to index
      %get3A_795 = arith.constant 64 : index
      %get3A_796 = tpu.vector_load %arg7[%get3A_794, %get3A_795] {strides = array<i32>} : memref<25x80xi32, #tpu.memory_space<vmem>>, vector<1x16xi32>,
      %get3A_797 = vector.shape_cast %get3A_796 : vector<1x16xi32> to vector<16xi32>
      %add3A_798 = arith.addi %mul3A_793, %get3A_797 : vector<16xi32>
      %swap3A_799 = arith.index_cast %scan3A_720 : i32 to index
      %swap3A_800 = arith.constant 64 : index
      %swap3A_801 = tpu.vector_load %arg7[%swap3A_799, %swap3A_800] {strides = array<i32>} : memref<25x80xi32, #tpu.memory_space<vmem>>, vector<1x16xi32>,
      %swap3A_802 = vector.shape_cast %swap3A_801 : vector<1x16xi32> to vector<16xi32>
      %swap3A_803 = vector.shape_cast %add3A_798 : vector<16xi32> to vector<1x16xi32>
      tpu.vector_store %arg7[%swap3A_799, %swap3A_800], %swap3A_803 {strides = array<i32>} : memref<25x80xi32, #tpu.memory_space<vmem>>, vector<1x16xi32>,
    }
    %scan3A_231 = arith.constant 25 : i32
    %dma_start3A_232 = arith.constant 1 : i32
    %dma_start3A_233 = arith.constant 1 : i32
    %dma_start3A_234 = arith.constant 0 : i32
    %dma_start3A_235 = arith.constant 0 : i32
    %dma_start3A_236 = tpu.memref_slice %arg2[%dma_start3A_232, %add3A, %dma_start3A_233, %dma_start3A_234, %dma_start3A_235] : memref<2x32x5x25x80xi32, #tpu.memory_space<hbm>> -> memref<1x1x1x25x80xi32, #tpu.memory_space<hbm>>
    %dma_start3A_237 = tpu.memref_squeeze %dma_start3A_236 : memref<1x1x1x25x80xi32, #tpu.memory_space<hbm>> -> memref<25x80xi32, #tpu.memory_space<hbm>>
    %dma_start3A_238 = arith.constant 0 : i32
    %dma_start3A_239 = arith.constant 0 : i32
    %dma_start3A_240 = tpu.memref_slice %arg2[%dma_start3A_232, %add3A, %dma_start3A_233, %dma_start3A_238, %dma_start3A_239] : memref<2x32x5x25x80xi32, #tpu.memory_space<hbm>> -> memref<1x1x1x25x80xi32, #tpu.memory_space<hbm>>
    %dma_start3A_241 = tpu.memref_squeeze %dma_start3A_240 : memref<1x1x1x25x80xi32, #tpu.memory_space<hbm>> -> memref<25x80xi32, #tpu.memory_space<hbm>>
    tpu.enqueue_dma source(%dma_start3A_241 : memref<25x80xi32, #tpu.memory_space<hbm>>) target(%arg9 : memref<25x80xi32, #tpu.memory_space<vmem>>) target_semaphore(%arg18 : memref<!tpu.dma_semaphore, #tpu.memory_space<semaphore_mem>>)
    %dma_wait3A_242 = arith.constant 1 : i32
    %dma_wait3A_243 = arith.constant 0 : i32
    %dma_wait3A_244 = arith.constant 0 : i32
    %dma_wait3A_245 = arith.constant 0 : i32
    %dma_wait3A_246 = tpu.memref_slice %arg2[%dma_wait3A_242, %add3A, %dma_wait3A_243, %dma_wait3A_244, %dma_wait3A_245] : memref<2x32x5x25x80xi32, #tpu.memory_space<hbm>> -> memref<1x1x1x25x80xi32, #tpu.memory_space<hbm>>
    %dma_wait3A_247 = tpu.memref_squeeze %dma_wait3A_246 : memref<1x1x1x25x80xi32, #tpu.memory_space<hbm>> -> memref<25x80xi32, #tpu.memory_space<hbm>>
    %dma_wait3A_248 = arith.constant 0 : i32
    %dma_wait3A_249 = arith.constant 0 : i32
    %dma_wait3A_250 = tpu.memref_slice %arg2[%dma_wait3A_242, %add3A, %dma_wait3A_243, %dma_wait3A_248, %dma_wait3A_249] : memref<2x32x5x25x80xi32, #tpu.memory_space<hbm>> -> memref<1x1x1x25x80xi32, #tpu.memory_space<hbm>>
    %dma_wait3A_251 = tpu.memref_squeeze %dma_wait3A_250 : memref<1x1x1x25x80xi32, #tpu.memory_space<hbm>> -> memref<25x80xi32, #tpu.memory_space<hbm>>
    tpu.wait_dma2 semaphore(%arg17 : memref<!tpu.dma_semaphore, #tpu.memory_space<semaphore_mem>>) src(%dma_wait3A_251 : memref<25x80xi32, #tpu.memory_space<hbm>>) dst(%arg8 : memref<25x80xi32, #tpu.memory_space<vmem>>)
    %scan3A_252 = arith.constant 0 : i32
    %scan3A_253 = arith.constant 0 : i32
    %scan3A_254 = arith.constant 8 : i32
    %scan3A_255 = arith.addi %scan3A_253, %scan3A_254 : i32
    %scan3A_256 = arith.constant 1 : i32
    scf.for %scan3A_720 = %scan3A_253 to %scan3A_255 step %scan3A_256  : i32 {
      %mul3A_721 = arith.constant 3 : i32
      %mul3A_722 = arith.muli %mul3A_721, %scan3A_720 : i32
      %add3A_723 = arith.constant 0 : i32
      %add3A_724 = arith.addi %mul3A_722, %add3A_723 : i32
      %dma_wait3A_725 = arith.constant 0 : i32
      %dma_wait3A_726 = tpu.memref_slice %arg6[%add3A_724, %dma_wait3A_725] : memref<25x80xi32, #tpu.memory_space<vmem>> -> memref<1x80xi32, #tpu.memory_space<vmem>>
      %dma_wait3A_727 = tpu.memref_squeeze %dma_wait3A_726 : memref<1x80xi32, #tpu.memory_space<vmem>> -> memref<80xi32, #tpu.memory_space<vmem>>
      %dma_wait3A_728 = arith.constant 0 : i32
      %dma_wait3A_729 = arith.constant 0 : i32
      %dma_wait3A_730 = tpu.memref_slice %arg4[%dma_wait3A_728, %dma_wait3A_729] : memref<270000x128xf32, #tpu.memory_space<hbm>> -> memref<270000x128xf32, #tpu.memory_space<hbm>>
      tpu.wait_indirect_dma semaphore(%arg14 : memref<!tpu.dma_semaphore, #tpu.memory_space<semaphore_mem>>) src(%dma_wait3A_730 : memref<270000x128xf32, #tpu.memory_space<hbm>>) dst(%arg10 : memref<80x128xf32, #tpu.memory_space<vmem>>)
      %add3A_731 = arith.constant 0 : i32
      %add3A_732 = arith.addi %mul3A_722, %add3A_731 : i32
      "tpu.region"() ({
        %run_scoped3A_780 = tpu.sem_alloc : memref<!tpu.dma_semaphore, #tpu.memory_space<semaphore_mem>>
        %dma_start3A_781 = arith.constant 0 : i32
        %dma_start3A_782 = tpu.memref_slice %arg8[%add3A_732, %dma_start3A_781] : memref<25x80xi32, #tpu.memory_space<vmem>> -> memref<1x80xi32, #tpu.memory_space<vmem>>
        %dma_start3A_783 = tpu.memref_squeeze %dma_start3A_782 : memref<1x80xi32, #tpu.memory_space<vmem>> -> memref<80xi32, #tpu.memory_space<vmem>>
        %dma_start3A_784 = arith.constant 0 : i32
        %dma_start3A_785 = arith.constant 0 : i32
        %dma_start3A_786 = tpu.memref_slice %arg13[%dma_start3A_784, %dma_start3A_785] : memref<10000x128xf32, #tpu.memory_space<vmem_shared>> -> memref<10000x128xf32, #tpu.memory_space<vmem_shared>>
        tpu.enqueue_indirect_dma source(%arg10 : memref<80x128xf32, #tpu.memory_space<vmem>>) target(%dma_start3A_786 : memref<10000x128xf32, #tpu.memory_space<vmem_shared>>) offsets(%dma_start3A_783 : memref<80xi32, #tpu.memory_space<vmem>>) semaphore(%run_scoped3A_780 : memref<!tpu.dma_semaphore, #tpu.memory_space<semaphore_mem>>) {add = true}
        %dma_wait3A_787 = arith.constant 0 : i32
        %dma_wait3A_788 = tpu.memref_slice %arg8[%add3A_732, %dma_wait3A_787] : memref<25x80xi32, #tpu.memory_space<vmem>> -> memref<1x80xi32, #tpu.memory_space<vmem>>
        %dma_wait3A_789 = tpu.memref_squeeze %dma_wait3A_788 : memref<1x80xi32, #tpu.memory_space<vmem>> -> memref<80xi32, #tpu.memory_space<vmem>>
        %dma_wait3A_790 = arith.constant 0 : i32
        %dma_wait3A_791 = arith.constant 0 : i32
        %dma_wait3A_792 = tpu.memref_slice %arg13[%dma_wait3A_790, %dma_wait3A_791] : memref<10000x128xf32, #tpu.memory_space<vmem_shared>> -> memref<10000x128xf32, #tpu.memory_space<vmem_shared>>
        tpu.wait_indirect_dma semaphore(%run_scoped3A_780 : memref<!tpu.dma_semaphore, #tpu.memory_space<semaphore_mem>>) src(%arg10 : memref<80x128xf32, #tpu.memory_space<vmem>>) dst(%dma_wait3A_792 : memref<10000x128xf32, #tpu.memory_space<vmem_shared>>)
        tpu.yield
      }) : () -> ()
      %add3A_733 = arith.constant 0 : i32
      %add3A_734 = arith.addi %mul3A_722, %add3A_733 : i32
      %add3A_735 = arith.constant 3 : i32
      %add3A_736 = arith.addi %add3A_734, %add3A_735 : i32
      %lt3A_737 = arith.constant 25 : i32
      %lt3A_738 = arith.cmpi slt, %add3A_736, %lt3A_737 : i32
      %convert_element_type3A_739 = arith.extui %lt3A_738 : i1 to i32
      %cond3A_740 = arith.constant 0 : i32
      %cond3A_741 = arith.cmpi ne, %convert_element_type3A_739, %cond3A_740 : i32
      scf.if %cond3A_741 {
        %add3A_780 = arith.constant 0 : i32
        %add3A_781 = arith.addi %mul3A_722, %add3A_780 : i32
        %add3A_782 = arith.constant 3 : i32
        %add3A_783 = arith.addi %add3A_781, %add3A_782 : i32
        %dma_start3A_784 = arith.constant 0 : i32
        %dma_start3A_785 = tpu.memref_slice %arg6[%add3A_783, %dma_start3A_784] : memref<25x80xi32, #tpu.memory_space<vmem>> -> memref<1x80xi32, #tpu.memory_space<vmem>>
        %dma_start3A_786 = tpu.memref_squeeze %dma_start3A_785 : memref<1x80xi32, #tpu.memory_space<vmem>> -> memref<80xi32, #tpu.memory_space<vmem>>
        %dma_start3A_787 = arith.constant 0 : i32
        %dma_start3A_788 = arith.constant 0 : i32
        %dma_start3A_789 = tpu.memref_slice %arg4[%dma_start3A_787, %dma_start3A_788] : memref<270000x128xf32, #tpu.memory_space<hbm>> -> memref<270000x128xf32, #tpu.memory_space<hbm>>
        tpu.enqueue_indirect_dma source(%dma_start3A_789 : memref<270000x128xf32, #tpu.memory_space<hbm>>) target(%arg10 : memref<80x128xf32, #tpu.memory_space<vmem>>) offsets(%dma_start3A_786 : memref<80xi32, #tpu.memory_space<vmem>>) semaphore(%arg14 : memref<!tpu.dma_semaphore, #tpu.memory_space<semaphore_mem>>)
      } else {
      }
      %add3A_742 = arith.constant 1 : i32
      %add3A_743 = arith.addi %mul3A_722, %add3A_742 : i32
      %dma_wait3A_744 = arith.constant 0 : i32
      %dma_wait3A_745 = tpu.memref_slice %arg6[%add3A_743, %dma_wait3A_744] : memref<25x80xi32, #tpu.memory_space<vmem>> -> memref<1x80xi32, #tpu.memory_space<vmem>>
      %dma_wait3A_746 = tpu.memref_squeeze %dma_wait3A_745 : memref<1x80xi32, #tpu.memory_space<vmem>> -> memref<80xi32, #tpu.memory_space<vmem>>
      %dma_wait3A_747 = arith.constant 0 : i32
      %dma_wait3A_748 = arith.constant 0 : i32
      %dma_wait3A_749 = tpu.memref_slice %arg4[%dma_wait3A_747, %dma_wait3A_748] : memref<270000x128xf32, #tpu.memory_space<hbm>> -> memref<270000x128xf32, #tpu.memory_space<hbm>>
      tpu.wait_indirect_dma semaphore(%arg15 : memref<!tpu.dma_semaphore, #tpu.memory_space<semaphore_mem>>) src(%dma_wait3A_749 : memref<270000x128xf32, #tpu.memory_space<hbm>>) dst(%arg11 : memref<80x128xf32, #tpu.memory_space<vmem>>)
      %add3A_750 = arith.constant 1 : i32
      %add3A_751 = arith.addi %mul3A_722, %add3A_750 : i32
      "tpu.region"() ({
        %run_scoped3A_780 = tpu.sem_alloc : memref<!tpu.dma_semaphore, #tpu.memory_space<semaphore_mem>>
        %dma_start3A_781 = arith.constant 0 : i32
        %dma_start3A_782 = tpu.memref_slice %arg8[%add3A_751, %dma_start3A_781] : memref<25x80xi32, #tpu.memory_space<vmem>> -> memref<1x80xi32, #tpu.memory_space<vmem>>
        %dma_start3A_783 = tpu.memref_squeeze %dma_start3A_782 : memref<1x80xi32, #tpu.memory_space<vmem>> -> memref<80xi32, #tpu.memory_space<vmem>>
        %dma_start3A_784 = arith.constant 0 : i32
        %dma_start3A_785 = arith.constant 0 : i32
        %dma_start3A_786 = tpu.memref_slice %arg13[%dma_start3A_784, %dma_start3A_785] : memref<10000x128xf32, #tpu.memory_space<vmem_shared>> -> memref<10000x128xf32, #tpu.memory_space<vmem_shared>>
        tpu.enqueue_indirect_dma source(%arg11 : memref<80x128xf32, #tpu.memory_space<vmem>>) target(%dma_start3A_786 : memref<10000x128xf32, #tpu.memory_space<vmem_shared>>) offsets(%dma_start3A_783 : memref<80xi32, #tpu.memory_space<vmem>>) semaphore(%run_scoped3A_780 : memref<!tpu.dma_semaphore, #tpu.memory_space<semaphore_mem>>) {add = true}
        %dma_wait3A_787 = arith.constant 0 : i32
        %dma_wait3A_788 = tpu.memref_slice %arg8[%add3A_751, %dma_wait3A_787] : memref<25x80xi32, #tpu.memory_space<vmem>> -> memref<1x80xi32, #tpu.memory_space<vmem>>
        %dma_wait3A_789 = tpu.memref_squeeze %dma_wait3A_788 : memref<1x80xi32, #tpu.memory_space<vmem>> -> memref<80xi32, #tpu.memory_space<vmem>>
        %dma_wait3A_790 = arith.constant 0 : i32
        %dma_wait3A_791 = arith.constant 0 : i32
        %dma_wait3A_792 = tpu.memref_slice %arg13[%dma_wait3A_790, %dma_wait3A_791] : memref<10000x128xf32, #tpu.memory_space<vmem_shared>> -> memref<10000x128xf32, #tpu.memory_space<vmem_shared>>
        tpu.wait_indirect_dma semaphore(%run_scoped3A_780 : memref<!tpu.dma_semaphore, #tpu.memory_space<semaphore_mem>>) src(%arg11 : memref<80x128xf32, #tpu.memory_space<vmem>>) dst(%dma_wait3A_792 : memref<10000x128xf32, #tpu.memory_space<vmem_shared>>)
        tpu.yield
      }) : () -> ()
      %add3A_752 = arith.constant 1 : i32
      %add3A_753 = arith.addi %mul3A_722, %add3A_752 : i32
      %add3A_754 = arith.constant 3 : i32
      %add3A_755 = arith.addi %add3A_753, %add3A_754 : i32
      %lt3A_756 = arith.constant 25 : i32
      %lt3A_757 = arith.cmpi slt, %add3A_755, %lt3A_756 : i32
      %convert_element_type3A_758 = arith.extui %lt3A_757 : i1 to i32
      %cond3A_759 = arith.constant 0 : i32
      %cond3A_760 = arith.cmpi ne, %convert_element_type3A_758, %cond3A_759 : i32
      scf.if %cond3A_760 {
        %add3A_780 = arith.constant 1 : i32
        %add3A_781 = arith.addi %mul3A_722, %add3A_780 : i32
        %add3A_782 = arith.constant 3 : i32
        %add3A_783 = arith.addi %add3A_781, %add3A_782 : i32
        %dma_start3A_784 = arith.constant 0 : i32
        %dma_start3A_785 = tpu.memref_slice %arg6[%add3A_783, %dma_start3A_784] : memref<25x80xi32, #tpu.memory_space<vmem>> -> memref<1x80xi32, #tpu.memory_space<vmem>>
        %dma_start3A_786 = tpu.memref_squeeze %dma_start3A_785 : memref<1x80xi32, #tpu.memory_space<vmem>> -> memref<80xi32, #tpu.memory_space<vmem>>
        %dma_start3A_787 = arith.constant 0 : i32
        %dma_start3A_788 = arith.constant 0 : i32
        %dma_start3A_789 = tpu.memref_slice %arg4[%dma_start3A_787, %dma_start3A_788] : memref<270000x128xf32, #tpu.memory_space<hbm>> -> memref<270000x128xf32, #tpu.memory_space<hbm>>
        tpu.enqueue_indirect_dma source(%dma_start3A_789 : memref<270000x128xf32, #tpu.memory_space<hbm>>) target(%arg11 : memref<80x128xf32, #tpu.memory_space<vmem>>) offsets(%dma_start3A_786 : memref<80xi32, #tpu.memory_space<vmem>>) semaphore(%arg15 : memref<!tpu.dma_semaphore, #tpu.memory_space<semaphore_mem>>)
      } else {
      }
      %add3A_761 = arith.constant 2 : i32
      %add3A_762 = arith.addi %mul3A_722, %add3A_761 : i32
      %dma_wait3A_763 = arith.constant 0 : i32
      %dma_wait3A_764 = tpu.memref_slice %arg6[%add3A_762, %dma_wait3A_763] : memref<25x80xi32, #tpu.memory_space<vmem>> -> memref<1x80xi32, #tpu.memory_space<vmem>>
      %dma_wait3A_765 = tpu.memref_squeeze %dma_wait3A_764 : memref<1x80xi32, #tpu.memory_space<vmem>> -> memref<80xi32, #tpu.memory_space<vmem>>
      %dma_wait3A_766 = arith.constant 0 : i32
      %dma_wait3A_767 = arith.constant 0 : i32
      %dma_wait3A_768 = tpu.memref_slice %arg4[%dma_wait3A_766, %dma_wait3A_767] : memref<270000x128xf32, #tpu.memory_space<hbm>> -> memref<270000x128xf32, #tpu.memory_space<hbm>>
      tpu.wait_indirect_dma semaphore(%arg16 : memref<!tpu.dma_semaphore, #tpu.memory_space<semaphore_mem>>) src(%dma_wait3A_768 : memref<270000x128xf32, #tpu.memory_space<hbm>>) dst(%arg12 : memref<80x128xf32, #tpu.memory_space<vmem>>)
      %add3A_769 = arith.constant 2 : i32
      %add3A_770 = arith.addi %mul3A_722, %add3A_769 : i32
      "tpu.region"() ({
        %run_scoped3A_780 = tpu.sem_alloc : memref<!tpu.dma_semaphore, #tpu.memory_space<semaphore_mem>>
        %dma_start3A_781 = arith.constant 0 : i32
        %dma_start3A_782 = tpu.memref_slice %arg8[%add3A_770, %dma_start3A_781] : memref<25x80xi32, #tpu.memory_space<vmem>> -> memref<1x80xi32, #tpu.memory_space<vmem>>
        %dma_start3A_783 = tpu.memref_squeeze %dma_start3A_782 : memref<1x80xi32, #tpu.memory_space<vmem>> -> memref<80xi32, #tpu.memory_space<vmem>>
        %dma_start3A_784 = arith.constant 0 : i32
        %dma_start3A_785 = arith.constant 0 : i32
        %dma_start3A_786 = tpu.memref_slice %arg13[%dma_start3A_784, %dma_start3A_785] : memref<10000x128xf32, #tpu.memory_space<vmem_shared>> -> memref<10000x128xf32, #tpu.memory_space<vmem_shared>>
        tpu.enqueue_indirect_dma source(%arg12 : memref<80x128xf32, #tpu.memory_space<vmem>>) target(%dma_start3A_786 : memref<10000x128xf32, #tpu.memory_space<vmem_shared>>) offsets(%dma_start3A_783 : memref<80xi32, #tpu.memory_space<vmem>>) semaphore(%run_scoped3A_780 : memref<!tpu.dma_semaphore, #tpu.memory_space<semaphore_mem>>) {add = true}
        %dma_wait3A_787 = arith.constant 0 : i32
        %dma_wait3A_788 = tpu.memref_slice %arg8[%add3A_770, %dma_wait3A_787] : memref<25x80xi32, #tpu.memory_space<vmem>> -> memref<1x80xi32, #tpu.memory_space<vmem>>
        %dma_wait3A_789 = tpu.memref_squeeze %dma_wait3A_788 : memref<1x80xi32, #tpu.memory_space<vmem>> -> memref<80xi32, #tpu.memory_space<vmem>>
        %dma_wait3A_790 = arith.constant 0 : i32
        %dma_wait3A_791 = arith.constant 0 : i32
        %dma_wait3A_792 = tpu.memref_slice %arg13[%dma_wait3A_790, %dma_wait3A_791] : memref<10000x128xf32, #tpu.memory_space<vmem_shared>> -> memref<10000x128xf32, #tpu.memory_space<vmem_shared>>
        tpu.wait_indirect_dma semaphore(%run_scoped3A_780 : memref<!tpu.dma_semaphore, #tpu.memory_space<semaphore_mem>>) src(%arg12 : memref<80x128xf32, #tpu.memory_space<vmem>>) dst(%dma_wait3A_792 : memref<10000x128xf32, #tpu.memory_space<vmem_shared>>)
        tpu.yield
      }) : () -> ()
      %add3A_771 = arith.constant 2 : i32
      %add3A_772 = arith.addi %mul3A_722, %add3A_771 : i32
      %add3A_773 = arith.constant 3 : i32
      %add3A_774 = arith.addi %add3A_772, %add3A_773 : i32
      %lt3A_775 = arith.constant 25 : i32
      %lt3A_776 = arith.cmpi slt, %add3A_774, %lt3A_775 : i32
      %convert_element_type3A_777 = arith.extui %lt3A_776 : i1 to i32
      %cond3A_778 = arith.constant 0 : i32
      %cond3A_779 = arith.cmpi ne, %convert_element_type3A_777, %cond3A_778 : i32
      scf.if %cond3A_779 {
        %add3A_780 = arith.constant 2 : i32
        %add3A_781 = arith.addi %mul3A_722, %add3A_780 : i32
        %add3A_782 = arith.constant 3 : i32
        %add3A_783 = arith.addi %add3A_781, %add3A_782 : i32
        %dma_start3A_784 = arith.constant 0 : i32
        %dma_start3A_785 = tpu.memref_slice %arg6[%add3A_783, %dma_start3A_784] : memref<25x80xi32, #tpu.memory_space<vmem>> -> memref<1x80xi32, #tpu.memory_space<vmem>>
        %dma_start3A_786 = tpu.memref_squeeze %dma_start3A_785 : memref<1x80xi32, #tpu.memory_space<vmem>> -> memref<80xi32, #tpu.memory_space<vmem>>
        %dma_start3A_787 = arith.constant 0 : i32
        %dma_start3A_788 = arith.constant 0 : i32
        %dma_start3A_789 = tpu.memref_slice %arg4[%dma_start3A_787, %dma_start3A_788] : memref<270000x128xf32, #tpu.memory_space<hbm>> -> memref<270000x128xf32, #tpu.memory_space<hbm>>
        tpu.enqueue_indirect_dma source(%dma_start3A_789 : memref<270000x128xf32, #tpu.memory_space<hbm>>) target(%arg12 : memref<80x128xf32, #tpu.memory_space<vmem>>) offsets(%dma_start3A_786 : memref<80xi32, #tpu.memory_space<vmem>>) semaphore(%arg16 : memref<!tpu.dma_semaphore, #tpu.memory_space<semaphore_mem>>)
      } else {
      }
    }
    %scan3A_257 = arith.constant 8 : i32
    %dma_wait3A_258 = arith.constant 24 : i32
    %dma_wait3A_259 = arith.constant 0 : i32
    %dma_wait3A_260 = tpu.memref_slice %arg6[%dma_wait3A_258, %dma_wait3A_259] : memref<25x80xi32, #tpu.memory_space<vmem>> -> memref<1x80xi32, #tpu.memory_space<vmem>>
    %dma_wait3A_261 = tpu.memref_squeeze %dma_wait3A_260 : memref<1x80xi32, #tpu.memory_space<vmem>> -> memref<80xi32, #tpu.memory_space<vmem>>
    %dma_wait3A_262 = arith.constant 0 : i32
    %dma_wait3A_263 = arith.constant 0 : i32
    %dma_wait3A_264 = tpu.memref_slice %arg4[%dma_wait3A_262, %dma_wait3A_263] : memref<270000x128xf32, #tpu.memory_space<hbm>> -> memref<270000x128xf32, #tpu.memory_space<hbm>>
    tpu.wait_indirect_dma semaphore(%arg14 : memref<!tpu.dma_semaphore, #tpu.memory_space<semaphore_mem>>) src(%dma_wait3A_264 : memref<270000x128xf32, #tpu.memory_space<hbm>>) dst(%arg10 : memref<80x128xf32, #tpu.memory_space<vmem>>)
    %run_scoped3A = arith.constant 24 : i32
    "tpu.region"() ({
      %run_scoped3A_720 = tpu.sem_alloc : memref<!tpu.dma_semaphore, #tpu.memory_space<semaphore_mem>>
      %dma_start3A_721 = arith.constant 0 : i32
      %dma_start3A_722 = tpu.memref_slice %arg8[%run_scoped3A, %dma_start3A_721] : memref<25x80xi32, #tpu.memory_space<vmem>> -> memref<1x80xi32, #tpu.memory_space<vmem>>
      %dma_start3A_723 = tpu.memref_squeeze %dma_start3A_722 : memref<1x80xi32, #tpu.memory_space<vmem>> -> memref<80xi32, #tpu.memory_space<vmem>>
      %dma_start3A_724 = arith.constant 0 : i32
      %dma_start3A_725 = arith.constant 0 : i32
      %dma_start3A_726 = tpu.memref_slice %arg13[%dma_start3A_724, %dma_start3A_725] : memref<10000x128xf32, #tpu.memory_space<vmem_shared>> -> memref<10000x128xf32, #tpu.memory_space<vmem_shared>>
      tpu.enqueue_indirect_dma source(%arg10 : memref<80x128xf32, #tpu.memory_space<vmem>>) target(%dma_start3A_726 : memref<10000x128xf32, #tpu.memory_space<vmem_shared>>) offsets(%dma_start3A_723 : memref<80xi32, #tpu.memory_space<vmem>>) semaphore(%run_scoped3A_720 : memref<!tpu.dma_semaphore, #tpu.memory_space<semaphore_mem>>) {add = true}
      %dma_wait3A_727 = arith.constant 0 : i32
      %dma_wait3A_728 = tpu.memref_slice %arg8[%run_scoped3A, %dma_wait3A_727] : memref<25x80xi32, #tpu.memory_space<vmem>> -> memref<1x80xi32, #tpu.memory_space<vmem>>
      %dma_wait3A_729 = tpu.memref_squeeze %dma_wait3A_728 : memref<1x80xi32, #tpu.memory_space<vmem>> -> memref<80xi32, #tpu.memory_space<vmem>>
      %dma_wait3A_730 = arith.constant 0 : i32
      %dma_wait3A_731 = arith.constant 0 : i32
      %dma_wait3A_732 = tpu.memref_slice %arg13[%dma_wait3A_730, %dma_wait3A_731] : memref<10000x128xf32, #tpu.memory_space<vmem_shared>> -> memref<10000x128xf32, #tpu.memory_space<vmem_shared>>
      tpu.wait_indirect_dma semaphore(%run_scoped3A_720 : memref<!tpu.dma_semaphore, #tpu.memory_space<semaphore_mem>>) src(%arg10 : memref<80x128xf32, #tpu.memory_space<vmem>>) dst(%dma_wait3A_732 : memref<10000x128xf32, #tpu.memory_space<vmem_shared>>)
      tpu.yield
    }) : () -> ()
    %dma_start3A_265 = arith.constant 0 : i32
    %dma_start3A_266 = arith.constant 2 : i32
    %dma_start3A_267 = arith.constant 0 : i32
    %dma_start3A_268 = arith.constant 0 : i32
    %dma_start3A_269 = tpu.memref_slice %arg2[%dma_start3A_265, %add3A, %dma_start3A_266, %dma_start3A_267, %dma_start3A_268] : memref<2x32x5x25x80xi32, #tpu.memory_space<hbm>> -> memref<1x1x1x25x80xi32, #tpu.memory_space<hbm>>
    %dma_start3A_270 = tpu.memref_squeeze %dma_start3A_269 : memref<1x1x1x25x80xi32, #tpu.memory_space<hbm>> -> memref<25x80xi32, #tpu.memory_space<hbm>>
    %dma_start3A_271 = arith.constant 0 : i32
    %dma_start3A_272 = arith.constant 0 : i32
    %dma_start3A_273 = tpu.memref_slice %arg2[%dma_start3A_265, %add3A, %dma_start3A_266, %dma_start3A_271, %dma_start3A_272] : memref<2x32x5x25x80xi32, #tpu.memory_space<hbm>> -> memref<1x1x1x25x80xi32, #tpu.memory_space<hbm>>
    %dma_start3A_274 = tpu.memref_squeeze %dma_start3A_273 : memref<1x1x1x25x80xi32, #tpu.memory_space<hbm>> -> memref<25x80xi32, #tpu.memory_space<hbm>>
    tpu.enqueue_dma source(%dma_start3A_274 : memref<25x80xi32, #tpu.memory_space<hbm>>) target(%arg6 : memref<25x80xi32, #tpu.memory_space<vmem>>) target_semaphore(%arg17 : memref<!tpu.dma_semaphore, #tpu.memory_space<semaphore_mem>>)
    %dma_start3A_275 = arith.constant 2 : i32
    %dma_start3A_276 = arith.constant 0 : i32
    %dma_start3A_277 = arith.constant 0 : i32
    %dma_start3A_278 = tpu.memref_slice %arg3[%add3A, %dma_start3A_275, %dma_start3A_276, %dma_start3A_277] : memref<32x5x25x80xi32, #tpu.memory_space<hbm>> -> memref<1x1x25x80xi32, #tpu.memory_space<hbm>>
    %dma_start3A_279 = tpu.memref_squeeze %dma_start3A_278 : memref<1x1x25x80xi32, #tpu.memory_space<hbm>> -> memref<25x80xi32, #tpu.memory_space<hbm>>
    %dma_start3A_280 = arith.constant 0 : i32
    %dma_start3A_281 = arith.constant 0 : i32
    %dma_start3A_282 = tpu.memref_slice %arg3[%add3A, %dma_start3A_275, %dma_start3A_280, %dma_start3A_281] : memref<32x5x25x80xi32, #tpu.memory_space<hbm>> -> memref<1x1x25x80xi32, #tpu.memory_space<hbm>>
    %dma_start3A_283 = tpu.memref_squeeze %dma_start3A_282 : memref<1x1x25x80xi32, #tpu.memory_space<hbm>> -> memref<25x80xi32, #tpu.memory_space<hbm>>
    tpu.enqueue_dma source(%dma_start3A_283 : memref<25x80xi32, #tpu.memory_space<hbm>>) target(%arg8 : memref<25x80xi32, #tpu.memory_space<vmem>>) target_semaphore(%arg17 : memref<!tpu.dma_semaphore, #tpu.memory_space<semaphore_mem>>)
    %dma_start3A_284 = arith.constant 0 : i32
    %dma_start3A_285 = arith.constant 0 : i32
    %dma_start3A_286 = tpu.memref_slice %arg7[%dma_start3A_284, %dma_start3A_285] : memref<25x80xi32, #tpu.memory_space<vmem>> -> memref<1x80xi32, #tpu.memory_space<vmem>>
    %dma_start3A_287 = tpu.memref_squeeze %dma_start3A_286 : memref<1x80xi32, #tpu.memory_space<vmem>> -> memref<80xi32, #tpu.memory_space<vmem>>
    %dma_start3A_288 = arith.constant 0 : i32
    %dma_start3A_289 = arith.constant 0 : i32
    %dma_start3A_290 = tpu.memref_slice %arg4[%dma_start3A_288, %dma_start3A_289] : memref<270000x128xf32, #tpu.memory_space<hbm>> -> memref<270000x128xf32, #tpu.memory_space<hbm>>
    tpu.enqueue_indirect_dma source(%dma_start3A_290 : memref<270000x128xf32, #tpu.memory_space<hbm>>) target(%arg10 : memref<80x128xf32, #tpu.memory_space<vmem>>) offsets(%dma_start3A_287 : memref<80xi32, #tpu.memory_space<vmem>>) semaphore(%arg14 : memref<!tpu.dma_semaphore, #tpu.memory_space<semaphore_mem>>)
    %dma_start3A_291 = arith.constant 1 : i32
    %dma_start3A_292 = arith.constant 0 : i32
    %dma_start3A_293 = tpu.memref_slice %arg7[%dma_start3A_291, %dma_start3A_292] : memref<25x80xi32, #tpu.memory_space<vmem>> -> memref<1x80xi32, #tpu.memory_space<vmem>>
    %dma_start3A_294 = tpu.memref_squeeze %dma_start3A_293 : memref<1x80xi32, #tpu.memory_space<vmem>> -> memref<80xi32, #tpu.memory_space<vmem>>
    %dma_start3A_295 = arith.constant 0 : i32
    %dma_start3A_296 = arith.constant 0 : i32
    %dma_start3A_297 = tpu.memref_slice %arg4[%dma_start3A_295, %dma_start3A_296] : memref<270000x128xf32, #tpu.memory_space<hbm>> -> memref<270000x128xf32, #tpu.memory_space<hbm>>
    tpu.enqueue_indirect_dma source(%dma_start3A_297 : memref<270000x128xf32, #tpu.memory_space<hbm>>) target(%arg11 : memref<80x128xf32, #tpu.memory_space<vmem>>) offsets(%dma_start3A_294 : memref<80xi32, #tpu.memory_space<vmem>>) semaphore(%arg15 : memref<!tpu.dma_semaphore, #tpu.memory_space<semaphore_mem>>)
    %dma_start3A_298 = arith.constant 2 : i32
    %dma_start3A_299 = arith.constant 0 : i32
    %dma_start3A_300 = tpu.memref_slice %arg7[%dma_start3A_298, %dma_start3A_299] : memref<25x80xi32, #tpu.memory_space<vmem>> -> memref<1x80xi32, #tpu.memory_space<vmem>>
    %dma_start3A_301 = tpu.memref_squeeze %dma_start3A_300 : memref<1x80xi32, #tpu.memory_space<vmem>> -> memref<80xi32, #tpu.memory_space<vmem>>
    %dma_start3A_302 = arith.constant 0 : i32
    %dma_start3A_303 = arith.constant 0 : i32
    %dma_start3A_304 = tpu.memref_slice %arg4[%dma_start3A_302, %dma_start3A_303] : memref<270000x128xf32, #tpu.memory_space<hbm>> -> memref<270000x128xf32, #tpu.memory_space<hbm>>
    tpu.enqueue_indirect_dma source(%dma_start3A_304 : memref<270000x128xf32, #tpu.memory_space<hbm>>) target(%arg12 : memref<80x128xf32, #tpu.memory_space<vmem>>) offsets(%dma_start3A_301 : memref<80xi32, #tpu.memory_space<vmem>>) semaphore(%arg16 : memref<!tpu.dma_semaphore, #tpu.memory_space<semaphore_mem>>)
    %dma_wait3A_305 = arith.constant 0 : i32
    %dma_wait3A_306 = arith.constant 2 : i32
    %dma_wait3A_307 = arith.constant 0 : i32
    %dma_wait3A_308 = arith.constant 0 : i32
    %dma_wait3A_309 = tpu.memref_slice %arg2[%dma_wait3A_305, %add3A, %dma_wait3A_306, %dma_wait3A_307, %dma_wait3A_308] : memref<2x32x5x25x80xi32, #tpu.memory_space<hbm>> -> memref<1x1x1x25x80xi32, #tpu.memory_space<hbm>>
    %dma_wait3A_310 = tpu.memref_squeeze %dma_wait3A_309 : memref<1x1x1x25x80xi32, #tpu.memory_space<hbm>> -> memref<25x80xi32, #tpu.memory_space<hbm>>
    %dma_wait3A_311 = arith.constant 0 : i32
    %dma_wait3A_312 = arith.constant 0 : i32
    %dma_wait3A_313 = tpu.memref_slice %arg2[%dma_wait3A_305, %add3A, %dma_wait3A_306, %dma_wait3A_311, %dma_wait3A_312] : memref<2x32x5x25x80xi32, #tpu.memory_space<hbm>> -> memref<1x1x1x25x80xi32, #tpu.memory_space<hbm>>
    %dma_wait3A_314 = tpu.memref_squeeze %dma_wait3A_313 : memref<1x1x1x25x80xi32, #tpu.memory_space<hbm>> -> memref<25x80xi32, #tpu.memory_space<hbm>>
    tpu.wait_dma2 semaphore(%arg17 : memref<!tpu.dma_semaphore, #tpu.memory_space<semaphore_mem>>) src(%dma_wait3A_314 : memref<25x80xi32, #tpu.memory_space<hbm>>) dst(%arg6 : memref<25x80xi32, #tpu.memory_space<vmem>>)
    %dma_wait3A_315 = arith.constant 2 : i32
    %dma_wait3A_316 = arith.constant 0 : i32
    %dma_wait3A_317 = arith.constant 0 : i32
    %dma_wait3A_318 = tpu.memref_slice %arg3[%add3A, %dma_wait3A_315, %dma_wait3A_316, %dma_wait3A_317] : memref<32x5x25x80xi32, #tpu.memory_space<hbm>> -> memref<1x1x25x80xi32, #tpu.memory_space<hbm>>
    %dma_wait3A_319 = tpu.memref_squeeze %dma_wait3A_318 : memref<1x1x25x80xi32, #tpu.memory_space<hbm>> -> memref<25x80xi32, #tpu.memory_space<hbm>>
    %dma_wait3A_320 = arith.constant 0 : i32
    %dma_wait3A_321 = arith.constant 0 : i32
    %dma_wait3A_322 = tpu.memref_slice %arg3[%add3A, %dma_wait3A_315, %dma_wait3A_320, %dma_wait3A_321] : memref<32x5x25x80xi32, #tpu.memory_space<hbm>> -> memref<1x1x25x80xi32, #tpu.memory_space<hbm>>
    %dma_wait3A_323 = tpu.memref_squeeze %dma_wait3A_322 : memref<1x1x25x80xi32, #tpu.memory_space<hbm>> -> memref<25x80xi32, #tpu.memory_space<hbm>>
    tpu.wait_dma2 semaphore(%arg17 : memref<!tpu.dma_semaphore, #tpu.memory_space<semaphore_mem>>) src(%dma_wait3A_323 : memref<25x80xi32, #tpu.memory_space<hbm>>) dst(%arg8 : memref<25x80xi32, #tpu.memory_space<vmem>>)
    %scan3A_324 = arith.constant 0 : i32
    %scan3A_325 = arith.constant 0 : i32
    %scan3A_326 = arith.constant 25 : i32
    %scan3A_327 = arith.addi %scan3A_325, %scan3A_326 : i32
    %scan3A_328 = arith.constant 1 : i32
    scf.for %scan3A_720 = %scan3A_325 to %scan3A_327 step %scan3A_328  : i32 {
      %get3A = arith.index_cast %scan3A_720 : i32 to index
      %get3A_721 = arith.constant 0 : index
      %get3A_722 = tpu.vector_load %arg8[%get3A, %get3A_721] {strides = array<i32>} : memref<25x80xi32, #tpu.memory_space<vmem>>, vector<1x16xi32>,
      %get3A_723 = vector.shape_cast %get3A_722 : vector<1x16xi32> to vector<16xi32>
      %mul3A_724 = arith.constant 10000 : i32
      %mul3A_725 = vector.broadcast %mul3A_724 : i32 to vector<16xi32>
      %mul3A_726 = arith.muli %get3A_723, %mul3A_725 : vector<16xi32>
      %get3A_727 = arith.index_cast %scan3A_720 : i32 to index
      %get3A_728 = arith.constant 0 : index
      %get3A_729 = tpu.vector_load %arg6[%get3A_727, %get3A_728] {strides = array<i32>} : memref<25x80xi32, #tpu.memory_space<vmem>>, vector<1x16xi32>,
      %get3A_730 = vector.shape_cast %get3A_729 : vector<1x16xi32> to vector<16xi32>
      %add3A_731 = arith.addi %mul3A_726, %get3A_730 : vector<16xi32>
      %swap3A = arith.index_cast %scan3A_720 : i32 to index
      %swap3A_732 = arith.constant 0 : index
      %swap3A_733 = tpu.vector_load %arg6[%swap3A, %swap3A_732] {strides = array<i32>} : memref<25x80xi32, #tpu.memory_space<vmem>>, vector<1x16xi32>,
      %swap3A_734 = vector.shape_cast %swap3A_733 : vector<1x16xi32> to vector<16xi32>
      %swap3A_735 = vector.shape_cast %add3A_731 : vector<16xi32> to vector<1x16xi32>
      tpu.vector_store %arg6[%swap3A, %swap3A_732], %swap3A_735 {strides = array<i32>} : memref<25x80xi32, #tpu.memory_space<vmem>>, vector<1x16xi32>,
      %get3A_736 = arith.index_cast %scan3A_720 : i32 to index
      %get3A_737 = arith.constant 16 : index
      %get3A_738 = tpu.vector_load %arg8[%get3A_736, %get3A_737] {strides = array<i32>} : memref<25x80xi32, #tpu.memory_space<vmem>>, vector<1x16xi32>,
      %get3A_739 = vector.shape_cast %get3A_738 : vector<1x16xi32> to vector<16xi32>
      %mul3A_740 = arith.constant 10000 : i32
      %mul3A_741 = vector.broadcast %mul3A_740 : i32 to vector<16xi32>
      %mul3A_742 = arith.muli %get3A_739, %mul3A_741 : vector<16xi32>
      %get3A_743 = arith.index_cast %scan3A_720 : i32 to index
      %get3A_744 = arith.constant 16 : index
      %get3A_745 = tpu.vector_load %arg6[%get3A_743, %get3A_744] {strides = array<i32>} : memref<25x80xi32, #tpu.memory_space<vmem>>, vector<1x16xi32>,
      %get3A_746 = vector.shape_cast %get3A_745 : vector<1x16xi32> to vector<16xi32>
      %add3A_747 = arith.addi %mul3A_742, %get3A_746 : vector<16xi32>
      %swap3A_748 = arith.index_cast %scan3A_720 : i32 to index
      %swap3A_749 = arith.constant 16 : index
      %swap3A_750 = tpu.vector_load %arg6[%swap3A_748, %swap3A_749] {strides = array<i32>} : memref<25x80xi32, #tpu.memory_space<vmem>>, vector<1x16xi32>,
      %swap3A_751 = vector.shape_cast %swap3A_750 : vector<1x16xi32> to vector<16xi32>
      %swap3A_752 = vector.shape_cast %add3A_747 : vector<16xi32> to vector<1x16xi32>
      tpu.vector_store %arg6[%swap3A_748, %swap3A_749], %swap3A_752 {strides = array<i32>} : memref<25x80xi32, #tpu.memory_space<vmem>>, vector<1x16xi32>,
      %get3A_753 = arith.index_cast %scan3A_720 : i32 to index
      %get3A_754 = arith.constant 32 : index
      %get3A_755 = tpu.vector_load %arg8[%get3A_753, %get3A_754] {strides = array<i32>} : memref<25x80xi32, #tpu.memory_space<vmem>>, vector<1x16xi32>,
      %get3A_756 = vector.shape_cast %get3A_755 : vector<1x16xi32> to vector<16xi32>
      %mul3A_757 = arith.constant 10000 : i32
      %mul3A_758 = vector.broadcast %mul3A_757 : i32 to vector<16xi32>
      %mul3A_759 = arith.muli %get3A_756, %mul3A_758 : vector<16xi32>
      %get3A_760 = arith.index_cast %scan3A_720 : i32 to index
      %get3A_761 = arith.constant 32 : index
      %get3A_762 = tpu.vector_load %arg6[%get3A_760, %get3A_761] {strides = array<i32>} : memref<25x80xi32, #tpu.memory_space<vmem>>, vector<1x16xi32>,
      %get3A_763 = vector.shape_cast %get3A_762 : vector<1x16xi32> to vector<16xi32>
      %add3A_764 = arith.addi %mul3A_759, %get3A_763 : vector<16xi32>
      %swap3A_765 = arith.index_cast %scan3A_720 : i32 to index
      %swap3A_766 = arith.constant 32 : index
      %swap3A_767 = tpu.vector_load %arg6[%swap3A_765, %swap3A_766] {strides = array<i32>} : memref<25x80xi32, #tpu.memory_space<vmem>>, vector<1x16xi32>,
      %swap3A_768 = vector.shape_cast %swap3A_767 : vector<1x16xi32> to vector<16xi32>
      %swap3A_769 = vector.shape_cast %add3A_764 : vector<16xi32> to vector<1x16xi32>
      tpu.vector_store %arg6[%swap3A_765, %swap3A_766], %swap3A_769 {strides = array<i32>} : memref<25x80xi32, #tpu.memory_space<vmem>>, vector<1x16xi32>,
      %get3A_770 = arith.index_cast %scan3A_720 : i32 to index
      %get3A_771 = arith.constant 48 : index
      %get3A_772 = tpu.vector_load %arg8[%get3A_770, %get3A_771] {strides = array<i32>} : memref<25x80xi32, #tpu.memory_space<vmem>>, vector<1x16xi32>,
      %get3A_773 = vector.shape_cast %get3A_772 : vector<1x16xi32> to vector<16xi32>
      %mul3A_774 = arith.constant 10000 : i32
      %mul3A_775 = vector.broadcast %mul3A_774 : i32 to vector<16xi32>
      %mul3A_776 = arith.muli %get3A_773, %mul3A_775 : vector<16xi32>
      %get3A_777 = arith.index_cast %scan3A_720 : i32 to index
      %get3A_778 = arith.constant 48 : index
      %get3A_779 = tpu.vector_load %arg6[%get3A_777, %get3A_778] {strides = array<i32>} : memref<25x80xi32, #tpu.memory_space<vmem>>, vector<1x16xi32>,
      %get3A_780 = vector.shape_cast %get3A_779 : vector<1x16xi32> to vector<16xi32>
      %add3A_781 = arith.addi %mul3A_776, %get3A_780 : vector<16xi32>
      %swap3A_782 = arith.index_cast %scan3A_720 : i32 to index
      %swap3A_783 = arith.constant 48 : index
      %swap3A_784 = tpu.vector_load %arg6[%swap3A_782, %swap3A_783] {strides = array<i32>} : memref<25x80xi32, #tpu.memory_space<vmem>>, vector<1x16xi32>,
      %swap3A_785 = vector.shape_cast %swap3A_784 : vector<1x16xi32> to vector<16xi32>
      %swap3A_786 = vector.shape_cast %add3A_781 : vector<16xi32> to vector<1x16xi32>
      tpu.vector_store %arg6[%swap3A_782, %swap3A_783], %swap3A_786 {strides = array<i32>} : memref<25x80xi32, #tpu.memory_space<vmem>>, vector<1x16xi32>,
      %get3A_787 = arith.index_cast %scan3A_720 : i32 to index
      %get3A_788 = arith.constant 64 : index
      %get3A_789 = tpu.vector_load %arg8[%get3A_787, %get3A_788] {strides = array<i32>} : memref<25x80xi32, #tpu.memory_space<vmem>>, vector<1x16xi32>,
      %get3A_790 = vector.shape_cast %get3A_789 : vector<1x16xi32> to vector<16xi32>
      %mul3A_791 = arith.constant 10000 : i32
      %mul3A_792 = vector.broadcast %mul3A_791 : i32 to vector<16xi32>
      %mul3A_793 = arith.muli %get3A_790, %mul3A_792 : vector<16xi32>
      %get3A_794 = arith.index_cast %scan3A_720 : i32 to index
      %get3A_795 = arith.constant 64 : index
      %get3A_796 = tpu.vector_load %arg6[%get3A_794, %get3A_795] {strides = array<i32>} : memref<25x80xi32, #tpu.memory_space<vmem>>, vector<1x16xi32>,
      %get3A_797 = vector.shape_cast %get3A_796 : vector<1x16xi32> to vector<16xi32>
      %add3A_798 = arith.addi %mul3A_793, %get3A_797 : vector<16xi32>
      %swap3A_799 = arith.index_cast %scan3A_720 : i32 to index
      %swap3A_800 = arith.constant 64 : index
      %swap3A_801 = tpu.vector_load %arg6[%swap3A_799, %swap3A_800] {strides = array<i32>} : memref<25x80xi32, #tpu.memory_space<vmem>>, vector<1x16xi32>,
      %swap3A_802 = vector.shape_cast %swap3A_801 : vector<1x16xi32> to vector<16xi32>
      %swap3A_803 = vector.shape_cast %add3A_798 : vector<16xi32> to vector<1x16xi32>
      tpu.vector_store %arg6[%swap3A_799, %swap3A_800], %swap3A_803 {strides = array<i32>} : memref<25x80xi32, #tpu.memory_space<vmem>>, vector<1x16xi32>,
    }
    %scan3A_329 = arith.constant 25 : i32
    %dma_start3A_330 = arith.constant 1 : i32
    %dma_start3A_331 = arith.constant 2 : i32
    %dma_start3A_332 = arith.constant 0 : i32
    %dma_start3A_333 = arith.constant 0 : i32
    %dma_start3A_334 = tpu.memref_slice %arg2[%dma_start3A_330, %add3A, %dma_start3A_331, %dma_start3A_332, %dma_start3A_333] : memref<2x32x5x25x80xi32, #tpu.memory_space<hbm>> -> memref<1x1x1x25x80xi32, #tpu.memory_space<hbm>>
    %dma_start3A_335 = tpu.memref_squeeze %dma_start3A_334 : memref<1x1x1x25x80xi32, #tpu.memory_space<hbm>> -> memref<25x80xi32, #tpu.memory_space<hbm>>
    %dma_start3A_336 = arith.constant 0 : i32
    %dma_start3A_337 = arith.constant 0 : i32
    %dma_start3A_338 = tpu.memref_slice %arg2[%dma_start3A_330, %add3A, %dma_start3A_331, %dma_start3A_336, %dma_start3A_337] : memref<2x32x5x25x80xi32, #tpu.memory_space<hbm>> -> memref<1x1x1x25x80xi32, #tpu.memory_space<hbm>>
    %dma_start3A_339 = tpu.memref_squeeze %dma_start3A_338 : memref<1x1x1x25x80xi32, #tpu.memory_space<hbm>> -> memref<25x80xi32, #tpu.memory_space<hbm>>
    tpu.enqueue_dma source(%dma_start3A_339 : memref<25x80xi32, #tpu.memory_space<hbm>>) target(%arg8 : memref<25x80xi32, #tpu.memory_space<vmem>>) target_semaphore(%arg17 : memref<!tpu.dma_semaphore, #tpu.memory_space<semaphore_mem>>)
    %dma_wait3A_340 = arith.constant 1 : i32
    %dma_wait3A_341 = arith.constant 1 : i32
    %dma_wait3A_342 = arith.constant 0 : i32
    %dma_wait3A_343 = arith.constant 0 : i32
    %dma_wait3A_344 = tpu.memref_slice %arg2[%dma_wait3A_340, %add3A, %dma_wait3A_341, %dma_wait3A_342, %dma_wait3A_343] : memref<2x32x5x25x80xi32, #tpu.memory_space<hbm>> -> memref<1x1x1x25x80xi32, #tpu.memory_space<hbm>>
    %dma_wait3A_345 = tpu.memref_squeeze %dma_wait3A_344 : memref<1x1x1x25x80xi32, #tpu.memory_space<hbm>> -> memref<25x80xi32, #tpu.memory_space<hbm>>
    %dma_wait3A_346 = arith.constant 0 : i32
    %dma_wait3A_347 = arith.constant 0 : i32
    %dma_wait3A_348 = tpu.memref_slice %arg2[%dma_wait3A_340, %add3A, %dma_wait3A_341, %dma_wait3A_346, %dma_wait3A_347] : memref<2x32x5x25x80xi32, #tpu.memory_space<hbm>> -> memref<1x1x1x25x80xi32, #tpu.memory_space<hbm>>
    %dma_wait3A_349 = tpu.memref_squeeze %dma_wait3A_348 : memref<1x1x1x25x80xi32, #tpu.memory_space<hbm>> -> memref<25x80xi32, #tpu.memory_space<hbm>>
    tpu.wait_dma2 semaphore(%arg18 : memref<!tpu.dma_semaphore, #tpu.memory_space<semaphore_mem>>) src(%dma_wait3A_349 : memref<25x80xi32, #tpu.memory_space<hbm>>) dst(%arg9 : memref<25x80xi32, #tpu.memory_space<vmem>>)
    %scan3A_350 = arith.constant 0 : i32
    %scan3A_351 = arith.constant 0 : i32
    %scan3A_352 = arith.constant 8 : i32
    %scan3A_353 = arith.addi %scan3A_351, %scan3A_352 : i32
    %scan3A_354 = arith.constant 1 : i32
    scf.for %scan3A_720 = %scan3A_351 to %scan3A_353 step %scan3A_354  : i32 {
      %mul3A_721 = arith.constant 3 : i32
      %mul3A_722 = arith.muli %mul3A_721, %scan3A_720 : i32
      %add3A_723 = arith.constant 0 : i32
      %add3A_724 = arith.addi %mul3A_722, %add3A_723 : i32
      %dma_wait3A_725 = arith.constant 0 : i32
      %dma_wait3A_726 = tpu.memref_slice %arg7[%add3A_724, %dma_wait3A_725] : memref<25x80xi32, #tpu.memory_space<vmem>> -> memref<1x80xi32, #tpu.memory_space<vmem>>
      %dma_wait3A_727 = tpu.memref_squeeze %dma_wait3A_726 : memref<1x80xi32, #tpu.memory_space<vmem>> -> memref<80xi32, #tpu.memory_space<vmem>>
      %dma_wait3A_728 = arith.constant 0 : i32
      %dma_wait3A_729 = arith.constant 0 : i32
      %dma_wait3A_730 = tpu.memref_slice %arg4[%dma_wait3A_728, %dma_wait3A_729] : memref<270000x128xf32, #tpu.memory_space<hbm>> -> memref<270000x128xf32, #tpu.memory_space<hbm>>
      tpu.wait_indirect_dma semaphore(%arg14 : memref<!tpu.dma_semaphore, #tpu.memory_space<semaphore_mem>>) src(%dma_wait3A_730 : memref<270000x128xf32, #tpu.memory_space<hbm>>) dst(%arg10 : memref<80x128xf32, #tpu.memory_space<vmem>>)
      %add3A_731 = arith.constant 0 : i32
      %add3A_732 = arith.addi %mul3A_722, %add3A_731 : i32
      "tpu.region"() ({
        %run_scoped3A_780 = tpu.sem_alloc : memref<!tpu.dma_semaphore, #tpu.memory_space<semaphore_mem>>
        %dma_start3A_781 = arith.constant 0 : i32
        %dma_start3A_782 = tpu.memref_slice %arg9[%add3A_732, %dma_start3A_781] : memref<25x80xi32, #tpu.memory_space<vmem>> -> memref<1x80xi32, #tpu.memory_space<vmem>>
        %dma_start3A_783 = tpu.memref_squeeze %dma_start3A_782 : memref<1x80xi32, #tpu.memory_space<vmem>> -> memref<80xi32, #tpu.memory_space<vmem>>
        %dma_start3A_784 = arith.constant 0 : i32
        %dma_start3A_785 = arith.constant 0 : i32
        %dma_start3A_786 = tpu.memref_slice %arg13[%dma_start3A_784, %dma_start3A_785] : memref<10000x128xf32, #tpu.memory_space<vmem_shared>> -> memref<10000x128xf32, #tpu.memory_space<vmem_shared>>
        tpu.enqueue_indirect_dma source(%arg10 : memref<80x128xf32, #tpu.memory_space<vmem>>) target(%dma_start3A_786 : memref<10000x128xf32, #tpu.memory_space<vmem_shared>>) offsets(%dma_start3A_783 : memref<80xi32, #tpu.memory_space<vmem>>) semaphore(%run_scoped3A_780 : memref<!tpu.dma_semaphore, #tpu.memory_space<semaphore_mem>>) {add = true}
        %dma_wait3A_787 = arith.constant 0 : i32
        %dma_wait3A_788 = tpu.memref_slice %arg9[%add3A_732, %dma_wait3A_787] : memref<25x80xi32, #tpu.memory_space<vmem>> -> memref<1x80xi32, #tpu.memory_space<vmem>>
        %dma_wait3A_789 = tpu.memref_squeeze %dma_wait3A_788 : memref<1x80xi32, #tpu.memory_space<vmem>> -> memref<80xi32, #tpu.memory_space<vmem>>
        %dma_wait3A_790 = arith.constant 0 : i32
        %dma_wait3A_791 = arith.constant 0 : i32
        %dma_wait3A_792 = tpu.memref_slice %arg13[%dma_wait3A_790, %dma_wait3A_791] : memref<10000x128xf32, #tpu.memory_space<vmem_shared>> -> memref<10000x128xf32, #tpu.memory_space<vmem_shared>>
        tpu.wait_indirect_dma semaphore(%run_scoped3A_780 : memref<!tpu.dma_semaphore, #tpu.memory_space<semaphore_mem>>) src(%arg10 : memref<80x128xf32, #tpu.memory_space<vmem>>) dst(%dma_wait3A_792 : memref<10000x128xf32, #tpu.memory_space<vmem_shared>>)
        tpu.yield
      }) : () -> ()
      %add3A_733 = arith.constant 0 : i32
      %add3A_734 = arith.addi %mul3A_722, %add3A_733 : i32
      %add3A_735 = arith.constant 3 : i32
      %add3A_736 = arith.addi %add3A_734, %add3A_735 : i32
      %lt3A_737 = arith.constant 25 : i32
      %lt3A_738 = arith.cmpi slt, %add3A_736, %lt3A_737 : i32
      %convert_element_type3A_739 = arith.extui %lt3A_738 : i1 to i32
      %cond3A_740 = arith.constant 0 : i32
      %cond3A_741 = arith.cmpi ne, %convert_element_type3A_739, %cond3A_740 : i32
      scf.if %cond3A_741 {
        %add3A_780 = arith.constant 0 : i32
        %add3A_781 = arith.addi %mul3A_722, %add3A_780 : i32
        %add3A_782 = arith.constant 3 : i32
        %add3A_783 = arith.addi %add3A_781, %add3A_782 : i32
        %dma_start3A_784 = arith.constant 0 : i32
        %dma_start3A_785 = tpu.memref_slice %arg7[%add3A_783, %dma_start3A_784] : memref<25x80xi32, #tpu.memory_space<vmem>> -> memref<1x80xi32, #tpu.memory_space<vmem>>
        %dma_start3A_786 = tpu.memref_squeeze %dma_start3A_785 : memref<1x80xi32, #tpu.memory_space<vmem>> -> memref<80xi32, #tpu.memory_space<vmem>>
        %dma_start3A_787 = arith.constant 0 : i32
        %dma_start3A_788 = arith.constant 0 : i32
        %dma_start3A_789 = tpu.memref_slice %arg4[%dma_start3A_787, %dma_start3A_788] : memref<270000x128xf32, #tpu.memory_space<hbm>> -> memref<270000x128xf32, #tpu.memory_space<hbm>>
        tpu.enqueue_indirect_dma source(%dma_start3A_789 : memref<270000x128xf32, #tpu.memory_space<hbm>>) target(%arg10 : memref<80x128xf32, #tpu.memory_space<vmem>>) offsets(%dma_start3A_786 : memref<80xi32, #tpu.memory_space<vmem>>) semaphore(%arg14 : memref<!tpu.dma_semaphore, #tpu.memory_space<semaphore_mem>>)
      } else {
      }
      %add3A_742 = arith.constant 1 : i32
      %add3A_743 = arith.addi %mul3A_722, %add3A_742 : i32
      %dma_wait3A_744 = arith.constant 0 : i32
      %dma_wait3A_745 = tpu.memref_slice %arg7[%add3A_743, %dma_wait3A_744] : memref<25x80xi32, #tpu.memory_space<vmem>> -> memref<1x80xi32, #tpu.memory_space<vmem>>
      %dma_wait3A_746 = tpu.memref_squeeze %dma_wait3A_745 : memref<1x80xi32, #tpu.memory_space<vmem>> -> memref<80xi32, #tpu.memory_space<vmem>>
      %dma_wait3A_747 = arith.constant 0 : i32
      %dma_wait3A_748 = arith.constant 0 : i32
      %dma_wait3A_749 = tpu.memref_slice %arg4[%dma_wait3A_747, %dma_wait3A_748] : memref<270000x128xf32, #tpu.memory_space<hbm>> -> memref<270000x128xf32, #tpu.memory_space<hbm>>
      tpu.wait_indirect_dma semaphore(%arg15 : memref<!tpu.dma_semaphore, #tpu.memory_space<semaphore_mem>>) src(%dma_wait3A_749 : memref<270000x128xf32, #tpu.memory_space<hbm>>) dst(%arg11 : memref<80x128xf32, #tpu.memory_space<vmem>>)
      %add3A_750 = arith.constant 1 : i32
      %add3A_751 = arith.addi %mul3A_722, %add3A_750 : i32
      "tpu.region"() ({
        %run_scoped3A_780 = tpu.sem_alloc : memref<!tpu.dma_semaphore, #tpu.memory_space<semaphore_mem>>
        %dma_start3A_781 = arith.constant 0 : i32
        %dma_start3A_782 = tpu.memref_slice %arg9[%add3A_751, %dma_start3A_781] : memref<25x80xi32, #tpu.memory_space<vmem>> -> memref<1x80xi32, #tpu.memory_space<vmem>>
        %dma_start3A_783 = tpu.memref_squeeze %dma_start3A_782 : memref<1x80xi32, #tpu.memory_space<vmem>> -> memref<80xi32, #tpu.memory_space<vmem>>
        %dma_start3A_784 = arith.constant 0 : i32
        %dma_start3A_785 = arith.constant 0 : i32
        %dma_start3A_786 = tpu.memref_slice %arg13[%dma_start3A_784, %dma_start3A_785] : memref<10000x128xf32, #tpu.memory_space<vmem_shared>> -> memref<10000x128xf32, #tpu.memory_space<vmem_shared>>
        tpu.enqueue_indirect_dma source(%arg11 : memref<80x128xf32, #tpu.memory_space<vmem>>) target(%dma_start3A_786 : memref<10000x128xf32, #tpu.memory_space<vmem_shared>>) offsets(%dma_start3A_783 : memref<80xi32, #tpu.memory_space<vmem>>) semaphore(%run_scoped3A_780 : memref<!tpu.dma_semaphore, #tpu.memory_space<semaphore_mem>>) {add = true}
        %dma_wait3A_787 = arith.constant 0 : i32
        %dma_wait3A_788 = tpu.memref_slice %arg9[%add3A_751, %dma_wait3A_787] : memref<25x80xi32, #tpu.memory_space<vmem>> -> memref<1x80xi32, #tpu.memory_space<vmem>>
        %dma_wait3A_789 = tpu.memref_squeeze %dma_wait3A_788 : memref<1x80xi32, #tpu.memory_space<vmem>> -> memref<80xi32, #tpu.memory_space<vmem>>
        %dma_wait3A_790 = arith.constant 0 : i32
        %dma_wait3A_791 = arith.constant 0 : i32
        %dma_wait3A_792 = tpu.memref_slice %arg13[%dma_wait3A_790, %dma_wait3A_791] : memref<10000x128xf32, #tpu.memory_space<vmem_shared>> -> memref<10000x128xf32, #tpu.memory_space<vmem_shared>>
        tpu.wait_indirect_dma semaphore(%run_scoped3A_780 : memref<!tpu.dma_semaphore, #tpu.memory_space<semaphore_mem>>) src(%arg11 : memref<80x128xf32, #tpu.memory_space<vmem>>) dst(%dma_wait3A_792 : memref<10000x128xf32, #tpu.memory_space<vmem_shared>>)
        tpu.yield
      }) : () -> ()
      %add3A_752 = arith.constant 1 : i32
      %add3A_753 = arith.addi %mul3A_722, %add3A_752 : i32
      %add3A_754 = arith.constant 3 : i32
      %add3A_755 = arith.addi %add3A_753, %add3A_754 : i32
      %lt3A_756 = arith.constant 25 : i32
      %lt3A_757 = arith.cmpi slt, %add3A_755, %lt3A_756 : i32
      %convert_element_type3A_758 = arith.extui %lt3A_757 : i1 to i32
      %cond3A_759 = arith.constant 0 : i32
      %cond3A_760 = arith.cmpi ne, %convert_element_type3A_758, %cond3A_759 : i32
      scf.if %cond3A_760 {
        %add3A_780 = arith.constant 1 : i32
        %add3A_781 = arith.addi %mul3A_722, %add3A_780 : i32
        %add3A_782 = arith.constant 3 : i32
        %add3A_783 = arith.addi %add3A_781, %add3A_782 : i32
        %dma_start3A_784 = arith.constant 0 : i32
        %dma_start3A_785 = tpu.memref_slice %arg7[%add3A_783, %dma_start3A_784] : memref<25x80xi32, #tpu.memory_space<vmem>> -> memref<1x80xi32, #tpu.memory_space<vmem>>
        %dma_start3A_786 = tpu.memref_squeeze %dma_start3A_785 : memref<1x80xi32, #tpu.memory_space<vmem>> -> memref<80xi32, #tpu.memory_space<vmem>>
        %dma_start3A_787 = arith.constant 0 : i32
        %dma_start3A_788 = arith.constant 0 : i32
        %dma_start3A_789 = tpu.memref_slice %arg4[%dma_start3A_787, %dma_start3A_788] : memref<270000x128xf32, #tpu.memory_space<hbm>> -> memref<270000x128xf32, #tpu.memory_space<hbm>>
        tpu.enqueue_indirect_dma source(%dma_start3A_789 : memref<270000x128xf32, #tpu.memory_space<hbm>>) target(%arg11 : memref<80x128xf32, #tpu.memory_space<vmem>>) offsets(%dma_start3A_786 : memref<80xi32, #tpu.memory_space<vmem>>) semaphore(%arg15 : memref<!tpu.dma_semaphore, #tpu.memory_space<semaphore_mem>>)
      } else {
      }
      %add3A_761 = arith.constant 2 : i32
      %add3A_762 = arith.addi %mul3A_722, %add3A_761 : i32
      %dma_wait3A_763 = arith.constant 0 : i32
      %dma_wait3A_764 = tpu.memref_slice %arg7[%add3A_762, %dma_wait3A_763] : memref<25x80xi32, #tpu.memory_space<vmem>> -> memref<1x80xi32, #tpu.memory_space<vmem>>
      %dma_wait3A_765 = tpu.memref_squeeze %dma_wait3A_764 : memref<1x80xi32, #tpu.memory_space<vmem>> -> memref<80xi32, #tpu.memory_space<vmem>>
      %dma_wait3A_766 = arith.constant 0 : i32
      %dma_wait3A_767 = arith.constant 0 : i32
      %dma_wait3A_768 = tpu.memref_slice %arg4[%dma_wait3A_766, %dma_wait3A_767] : memref<270000x128xf32, #tpu.memory_space<hbm>> -> memref<270000x128xf32, #tpu.memory_space<hbm>>
      tpu.wait_indirect_dma semaphore(%arg16 : memref<!tpu.dma_semaphore, #tpu.memory_space<semaphore_mem>>) src(%dma_wait3A_768 : memref<270000x128xf32, #tpu.memory_space<hbm>>) dst(%arg12 : memref<80x128xf32, #tpu.memory_space<vmem>>)
      %add3A_769 = arith.constant 2 : i32
      %add3A_770 = arith.addi %mul3A_722, %add3A_769 : i32
      "tpu.region"() ({
        %run_scoped3A_780 = tpu.sem_alloc : memref<!tpu.dma_semaphore, #tpu.memory_space<semaphore_mem>>
        %dma_start3A_781 = arith.constant 0 : i32
        %dma_start3A_782 = tpu.memref_slice %arg9[%add3A_770, %dma_start3A_781] : memref<25x80xi32, #tpu.memory_space<vmem>> -> memref<1x80xi32, #tpu.memory_space<vmem>>
        %dma_start3A_783 = tpu.memref_squeeze %dma_start3A_782 : memref<1x80xi32, #tpu.memory_space<vmem>> -> memref<80xi32, #tpu.memory_space<vmem>>
        %dma_start3A_784 = arith.constant 0 : i32
        %dma_start3A_785 = arith.constant 0 : i32
        %dma_start3A_786 = tpu.memref_slice %arg13[%dma_start3A_784, %dma_start3A_785] : memref<10000x128xf32, #tpu.memory_space<vmem_shared>> -> memref<10000x128xf32, #tpu.memory_space<vmem_shared>>
        tpu.enqueue_indirect_dma source(%arg12 : memref<80x128xf32, #tpu.memory_space<vmem>>) target(%dma_start3A_786 : memref<10000x128xf32, #tpu.memory_space<vmem_shared>>) offsets(%dma_start3A_783 : memref<80xi32, #tpu.memory_space<vmem>>) semaphore(%run_scoped3A_780 : memref<!tpu.dma_semaphore, #tpu.memory_space<semaphore_mem>>) {add = true}
        %dma_wait3A_787 = arith.constant 0 : i32
        %dma_wait3A_788 = tpu.memref_slice %arg9[%add3A_770, %dma_wait3A_787] : memref<25x80xi32, #tpu.memory_space<vmem>> -> memref<1x80xi32, #tpu.memory_space<vmem>>
        %dma_wait3A_789 = tpu.memref_squeeze %dma_wait3A_788 : memref<1x80xi32, #tpu.memory_space<vmem>> -> memref<80xi32, #tpu.memory_space<vmem>>
        %dma_wait3A_790 = arith.constant 0 : i32
        %dma_wait3A_791 = arith.constant 0 : i32
        %dma_wait3A_792 = tpu.memref_slice %arg13[%dma_wait3A_790, %dma_wait3A_791] : memref<10000x128xf32, #tpu.memory_space<vmem_shared>> -> memref<10000x128xf32, #tpu.memory_space<vmem_shared>>
        tpu.wait_indirect_dma semaphore(%run_scoped3A_780 : memref<!tpu.dma_semaphore, #tpu.memory_space<semaphore_mem>>) src(%arg12 : memref<80x128xf32, #tpu.memory_space<vmem>>) dst(%dma_wait3A_792 : memref<10000x128xf32, #tpu.memory_space<vmem_shared>>)
        tpu.yield
      }) : () -> ()
      %add3A_771 = arith.constant 2 : i32
      %add3A_772 = arith.addi %mul3A_722, %add3A_771 : i32
      %add3A_773 = arith.constant 3 : i32
      %add3A_774 = arith.addi %add3A_772, %add3A_773 : i32
      %lt3A_775 = arith.constant 25 : i32
      %lt3A_776 = arith.cmpi slt, %add3A_774, %lt3A_775 : i32
      %convert_element_type3A_777 = arith.extui %lt3A_776 : i1 to i32
      %cond3A_778 = arith.constant 0 : i32
      %cond3A_779 = arith.cmpi ne, %convert_element_type3A_777, %cond3A_778 : i32
      scf.if %cond3A_779 {
        %add3A_780 = arith.constant 2 : i32
        %add3A_781 = arith.addi %mul3A_722, %add3A_780 : i32
        %add3A_782 = arith.constant 3 : i32
        %add3A_783 = arith.addi %add3A_781, %add3A_782 : i32
        %dma_start3A_784 = arith.constant 0 : i32
        %dma_start3A_785 = tpu.memref_slice %arg7[%add3A_783, %dma_start3A_784] : memref<25x80xi32, #tpu.memory_space<vmem>> -> memref<1x80xi32, #tpu.memory_space<vmem>>
        %dma_start3A_786 = tpu.memref_squeeze %dma_start3A_785 : memref<1x80xi32, #tpu.memory_space<vmem>> -> memref<80xi32, #tpu.memory_space<vmem>>
        %dma_start3A_787 = arith.constant 0 : i32
        %dma_start3A_788 = arith.constant 0 : i32
        %dma_start3A_789 = tpu.memref_slice %arg4[%dma_start3A_787, %dma_start3A_788] : memref<270000x128xf32, #tpu.memory_space<hbm>> -> memref<270000x128xf32, #tpu.memory_space<hbm>>
        tpu.enqueue_indirect_dma source(%dma_start3A_789 : memref<270000x128xf32, #tpu.memory_space<hbm>>) target(%arg12 : memref<80x128xf32, #tpu.memory_space<vmem>>) offsets(%dma_start3A_786 : memref<80xi32, #tpu.memory_space<vmem>>) semaphore(%arg16 : memref<!tpu.dma_semaphore, #tpu.memory_space<semaphore_mem>>)
      } else {
      }
    }
    %scan3A_355 = arith.constant 8 : i32
    %dma_wait3A_356 = arith.constant 24 : i32
    %dma_wait3A_357 = arith.constant 0 : i32
    %dma_wait3A_358 = tpu.memref_slice %arg7[%dma_wait3A_356, %dma_wait3A_357] : memref<25x80xi32, #tpu.memory_space<vmem>> -> memref<1x80xi32, #tpu.memory_space<vmem>>
    %dma_wait3A_359 = tpu.memref_squeeze %dma_wait3A_358 : memref<1x80xi32, #tpu.memory_space<vmem>> -> memref<80xi32, #tpu.memory_space<vmem>>
    %dma_wait3A_360 = arith.constant 0 : i32
    %dma_wait3A_361 = arith.constant 0 : i32
    %dma_wait3A_362 = tpu.memref_slice %arg4[%dma_wait3A_360, %dma_wait3A_361] : memref<270000x128xf32, #tpu.memory_space<hbm>> -> memref<270000x128xf32, #tpu.memory_space<hbm>>
    tpu.wait_indirect_dma semaphore(%arg14 : memref<!tpu.dma_semaphore, #tpu.memory_space<semaphore_mem>>) src(%dma_wait3A_362 : memref<270000x128xf32, #tpu.memory_space<hbm>>) dst(%arg10 : memref<80x128xf32, #tpu.memory_space<vmem>>)
    %run_scoped3A_363 = arith.constant 24 : i32
    "tpu.region"() ({
      %run_scoped3A_720 = tpu.sem_alloc : memref<!tpu.dma_semaphore, #tpu.memory_space<semaphore_mem>>
      %dma_start3A_721 = arith.constant 0 : i32
      %dma_start3A_722 = tpu.memref_slice %arg9[%run_scoped3A_363, %dma_start3A_721] : memref<25x80xi32, #tpu.memory_space<vmem>> -> memref<1x80xi32, #tpu.memory_space<vmem>>
      %dma_start3A_723 = tpu.memref_squeeze %dma_start3A_722 : memref<1x80xi32, #tpu.memory_space<vmem>> -> memref<80xi32, #tpu.memory_space<vmem>>
      %dma_start3A_724 = arith.constant 0 : i32
      %dma_start3A_725 = arith.constant 0 : i32
      %dma_start3A_726 = tpu.memref_slice %arg13[%dma_start3A_724, %dma_start3A_725] : memref<10000x128xf32, #tpu.memory_space<vmem_shared>> -> memref<10000x128xf32, #tpu.memory_space<vmem_shared>>
      tpu.enqueue_indirect_dma source(%arg10 : memref<80x128xf32, #tpu.memory_space<vmem>>) target(%dma_start3A_726 : memref<10000x128xf32, #tpu.memory_space<vmem_shared>>) offsets(%dma_start3A_723 : memref<80xi32, #tpu.memory_space<vmem>>) semaphore(%run_scoped3A_720 : memref<!tpu.dma_semaphore, #tpu.memory_space<semaphore_mem>>) {add = true}
      %dma_wait3A_727 = arith.constant 0 : i32
      %dma_wait3A_728 = tpu.memref_slice %arg9[%run_scoped3A_363, %dma_wait3A_727] : memref<25x80xi32, #tpu.memory_space<vmem>> -> memref<1x80xi32, #tpu.memory_space<vmem>>
      %dma_wait3A_729 = tpu.memref_squeeze %dma_wait3A_728 : memref<1x80xi32, #tpu.memory_space<vmem>> -> memref<80xi32, #tpu.memory_space<vmem>>
      %dma_wait3A_730 = arith.constant 0 : i32
      %dma_wait3A_731 = arith.constant 0 : i32
      %dma_wait3A_732 = tpu.memref_slice %arg13[%dma_wait3A_730, %dma_wait3A_731] : memref<10000x128xf32, #tpu.memory_space<vmem_shared>> -> memref<10000x128xf32, #tpu.memory_space<vmem_shared>>
      tpu.wait_indirect_dma semaphore(%run_scoped3A_720 : memref<!tpu.dma_semaphore, #tpu.memory_space<semaphore_mem>>) src(%arg10 : memref<80x128xf32, #tpu.memory_space<vmem>>) dst(%dma_wait3A_732 : memref<10000x128xf32, #tpu.memory_space<vmem_shared>>)
      tpu.yield
    }) : () -> ()
    %dma_start3A_364 = arith.constant 0 : i32
    %dma_start3A_365 = arith.constant 3 : i32
    %dma_start3A_366 = arith.constant 0 : i32
    %dma_start3A_367 = arith.constant 0 : i32
    %dma_start3A_368 = tpu.memref_slice %arg2[%dma_start3A_364, %add3A, %dma_start3A_365, %dma_start3A_366, %dma_start3A_367] : memref<2x32x5x25x80xi32, #tpu.memory_space<hbm>> -> memref<1x1x1x25x80xi32, #tpu.memory_space<hbm>>
    %dma_start3A_369 = tpu.memref_squeeze %dma_start3A_368 : memref<1x1x1x25x80xi32, #tpu.memory_space<hbm>> -> memref<25x80xi32, #tpu.memory_space<hbm>>
    %dma_start3A_370 = arith.constant 0 : i32
    %dma_start3A_371 = arith.constant 0 : i32
    %dma_start3A_372 = tpu.memref_slice %arg2[%dma_start3A_364, %add3A, %dma_start3A_365, %dma_start3A_370, %dma_start3A_371] : memref<2x32x5x25x80xi32, #tpu.memory_space<hbm>> -> memref<1x1x1x25x80xi32, #tpu.memory_space<hbm>>
    %dma_start3A_373 = tpu.memref_squeeze %dma_start3A_372 : memref<1x1x1x25x80xi32, #tpu.memory_space<hbm>> -> memref<25x80xi32, #tpu.memory_space<hbm>>
    tpu.enqueue_dma source(%dma_start3A_373 : memref<25x80xi32, #tpu.memory_space<hbm>>) target(%arg7 : memref<25x80xi32, #tpu.memory_space<vmem>>) target_semaphore(%arg18 : memref<!tpu.dma_semaphore, #tpu.memory_space<semaphore_mem>>)
    %dma_start3A_374 = arith.constant 3 : i32
    %dma_start3A_375 = arith.constant 0 : i32
    %dma_start3A_376 = arith.constant 0 : i32
    %dma_start3A_377 = tpu.memref_slice %arg3[%add3A, %dma_start3A_374, %dma_start3A_375, %dma_start3A_376] : memref<32x5x25x80xi32, #tpu.memory_space<hbm>> -> memref<1x1x25x80xi32, #tpu.memory_space<hbm>>
    %dma_start3A_378 = tpu.memref_squeeze %dma_start3A_377 : memref<1x1x25x80xi32, #tpu.memory_space<hbm>> -> memref<25x80xi32, #tpu.memory_space<hbm>>
    %dma_start3A_379 = arith.constant 0 : i32
    %dma_start3A_380 = arith.constant 0 : i32
    %dma_start3A_381 = tpu.memref_slice %arg3[%add3A, %dma_start3A_374, %dma_start3A_379, %dma_start3A_380] : memref<32x5x25x80xi32, #tpu.memory_space<hbm>> -> memref<1x1x25x80xi32, #tpu.memory_space<hbm>>
    %dma_start3A_382 = tpu.memref_squeeze %dma_start3A_381 : memref<1x1x25x80xi32, #tpu.memory_space<hbm>> -> memref<25x80xi32, #tpu.memory_space<hbm>>
    tpu.enqueue_dma source(%dma_start3A_382 : memref<25x80xi32, #tpu.memory_space<hbm>>) target(%arg9 : memref<25x80xi32, #tpu.memory_space<vmem>>) target_semaphore(%arg18 : memref<!tpu.dma_semaphore, #tpu.memory_space<semaphore_mem>>)
    %dma_start3A_383 = arith.constant 0 : i32
    %dma_start3A_384 = arith.constant 0 : i32
    %dma_start3A_385 = tpu.memref_slice %arg6[%dma_start3A_383, %dma_start3A_384] : memref<25x80xi32, #tpu.memory_space<vmem>> -> memref<1x80xi32, #tpu.memory_space<vmem>>
    %dma_start3A_386 = tpu.memref_squeeze %dma_start3A_385 : memref<1x80xi32, #tpu.memory_space<vmem>> -> memref<80xi32, #tpu.memory_space<vmem>>
    %dma_start3A_387 = arith.constant 0 : i32
    %dma_start3A_388 = arith.constant 0 : i32
    %dma_start3A_389 = tpu.memref_slice %arg4[%dma_start3A_387, %dma_start3A_388] : memref<270000x128xf32, #tpu.memory_space<hbm>> -> memref<270000x128xf32, #tpu.memory_space<hbm>>
    tpu.enqueue_indirect_dma source(%dma_start3A_389 : memref<270000x128xf32, #tpu.memory_space<hbm>>) target(%arg10 : memref<80x128xf32, #tpu.memory_space<vmem>>) offsets(%dma_start3A_386 : memref<80xi32, #tpu.memory_space<vmem>>) semaphore(%arg14 : memref<!tpu.dma_semaphore, #tpu.memory_space<semaphore_mem>>)
    %dma_start3A_390 = arith.constant 1 : i32
    %dma_start3A_391 = arith.constant 0 : i32
    %dma_start3A_392 = tpu.memref_slice %arg6[%dma_start3A_390, %dma_start3A_391] : memref<25x80xi32, #tpu.memory_space<vmem>> -> memref<1x80xi32, #tpu.memory_space<vmem>>
    %dma_start3A_393 = tpu.memref_squeeze %dma_start3A_392 : memref<1x80xi32, #tpu.memory_space<vmem>> -> memref<80xi32, #tpu.memory_space<vmem>>
    %dma_start3A_394 = arith.constant 0 : i32
    %dma_start3A_395 = arith.constant 0 : i32
    %dma_start3A_396 = tpu.memref_slice %arg4[%dma_start3A_394, %dma_start3A_395] : memref<270000x128xf32, #tpu.memory_space<hbm>> -> memref<270000x128xf32, #tpu.memory_space<hbm>>
    tpu.enqueue_indirect_dma source(%dma_start3A_396 : memref<270000x128xf32, #tpu.memory_space<hbm>>) target(%arg11 : memref<80x128xf32, #tpu.memory_space<vmem>>) offsets(%dma_start3A_393 : memref<80xi32, #tpu.memory_space<vmem>>) semaphore(%arg15 : memref<!tpu.dma_semaphore, #tpu.memory_space<semaphore_mem>>)
    %dma_start3A_397 = arith.constant 2 : i32
    %dma_start3A_398 = arith.constant 0 : i32
    %dma_start3A_399 = tpu.memref_slice %arg6[%dma_start3A_397, %dma_start3A_398] : memref<25x80xi32, #tpu.memory_space<vmem>> -> memref<1x80xi32, #tpu.memory_space<vmem>>
    %dma_start3A_400 = tpu.memref_squeeze %dma_start3A_399 : memref<1x80xi32, #tpu.memory_space<vmem>> -> memref<80xi32, #tpu.memory_space<vmem>>
    %dma_start3A_401 = arith.constant 0 : i32
    %dma_start3A_402 = arith.constant 0 : i32
    %dma_start3A_403 = tpu.memref_slice %arg4[%dma_start3A_401, %dma_start3A_402] : memref<270000x128xf32, #tpu.memory_space<hbm>> -> memref<270000x128xf32, #tpu.memory_space<hbm>>
    tpu.enqueue_indirect_dma source(%dma_start3A_403 : memref<270000x128xf32, #tpu.memory_space<hbm>>) target(%arg12 : memref<80x128xf32, #tpu.memory_space<vmem>>) offsets(%dma_start3A_400 : memref<80xi32, #tpu.memory_space<vmem>>) semaphore(%arg16 : memref<!tpu.dma_semaphore, #tpu.memory_space<semaphore_mem>>)
    %dma_wait3A_404 = arith.constant 0 : i32
    %dma_wait3A_405 = arith.constant 3 : i32
    %dma_wait3A_406 = arith.constant 0 : i32
    %dma_wait3A_407 = arith.constant 0 : i32
    %dma_wait3A_408 = tpu.memref_slice %arg2[%dma_wait3A_404, %add3A, %dma_wait3A_405, %dma_wait3A_406, %dma_wait3A_407] : memref<2x32x5x25x80xi32, #tpu.memory_space<hbm>> -> memref<1x1x1x25x80xi32, #tpu.memory_space<hbm>>
    %dma_wait3A_409 = tpu.memref_squeeze %dma_wait3A_408 : memref<1x1x1x25x80xi32, #tpu.memory_space<hbm>> -> memref<25x80xi32, #tpu.memory_space<hbm>>
    %dma_wait3A_410 = arith.constant 0 : i32
    %dma_wait3A_411 = arith.constant 0 : i32
    %dma_wait3A_412 = tpu.memref_slice %arg2[%dma_wait3A_404, %add3A, %dma_wait3A_405, %dma_wait3A_410, %dma_wait3A_411] : memref<2x32x5x25x80xi32, #tpu.memory_space<hbm>> -> memref<1x1x1x25x80xi32, #tpu.memory_space<hbm>>
    %dma_wait3A_413 = tpu.memref_squeeze %dma_wait3A_412 : memref<1x1x1x25x80xi32, #tpu.memory_space<hbm>> -> memref<25x80xi32, #tpu.memory_space<hbm>>
    tpu.wait_dma2 semaphore(%arg18 : memref<!tpu.dma_semaphore, #tpu.memory_space<semaphore_mem>>) src(%dma_wait3A_413 : memref<25x80xi32, #tpu.memory_space<hbm>>) dst(%arg7 : memref<25x80xi32, #tpu.memory_space<vmem>>)
    %dma_wait3A_414 = arith.constant 3 : i32
    %dma_wait3A_415 = arith.constant 0 : i32
    %dma_wait3A_416 = arith.constant 0 : i32
    %dma_wait3A_417 = tpu.memref_slice %arg3[%add3A, %dma_wait3A_414, %dma_wait3A_415, %dma_wait3A_416] : memref<32x5x25x80xi32, #tpu.memory_space<hbm>> -> memref<1x1x25x80xi32, #tpu.memory_space<hbm>>
    %dma_wait3A_418 = tpu.memref_squeeze %dma_wait3A_417 : memref<1x1x25x80xi32, #tpu.memory_space<hbm>> -> memref<25x80xi32, #tpu.memory_space<hbm>>
    %dma_wait3A_419 = arith.constant 0 : i32
    %dma_wait3A_420 = arith.constant 0 : i32
    %dma_wait3A_421 = tpu.memref_slice %arg3[%add3A, %dma_wait3A_414, %dma_wait3A_419, %dma_wait3A_420] : memref<32x5x25x80xi32, #tpu.memory_space<hbm>> -> memref<1x1x25x80xi32, #tpu.memory_space<hbm>>
    %dma_wait3A_422 = tpu.memref_squeeze %dma_wait3A_421 : memref<1x1x25x80xi32, #tpu.memory_space<hbm>> -> memref<25x80xi32, #tpu.memory_space<hbm>>
    tpu.wait_dma2 semaphore(%arg18 : memref<!tpu.dma_semaphore, #tpu.memory_space<semaphore_mem>>) src(%dma_wait3A_422 : memref<25x80xi32, #tpu.memory_space<hbm>>) dst(%arg9 : memref<25x80xi32, #tpu.memory_space<vmem>>)
    %scan3A_423 = arith.constant 0 : i32
    %scan3A_424 = arith.constant 0 : i32
    %scan3A_425 = arith.constant 25 : i32
    %scan3A_426 = arith.addi %scan3A_424, %scan3A_425 : i32
    %scan3A_427 = arith.constant 1 : i32
    scf.for %scan3A_720 = %scan3A_424 to %scan3A_426 step %scan3A_427  : i32 {
      %get3A = arith.index_cast %scan3A_720 : i32 to index
      %get3A_721 = arith.constant 0 : index
      %get3A_722 = tpu.vector_load %arg9[%get3A, %get3A_721] {strides = array<i32>} : memref<25x80xi32, #tpu.memory_space<vmem>>, vector<1x16xi32>,
      %get3A_723 = vector.shape_cast %get3A_722 : vector<1x16xi32> to vector<16xi32>
      %mul3A_724 = arith.constant 10000 : i32
      %mul3A_725 = vector.broadcast %mul3A_724 : i32 to vector<16xi32>
      %mul3A_726 = arith.muli %get3A_723, %mul3A_725 : vector<16xi32>
      %get3A_727 = arith.index_cast %scan3A_720 : i32 to index
      %get3A_728 = arith.constant 0 : index
      %get3A_729 = tpu.vector_load %arg7[%get3A_727, %get3A_728] {strides = array<i32>} : memref<25x80xi32, #tpu.memory_space<vmem>>, vector<1x16xi32>,
      %get3A_730 = vector.shape_cast %get3A_729 : vector<1x16xi32> to vector<16xi32>
      %add3A_731 = arith.addi %mul3A_726, %get3A_730 : vector<16xi32>
      %swap3A = arith.index_cast %scan3A_720 : i32 to index
      %swap3A_732 = arith.constant 0 : index
      %swap3A_733 = tpu.vector_load %arg7[%swap3A, %swap3A_732] {strides = array<i32>} : memref<25x80xi32, #tpu.memory_space<vmem>>, vector<1x16xi32>,
      %swap3A_734 = vector.shape_cast %swap3A_733 : vector<1x16xi32> to vector<16xi32>
      %swap3A_735 = vector.shape_cast %add3A_731 : vector<16xi32> to vector<1x16xi32>
      tpu.vector_store %arg7[%swap3A, %swap3A_732], %swap3A_735 {strides = array<i32>} : memref<25x80xi32, #tpu.memory_space<vmem>>, vector<1x16xi32>,
      %get3A_736 = arith.index_cast %scan3A_720 : i32 to index
      %get3A_737 = arith.constant 16 : index
      %get3A_738 = tpu.vector_load %arg9[%get3A_736, %get3A_737] {strides = array<i32>} : memref<25x80xi32, #tpu.memory_space<vmem>>, vector<1x16xi32>,
      %get3A_739 = vector.shape_cast %get3A_738 : vector<1x16xi32> to vector<16xi32>
      %mul3A_740 = arith.constant 10000 : i32
      %mul3A_741 = vector.broadcast %mul3A_740 : i32 to vector<16xi32>
      %mul3A_742 = arith.muli %get3A_739, %mul3A_741 : vector<16xi32>
      %get3A_743 = arith.index_cast %scan3A_720 : i32 to index
      %get3A_744 = arith.constant 16 : index
      %get3A_745 = tpu.vector_load %arg7[%get3A_743, %get3A_744] {strides = array<i32>} : memref<25x80xi32, #tpu.memory_space<vmem>>, vector<1x16xi32>,
      %get3A_746 = vector.shape_cast %get3A_745 : vector<1x16xi32> to vector<16xi32>
      %add3A_747 = arith.addi %mul3A_742, %get3A_746 : vector<16xi32>
      %swap3A_748 = arith.index_cast %scan3A_720 : i32 to index
      %swap3A_749 = arith.constant 16 : index
      %swap3A_750 = tpu.vector_load %arg7[%swap3A_748, %swap3A_749] {strides = array<i32>} : memref<25x80xi32, #tpu.memory_space<vmem>>, vector<1x16xi32>,
      %swap3A_751 = vector.shape_cast %swap3A_750 : vector<1x16xi32> to vector<16xi32>
      %swap3A_752 = vector.shape_cast %add3A_747 : vector<16xi32> to vector<1x16xi32>
      tpu.vector_store %arg7[%swap3A_748, %swap3A_749], %swap3A_752 {strides = array<i32>} : memref<25x80xi32, #tpu.memory_space<vmem>>, vector<1x16xi32>,
      %get3A_753 = arith.index_cast %scan3A_720 : i32 to index
      %get3A_754 = arith.constant 32 : index
      %get3A_755 = tpu.vector_load %arg9[%get3A_753, %get3A_754] {strides = array<i32>} : memref<25x80xi32, #tpu.memory_space<vmem>>, vector<1x16xi32>,
      %get3A_756 = vector.shape_cast %get3A_755 : vector<1x16xi32> to vector<16xi32>
      %mul3A_757 = arith.constant 10000 : i32
      %mul3A_758 = vector.broadcast %mul3A_757 : i32 to vector<16xi32>
      %mul3A_759 = arith.muli %get3A_756, %mul3A_758 : vector<16xi32>
      %get3A_760 = arith.index_cast %scan3A_720 : i32 to index
      %get3A_761 = arith.constant 32 : index
      %get3A_762 = tpu.vector_load %arg7[%get3A_760, %get3A_761] {strides = array<i32>} : memref<25x80xi32, #tpu.memory_space<vmem>>, vector<1x16xi32>,
      %get3A_763 = vector.shape_cast %get3A_762 : vector<1x16xi32> to vector<16xi32>
      %add3A_764 = arith.addi %mul3A_759, %get3A_763 : vector<16xi32>
      %swap3A_765 = arith.index_cast %scan3A_720 : i32 to index
      %swap3A_766 = arith.constant 32 : index
      %swap3A_767 = tpu.vector_load %arg7[%swap3A_765, %swap3A_766] {strides = array<i32>} : memref<25x80xi32, #tpu.memory_space<vmem>>, vector<1x16xi32>,
      %swap3A_768 = vector.shape_cast %swap3A_767 : vector<1x16xi32> to vector<16xi32>
      %swap3A_769 = vector.shape_cast %add3A_764 : vector<16xi32> to vector<1x16xi32>
      tpu.vector_store %arg7[%swap3A_765, %swap3A_766], %swap3A_769 {strides = array<i32>} : memref<25x80xi32, #tpu.memory_space<vmem>>, vector<1x16xi32>,
      %get3A_770 = arith.index_cast %scan3A_720 : i32 to index
      %get3A_771 = arith.constant 48 : index
      %get3A_772 = tpu.vector_load %arg9[%get3A_770, %get3A_771] {strides = array<i32>} : memref<25x80xi32, #tpu.memory_space<vmem>>, vector<1x16xi32>,
      %get3A_773 = vector.shape_cast %get3A_772 : vector<1x16xi32> to vector<16xi32>
      %mul3A_774 = arith.constant 10000 : i32
      %mul3A_775 = vector.broadcast %mul3A_774 : i32 to vector<16xi32>
      %mul3A_776 = arith.muli %get3A_773, %mul3A_775 : vector<16xi32>
      %get3A_777 = arith.index_cast %scan3A_720 : i32 to index
      %get3A_778 = arith.constant 48 : index
      %get3A_779 = tpu.vector_load %arg7[%get3A_777, %get3A_778] {strides = array<i32>} : memref<25x80xi32, #tpu.memory_space<vmem>>, vector<1x16xi32>,
      %get3A_780 = vector.shape_cast %get3A_779 : vector<1x16xi32> to vector<16xi32>
      %add3A_781 = arith.addi %mul3A_776, %get3A_780 : vector<16xi32>
      %swap3A_782 = arith.index_cast %scan3A_720 : i32 to index
      %swap3A_783 = arith.constant 48 : index
      %swap3A_784 = tpu.vector_load %arg7[%swap3A_782, %swap3A_783] {strides = array<i32>} : memref<25x80xi32, #tpu.memory_space<vmem>>, vector<1x16xi32>,
      %swap3A_785 = vector.shape_cast %swap3A_784 : vector<1x16xi32> to vector<16xi32>
      %swap3A_786 = vector.shape_cast %add3A_781 : vector<16xi32> to vector<1x16xi32>
      tpu.vector_store %arg7[%swap3A_782, %swap3A_783], %swap3A_786 {strides = array<i32>} : memref<25x80xi32, #tpu.memory_space<vmem>>, vector<1x16xi32>,
      %get3A_787 = arith.index_cast %scan3A_720 : i32 to index
      %get3A_788 = arith.constant 64 : index
      %get3A_789 = tpu.vector_load %arg9[%get3A_787, %get3A_788] {strides = array<i32>} : memref<25x80xi32, #tpu.memory_space<vmem>>, vector<1x16xi32>,
      %get3A_790 = vector.shape_cast %get3A_789 : vector<1x16xi32> to vector<16xi32>
      %mul3A_791 = arith.constant 10000 : i32
      %mul3A_792 = vector.broadcast %mul3A_791 : i32 to vector<16xi32>
      %mul3A_793 = arith.muli %get3A_790, %mul3A_792 : vector<16xi32>
      %get3A_794 = arith.index_cast %scan3A_720 : i32 to index
      %get3A_795 = arith.constant 64 : index
      %get3A_796 = tpu.vector_load %arg7[%get3A_794, %get3A_795] {strides = array<i32>} : memref<25x80xi32, #tpu.memory_space<vmem>>, vector<1x16xi32>,
      %get3A_797 = vector.shape_cast %get3A_796 : vector<1x16xi32> to vector<16xi32>
      %add3A_798 = arith.addi %mul3A_793, %get3A_797 : vector<16xi32>
      %swap3A_799 = arith.index_cast %scan3A_720 : i32 to index
      %swap3A_800 = arith.constant 64 : index
      %swap3A_801 = tpu.vector_load %arg7[%swap3A_799, %swap3A_800] {strides = array<i32>} : memref<25x80xi32, #tpu.memory_space<vmem>>, vector<1x16xi32>,
      %swap3A_802 = vector.shape_cast %swap3A_801 : vector<1x16xi32> to vector<16xi32>
      %swap3A_803 = vector.shape_cast %add3A_798 : vector<16xi32> to vector<1x16xi32>
      tpu.vector_store %arg7[%swap3A_799, %swap3A_800], %swap3A_803 {strides = array<i32>} : memref<25x80xi32, #tpu.memory_space<vmem>>, vector<1x16xi32>,
    }
    %scan3A_428 = arith.constant 25 : i32
    %dma_start3A_429 = arith.constant 1 : i32
    %dma_start3A_430 = arith.constant 3 : i32
    %dma_start3A_431 = arith.constant 0 : i32
    %dma_start3A_432 = arith.constant 0 : i32
    %dma_start3A_433 = tpu.memref_slice %arg2[%dma_start3A_429, %add3A, %dma_start3A_430, %dma_start3A_431, %dma_start3A_432] : memref<2x32x5x25x80xi32, #tpu.memory_space<hbm>> -> memref<1x1x1x25x80xi32, #tpu.memory_space<hbm>>
    %dma_start3A_434 = tpu.memref_squeeze %dma_start3A_433 : memref<1x1x1x25x80xi32, #tpu.memory_space<hbm>> -> memref<25x80xi32, #tpu.memory_space<hbm>>
    %dma_start3A_435 = arith.constant 0 : i32
    %dma_start3A_436 = arith.constant 0 : i32
    %dma_start3A_437 = tpu.memref_slice %arg2[%dma_start3A_429, %add3A, %dma_start3A_430, %dma_start3A_435, %dma_start3A_436] : memref<2x32x5x25x80xi32, #tpu.memory_space<hbm>> -> memref<1x1x1x25x80xi32, #tpu.memory_space<hbm>>
    %dma_start3A_438 = tpu.memref_squeeze %dma_start3A_437 : memref<1x1x1x25x80xi32, #tpu.memory_space<hbm>> -> memref<25x80xi32, #tpu.memory_space<hbm>>
    tpu.enqueue_dma source(%dma_start3A_438 : memref<25x80xi32, #tpu.memory_space<hbm>>) target(%arg9 : memref<25x80xi32, #tpu.memory_space<vmem>>) target_semaphore(%arg18 : memref<!tpu.dma_semaphore, #tpu.memory_space<semaphore_mem>>)
    %dma_wait3A_439 = arith.constant 1 : i32
    %dma_wait3A_440 = arith.constant 2 : i32
    %dma_wait3A_441 = arith.constant 0 : i32
    %dma_wait3A_442 = arith.constant 0 : i32
    %dma_wait3A_443 = tpu.memref_slice %arg2[%dma_wait3A_439, %add3A, %dma_wait3A_440, %dma_wait3A_441, %dma_wait3A_442] : memref<2x32x5x25x80xi32, #tpu.memory_space<hbm>> -> memref<1x1x1x25x80xi32, #tpu.memory_space<hbm>>
    %dma_wait3A_444 = tpu.memref_squeeze %dma_wait3A_443 : memref<1x1x1x25x80xi32, #tpu.memory_space<hbm>> -> memref<25x80xi32, #tpu.memory_space<hbm>>
    %dma_wait3A_445 = arith.constant 0 : i32
    %dma_wait3A_446 = arith.constant 0 : i32
    %dma_wait3A_447 = tpu.memref_slice %arg2[%dma_wait3A_439, %add3A, %dma_wait3A_440, %dma_wait3A_445, %dma_wait3A_446] : memref<2x32x5x25x80xi32, #tpu.memory_space<hbm>> -> memref<1x1x1x25x80xi32, #tpu.memory_space<hbm>>
    %dma_wait3A_448 = tpu.memref_squeeze %dma_wait3A_447 : memref<1x1x1x25x80xi32, #tpu.memory_space<hbm>> -> memref<25x80xi32, #tpu.memory_space<hbm>>
    tpu.wait_dma2 semaphore(%arg17 : memref<!tpu.dma_semaphore, #tpu.memory_space<semaphore_mem>>) src(%dma_wait3A_448 : memref<25x80xi32, #tpu.memory_space<hbm>>) dst(%arg8 : memref<25x80xi32, #tpu.memory_space<vmem>>)
    %scan3A_449 = arith.constant 0 : i32
    %scan3A_450 = arith.constant 0 : i32
    %scan3A_451 = arith.constant 8 : i32
    %scan3A_452 = arith.addi %scan3A_450, %scan3A_451 : i32
    %scan3A_453 = arith.constant 1 : i32
    scf.for %scan3A_720 = %scan3A_450 to %scan3A_452 step %scan3A_453  : i32 {
      %mul3A_721 = arith.constant 3 : i32
      %mul3A_722 = arith.muli %mul3A_721, %scan3A_720 : i32
      %add3A_723 = arith.constant 0 : i32
      %add3A_724 = arith.addi %mul3A_722, %add3A_723 : i32
      %dma_wait3A_725 = arith.constant 0 : i32
      %dma_wait3A_726 = tpu.memref_slice %arg6[%add3A_724, %dma_wait3A_725] : memref<25x80xi32, #tpu.memory_space<vmem>> -> memref<1x80xi32, #tpu.memory_space<vmem>>
      %dma_wait3A_727 = tpu.memref_squeeze %dma_wait3A_726 : memref<1x80xi32, #tpu.memory_space<vmem>> -> memref<80xi32, #tpu.memory_space<vmem>>
      %dma_wait3A_728 = arith.constant 0 : i32
      %dma_wait3A_729 = arith.constant 0 : i32
      %dma_wait3A_730 = tpu.memref_slice %arg4[%dma_wait3A_728, %dma_wait3A_729] : memref<270000x128xf32, #tpu.memory_space<hbm>> -> memref<270000x128xf32, #tpu.memory_space<hbm>>
      tpu.wait_indirect_dma semaphore(%arg14 : memref<!tpu.dma_semaphore, #tpu.memory_space<semaphore_mem>>) src(%dma_wait3A_730 : memref<270000x128xf32, #tpu.memory_space<hbm>>) dst(%arg10 : memref<80x128xf32, #tpu.memory_space<vmem>>)
      %add3A_731 = arith.constant 0 : i32
      %add3A_732 = arith.addi %mul3A_722, %add3A_731 : i32
      "tpu.region"() ({
        %run_scoped3A_780 = tpu.sem_alloc : memref<!tpu.dma_semaphore, #tpu.memory_space<semaphore_mem>>
        %dma_start3A_781 = arith.constant 0 : i32
        %dma_start3A_782 = tpu.memref_slice %arg8[%add3A_732, %dma_start3A_781] : memref<25x80xi32, #tpu.memory_space<vmem>> -> memref<1x80xi32, #tpu.memory_space<vmem>>
        %dma_start3A_783 = tpu.memref_squeeze %dma_start3A_782 : memref<1x80xi32, #tpu.memory_space<vmem>> -> memref<80xi32, #tpu.memory_space<vmem>>
        %dma_start3A_784 = arith.constant 0 : i32
        %dma_start3A_785 = arith.constant 0 : i32
        %dma_start3A_786 = tpu.memref_slice %arg13[%dma_start3A_784, %dma_start3A_785] : memref<10000x128xf32, #tpu.memory_space<vmem_shared>> -> memref<10000x128xf32, #tpu.memory_space<vmem_shared>>
        tpu.enqueue_indirect_dma source(%arg10 : memref<80x128xf32, #tpu.memory_space<vmem>>) target(%dma_start3A_786 : memref<10000x128xf32, #tpu.memory_space<vmem_shared>>) offsets(%dma_start3A_783 : memref<80xi32, #tpu.memory_space<vmem>>) semaphore(%run_scoped3A_780 : memref<!tpu.dma_semaphore, #tpu.memory_space<semaphore_mem>>) {add = true}
        %dma_wait3A_787 = arith.constant 0 : i32
        %dma_wait3A_788 = tpu.memref_slice %arg8[%add3A_732, %dma_wait3A_787] : memref<25x80xi32, #tpu.memory_space<vmem>> -> memref<1x80xi32, #tpu.memory_space<vmem>>
        %dma_wait3A_789 = tpu.memref_squeeze %dma_wait3A_788 : memref<1x80xi32, #tpu.memory_space<vmem>> -> memref<80xi32, #tpu.memory_space<vmem>>
        %dma_wait3A_790 = arith.constant 0 : i32
        %dma_wait3A_791 = arith.constant 0 : i32
        %dma_wait3A_792 = tpu.memref_slice %arg13[%dma_wait3A_790, %dma_wait3A_791] : memref<10000x128xf32, #tpu.memory_space<vmem_shared>> -> memref<10000x128xf32, #tpu.memory_space<vmem_shared>>
        tpu.wait_indirect_dma semaphore(%run_scoped3A_780 : memref<!tpu.dma_semaphore, #tpu.memory_space<semaphore_mem>>) src(%arg10 : memref<80x128xf32, #tpu.memory_space<vmem>>) dst(%dma_wait3A_792 : memref<10000x128xf32, #tpu.memory_space<vmem_shared>>)
        tpu.yield
      }) : () -> ()
      %add3A_733 = arith.constant 0 : i32
      %add3A_734 = arith.addi %mul3A_722, %add3A_733 : i32
      %add3A_735 = arith.constant 3 : i32
      %add3A_736 = arith.addi %add3A_734, %add3A_735 : i32
      %lt3A_737 = arith.constant 25 : i32
      %lt3A_738 = arith.cmpi slt, %add3A_736, %lt3A_737 : i32
      %convert_element_type3A_739 = arith.extui %lt3A_738 : i1 to i32
      %cond3A_740 = arith.constant 0 : i32
      %cond3A_741 = arith.cmpi ne, %convert_element_type3A_739, %cond3A_740 : i32
      scf.if %cond3A_741 {
        %add3A_780 = arith.constant 0 : i32
        %add3A_781 = arith.addi %mul3A_722, %add3A_780 : i32
        %add3A_782 = arith.constant 3 : i32
        %add3A_783 = arith.addi %add3A_781, %add3A_782 : i32
        %dma_start3A_784 = arith.constant 0 : i32
        %dma_start3A_785 = tpu.memref_slice %arg6[%add3A_783, %dma_start3A_784] : memref<25x80xi32, #tpu.memory_space<vmem>> -> memref<1x80xi32, #tpu.memory_space<vmem>>
        %dma_start3A_786 = tpu.memref_squeeze %dma_start3A_785 : memref<1x80xi32, #tpu.memory_space<vmem>> -> memref<80xi32, #tpu.memory_space<vmem>>
        %dma_start3A_787 = arith.constant 0 : i32
        %dma_start3A_788 = arith.constant 0 : i32
        %dma_start3A_789 = tpu.memref_slice %arg4[%dma_start3A_787, %dma_start3A_788] : memref<270000x128xf32, #tpu.memory_space<hbm>> -> memref<270000x128xf32, #tpu.memory_space<hbm>>
        tpu.enqueue_indirect_dma source(%dma_start3A_789 : memref<270000x128xf32, #tpu.memory_space<hbm>>) target(%arg10 : memref<80x128xf32, #tpu.memory_space<vmem>>) offsets(%dma_start3A_786 : memref<80xi32, #tpu.memory_space<vmem>>) semaphore(%arg14 : memref<!tpu.dma_semaphore, #tpu.memory_space<semaphore_mem>>)
      } else {
      }
      %add3A_742 = arith.constant 1 : i32
      %add3A_743 = arith.addi %mul3A_722, %add3A_742 : i32
      %dma_wait3A_744 = arith.constant 0 : i32
      %dma_wait3A_745 = tpu.memref_slice %arg6[%add3A_743, %dma_wait3A_744] : memref<25x80xi32, #tpu.memory_space<vmem>> -> memref<1x80xi32, #tpu.memory_space<vmem>>
      %dma_wait3A_746 = tpu.memref_squeeze %dma_wait3A_745 : memref<1x80xi32, #tpu.memory_space<vmem>> -> memref<80xi32, #tpu.memory_space<vmem>>
      %dma_wait3A_747 = arith.constant 0 : i32
      %dma_wait3A_748 = arith.constant 0 : i32
      %dma_wait3A_749 = tpu.memref_slice %arg4[%dma_wait3A_747, %dma_wait3A_748] : memref<270000x128xf32, #tpu.memory_space<hbm>> -> memref<270000x128xf32, #tpu.memory_space<hbm>>
      tpu.wait_indirect_dma semaphore(%arg15 : memref<!tpu.dma_semaphore, #tpu.memory_space<semaphore_mem>>) src(%dma_wait3A_749 : memref<270000x128xf32, #tpu.memory_space<hbm>>) dst(%arg11 : memref<80x128xf32, #tpu.memory_space<vmem>>)
      %add3A_750 = arith.constant 1 : i32
      %add3A_751 = arith.addi %mul3A_722, %add3A_750 : i32
      "tpu.region"() ({
        %run_scoped3A_780 = tpu.sem_alloc : memref<!tpu.dma_semaphore, #tpu.memory_space<semaphore_mem>>
        %dma_start3A_781 = arith.constant 0 : i32
        %dma_start3A_782 = tpu.memref_slice %arg8[%add3A_751, %dma_start3A_781] : memref<25x80xi32, #tpu.memory_space<vmem>> -> memref<1x80xi32, #tpu.memory_space<vmem>>
        %dma_start3A_783 = tpu.memref_squeeze %dma_start3A_782 : memref<1x80xi32, #tpu.memory_space<vmem>> -> memref<80xi32, #tpu.memory_space<vmem>>
        %dma_start3A_784 = arith.constant 0 : i32
        %dma_start3A_785 = arith.constant 0 : i32
        %dma_start3A_786 = tpu.memref_slice %arg13[%dma_start3A_784, %dma_start3A_785] : memref<10000x128xf32, #tpu.memory_space<vmem_shared>> -> memref<10000x128xf32, #tpu.memory_space<vmem_shared>>
        tpu.enqueue_indirect_dma source(%arg11 : memref<80x128xf32, #tpu.memory_space<vmem>>) target(%dma_start3A_786 : memref<10000x128xf32, #tpu.memory_space<vmem_shared>>) offsets(%dma_start3A_783 : memref<80xi32, #tpu.memory_space<vmem>>) semaphore(%run_scoped3A_780 : memref<!tpu.dma_semaphore, #tpu.memory_space<semaphore_mem>>) {add = true}
        %dma_wait3A_787 = arith.constant 0 : i32
        %dma_wait3A_788 = tpu.memref_slice %arg8[%add3A_751, %dma_wait3A_787] : memref<25x80xi32, #tpu.memory_space<vmem>> -> memref<1x80xi32, #tpu.memory_space<vmem>>
        %dma_wait3A_789 = tpu.memref_squeeze %dma_wait3A_788 : memref<1x80xi32, #tpu.memory_space<vmem>> -> memref<80xi32, #tpu.memory_space<vmem>>
        %dma_wait3A_790 = arith.constant 0 : i32
        %dma_wait3A_791 = arith.constant 0 : i32
        %dma_wait3A_792 = tpu.memref_slice %arg13[%dma_wait3A_790, %dma_wait3A_791] : memref<10000x128xf32, #tpu.memory_space<vmem_shared>> -> memref<10000x128xf32, #tpu.memory_space<vmem_shared>>
        tpu.wait_indirect_dma semaphore(%run_scoped3A_780 : memref<!tpu.dma_semaphore, #tpu.memory_space<semaphore_mem>>) src(%arg11 : memref<80x128xf32, #tpu.memory_space<vmem>>) dst(%dma_wait3A_792 : memref<10000x128xf32, #tpu.memory_space<vmem_shared>>)
        tpu.yield
      }) : () -> ()
      %add3A_752 = arith.constant 1 : i32
      %add3A_753 = arith.addi %mul3A_722, %add3A_752 : i32
      %add3A_754 = arith.constant 3 : i32
      %add3A_755 = arith.addi %add3A_753, %add3A_754 : i32
      %lt3A_756 = arith.constant 25 : i32
      %lt3A_757 = arith.cmpi slt, %add3A_755, %lt3A_756 : i32
      %convert_element_type3A_758 = arith.extui %lt3A_757 : i1 to i32
      %cond3A_759 = arith.constant 0 : i32
      %cond3A_760 = arith.cmpi ne, %convert_element_type3A_758, %cond3A_759 : i32
      scf.if %cond3A_760 {
        %add3A_780 = arith.constant 1 : i32
        %add3A_781 = arith.addi %mul3A_722, %add3A_780 : i32
        %add3A_782 = arith.constant 3 : i32
        %add3A_783 = arith.addi %add3A_781, %add3A_782 : i32
        %dma_start3A_784 = arith.constant 0 : i32
        %dma_start3A_785 = tpu.memref_slice %arg6[%add3A_783, %dma_start3A_784] : memref<25x80xi32, #tpu.memory_space<vmem>> -> memref<1x80xi32, #tpu.memory_space<vmem>>
        %dma_start3A_786 = tpu.memref_squeeze %dma_start3A_785 : memref<1x80xi32, #tpu.memory_space<vmem>> -> memref<80xi32, #tpu.memory_space<vmem>>
        %dma_start3A_787 = arith.constant 0 : i32
        %dma_start3A_788 = arith.constant 0 : i32
        %dma_start3A_789 = tpu.memref_slice %arg4[%dma_start3A_787, %dma_start3A_788] : memref<270000x128xf32, #tpu.memory_space<hbm>> -> memref<270000x128xf32, #tpu.memory_space<hbm>>
        tpu.enqueue_indirect_dma source(%dma_start3A_789 : memref<270000x128xf32, #tpu.memory_space<hbm>>) target(%arg11 : memref<80x128xf32, #tpu.memory_space<vmem>>) offsets(%dma_start3A_786 : memref<80xi32, #tpu.memory_space<vmem>>) semaphore(%arg15 : memref<!tpu.dma_semaphore, #tpu.memory_space<semaphore_mem>>)
      } else {
      }
      %add3A_761 = arith.constant 2 : i32
      %add3A_762 = arith.addi %mul3A_722, %add3A_761 : i32
      %dma_wait3A_763 = arith.constant 0 : i32
      %dma_wait3A_764 = tpu.memref_slice %arg6[%add3A_762, %dma_wait3A_763] : memref<25x80xi32, #tpu.memory_space<vmem>> -> memref<1x80xi32, #tpu.memory_space<vmem>>
      %dma_wait3A_765 = tpu.memref_squeeze %dma_wait3A_764 : memref<1x80xi32, #tpu.memory_space<vmem>> -> memref<80xi32, #tpu.memory_space<vmem>>
      %dma_wait3A_766 = arith.constant 0 : i32
      %dma_wait3A_767 = arith.constant 0 : i32
      %dma_wait3A_768 = tpu.memref_slice %arg4[%dma_wait3A_766, %dma_wait3A_767] : memref<270000x128xf32, #tpu.memory_space<hbm>> -> memref<270000x128xf32, #tpu.memory_space<hbm>>
      tpu.wait_indirect_dma semaphore(%arg16 : memref<!tpu.dma_semaphore, #tpu.memory_space<semaphore_mem>>) src(%dma_wait3A_768 : memref<270000x128xf32, #tpu.memory_space<hbm>>) dst(%arg12 : memref<80x128xf32, #tpu.memory_space<vmem>>)
      %add3A_769 = arith.constant 2 : i32
      %add3A_770 = arith.addi %mul3A_722, %add3A_769 : i32
      "tpu.region"() ({
        %run_scoped3A_780 = tpu.sem_alloc : memref<!tpu.dma_semaphore, #tpu.memory_space<semaphore_mem>>
        %dma_start3A_781 = arith.constant 0 : i32
        %dma_start3A_782 = tpu.memref_slice %arg8[%add3A_770, %dma_start3A_781] : memref<25x80xi32, #tpu.memory_space<vmem>> -> memref<1x80xi32, #tpu.memory_space<vmem>>
        %dma_start3A_783 = tpu.memref_squeeze %dma_start3A_782 : memref<1x80xi32, #tpu.memory_space<vmem>> -> memref<80xi32, #tpu.memory_space<vmem>>
        %dma_start3A_784 = arith.constant 0 : i32
        %dma_start3A_785 = arith.constant 0 : i32
        %dma_start3A_786 = tpu.memref_slice %arg13[%dma_start3A_784, %dma_start3A_785] : memref<10000x128xf32, #tpu.memory_space<vmem_shared>> -> memref<10000x128xf32, #tpu.memory_space<vmem_shared>>
        tpu.enqueue_indirect_dma source(%arg12 : memref<80x128xf32, #tpu.memory_space<vmem>>) target(%dma_start3A_786 : memref<10000x128xf32, #tpu.memory_space<vmem_shared>>) offsets(%dma_start3A_783 : memref<80xi32, #tpu.memory_space<vmem>>) semaphore(%run_scoped3A_780 : memref<!tpu.dma_semaphore, #tpu.memory_space<semaphore_mem>>) {add = true}
        %dma_wait3A_787 = arith.constant 0 : i32
        %dma_wait3A_788 = tpu.memref_slice %arg8[%add3A_770, %dma_wait3A_787] : memref<25x80xi32, #tpu.memory_space<vmem>> -> memref<1x80xi32, #tpu.memory_space<vmem>>
        %dma_wait3A_789 = tpu.memref_squeeze %dma_wait3A_788 : memref<1x80xi32, #tpu.memory_space<vmem>> -> memref<80xi32, #tpu.memory_space<vmem>>
        %dma_wait3A_790 = arith.constant 0 : i32
        %dma_wait3A_791 = arith.constant 0 : i32
        %dma_wait3A_792 = tpu.memref_slice %arg13[%dma_wait3A_790, %dma_wait3A_791] : memref<10000x128xf32, #tpu.memory_space<vmem_shared>> -> memref<10000x128xf32, #tpu.memory_space<vmem_shared>>
        tpu.wait_indirect_dma semaphore(%run_scoped3A_780 : memref<!tpu.dma_semaphore, #tpu.memory_space<semaphore_mem>>) src(%arg12 : memref<80x128xf32, #tpu.memory_space<vmem>>) dst(%dma_wait3A_792 : memref<10000x128xf32, #tpu.memory_space<vmem_shared>>)
        tpu.yield
      }) : () -> ()
      %add3A_771 = arith.constant 2 : i32
      %add3A_772 = arith.addi %mul3A_722, %add3A_771 : i32
      %add3A_773 = arith.constant 3 : i32
      %add3A_774 = arith.addi %add3A_772, %add3A_773 : i32
      %lt3A_775 = arith.constant 25 : i32
      %lt3A_776 = arith.cmpi slt, %add3A_774, %lt3A_775 : i32
      %convert_element_type3A_777 = arith.extui %lt3A_776 : i1 to i32
      %cond3A_778 = arith.constant 0 : i32
      %cond3A_779 = arith.cmpi ne, %convert_element_type3A_777, %cond3A_778 : i32
      scf.if %cond3A_779 {
        %add3A_780 = arith.constant 2 : i32
        %add3A_781 = arith.addi %mul3A_722, %add3A_780 : i32
        %add3A_782 = arith.constant 3 : i32
        %add3A_783 = arith.addi %add3A_781, %add3A_782 : i32
        %dma_start3A_784 = arith.constant 0 : i32
        %dma_start3A_785 = tpu.memref_slice %arg6[%add3A_783, %dma_start3A_784] : memref<25x80xi32, #tpu.memory_space<vmem>> -> memref<1x80xi32, #tpu.memory_space<vmem>>
        %dma_start3A_786 = tpu.memref_squeeze %dma_start3A_785 : memref<1x80xi32, #tpu.memory_space<vmem>> -> memref<80xi32, #tpu.memory_space<vmem>>
        %dma_start3A_787 = arith.constant 0 : i32
        %dma_start3A_788 = arith.constant 0 : i32
        %dma_start3A_789 = tpu.memref_slice %arg4[%dma_start3A_787, %dma_start3A_788] : memref<270000x128xf32, #tpu.memory_space<hbm>> -> memref<270000x128xf32, #tpu.memory_space<hbm>>
        tpu.enqueue_indirect_dma source(%dma_start3A_789 : memref<270000x128xf32, #tpu.memory_space<hbm>>) target(%arg12 : memref<80x128xf32, #tpu.memory_space<vmem>>) offsets(%dma_start3A_786 : memref<80xi32, #tpu.memory_space<vmem>>) semaphore(%arg16 : memref<!tpu.dma_semaphore, #tpu.memory_space<semaphore_mem>>)
      } else {
      }
    }
    %scan3A_454 = arith.constant 8 : i32
    %dma_wait3A_455 = arith.constant 24 : i32
    %dma_wait3A_456 = arith.constant 0 : i32
    %dma_wait3A_457 = tpu.memref_slice %arg6[%dma_wait3A_455, %dma_wait3A_456] : memref<25x80xi32, #tpu.memory_space<vmem>> -> memref<1x80xi32, #tpu.memory_space<vmem>>
    %dma_wait3A_458 = tpu.memref_squeeze %dma_wait3A_457 : memref<1x80xi32, #tpu.memory_space<vmem>> -> memref<80xi32, #tpu.memory_space<vmem>>
    %dma_wait3A_459 = arith.constant 0 : i32
    %dma_wait3A_460 = arith.constant 0 : i32
    %dma_wait3A_461 = tpu.memref_slice %arg4[%dma_wait3A_459, %dma_wait3A_460] : memref<270000x128xf32, #tpu.memory_space<hbm>> -> memref<270000x128xf32, #tpu.memory_space<hbm>>
    tpu.wait_indirect_dma semaphore(%arg14 : memref<!tpu.dma_semaphore, #tpu.memory_space<semaphore_mem>>) src(%dma_wait3A_461 : memref<270000x128xf32, #tpu.memory_space<hbm>>) dst(%arg10 : memref<80x128xf32, #tpu.memory_space<vmem>>)
    %run_scoped3A_462 = arith.constant 24 : i32
    "tpu.region"() ({
      %run_scoped3A_720 = tpu.sem_alloc : memref<!tpu.dma_semaphore, #tpu.memory_space<semaphore_mem>>
      %dma_start3A_721 = arith.constant 0 : i32
      %dma_start3A_722 = tpu.memref_slice %arg8[%run_scoped3A_462, %dma_start3A_721] : memref<25x80xi32, #tpu.memory_space<vmem>> -> memref<1x80xi32, #tpu.memory_space<vmem>>
      %dma_start3A_723 = tpu.memref_squeeze %dma_start3A_722 : memref<1x80xi32, #tpu.memory_space<vmem>> -> memref<80xi32, #tpu.memory_space<vmem>>
      %dma_start3A_724 = arith.constant 0 : i32
      %dma_start3A_725 = arith.constant 0 : i32
      %dma_start3A_726 = tpu.memref_slice %arg13[%dma_start3A_724, %dma_start3A_725] : memref<10000x128xf32, #tpu.memory_space<vmem_shared>> -> memref<10000x128xf32, #tpu.memory_space<vmem_shared>>
      tpu.enqueue_indirect_dma source(%arg10 : memref<80x128xf32, #tpu.memory_space<vmem>>) target(%dma_start3A_726 : memref<10000x128xf32, #tpu.memory_space<vmem_shared>>) offsets(%dma_start3A_723 : memref<80xi32, #tpu.memory_space<vmem>>) semaphore(%run_scoped3A_720 : memref<!tpu.dma_semaphore, #tpu.memory_space<semaphore_mem>>) {add = true}
      %dma_wait3A_727 = arith.constant 0 : i32
      %dma_wait3A_728 = tpu.memref_slice %arg8[%run_scoped3A_462, %dma_wait3A_727] : memref<25x80xi32, #tpu.memory_space<vmem>> -> memref<1x80xi32, #tpu.memory_space<vmem>>
      %dma_wait3A_729 = tpu.memref_squeeze %dma_wait3A_728 : memref<1x80xi32, #tpu.memory_space<vmem>> -> memref<80xi32, #tpu.memory_space<vmem>>
      %dma_wait3A_730 = arith.constant 0 : i32
      %dma_wait3A_731 = arith.constant 0 : i32
      %dma_wait3A_732 = tpu.memref_slice %arg13[%dma_wait3A_730, %dma_wait3A_731] : memref<10000x128xf32, #tpu.memory_space<vmem_shared>> -> memref<10000x128xf32, #tpu.memory_space<vmem_shared>>
      tpu.wait_indirect_dma semaphore(%run_scoped3A_720 : memref<!tpu.dma_semaphore, #tpu.memory_space<semaphore_mem>>) src(%arg10 : memref<80x128xf32, #tpu.memory_space<vmem>>) dst(%dma_wait3A_732 : memref<10000x128xf32, #tpu.memory_space<vmem_shared>>)
      tpu.yield
    }) : () -> ()
    %dma_start3A_463 = arith.constant 0 : i32
    %dma_start3A_464 = arith.constant 4 : i32
    %dma_start3A_465 = arith.constant 0 : i32
    %dma_start3A_466 = arith.constant 0 : i32
    %dma_start3A_467 = tpu.memref_slice %arg2[%dma_start3A_463, %add3A, %dma_start3A_464, %dma_start3A_465, %dma_start3A_466] : memref<2x32x5x25x80xi32, #tpu.memory_space<hbm>> -> memref<1x1x1x25x80xi32, #tpu.memory_space<hbm>>
    %dma_start3A_468 = tpu.memref_squeeze %dma_start3A_467 : memref<1x1x1x25x80xi32, #tpu.memory_space<hbm>> -> memref<25x80xi32, #tpu.memory_space<hbm>>
    %dma_start3A_469 = arith.constant 0 : i32
    %dma_start3A_470 = arith.constant 0 : i32
    %dma_start3A_471 = tpu.memref_slice %arg2[%dma_start3A_463, %add3A, %dma_start3A_464, %dma_start3A_469, %dma_start3A_470] : memref<2x32x5x25x80xi32, #tpu.memory_space<hbm>> -> memref<1x1x1x25x80xi32, #tpu.memory_space<hbm>>
    %dma_start3A_472 = tpu.memref_squeeze %dma_start3A_471 : memref<1x1x1x25x80xi32, #tpu.memory_space<hbm>> -> memref<25x80xi32, #tpu.memory_space<hbm>>
    tpu.enqueue_dma source(%dma_start3A_472 : memref<25x80xi32, #tpu.memory_space<hbm>>) target(%arg6 : memref<25x80xi32, #tpu.memory_space<vmem>>) target_semaphore(%arg17 : memref<!tpu.dma_semaphore, #tpu.memory_space<semaphore_mem>>)
    %dma_start3A_473 = arith.constant 4 : i32
    %dma_start3A_474 = arith.constant 0 : i32
    %dma_start3A_475 = arith.constant 0 : i32
    %dma_start3A_476 = tpu.memref_slice %arg3[%add3A, %dma_start3A_473, %dma_start3A_474, %dma_start3A_475] : memref<32x5x25x80xi32, #tpu.memory_space<hbm>> -> memref<1x1x25x80xi32, #tpu.memory_space<hbm>>
    %dma_start3A_477 = tpu.memref_squeeze %dma_start3A_476 : memref<1x1x25x80xi32, #tpu.memory_space<hbm>> -> memref<25x80xi32, #tpu.memory_space<hbm>>
    %dma_start3A_478 = arith.constant 0 : i32
    %dma_start3A_479 = arith.constant 0 : i32
    %dma_start3A_480 = tpu.memref_slice %arg3[%add3A, %dma_start3A_473, %dma_start3A_478, %dma_start3A_479] : memref<32x5x25x80xi32, #tpu.memory_space<hbm>> -> memref<1x1x25x80xi32, #tpu.memory_space<hbm>>
    %dma_start3A_481 = tpu.memref_squeeze %dma_start3A_480 : memref<1x1x25x80xi32, #tpu.memory_space<hbm>> -> memref<25x80xi32, #tpu.memory_space<hbm>>
    tpu.enqueue_dma source(%dma_start3A_481 : memref<25x80xi32, #tpu.memory_space<hbm>>) target(%arg8 : memref<25x80xi32, #tpu.memory_space<vmem>>) target_semaphore(%arg17 : memref<!tpu.dma_semaphore, #tpu.memory_space<semaphore_mem>>)
    %dma_start3A_482 = arith.constant 0 : i32
    %dma_start3A_483 = arith.constant 0 : i32
    %dma_start3A_484 = tpu.memref_slice %arg7[%dma_start3A_482, %dma_start3A_483] : memref<25x80xi32, #tpu.memory_space<vmem>> -> memref<1x80xi32, #tpu.memory_space<vmem>>
    %dma_start3A_485 = tpu.memref_squeeze %dma_start3A_484 : memref<1x80xi32, #tpu.memory_space<vmem>> -> memref<80xi32, #tpu.memory_space<vmem>>
    %dma_start3A_486 = arith.constant 0 : i32
    %dma_start3A_487 = arith.constant 0 : i32
    %dma_start3A_488 = tpu.memref_slice %arg4[%dma_start3A_486, %dma_start3A_487] : memref<270000x128xf32, #tpu.memory_space<hbm>> -> memref<270000x128xf32, #tpu.memory_space<hbm>>
    tpu.enqueue_indirect_dma source(%dma_start3A_488 : memref<270000x128xf32, #tpu.memory_space<hbm>>) target(%arg10 : memref<80x128xf32, #tpu.memory_space<vmem>>) offsets(%dma_start3A_485 : memref<80xi32, #tpu.memory_space<vmem>>) semaphore(%arg14 : memref<!tpu.dma_semaphore, #tpu.memory_space<semaphore_mem>>)
    %dma_start3A_489 = arith.constant 1 : i32
    %dma_start3A_490 = arith.constant 0 : i32
    %dma_start3A_491 = tpu.memref_slice %arg7[%dma_start3A_489, %dma_start3A_490] : memref<25x80xi32, #tpu.memory_space<vmem>> -> memref<1x80xi32, #tpu.memory_space<vmem>>
    %dma_start3A_492 = tpu.memref_squeeze %dma_start3A_491 : memref<1x80xi32, #tpu.memory_space<vmem>> -> memref<80xi32, #tpu.memory_space<vmem>>
    %dma_start3A_493 = arith.constant 0 : i32
    %dma_start3A_494 = arith.constant 0 : i32
    %dma_start3A_495 = tpu.memref_slice %arg4[%dma_start3A_493, %dma_start3A_494] : memref<270000x128xf32, #tpu.memory_space<hbm>> -> memref<270000x128xf32, #tpu.memory_space<hbm>>
    tpu.enqueue_indirect_dma source(%dma_start3A_495 : memref<270000x128xf32, #tpu.memory_space<hbm>>) target(%arg11 : memref<80x128xf32, #tpu.memory_space<vmem>>) offsets(%dma_start3A_492 : memref<80xi32, #tpu.memory_space<vmem>>) semaphore(%arg15 : memref<!tpu.dma_semaphore, #tpu.memory_space<semaphore_mem>>)
    %dma_start3A_496 = arith.constant 2 : i32
    %dma_start3A_497 = arith.constant 0 : i32
    %dma_start3A_498 = tpu.memref_slice %arg7[%dma_start3A_496, %dma_start3A_497] : memref<25x80xi32, #tpu.memory_space<vmem>> -> memref<1x80xi32, #tpu.memory_space<vmem>>
    %dma_start3A_499 = tpu.memref_squeeze %dma_start3A_498 : memref<1x80xi32, #tpu.memory_space<vmem>> -> memref<80xi32, #tpu.memory_space<vmem>>
    %dma_start3A_500 = arith.constant 0 : i32
    %dma_start3A_501 = arith.constant 0 : i32
    %dma_start3A_502 = tpu.memref_slice %arg4[%dma_start3A_500, %dma_start3A_501] : memref<270000x128xf32, #tpu.memory_space<hbm>> -> memref<270000x128xf32, #tpu.memory_space<hbm>>
    tpu.enqueue_indirect_dma source(%dma_start3A_502 : memref<270000x128xf32, #tpu.memory_space<hbm>>) target(%arg12 : memref<80x128xf32, #tpu.memory_space<vmem>>) offsets(%dma_start3A_499 : memref<80xi32, #tpu.memory_space<vmem>>) semaphore(%arg16 : memref<!tpu.dma_semaphore, #tpu.memory_space<semaphore_mem>>)
    %dma_wait3A_503 = arith.constant 0 : i32
    %dma_wait3A_504 = arith.constant 4 : i32
    %dma_wait3A_505 = arith.constant 0 : i32
    %dma_wait3A_506 = arith.constant 0 : i32
    %dma_wait3A_507 = tpu.memref_slice %arg2[%dma_wait3A_503, %add3A, %dma_wait3A_504, %dma_wait3A_505, %dma_wait3A_506] : memref<2x32x5x25x80xi32, #tpu.memory_space<hbm>> -> memref<1x1x1x25x80xi32, #tpu.memory_space<hbm>>
    %dma_wait3A_508 = tpu.memref_squeeze %dma_wait3A_507 : memref<1x1x1x25x80xi32, #tpu.memory_space<hbm>> -> memref<25x80xi32, #tpu.memory_space<hbm>>
    %dma_wait3A_509 = arith.constant 0 : i32
    %dma_wait3A_510 = arith.constant 0 : i32
    %dma_wait3A_511 = tpu.memref_slice %arg2[%dma_wait3A_503, %add3A, %dma_wait3A_504, %dma_wait3A_509, %dma_wait3A_510] : memref<2x32x5x25x80xi32, #tpu.memory_space<hbm>> -> memref<1x1x1x25x80xi32, #tpu.memory_space<hbm>>
    %dma_wait3A_512 = tpu.memref_squeeze %dma_wait3A_511 : memref<1x1x1x25x80xi32, #tpu.memory_space<hbm>> -> memref<25x80xi32, #tpu.memory_space<hbm>>
    tpu.wait_dma2 semaphore(%arg17 : memref<!tpu.dma_semaphore, #tpu.memory_space<semaphore_mem>>) src(%dma_wait3A_512 : memref<25x80xi32, #tpu.memory_space<hbm>>) dst(%arg6 : memref<25x80xi32, #tpu.memory_space<vmem>>)
    %dma_wait3A_513 = arith.constant 4 : i32
    %dma_wait3A_514 = arith.constant 0 : i32
    %dma_wait3A_515 = arith.constant 0 : i32
    %dma_wait3A_516 = tpu.memref_slice %arg3[%add3A, %dma_wait3A_513, %dma_wait3A_514, %dma_wait3A_515] : memref<32x5x25x80xi32, #tpu.memory_space<hbm>> -> memref<1x1x25x80xi32, #tpu.memory_space<hbm>>
    %dma_wait3A_517 = tpu.memref_squeeze %dma_wait3A_516 : memref<1x1x25x80xi32, #tpu.memory_space<hbm>> -> memref<25x80xi32, #tpu.memory_space<hbm>>
    %dma_wait3A_518 = arith.constant 0 : i32
    %dma_wait3A_519 = arith.constant 0 : i32
    %dma_wait3A_520 = tpu.memref_slice %arg3[%add3A, %dma_wait3A_513, %dma_wait3A_518, %dma_wait3A_519] : memref<32x5x25x80xi32, #tpu.memory_space<hbm>> -> memref<1x1x25x80xi32, #tpu.memory_space<hbm>>
    %dma_wait3A_521 = tpu.memref_squeeze %dma_wait3A_520 : memref<1x1x25x80xi32, #tpu.memory_space<hbm>> -> memref<25x80xi32, #tpu.memory_space<hbm>>
    tpu.wait_dma2 semaphore(%arg17 : memref<!tpu.dma_semaphore, #tpu.memory_space<semaphore_mem>>) src(%dma_wait3A_521 : memref<25x80xi32, #tpu.memory_space<hbm>>) dst(%arg8 : memref<25x80xi32, #tpu.memory_space<vmem>>)
    %scan3A_522 = arith.constant 0 : i32
    %scan3A_523 = arith.constant 0 : i32
    %scan3A_524 = arith.constant 25 : i32
    %scan3A_525 = arith.addi %scan3A_523, %scan3A_524 : i32
    %scan3A_526 = arith.constant 1 : i32
    scf.for %scan3A_720 = %scan3A_523 to %scan3A_525 step %scan3A_526  : i32 {
      %get3A = arith.index_cast %scan3A_720 : i32 to index
      %get3A_721 = arith.constant 0 : index
      %get3A_722 = tpu.vector_load %arg8[%get3A, %get3A_721] {strides = array<i32>} : memref<25x80xi32, #tpu.memory_space<vmem>>, vector<1x16xi32>,
      %get3A_723 = vector.shape_cast %get3A_722 : vector<1x16xi32> to vector<16xi32>
      %mul3A_724 = arith.constant 10000 : i32
      %mul3A_725 = vector.broadcast %mul3A_724 : i32 to vector<16xi32>
      %mul3A_726 = arith.muli %get3A_723, %mul3A_725 : vector<16xi32>
      %get3A_727 = arith.index_cast %scan3A_720 : i32 to index
      %get3A_728 = arith.constant 0 : index
      %get3A_729 = tpu.vector_load %arg6[%get3A_727, %get3A_728] {strides = array<i32>} : memref<25x80xi32, #tpu.memory_space<vmem>>, vector<1x16xi32>,
      %get3A_730 = vector.shape_cast %get3A_729 : vector<1x16xi32> to vector<16xi32>
      %add3A_731 = arith.addi %mul3A_726, %get3A_730 : vector<16xi32>
      %swap3A = arith.index_cast %scan3A_720 : i32 to index
      %swap3A_732 = arith.constant 0 : index
      %swap3A_733 = tpu.vector_load %arg6[%swap3A, %swap3A_732] {strides = array<i32>} : memref<25x80xi32, #tpu.memory_space<vmem>>, vector<1x16xi32>,
      %swap3A_734 = vector.shape_cast %swap3A_733 : vector<1x16xi32> to vector<16xi32>
      %swap3A_735 = vector.shape_cast %add3A_731 : vector<16xi32> to vector<1x16xi32>
      tpu.vector_store %arg6[%swap3A, %swap3A_732], %swap3A_735 {strides = array<i32>} : memref<25x80xi32, #tpu.memory_space<vmem>>, vector<1x16xi32>,
      %get3A_736 = arith.index_cast %scan3A_720 : i32 to index
      %get3A_737 = arith.constant 16 : index
      %get3A_738 = tpu.vector_load %arg8[%get3A_736, %get3A_737] {strides = array<i32>} : memref<25x80xi32, #tpu.memory_space<vmem>>, vector<1x16xi32>,
      %get3A_739 = vector.shape_cast %get3A_738 : vector<1x16xi32> to vector<16xi32>
      %mul3A_740 = arith.constant 10000 : i32
      %mul3A_741 = vector.broadcast %mul3A_740 : i32 to vector<16xi32>
      %mul3A_742 = arith.muli %get3A_739, %mul3A_741 : vector<16xi32>
      %get3A_743 = arith.index_cast %scan3A_720 : i32 to index
      %get3A_744 = arith.constant 16 : index
      %get3A_745 = tpu.vector_load %arg6[%get3A_743, %get3A_744] {strides = array<i32>} : memref<25x80xi32, #tpu.memory_space<vmem>>, vector<1x16xi32>,
      %get3A_746 = vector.shape_cast %get3A_745 : vector<1x16xi32> to vector<16xi32>
      %add3A_747 = arith.addi %mul3A_742, %get3A_746 : vector<16xi32>
      %swap3A_748 = arith.index_cast %scan3A_720 : i32 to index
      %swap3A_749 = arith.constant 16 : index
      %swap3A_750 = tpu.vector_load %arg6[%swap3A_748, %swap3A_749] {strides = array<i32>} : memref<25x80xi32, #tpu.memory_space<vmem>>, vector<1x16xi32>,
      %swap3A_751 = vector.shape_cast %swap3A_750 : vector<1x16xi32> to vector<16xi32>
      %swap3A_752 = vector.shape_cast %add3A_747 : vector<16xi32> to vector<1x16xi32>
      tpu.vector_store %arg6[%swap3A_748, %swap3A_749], %swap3A_752 {strides = array<i32>} : memref<25x80xi32, #tpu.memory_space<vmem>>, vector<1x16xi32>,
      %get3A_753 = arith.index_cast %scan3A_720 : i32 to index
      %get3A_754 = arith.constant 32 : index
      %get3A_755 = tpu.vector_load %arg8[%get3A_753, %get3A_754] {strides = array<i32>} : memref<25x80xi32, #tpu.memory_space<vmem>>, vector<1x16xi32>,
      %get3A_756 = vector.shape_cast %get3A_755 : vector<1x16xi32> to vector<16xi32>
      %mul3A_757 = arith.constant 10000 : i32
      %mul3A_758 = vector.broadcast %mul3A_757 : i32 to vector<16xi32>
      %mul3A_759 = arith.muli %get3A_756, %mul3A_758 : vector<16xi32>
      %get3A_760 = arith.index_cast %scan3A_720 : i32 to index
      %get3A_761 = arith.constant 32 : index
      %get3A_762 = tpu.vector_load %arg6[%get3A_760, %get3A_761] {strides = array<i32>} : memref<25x80xi32, #tpu.memory_space<vmem>>, vector<1x16xi32>,
      %get3A_763 = vector.shape_cast %get3A_762 : vector<1x16xi32> to vector<16xi32>
      %add3A_764 = arith.addi %mul3A_759, %get3A_763 : vector<16xi32>
      %swap3A_765 = arith.index_cast %scan3A_720 : i32 to index
      %swap3A_766 = arith.constant 32 : index
      %swap3A_767 = tpu.vector_load %arg6[%swap3A_765, %swap3A_766] {strides = array<i32>} : memref<25x80xi32, #tpu.memory_space<vmem>>, vector<1x16xi32>,
      %swap3A_768 = vector.shape_cast %swap3A_767 : vector<1x16xi32> to vector<16xi32>
      %swap3A_769 = vector.shape_cast %add3A_764 : vector<16xi32> to vector<1x16xi32>
      tpu.vector_store %arg6[%swap3A_765, %swap3A_766], %swap3A_769 {strides = array<i32>} : memref<25x80xi32, #tpu.memory_space<vmem>>, vector<1x16xi32>,
      %get3A_770 = arith.index_cast %scan3A_720 : i32 to index
      %get3A_771 = arith.constant 48 : index
      %get3A_772 = tpu.vector_load %arg8[%get3A_770, %get3A_771] {strides = array<i32>} : memref<25x80xi32, #tpu.memory_space<vmem>>, vector<1x16xi32>,
      %get3A_773 = vector.shape_cast %get3A_772 : vector<1x16xi32> to vector<16xi32>
      %mul3A_774 = arith.constant 10000 : i32
      %mul3A_775 = vector.broadcast %mul3A_774 : i32 to vector<16xi32>
      %mul3A_776 = arith.muli %get3A_773, %mul3A_775 : vector<16xi32>
      %get3A_777 = arith.index_cast %scan3A_720 : i32 to index
      %get3A_778 = arith.constant 48 : index
      %get3A_779 = tpu.vector_load %arg6[%get3A_777, %get3A_778] {strides = array<i32>} : memref<25x80xi32, #tpu.memory_space<vmem>>, vector<1x16xi32>,
      %get3A_780 = vector.shape_cast %get3A_779 : vector<1x16xi32> to vector<16xi32>
      %add3A_781 = arith.addi %mul3A_776, %get3A_780 : vector<16xi32>
      %swap3A_782 = arith.index_cast %scan3A_720 : i32 to index
      %swap3A_783 = arith.constant 48 : index
      %swap3A_784 = tpu.vector_load %arg6[%swap3A_782, %swap3A_783] {strides = array<i32>} : memref<25x80xi32, #tpu.memory_space<vmem>>, vector<1x16xi32>,
      %swap3A_785 = vector.shape_cast %swap3A_784 : vector<1x16xi32> to vector<16xi32>
      %swap3A_786 = vector.shape_cast %add3A_781 : vector<16xi32> to vector<1x16xi32>
      tpu.vector_store %arg6[%swap3A_782, %swap3A_783], %swap3A_786 {strides = array<i32>} : memref<25x80xi32, #tpu.memory_space<vmem>>, vector<1x16xi32>,
      %get3A_787 = arith.index_cast %scan3A_720 : i32 to index
      %get3A_788 = arith.constant 64 : index
      %get3A_789 = tpu.vector_load %arg8[%get3A_787, %get3A_788] {strides = array<i32>} : memref<25x80xi32, #tpu.memory_space<vmem>>, vector<1x16xi32>,
      %get3A_790 = vector.shape_cast %get3A_789 : vector<1x16xi32> to vector<16xi32>
      %mul3A_791 = arith.constant 10000 : i32
      %mul3A_792 = vector.broadcast %mul3A_791 : i32 to vector<16xi32>
      %mul3A_793 = arith.muli %get3A_790, %mul3A_792 : vector<16xi32>
      %get3A_794 = arith.index_cast %scan3A_720 : i32 to index
      %get3A_795 = arith.constant 64 : index
      %get3A_796 = tpu.vector_load %arg6[%get3A_794, %get3A_795] {strides = array<i32>} : memref<25x80xi32, #tpu.memory_space<vmem>>, vector<1x16xi32>,
      %get3A_797 = vector.shape_cast %get3A_796 : vector<1x16xi32> to vector<16xi32>
      %add3A_798 = arith.addi %mul3A_793, %get3A_797 : vector<16xi32>
      %swap3A_799 = arith.index_cast %scan3A_720 : i32 to index
      %swap3A_800 = arith.constant 64 : index
      %swap3A_801 = tpu.vector_load %arg6[%swap3A_799, %swap3A_800] {strides = array<i32>} : memref<25x80xi32, #tpu.memory_space<vmem>>, vector<1x16xi32>,
      %swap3A_802 = vector.shape_cast %swap3A_801 : vector<1x16xi32> to vector<16xi32>
      %swap3A_803 = vector.shape_cast %add3A_798 : vector<16xi32> to vector<1x16xi32>
      tpu.vector_store %arg6[%swap3A_799, %swap3A_800], %swap3A_803 {strides = array<i32>} : memref<25x80xi32, #tpu.memory_space<vmem>>, vector<1x16xi32>,
    }
    %scan3A_527 = arith.constant 25 : i32
    %dma_start3A_528 = arith.constant 1 : i32
    %dma_start3A_529 = arith.constant 4 : i32
    %dma_start3A_530 = arith.constant 0 : i32
    %dma_start3A_531 = arith.constant 0 : i32
    %dma_start3A_532 = tpu.memref_slice %arg2[%dma_start3A_528, %add3A, %dma_start3A_529, %dma_start3A_530, %dma_start3A_531] : memref<2x32x5x25x80xi32, #tpu.memory_space<hbm>> -> memref<1x1x1x25x80xi32, #tpu.memory_space<hbm>>
    %dma_start3A_533 = tpu.memref_squeeze %dma_start3A_532 : memref<1x1x1x25x80xi32, #tpu.memory_space<hbm>> -> memref<25x80xi32, #tpu.memory_space<hbm>>
    %dma_start3A_534 = arith.constant 0 : i32
    %dma_start3A_535 = arith.constant 0 : i32
    %dma_start3A_536 = tpu.memref_slice %arg2[%dma_start3A_528, %add3A, %dma_start3A_529, %dma_start3A_534, %dma_start3A_535] : memref<2x32x5x25x80xi32, #tpu.memory_space<hbm>> -> memref<1x1x1x25x80xi32, #tpu.memory_space<hbm>>
    %dma_start3A_537 = tpu.memref_squeeze %dma_start3A_536 : memref<1x1x1x25x80xi32, #tpu.memory_space<hbm>> -> memref<25x80xi32, #tpu.memory_space<hbm>>
    tpu.enqueue_dma source(%dma_start3A_537 : memref<25x80xi32, #tpu.memory_space<hbm>>) target(%arg8 : memref<25x80xi32, #tpu.memory_space<vmem>>) target_semaphore(%arg17 : memref<!tpu.dma_semaphore, #tpu.memory_space<semaphore_mem>>)
    %dma_wait3A_538 = arith.constant 1 : i32
    %dma_wait3A_539 = arith.constant 3 : i32
    %dma_wait3A_540 = arith.constant 0 : i32
    %dma_wait3A_541 = arith.constant 0 : i32
    %dma_wait3A_542 = tpu.memref_slice %arg2[%dma_wait3A_538, %add3A, %dma_wait3A_539, %dma_wait3A_540, %dma_wait3A_541] : memref<2x32x5x25x80xi32, #tpu.memory_space<hbm>> -> memref<1x1x1x25x80xi32, #tpu.memory_space<hbm>>
    %dma_wait3A_543 = tpu.memref_squeeze %dma_wait3A_542 : memref<1x1x1x25x80xi32, #tpu.memory_space<hbm>> -> memref<25x80xi32, #tpu.memory_space<hbm>>
    %dma_wait3A_544 = arith.constant 0 : i32
    %dma_wait3A_545 = arith.constant 0 : i32
    %dma_wait3A_546 = tpu.memref_slice %arg2[%dma_wait3A_538, %add3A, %dma_wait3A_539, %dma_wait3A_544, %dma_wait3A_545] : memref<2x32x5x25x80xi32, #tpu.memory_space<hbm>> -> memref<1x1x1x25x80xi32, #tpu.memory_space<hbm>>
    %dma_wait3A_547 = tpu.memref_squeeze %dma_wait3A_546 : memref<1x1x1x25x80xi32, #tpu.memory_space<hbm>> -> memref<25x80xi32, #tpu.memory_space<hbm>>
    tpu.wait_dma2 semaphore(%arg18 : memref<!tpu.dma_semaphore, #tpu.memory_space<semaphore_mem>>) src(%dma_wait3A_547 : memref<25x80xi32, #tpu.memory_space<hbm>>) dst(%arg9 : memref<25x80xi32, #tpu.memory_space<vmem>>)
    %scan3A_548 = arith.constant 0 : i32
    %scan3A_549 = arith.constant 0 : i32
    %scan3A_550 = arith.constant 8 : i32
    %scan3A_551 = arith.addi %scan3A_549, %scan3A_550 : i32
    %scan3A_552 = arith.constant 1 : i32
    scf.for %scan3A_720 = %scan3A_549 to %scan3A_551 step %scan3A_552  : i32 {
      %mul3A_721 = arith.constant 3 : i32
      %mul3A_722 = arith.muli %mul3A_721, %scan3A_720 : i32
      %add3A_723 = arith.constant 0 : i32
      %add3A_724 = arith.addi %mul3A_722, %add3A_723 : i32
      %dma_wait3A_725 = arith.constant 0 : i32
      %dma_wait3A_726 = tpu.memref_slice %arg7[%add3A_724, %dma_wait3A_725] : memref<25x80xi32, #tpu.memory_space<vmem>> -> memref<1x80xi32, #tpu.memory_space<vmem>>
      %dma_wait3A_727 = tpu.memref_squeeze %dma_wait3A_726 : memref<1x80xi32, #tpu.memory_space<vmem>> -> memref<80xi32, #tpu.memory_space<vmem>>
      %dma_wait3A_728 = arith.constant 0 : i32
      %dma_wait3A_729 = arith.constant 0 : i32
      %dma_wait3A_730 = tpu.memref_slice %arg4[%dma_wait3A_728, %dma_wait3A_729] : memref<270000x128xf32, #tpu.memory_space<hbm>> -> memref<270000x128xf32, #tpu.memory_space<hbm>>
      tpu.wait_indirect_dma semaphore(%arg14 : memref<!tpu.dma_semaphore, #tpu.memory_space<semaphore_mem>>) src(%dma_wait3A_730 : memref<270000x128xf32, #tpu.memory_space<hbm>>) dst(%arg10 : memref<80x128xf32, #tpu.memory_space<vmem>>)
      %add3A_731 = arith.constant 0 : i32
      %add3A_732 = arith.addi %mul3A_722, %add3A_731 : i32
      "tpu.region"() ({
        %run_scoped3A_780 = tpu.sem_alloc : memref<!tpu.dma_semaphore, #tpu.memory_space<semaphore_mem>>
        %dma_start3A_781 = arith.constant 0 : i32
        %dma_start3A_782 = tpu.memref_slice %arg9[%add3A_732, %dma_start3A_781] : memref<25x80xi32, #tpu.memory_space<vmem>> -> memref<1x80xi32, #tpu.memory_space<vmem>>
        %dma_start3A_783 = tpu.memref_squeeze %dma_start3A_782 : memref<1x80xi32, #tpu.memory_space<vmem>> -> memref<80xi32, #tpu.memory_space<vmem>>
        %dma_start3A_784 = arith.constant 0 : i32
        %dma_start3A_785 = arith.constant 0 : i32
        %dma_start3A_786 = tpu.memref_slice %arg13[%dma_start3A_784, %dma_start3A_785] : memref<10000x128xf32, #tpu.memory_space<vmem_shared>> -> memref<10000x128xf32, #tpu.memory_space<vmem_shared>>
        tpu.enqueue_indirect_dma source(%arg10 : memref<80x128xf32, #tpu.memory_space<vmem>>) target(%dma_start3A_786 : memref<10000x128xf32, #tpu.memory_space<vmem_shared>>) offsets(%dma_start3A_783 : memref<80xi32, #tpu.memory_space<vmem>>) semaphore(%run_scoped3A_780 : memref<!tpu.dma_semaphore, #tpu.memory_space<semaphore_mem>>) {add = true}
        %dma_wait3A_787 = arith.constant 0 : i32
        %dma_wait3A_788 = tpu.memref_slice %arg9[%add3A_732, %dma_wait3A_787] : memref<25x80xi32, #tpu.memory_space<vmem>> -> memref<1x80xi32, #tpu.memory_space<vmem>>
        %dma_wait3A_789 = tpu.memref_squeeze %dma_wait3A_788 : memref<1x80xi32, #tpu.memory_space<vmem>> -> memref<80xi32, #tpu.memory_space<vmem>>
        %dma_wait3A_790 = arith.constant 0 : i32
        %dma_wait3A_791 = arith.constant 0 : i32
        %dma_wait3A_792 = tpu.memref_slice %arg13[%dma_wait3A_790, %dma_wait3A_791] : memref<10000x128xf32, #tpu.memory_space<vmem_shared>> -> memref<10000x128xf32, #tpu.memory_space<vmem_shared>>
        tpu.wait_indirect_dma semaphore(%run_scoped3A_780 : memref<!tpu.dma_semaphore, #tpu.memory_space<semaphore_mem>>) src(%arg10 : memref<80x128xf32, #tpu.memory_space<vmem>>) dst(%dma_wait3A_792 : memref<10000x128xf32, #tpu.memory_space<vmem_shared>>)
        tpu.yield
      }) : () -> ()
      %add3A_733 = arith.constant 0 : i32
      %add3A_734 = arith.addi %mul3A_722, %add3A_733 : i32
      %add3A_735 = arith.constant 3 : i32
      %add3A_736 = arith.addi %add3A_734, %add3A_735 : i32
      %lt3A_737 = arith.constant 25 : i32
      %lt3A_738 = arith.cmpi slt, %add3A_736, %lt3A_737 : i32
      %convert_element_type3A_739 = arith.extui %lt3A_738 : i1 to i32
      %cond3A_740 = arith.constant 0 : i32
      %cond3A_741 = arith.cmpi ne, %convert_element_type3A_739, %cond3A_740 : i32
      scf.if %cond3A_741 {
        %add3A_780 = arith.constant 0 : i32
        %add3A_781 = arith.addi %mul3A_722, %add3A_780 : i32
        %add3A_782 = arith.constant 3 : i32
        %add3A_783 = arith.addi %add3A_781, %add3A_782 : i32
        %dma_start3A_784 = arith.constant 0 : i32
        %dma_start3A_785 = tpu.memref_slice %arg7[%add3A_783, %dma_start3A_784] : memref<25x80xi32, #tpu.memory_space<vmem>> -> memref<1x80xi32, #tpu.memory_space<vmem>>
        %dma_start3A_786 = tpu.memref_squeeze %dma_start3A_785 : memref<1x80xi32, #tpu.memory_space<vmem>> -> memref<80xi32, #tpu.memory_space<vmem>>
        %dma_start3A_787 = arith.constant 0 : i32
        %dma_start3A_788 = arith.constant 0 : i32
        %dma_start3A_789 = tpu.memref_slice %arg4[%dma_start3A_787, %dma_start3A_788] : memref<270000x128xf32, #tpu.memory_space<hbm>> -> memref<270000x128xf32, #tpu.memory_space<hbm>>
        tpu.enqueue_indirect_dma source(%dma_start3A_789 : memref<270000x128xf32, #tpu.memory_space<hbm>>) target(%arg10 : memref<80x128xf32, #tpu.memory_space<vmem>>) offsets(%dma_start3A_786 : memref<80xi32, #tpu.memory_space<vmem>>) semaphore(%arg14 : memref<!tpu.dma_semaphore, #tpu.memory_space<semaphore_mem>>)
      } else {
      }
      %add3A_742 = arith.constant 1 : i32
      %add3A_743 = arith.addi %mul3A_722, %add3A_742 : i32
      %dma_wait3A_744 = arith.constant 0 : i32
      %dma_wait3A_745 = tpu.memref_slice %arg7[%add3A_743, %dma_wait3A_744] : memref<25x80xi32, #tpu.memory_space<vmem>> -> memref<1x80xi32, #tpu.memory_space<vmem>>
      %dma_wait3A_746 = tpu.memref_squeeze %dma_wait3A_745 : memref<1x80xi32, #tpu.memory_space<vmem>> -> memref<80xi32, #tpu.memory_space<vmem>>
      %dma_wait3A_747 = arith.constant 0 : i32
      %dma_wait3A_748 = arith.constant 0 : i32
      %dma_wait3A_749 = tpu.memref_slice %arg4[%dma_wait3A_747, %dma_wait3A_748] : memref<270000x128xf32, #tpu.memory_space<hbm>> -> memref<270000x128xf32, #tpu.memory_space<hbm>>
      tpu.wait_indirect_dma semaphore(%arg15 : memref<!tpu.dma_semaphore, #tpu.memory_space<semaphore_mem>>) src(%dma_wait3A_749 : memref<270000x128xf32, #tpu.memory_space<hbm>>) dst(%arg11 : memref<80x128xf32, #tpu.memory_space<vmem>>)
      %add3A_750 = arith.constant 1 : i32
      %add3A_751 = arith.addi %mul3A_722, %add3A_750 : i32
      "tpu.region"() ({
        %run_scoped3A_780 = tpu.sem_alloc : memref<!tpu.dma_semaphore, #tpu.memory_space<semaphore_mem>>
        %dma_start3A_781 = arith.constant 0 : i32
        %dma_start3A_782 = tpu.memref_slice %arg9[%add3A_751, %dma_start3A_781] : memref<25x80xi32, #tpu.memory_space<vmem>> -> memref<1x80xi32, #tpu.memory_space<vmem>>
        %dma_start3A_783 = tpu.memref_squeeze %dma_start3A_782 : memref<1x80xi32, #tpu.memory_space<vmem>> -> memref<80xi32, #tpu.memory_space<vmem>>
        %dma_start3A_784 = arith.constant 0 : i32
        %dma_start3A_785 = arith.constant 0 : i32
        %dma_start3A_786 = tpu.memref_slice %arg13[%dma_start3A_784, %dma_start3A_785] : memref<10000x128xf32, #tpu.memory_space<vmem_shared>> -> memref<10000x128xf32, #tpu.memory_space<vmem_shared>>
        tpu.enqueue_indirect_dma source(%arg11 : memref<80x128xf32, #tpu.memory_space<vmem>>) target(%dma_start3A_786 : memref<10000x128xf32, #tpu.memory_space<vmem_shared>>) offsets(%dma_start3A_783 : memref<80xi32, #tpu.memory_space<vmem>>) semaphore(%run_scoped3A_780 : memref<!tpu.dma_semaphore, #tpu.memory_space<semaphore_mem>>) {add = true}
        %dma_wait3A_787 = arith.constant 0 : i32
        %dma_wait3A_788 = tpu.memref_slice %arg9[%add3A_751, %dma_wait3A_787] : memref<25x80xi32, #tpu.memory_space<vmem>> -> memref<1x80xi32, #tpu.memory_space<vmem>>
        %dma_wait3A_789 = tpu.memref_squeeze %dma_wait3A_788 : memref<1x80xi32, #tpu.memory_space<vmem>> -> memref<80xi32, #tpu.memory_space<vmem>>
        %dma_wait3A_790 = arith.constant 0 : i32
        %dma_wait3A_791 = arith.constant 0 : i32
        %dma_wait3A_792 = tpu.memref_slice %arg13[%dma_wait3A_790, %dma_wait3A_791] : memref<10000x128xf32, #tpu.memory_space<vmem_shared>> -> memref<10000x128xf32, #tpu.memory_space<vmem_shared>>
        tpu.wait_indirect_dma semaphore(%run_scoped3A_780 : memref<!tpu.dma_semaphore, #tpu.memory_space<semaphore_mem>>) src(%arg11 : memref<80x128xf32, #tpu.memory_space<vmem>>) dst(%dma_wait3A_792 : memref<10000x128xf32, #tpu.memory_space<vmem_shared>>)
        tpu.yield
      }) : () -> ()
      %add3A_752 = arith.constant 1 : i32
      %add3A_753 = arith.addi %mul3A_722, %add3A_752 : i32
      %add3A_754 = arith.constant 3 : i32
      %add3A_755 = arith.addi %add3A_753, %add3A_754 : i32
      %lt3A_756 = arith.constant 25 : i32
      %lt3A_757 = arith.cmpi slt, %add3A_755, %lt3A_756 : i32
      %convert_element_type3A_758 = arith.extui %lt3A_757 : i1 to i32
      %cond3A_759 = arith.constant 0 : i32
      %cond3A_760 = arith.cmpi ne, %convert_element_type3A_758, %cond3A_759 : i32
      scf.if %cond3A_760 {
        %add3A_780 = arith.constant 1 : i32
        %add3A_781 = arith.addi %mul3A_722, %add3A_780 : i32
        %add3A_782 = arith.constant 3 : i32
        %add3A_783 = arith.addi %add3A_781, %add3A_782 : i32
        %dma_start3A_784 = arith.constant 0 : i32
        %dma_start3A_785 = tpu.memref_slice %arg7[%add3A_783, %dma_start3A_784] : memref<25x80xi32, #tpu.memory_space<vmem>> -> memref<1x80xi32, #tpu.memory_space<vmem>>
        %dma_start3A_786 = tpu.memref_squeeze %dma_start3A_785 : memref<1x80xi32, #tpu.memory_space<vmem>> -> memref<80xi32, #tpu.memory_space<vmem>>
        %dma_start3A_787 = arith.constant 0 : i32
        %dma_start3A_788 = arith.constant 0 : i32
        %dma_start3A_789 = tpu.memref_slice %arg4[%dma_start3A_787, %dma_start3A_788] : memref<270000x128xf32, #tpu.memory_space<hbm>> -> memref<270000x128xf32, #tpu.memory_space<hbm>>
        tpu.enqueue_indirect_dma source(%dma_start3A_789 : memref<270000x128xf32, #tpu.memory_space<hbm>>) target(%arg11 : memref<80x128xf32, #tpu.memory_space<vmem>>) offsets(%dma_start3A_786 : memref<80xi32, #tpu.memory_space<vmem>>) semaphore(%arg15 : memref<!tpu.dma_semaphore, #tpu.memory_space<semaphore_mem>>)
      } else {
      }
      %add3A_761 = arith.constant 2 : i32
      %add3A_762 = arith.addi %mul3A_722, %add3A_761 : i32
      %dma_wait3A_763 = arith.constant 0 : i32
      %dma_wait3A_764 = tpu.memref_slice %arg7[%add3A_762, %dma_wait3A_763] : memref<25x80xi32, #tpu.memory_space<vmem>> -> memref<1x80xi32, #tpu.memory_space<vmem>>
      %dma_wait3A_765 = tpu.memref_squeeze %dma_wait3A_764 : memref<1x80xi32, #tpu.memory_space<vmem>> -> memref<80xi32, #tpu.memory_space<vmem>>
      %dma_wait3A_766 = arith.constant 0 : i32
      %dma_wait3A_767 = arith.constant 0 : i32
      %dma_wait3A_768 = tpu.memref_slice %arg4[%dma_wait3A_766, %dma_wait3A_767] : memref<270000x128xf32, #tpu.memory_space<hbm>> -> memref<270000x128xf32, #tpu.memory_space<hbm>>
      tpu.wait_indirect_dma semaphore(%arg16 : memref<!tpu.dma_semaphore, #tpu.memory_space<semaphore_mem>>) src(%dma_wait3A_768 : memref<270000x128xf32, #tpu.memory_space<hbm>>) dst(%arg12 : memref<80x128xf32, #tpu.memory_space<vmem>>)
      %add3A_769 = arith.constant 2 : i32
      %add3A_770 = arith.addi %mul3A_722, %add3A_769 : i32
      "tpu.region"() ({
        %run_scoped3A_780 = tpu.sem_alloc : memref<!tpu.dma_semaphore, #tpu.memory_space<semaphore_mem>>
        %dma_start3A_781 = arith.constant 0 : i32
        %dma_start3A_782 = tpu.memref_slice %arg9[%add3A_770, %dma_start3A_781] : memref<25x80xi32, #tpu.memory_space<vmem>> -> memref<1x80xi32, #tpu.memory_space<vmem>>
        %dma_start3A_783 = tpu.memref_squeeze %dma_start3A_782 : memref<1x80xi32, #tpu.memory_space<vmem>> -> memref<80xi32, #tpu.memory_space<vmem>>
        %dma_start3A_784 = arith.constant 0 : i32
        %dma_start3A_785 = arith.constant 0 : i32
        %dma_start3A_786 = tpu.memref_slice %arg13[%dma_start3A_784, %dma_start3A_785] : memref<10000x128xf32, #tpu.memory_space<vmem_shared>> -> memref<10000x128xf32, #tpu.memory_space<vmem_shared>>
        tpu.enqueue_indirect_dma source(%arg12 : memref<80x128xf32, #tpu.memory_space<vmem>>) target(%dma_start3A_786 : memref<10000x128xf32, #tpu.memory_space<vmem_shared>>) offsets(%dma_start3A_783 : memref<80xi32, #tpu.memory_space<vmem>>) semaphore(%run_scoped3A_780 : memref<!tpu.dma_semaphore, #tpu.memory_space<semaphore_mem>>) {add = true}
        %dma_wait3A_787 = arith.constant 0 : i32
        %dma_wait3A_788 = tpu.memref_slice %arg9[%add3A_770, %dma_wait3A_787] : memref<25x80xi32, #tpu.memory_space<vmem>> -> memref<1x80xi32, #tpu.memory_space<vmem>>
        %dma_wait3A_789 = tpu.memref_squeeze %dma_wait3A_788 : memref<1x80xi32, #tpu.memory_space<vmem>> -> memref<80xi32, #tpu.memory_space<vmem>>
        %dma_wait3A_790 = arith.constant 0 : i32
        %dma_wait3A_791 = arith.constant 0 : i32
        %dma_wait3A_792 = tpu.memref_slice %arg13[%dma_wait3A_790, %dma_wait3A_791] : memref<10000x128xf32, #tpu.memory_space<vmem_shared>> -> memref<10000x128xf32, #tpu.memory_space<vmem_shared>>
        tpu.wait_indirect_dma semaphore(%run_scoped3A_780 : memref<!tpu.dma_semaphore, #tpu.memory_space<semaphore_mem>>) src(%arg12 : memref<80x128xf32, #tpu.memory_space<vmem>>) dst(%dma_wait3A_792 : memref<10000x128xf32, #tpu.memory_space<vmem_shared>>)
        tpu.yield
      }) : () -> ()
      %add3A_771 = arith.constant 2 : i32
      %add3A_772 = arith.addi %mul3A_722, %add3A_771 : i32
      %add3A_773 = arith.constant 3 : i32
      %add3A_774 = arith.addi %add3A_772, %add3A_773 : i32
      %lt3A_775 = arith.constant 25 : i32
      %lt3A_776 = arith.cmpi slt, %add3A_774, %lt3A_775 : i32
      %convert_element_type3A_777 = arith.extui %lt3A_776 : i1 to i32
      %cond3A_778 = arith.constant 0 : i32
      %cond3A_779 = arith.cmpi ne, %convert_element_type3A_777, %cond3A_778 : i32
      scf.if %cond3A_779 {
        %add3A_780 = arith.constant 2 : i32
        %add3A_781 = arith.addi %mul3A_722, %add3A_780 : i32
        %add3A_782 = arith.constant 3 : i32
        %add3A_783 = arith.addi %add3A_781, %add3A_782 : i32
        %dma_start3A_784 = arith.constant 0 : i32
        %dma_start3A_785 = tpu.memref_slice %arg7[%add3A_783, %dma_start3A_784] : memref<25x80xi32, #tpu.memory_space<vmem>> -> memref<1x80xi32, #tpu.memory_space<vmem>>
        %dma_start3A_786 = tpu.memref_squeeze %dma_start3A_785 : memref<1x80xi32, #tpu.memory_space<vmem>> -> memref<80xi32, #tpu.memory_space<vmem>>
        %dma_start3A_787 = arith.constant 0 : i32
        %dma_start3A_788 = arith.constant 0 : i32
        %dma_start3A_789 = tpu.memref_slice %arg4[%dma_start3A_787, %dma_start3A_788] : memref<270000x128xf32, #tpu.memory_space<hbm>> -> memref<270000x128xf32, #tpu.memory_space<hbm>>
        tpu.enqueue_indirect_dma source(%dma_start3A_789 : memref<270000x128xf32, #tpu.memory_space<hbm>>) target(%arg12 : memref<80x128xf32, #tpu.memory_space<vmem>>) offsets(%dma_start3A_786 : memref<80xi32, #tpu.memory_space<vmem>>) semaphore(%arg16 : memref<!tpu.dma_semaphore, #tpu.memory_space<semaphore_mem>>)
      } else {
      }
    }
    %scan3A_553 = arith.constant 8 : i32
    %dma_wait3A_554 = arith.constant 24 : i32
    %dma_wait3A_555 = arith.constant 0 : i32
    %dma_wait3A_556 = tpu.memref_slice %arg7[%dma_wait3A_554, %dma_wait3A_555] : memref<25x80xi32, #tpu.memory_space<vmem>> -> memref<1x80xi32, #tpu.memory_space<vmem>>
    %dma_wait3A_557 = tpu.memref_squeeze %dma_wait3A_556 : memref<1x80xi32, #tpu.memory_space<vmem>> -> memref<80xi32, #tpu.memory_space<vmem>>
    %dma_wait3A_558 = arith.constant 0 : i32
    %dma_wait3A_559 = arith.constant 0 : i32
    %dma_wait3A_560 = tpu.memref_slice %arg4[%dma_wait3A_558, %dma_wait3A_559] : memref<270000x128xf32, #tpu.memory_space<hbm>> -> memref<270000x128xf32, #tpu.memory_space<hbm>>
    tpu.wait_indirect_dma semaphore(%arg14 : memref<!tpu.dma_semaphore, #tpu.memory_space<semaphore_mem>>) src(%dma_wait3A_560 : memref<270000x128xf32, #tpu.memory_space<hbm>>) dst(%arg10 : memref<80x128xf32, #tpu.memory_space<vmem>>)
    %run_scoped3A_561 = arith.constant 24 : i32
    "tpu.region"() ({
      %run_scoped3A_720 = tpu.sem_alloc : memref<!tpu.dma_semaphore, #tpu.memory_space<semaphore_mem>>
      %dma_start3A_721 = arith.constant 0 : i32
      %dma_start3A_722 = tpu.memref_slice %arg9[%run_scoped3A_561, %dma_start3A_721] : memref<25x80xi32, #tpu.memory_space<vmem>> -> memref<1x80xi32, #tpu.memory_space<vmem>>
      %dma_start3A_723 = tpu.memref_squeeze %dma_start3A_722 : memref<1x80xi32, #tpu.memory_space<vmem>> -> memref<80xi32, #tpu.memory_space<vmem>>
      %dma_start3A_724 = arith.constant 0 : i32
      %dma_start3A_725 = arith.constant 0 : i32
      %dma_start3A_726 = tpu.memref_slice %arg13[%dma_start3A_724, %dma_start3A_725] : memref<10000x128xf32, #tpu.memory_space<vmem_shared>> -> memref<10000x128xf32, #tpu.memory_space<vmem_shared>>
      tpu.enqueue_indirect_dma source(%arg10 : memref<80x128xf32, #tpu.memory_space<vmem>>) target(%dma_start3A_726 : memref<10000x128xf32, #tpu.memory_space<vmem_shared>>) offsets(%dma_start3A_723 : memref<80xi32, #tpu.memory_space<vmem>>) semaphore(%run_scoped3A_720 : memref<!tpu.dma_semaphore, #tpu.memory_space<semaphore_mem>>) {add = true}
      %dma_wait3A_727 = arith.constant 0 : i32
      %dma_wait3A_728 = tpu.memref_slice %arg9[%run_scoped3A_561, %dma_wait3A_727] : memref<25x80xi32, #tpu.memory_space<vmem>> -> memref<1x80xi32, #tpu.memory_space<vmem>>
      %dma_wait3A_729 = tpu.memref_squeeze %dma_wait3A_728 : memref<1x80xi32, #tpu.memory_space<vmem>> -> memref<80xi32, #tpu.memory_space<vmem>>
      %dma_wait3A_730 = arith.constant 0 : i32
      %dma_wait3A_731 = arith.constant 0 : i32
      %dma_wait3A_732 = tpu.memref_slice %arg13[%dma_wait3A_730, %dma_wait3A_731] : memref<10000x128xf32, #tpu.memory_space<vmem_shared>> -> memref<10000x128xf32, #tpu.memory_space<vmem_shared>>
      tpu.wait_indirect_dma semaphore(%run_scoped3A_720 : memref<!tpu.dma_semaphore, #tpu.memory_space<semaphore_mem>>) src(%arg10 : memref<80x128xf32, #tpu.memory_space<vmem>>) dst(%dma_wait3A_732 : memref<10000x128xf32, #tpu.memory_space<vmem_shared>>)
      tpu.yield
    }) : () -> ()
    %dma_start3A_562 = arith.constant 0 : i32
    %dma_start3A_563 = arith.constant 0 : i32
    %dma_start3A_564 = tpu.memref_slice %arg6[%dma_start3A_562, %dma_start3A_563] : memref<25x80xi32, #tpu.memory_space<vmem>> -> memref<1x80xi32, #tpu.memory_space<vmem>>
    %dma_start3A_565 = tpu.memref_squeeze %dma_start3A_564 : memref<1x80xi32, #tpu.memory_space<vmem>> -> memref<80xi32, #tpu.memory_space<vmem>>
    %dma_start3A_566 = arith.constant 0 : i32
    %dma_start3A_567 = arith.constant 0 : i32
    %dma_start3A_568 = tpu.memref_slice %arg4[%dma_start3A_566, %dma_start3A_567] : memref<270000x128xf32, #tpu.memory_space<hbm>> -> memref<270000x128xf32, #tpu.memory_space<hbm>>
    tpu.enqueue_indirect_dma source(%dma_start3A_568 : memref<270000x128xf32, #tpu.memory_space<hbm>>) target(%arg10 : memref<80x128xf32, #tpu.memory_space<vmem>>) offsets(%dma_start3A_565 : memref<80xi32, #tpu.memory_space<vmem>>) semaphore(%arg14 : memref<!tpu.dma_semaphore, #tpu.memory_space<semaphore_mem>>)
    %dma_start3A_569 = arith.constant 1 : i32
    %dma_start3A_570 = arith.constant 0 : i32
    %dma_start3A_571 = tpu.memref_slice %arg6[%dma_start3A_569, %dma_start3A_570] : memref<25x80xi32, #tpu.memory_space<vmem>> -> memref<1x80xi32, #tpu.memory_space<vmem>>
    %dma_start3A_572 = tpu.memref_squeeze %dma_start3A_571 : memref<1x80xi32, #tpu.memory_space<vmem>> -> memref<80xi32, #tpu.memory_space<vmem>>
    %dma_start3A_573 = arith.constant 0 : i32
    %dma_start3A_574 = arith.constant 0 : i32
    %dma_start3A_575 = tpu.memref_slice %arg4[%dma_start3A_573, %dma_start3A_574] : memref<270000x128xf32, #tpu.memory_space<hbm>> -> memref<270000x128xf32, #tpu.memory_space<hbm>>
    tpu.enqueue_indirect_dma source(%dma_start3A_575 : memref<270000x128xf32, #tpu.memory_space<hbm>>) target(%arg11 : memref<80x128xf32, #tpu.memory_space<vmem>>) offsets(%dma_start3A_572 : memref<80xi32, #tpu.memory_space<vmem>>) semaphore(%arg15 : memref<!tpu.dma_semaphore, #tpu.memory_space<semaphore_mem>>)
    %dma_start3A_576 = arith.constant 2 : i32
    %dma_start3A_577 = arith.constant 0 : i32
    %dma_start3A_578 = tpu.memref_slice %arg6[%dma_start3A_576, %dma_start3A_577] : memref<25x80xi32, #tpu.memory_space<vmem>> -> memref<1x80xi32, #tpu.memory_space<vmem>>
    %dma_start3A_579 = tpu.memref_squeeze %dma_start3A_578 : memref<1x80xi32, #tpu.memory_space<vmem>> -> memref<80xi32, #tpu.memory_space<vmem>>
    %dma_start3A_580 = arith.constant 0 : i32
    %dma_start3A_581 = arith.constant 0 : i32
    %dma_start3A_582 = tpu.memref_slice %arg4[%dma_start3A_580, %dma_start3A_581] : memref<270000x128xf32, #tpu.memory_space<hbm>> -> memref<270000x128xf32, #tpu.memory_space<hbm>>
    tpu.enqueue_indirect_dma source(%dma_start3A_582 : memref<270000x128xf32, #tpu.memory_space<hbm>>) target(%arg12 : memref<80x128xf32, #tpu.memory_space<vmem>>) offsets(%dma_start3A_579 : memref<80xi32, #tpu.memory_space<vmem>>) semaphore(%arg16 : memref<!tpu.dma_semaphore, #tpu.memory_space<semaphore_mem>>)
    %dma_wait3A_583 = arith.constant 1 : i32
    %dma_wait3A_584 = arith.constant 4 : i32
    %dma_wait3A_585 = arith.constant 0 : i32
    %dma_wait3A_586 = arith.constant 0 : i32
    %dma_wait3A_587 = tpu.memref_slice %arg2[%dma_wait3A_583, %add3A, %dma_wait3A_584, %dma_wait3A_585, %dma_wait3A_586] : memref<2x32x5x25x80xi32, #tpu.memory_space<hbm>> -> memref<1x1x1x25x80xi32, #tpu.memory_space<hbm>>
    %dma_wait3A_588 = tpu.memref_squeeze %dma_wait3A_587 : memref<1x1x1x25x80xi32, #tpu.memory_space<hbm>> -> memref<25x80xi32, #tpu.memory_space<hbm>>
    %dma_wait3A_589 = arith.constant 0 : i32
    %dma_wait3A_590 = arith.constant 0 : i32
    %dma_wait3A_591 = tpu.memref_slice %arg2[%dma_wait3A_583, %add3A, %dma_wait3A_584, %dma_wait3A_589, %dma_wait3A_590] : memref<2x32x5x25x80xi32, #tpu.memory_space<hbm>> -> memref<1x1x1x25x80xi32, #tpu.memory_space<hbm>>
    %dma_wait3A_592 = tpu.memref_squeeze %dma_wait3A_591 : memref<1x1x1x25x80xi32, #tpu.memory_space<hbm>> -> memref<25x80xi32, #tpu.memory_space<hbm>>
    tpu.wait_dma2 semaphore(%arg17 : memref<!tpu.dma_semaphore, #tpu.memory_space<semaphore_mem>>) src(%dma_wait3A_592 : memref<25x80xi32, #tpu.memory_space<hbm>>) dst(%arg8 : memref<25x80xi32, #tpu.memory_space<vmem>>)
    %scan3A_593 = arith.constant 0 : i32
    %scan3A_594 = arith.constant 0 : i32
    %scan3A_595 = arith.constant 8 : i32
    %scan3A_596 = arith.addi %scan3A_594, %scan3A_595 : i32
    %scan3A_597 = arith.constant 1 : i32
    scf.for %scan3A_720 = %scan3A_594 to %scan3A_596 step %scan3A_597  : i32 {
      %mul3A_721 = arith.constant 3 : i32
      %mul3A_722 = arith.muli %mul3A_721, %scan3A_720 : i32
      %add3A_723 = arith.constant 0 : i32
      %add3A_724 = arith.addi %mul3A_722, %add3A_723 : i32
      %dma_wait3A_725 = arith.constant 0 : i32
      %dma_wait3A_726 = tpu.memref_slice %arg6[%add3A_724, %dma_wait3A_725] : memref<25x80xi32, #tpu.memory_space<vmem>> -> memref<1x80xi32, #tpu.memory_space<vmem>>
      %dma_wait3A_727 = tpu.memref_squeeze %dma_wait3A_726 : memref<1x80xi32, #tpu.memory_space<vmem>> -> memref<80xi32, #tpu.memory_space<vmem>>
      %dma_wait3A_728 = arith.constant 0 : i32
      %dma_wait3A_729 = arith.constant 0 : i32
      %dma_wait3A_730 = tpu.memref_slice %arg4[%dma_wait3A_728, %dma_wait3A_729] : memref<270000x128xf32, #tpu.memory_space<hbm>> -> memref<270000x128xf32, #tpu.memory_space<hbm>>
      tpu.wait_indirect_dma semaphore(%arg14 : memref<!tpu.dma_semaphore, #tpu.memory_space<semaphore_mem>>) src(%dma_wait3A_730 : memref<270000x128xf32, #tpu.memory_space<hbm>>) dst(%arg10 : memref<80x128xf32, #tpu.memory_space<vmem>>)
      %add3A_731 = arith.constant 0 : i32
      %add3A_732 = arith.addi %mul3A_722, %add3A_731 : i32
      "tpu.region"() ({
        %run_scoped3A_780 = tpu.sem_alloc : memref<!tpu.dma_semaphore, #tpu.memory_space<semaphore_mem>>
        %dma_start3A_781 = arith.constant 0 : i32
        %dma_start3A_782 = tpu.memref_slice %arg8[%add3A_732, %dma_start3A_781] : memref<25x80xi32, #tpu.memory_space<vmem>> -> memref<1x80xi32, #tpu.memory_space<vmem>>
        %dma_start3A_783 = tpu.memref_squeeze %dma_start3A_782 : memref<1x80xi32, #tpu.memory_space<vmem>> -> memref<80xi32, #tpu.memory_space<vmem>>
        %dma_start3A_784 = arith.constant 0 : i32
        %dma_start3A_785 = arith.constant 0 : i32
        %dma_start3A_786 = tpu.memref_slice %arg13[%dma_start3A_784, %dma_start3A_785] : memref<10000x128xf32, #tpu.memory_space<vmem_shared>> -> memref<10000x128xf32, #tpu.memory_space<vmem_shared>>
        tpu.enqueue_indirect_dma source(%arg10 : memref<80x128xf32, #tpu.memory_space<vmem>>) target(%dma_start3A_786 : memref<10000x128xf32, #tpu.memory_space<vmem_shared>>) offsets(%dma_start3A_783 : memref<80xi32, #tpu.memory_space<vmem>>) semaphore(%run_scoped3A_780 : memref<!tpu.dma_semaphore, #tpu.memory_space<semaphore_mem>>) {add = true}
        %dma_wait3A_787 = arith.constant 0 : i32
        %dma_wait3A_788 = tpu.memref_slice %arg8[%add3A_732, %dma_wait3A_787] : memref<25x80xi32, #tpu.memory_space<vmem>> -> memref<1x80xi32, #tpu.memory_space<vmem>>
        %dma_wait3A_789 = tpu.memref_squeeze %dma_wait3A_788 : memref<1x80xi32, #tpu.memory_space<vmem>> -> memref<80xi32, #tpu.memory_space<vmem>>
        %dma_wait3A_790 = arith.constant 0 : i32
        %dma_wait3A_791 = arith.constant 0 : i32
        %dma_wait3A_792 = tpu.memref_slice %arg13[%dma_wait3A_790, %dma_wait3A_791] : memref<10000x128xf32, #tpu.memory_space<vmem_shared>> -> memref<10000x128xf32, #tpu.memory_space<vmem_shared>>
        tpu.wait_indirect_dma semaphore(%run_scoped3A_780 : memref<!tpu.dma_semaphore, #tpu.memory_space<semaphore_mem>>) src(%arg10 : memref<80x128xf32, #tpu.memory_space<vmem>>) dst(%dma_wait3A_792 : memref<10000x128xf32, #tpu.memory_space<vmem_shared>>)
        tpu.yield
      }) : () -> ()
      %add3A_733 = arith.constant 0 : i32
      %add3A_734 = arith.addi %mul3A_722, %add3A_733 : i32
      %add3A_735 = arith.constant 3 : i32
      %add3A_736 = arith.addi %add3A_734, %add3A_735 : i32
      %lt3A_737 = arith.constant 25 : i32
      %lt3A_738 = arith.cmpi slt, %add3A_736, %lt3A_737 : i32
      %convert_element_type3A_739 = arith.extui %lt3A_738 : i1 to i32
      %cond3A_740 = arith.constant 0 : i32
      %cond3A_741 = arith.cmpi ne, %convert_element_type3A_739, %cond3A_740 : i32
      scf.if %cond3A_741 {
        %add3A_780 = arith.constant 0 : i32
        %add3A_781 = arith.addi %mul3A_722, %add3A_780 : i32
        %add3A_782 = arith.constant 3 : i32
        %add3A_783 = arith.addi %add3A_781, %add3A_782 : i32
        %dma_start3A_784 = arith.constant 0 : i32
        %dma_start3A_785 = tpu.memref_slice %arg6[%add3A_783, %dma_start3A_784] : memref<25x80xi32, #tpu.memory_space<vmem>> -> memref<1x80xi32, #tpu.memory_space<vmem>>
        %dma_start3A_786 = tpu.memref_squeeze %dma_start3A_785 : memref<1x80xi32, #tpu.memory_space<vmem>> -> memref<80xi32, #tpu.memory_space<vmem>>
        %dma_start3A_787 = arith.constant 0 : i32
        %dma_start3A_788 = arith.constant 0 : i32
        %dma_start3A_789 = tpu.memref_slice %arg4[%dma_start3A_787, %dma_start3A_788] : memref<270000x128xf32, #tpu.memory_space<hbm>> -> memref<270000x128xf32, #tpu.memory_space<hbm>>
        tpu.enqueue_indirect_dma source(%dma_start3A_789 : memref<270000x128xf32, #tpu.memory_space<hbm>>) target(%arg10 : memref<80x128xf32, #tpu.memory_space<vmem>>) offsets(%dma_start3A_786 : memref<80xi32, #tpu.memory_space<vmem>>) semaphore(%arg14 : memref<!tpu.dma_semaphore, #tpu.memory_space<semaphore_mem>>)
      } else {
      }
      %add3A_742 = arith.constant 1 : i32
      %add3A_743 = arith.addi %mul3A_722, %add3A_742 : i32
      %dma_wait3A_744 = arith.constant 0 : i32
      %dma_wait3A_745 = tpu.memref_slice %arg6[%add3A_743, %dma_wait3A_744] : memref<25x80xi32, #tpu.memory_space<vmem>> -> memref<1x80xi32, #tpu.memory_space<vmem>>
      %dma_wait3A_746 = tpu.memref_squeeze %dma_wait3A_745 : memref<1x80xi32, #tpu.memory_space<vmem>> -> memref<80xi32, #tpu.memory_space<vmem>>
      %dma_wait3A_747 = arith.constant 0 : i32
      %dma_wait3A_748 = arith.constant 0 : i32
      %dma_wait3A_749 = tpu.memref_slice %arg4[%dma_wait3A_747, %dma_wait3A_748] : memref<270000x128xf32, #tpu.memory_space<hbm>> -> memref<270000x128xf32, #tpu.memory_space<hbm>>
      tpu.wait_indirect_dma semaphore(%arg15 : memref<!tpu.dma_semaphore, #tpu.memory_space<semaphore_mem>>) src(%dma_wait3A_749 : memref<270000x128xf32, #tpu.memory_space<hbm>>) dst(%arg11 : memref<80x128xf32, #tpu.memory_space<vmem>>)
      %add3A_750 = arith.constant 1 : i32
      %add3A_751 = arith.addi %mul3A_722, %add3A_750 : i32
      "tpu.region"() ({
        %run_scoped3A_780 = tpu.sem_alloc : memref<!tpu.dma_semaphore, #tpu.memory_space<semaphore_mem>>
        %dma_start3A_781 = arith.constant 0 : i32
        %dma_start3A_782 = tpu.memref_slice %arg8[%add3A_751, %dma_start3A_781] : memref<25x80xi32, #tpu.memory_space<vmem>> -> memref<1x80xi32, #tpu.memory_space<vmem>>
        %dma_start3A_783 = tpu.memref_squeeze %dma_start3A_782 : memref<1x80xi32, #tpu.memory_space<vmem>> -> memref<80xi32, #tpu.memory_space<vmem>>
        %dma_start3A_784 = arith.constant 0 : i32
        %dma_start3A_785 = arith.constant 0 : i32
        %dma_start3A_786 = tpu.memref_slice %arg13[%dma_start3A_784, %dma_start3A_785] : memref<10000x128xf32, #tpu.memory_space<vmem_shared>> -> memref<10000x128xf32, #tpu.memory_space<vmem_shared>>
        tpu.enqueue_indirect_dma source(%arg11 : memref<80x128xf32, #tpu.memory_space<vmem>>) target(%dma_start3A_786 : memref<10000x128xf32, #tpu.memory_space<vmem_shared>>) offsets(%dma_start3A_783 : memref<80xi32, #tpu.memory_space<vmem>>) semaphore(%run_scoped3A_780 : memref<!tpu.dma_semaphore, #tpu.memory_space<semaphore_mem>>) {add = true}
        %dma_wait3A_787 = arith.constant 0 : i32
        %dma_wait3A_788 = tpu.memref_slice %arg8[%add3A_751, %dma_wait3A_787] : memref<25x80xi32, #tpu.memory_space<vmem>> -> memref<1x80xi32, #tpu.memory_space<vmem>>
        %dma_wait3A_789 = tpu.memref_squeeze %dma_wait3A_788 : memref<1x80xi32, #tpu.memory_space<vmem>> -> memref<80xi32, #tpu.memory_space<vmem>>
        %dma_wait3A_790 = arith.constant 0 : i32
        %dma_wait3A_791 = arith.constant 0 : i32
        %dma_wait3A_792 = tpu.memref_slice %arg13[%dma_wait3A_790, %dma_wait3A_791] : memref<10000x128xf32, #tpu.memory_space<vmem_shared>> -> memref<10000x128xf32, #tpu.memory_space<vmem_shared>>
        tpu.wait_indirect_dma semaphore(%run_scoped3A_780 : memref<!tpu.dma_semaphore, #tpu.memory_space<semaphore_mem>>) src(%arg11 : memref<80x128xf32, #tpu.memory_space<vmem>>) dst(%dma_wait3A_792 : memref<10000x128xf32, #tpu.memory_space<vmem_shared>>)
        tpu.yield
      }) : () -> ()
      %add3A_752 = arith.constant 1 : i32
      %add3A_753 = arith.addi %mul3A_722, %add3A_752 : i32
      %add3A_754 = arith.constant 3 : i32
      %add3A_755 = arith.addi %add3A_753, %add3A_754 : i32
      %lt3A_756 = arith.constant 25 : i32
      %lt3A_757 = arith.cmpi slt, %add3A_755, %lt3A_756 : i32
      %convert_element_type3A_758 = arith.extui %lt3A_757 : i1 to i32
      %cond3A_759 = arith.constant 0 : i32
      %cond3A_760 = arith.cmpi ne, %convert_element_type3A_758, %cond3A_759 : i32
      scf.if %cond3A_760 {
        %add3A_780 = arith.constant 1 : i32
        %add3A_781 = arith.addi %mul3A_722, %add3A_780 : i32
        %add3A_782 = arith.constant 3 : i32
        %add3A_783 = arith.addi %add3A_781, %add3A_782 : i32
        %dma_start3A_784 = arith.constant 0 : i32
        %dma_start3A_785 = tpu.memref_slice %arg6[%add3A_783, %dma_start3A_784] : memref<25x80xi32, #tpu.memory_space<vmem>> -> memref<1x80xi32, #tpu.memory_space<vmem>>
        %dma_start3A_786 = tpu.memref_squeeze %dma_start3A_785 : memref<1x80xi32, #tpu.memory_space<vmem>> -> memref<80xi32, #tpu.memory_space<vmem>>
        %dma_start3A_787 = arith.constant 0 : i32
        %dma_start3A_788 = arith.constant 0 : i32
        %dma_start3A_789 = tpu.memref_slice %arg4[%dma_start3A_787, %dma_start3A_788] : memref<270000x128xf32, #tpu.memory_space<hbm>> -> memref<270000x128xf32, #tpu.memory_space<hbm>>
        tpu.enqueue_indirect_dma source(%dma_start3A_789 : memref<270000x128xf32, #tpu.memory_space<hbm>>) target(%arg11 : memref<80x128xf32, #tpu.memory_space<vmem>>) offsets(%dma_start3A_786 : memref<80xi32, #tpu.memory_space<vmem>>) semaphore(%arg15 : memref<!tpu.dma_semaphore, #tpu.memory_space<semaphore_mem>>)
      } else {
      }
      %add3A_761 = arith.constant 2 : i32
      %add3A_762 = arith.addi %mul3A_722, %add3A_761 : i32
      %dma_wait3A_763 = arith.constant 0 : i32
      %dma_wait3A_764 = tpu.memref_slice %arg6[%add3A_762, %dma_wait3A_763] : memref<25x80xi32, #tpu.memory_space<vmem>> -> memref<1x80xi32, #tpu.memory_space<vmem>>
      %dma_wait3A_765 = tpu.memref_squeeze %dma_wait3A_764 : memref<1x80xi32, #tpu.memory_space<vmem>> -> memref<80xi32, #tpu.memory_space<vmem>>
      %dma_wait3A_766 = arith.constant 0 : i32
      %dma_wait3A_767 = arith.constant 0 : i32
      %dma_wait3A_768 = tpu.memref_slice %arg4[%dma_wait3A_766, %dma_wait3A_767] : memref<270000x128xf32, #tpu.memory_space<hbm>> -> memref<270000x128xf32, #tpu.memory_space<hbm>>
      tpu.wait_indirect_dma semaphore(%arg16 : memref<!tpu.dma_semaphore, #tpu.memory_space<semaphore_mem>>) src(%dma_wait3A_768 : memref<270000x128xf32, #tpu.memory_space<hbm>>) dst(%arg12 : memref<80x128xf32, #tpu.memory_space<vmem>>)
      %add3A_769 = arith.constant 2 : i32
      %add3A_770 = arith.addi %mul3A_722, %add3A_769 : i32
      "tpu.region"() ({
        %run_scoped3A_780 = tpu.sem_alloc : memref<!tpu.dma_semaphore, #tpu.memory_space<semaphore_mem>>
        %dma_start3A_781 = arith.constant 0 : i32
        %dma_start3A_782 = tpu.memref_slice %arg8[%add3A_770, %dma_start3A_781] : memref<25x80xi32, #tpu.memory_space<vmem>> -> memref<1x80xi32, #tpu.memory_space<vmem>>
        %dma_start3A_783 = tpu.memref_squeeze %dma_start3A_782 : memref<1x80xi32, #tpu.memory_space<vmem>> -> memref<80xi32, #tpu.memory_space<vmem>>
        %dma_start3A_784 = arith.constant 0 : i32
        %dma_start3A_785 = arith.constant 0 : i32
        %dma_start3A_786 = tpu.memref_slice %arg13[%dma_start3A_784, %dma_start3A_785] : memref<10000x128xf32, #tpu.memory_space<vmem_shared>> -> memref<10000x128xf32, #tpu.memory_space<vmem_shared>>
        tpu.enqueue_indirect_dma source(%arg12 : memref<80x128xf32, #tpu.memory_space<vmem>>) target(%dma_start3A_786 : memref<10000x128xf32, #tpu.memory_space<vmem_shared>>) offsets(%dma_start3A_783 : memref<80xi32, #tpu.memory_space<vmem>>) semaphore(%run_scoped3A_780 : memref<!tpu.dma_semaphore, #tpu.memory_space<semaphore_mem>>) {add = true}
        %dma_wait3A_787 = arith.constant 0 : i32
        %dma_wait3A_788 = tpu.memref_slice %arg8[%add3A_770, %dma_wait3A_787] : memref<25x80xi32, #tpu.memory_space<vmem>> -> memref<1x80xi32, #tpu.memory_space<vmem>>
        %dma_wait3A_789 = tpu.memref_squeeze %dma_wait3A_788 : memref<1x80xi32, #tpu.memory_space<vmem>> -> memref<80xi32, #tpu.memory_space<vmem>>
        %dma_wait3A_790 = arith.constant 0 : i32
        %dma_wait3A_791 = arith.constant 0 : i32
        %dma_wait3A_792 = tpu.memref_slice %arg13[%dma_wait3A_790, %dma_wait3A_791] : memref<10000x128xf32, #tpu.memory_space<vmem_shared>> -> memref<10000x128xf32, #tpu.memory_space<vmem_shared>>
        tpu.wait_indirect_dma semaphore(%run_scoped3A_780 : memref<!tpu.dma_semaphore, #tpu.memory_space<semaphore_mem>>) src(%arg12 : memref<80x128xf32, #tpu.memory_space<vmem>>) dst(%dma_wait3A_792 : memref<10000x128xf32, #tpu.memory_space<vmem_shared>>)
        tpu.yield
      }) : () -> ()
      %add3A_771 = arith.constant 2 : i32
      %add3A_772 = arith.addi %mul3A_722, %add3A_771 : i32
      %add3A_773 = arith.constant 3 : i32
      %add3A_774 = arith.addi %add3A_772, %add3A_773 : i32
      %lt3A_775 = arith.constant 25 : i32
      %lt3A_776 = arith.cmpi slt, %add3A_774, %lt3A_775 : i32
      %convert_element_type3A_777 = arith.extui %lt3A_776 : i1 to i32
      %cond3A_778 = arith.constant 0 : i32
      %cond3A_779 = arith.cmpi ne, %convert_element_type3A_777, %cond3A_778 : i32
      scf.if %cond3A_779 {
        %add3A_780 = arith.constant 2 : i32
        %add3A_781 = arith.addi %mul3A_722, %add3A_780 : i32
        %add3A_782 = arith.constant 3 : i32
        %add3A_783 = arith.addi %add3A_781, %add3A_782 : i32
        %dma_start3A_784 = arith.constant 0 : i32
        %dma_start3A_785 = tpu.memref_slice %arg6[%add3A_783, %dma_start3A_784] : memref<25x80xi32, #tpu.memory_space<vmem>> -> memref<1x80xi32, #tpu.memory_space<vmem>>
        %dma_start3A_786 = tpu.memref_squeeze %dma_start3A_785 : memref<1x80xi32, #tpu.memory_space<vmem>> -> memref<80xi32, #tpu.memory_space<vmem>>
        %dma_start3A_787 = arith.constant 0 : i32
        %dma_start3A_788 = arith.constant 0 : i32
        %dma_start3A_789 = tpu.memref_slice %arg4[%dma_start3A_787, %dma_start3A_788] : memref<270000x128xf32, #tpu.memory_space<hbm>> -> memref<270000x128xf32, #tpu.memory_space<hbm>>
        tpu.enqueue_indirect_dma source(%dma_start3A_789 : memref<270000x128xf32, #tpu.memory_space<hbm>>) target(%arg12 : memref<80x128xf32, #tpu.memory_space<vmem>>) offsets(%dma_start3A_786 : memref<80xi32, #tpu.memory_space<vmem>>) semaphore(%arg16 : memref<!tpu.dma_semaphore, #tpu.memory_space<semaphore_mem>>)
      } else {
      }
    }
    %scan3A_598 = arith.constant 8 : i32
    %dma_wait3A_599 = arith.constant 24 : i32
    %dma_wait3A_600 = arith.constant 0 : i32
    %dma_wait3A_601 = tpu.memref_slice %arg6[%dma_wait3A_599, %dma_wait3A_600] : memref<25x80xi32, #tpu.memory_space<vmem>> -> memref<1x80xi32, #tpu.memory_space<vmem>>
    %dma_wait3A_602 = tpu.memref_squeeze %dma_wait3A_601 : memref<1x80xi32, #tpu.memory_space<vmem>> -> memref<80xi32, #tpu.memory_space<vmem>>
    %dma_wait3A_603 = arith.constant 0 : i32
    %dma_wait3A_604 = arith.constant 0 : i32
    %dma_wait3A_605 = tpu.memref_slice %arg4[%dma_wait3A_603, %dma_wait3A_604] : memref<270000x128xf32, #tpu.memory_space<hbm>> -> memref<270000x128xf32, #tpu.memory_space<hbm>>
    tpu.wait_indirect_dma semaphore(%arg14 : memref<!tpu.dma_semaphore, #tpu.memory_space<semaphore_mem>>) src(%dma_wait3A_605 : memref<270000x128xf32, #tpu.memory_space<hbm>>) dst(%arg10 : memref<80x128xf32, #tpu.memory_space<vmem>>)
    %run_scoped3A_606 = arith.constant 24 : i32
    "tpu.region"() ({
      %run_scoped3A_720 = tpu.sem_alloc : memref<!tpu.dma_semaphore, #tpu.memory_space<semaphore_mem>>
      %dma_start3A_721 = arith.constant 0 : i32
      %dma_start3A_722 = tpu.memref_slice %arg8[%run_scoped3A_606, %dma_start3A_721] : memref<25x80xi32, #tpu.memory_space<vmem>> -> memref<1x80xi32, #tpu.memory_space<vmem>>
      %dma_start3A_723 = tpu.memref_squeeze %dma_start3A_722 : memref<1x80xi32, #tpu.memory_space<vmem>> -> memref<80xi32, #tpu.memory_space<vmem>>
      %dma_start3A_724 = arith.constant 0 : i32
      %dma_start3A_725 = arith.constant 0 : i32
      %dma_start3A_726 = tpu.memref_slice %arg13[%dma_start3A_724, %dma_start3A_725] : memref<10000x128xf32, #tpu.memory_space<vmem_shared>> -> memref<10000x128xf32, #tpu.memory_space<vmem_shared>>
      tpu.enqueue_indirect_dma source(%arg10 : memref<80x128xf32, #tpu.memory_space<vmem>>) target(%dma_start3A_726 : memref<10000x128xf32, #tpu.memory_space<vmem_shared>>) offsets(%dma_start3A_723 : memref<80xi32, #tpu.memory_space<vmem>>) semaphore(%run_scoped3A_720 : memref<!tpu.dma_semaphore, #tpu.memory_space<semaphore_mem>>) {add = true}
      %dma_wait3A_727 = arith.constant 0 : i32
      %dma_wait3A_728 = tpu.memref_slice %arg8[%run_scoped3A_606, %dma_wait3A_727] : memref<25x80xi32, #tpu.memory_space<vmem>> -> memref<1x80xi32, #tpu.memory_space<vmem>>
      %dma_wait3A_729 = tpu.memref_squeeze %dma_wait3A_728 : memref<1x80xi32, #tpu.memory_space<vmem>> -> memref<80xi32, #tpu.memory_space<vmem>>
      %dma_wait3A_730 = arith.constant 0 : i32
      %dma_wait3A_731 = arith.constant 0 : i32
      %dma_wait3A_732 = tpu.memref_slice %arg13[%dma_wait3A_730, %dma_wait3A_731] : memref<10000x128xf32, #tpu.memory_space<vmem_shared>> -> memref<10000x128xf32, #tpu.memory_space<vmem_shared>>
      tpu.wait_indirect_dma semaphore(%run_scoped3A_720 : memref<!tpu.dma_semaphore, #tpu.memory_space<semaphore_mem>>) src(%arg10 : memref<80x128xf32, #tpu.memory_space<vmem>>) dst(%dma_wait3A_732 : memref<10000x128xf32, #tpu.memory_space<vmem_shared>>)
      tpu.yield
    }) : () -> ()
    %barrier3A_607 = arith.constant 0 : index
    tpu.barrier barrier_id(%barrier3A_607)
    %add3A_608 = arith.constant 0 : i32
    %add3A_609 = arith.addi %arg1, %add3A_608 : i32
    %lt3A_610 = arith.constant 125 : i32
    %lt3A_611 = arith.cmpi slt, %add3A_609, %lt3A_610 : i32
    %convert_element_type3A_612 = arith.extui %lt3A_611 : i1 to i32
    %cond3A_613 = arith.constant 0 : i32
    %cond3A_614 = arith.cmpi ne, %convert_element_type3A_612, %cond3A_613 : i32
    scf.if %cond3A_614 {
      %mul3A_720 = arith.constant 80 : i32
      %mul3A_721 = arith.muli %add3A_609, %mul3A_720 : i32
      %mul3A_722 = arith.constant 80 : i32
      %mul3A_723 = arith.muli %add3A_609, %mul3A_722 : i32
      %dma_start3A_724 = arith.constant 0 : i32
      %dma_start3A_725 = tpu.memref_slice %arg5[%arg0, %mul3A_723, %dma_start3A_724] : memref<2x10000x128xf32, #tpu.memory_space<hbm>> -> memref<1x80x128xf32, #tpu.memory_space<hbm>>
      %dma_start3A_726 = tpu.memref_squeeze %dma_start3A_725 : memref<1x80x128xf32, #tpu.memory_space<hbm>> -> memref<80x128xf32, #tpu.memory_space<hbm>>
      %dma_start3A_727 = arith.constant 0 : i32
      %dma_start3A_728 = tpu.memref_slice %arg13[%mul3A_721, %dma_start3A_727] : memref<10000x128xf32, #tpu.memory_space<vmem_shared>> -> memref<80x128xf32, #tpu.memory_space<vmem_shared>>
      tpu.enqueue_dma source(%dma_start3A_728 : memref<80x128xf32, #tpu.memory_space<vmem_shared>>) target(%dma_start3A_726 : memref<80x128xf32, #tpu.memory_space<hbm>>) target_semaphore(%arg14 : memref<!tpu.dma_semaphore, #tpu.memory_space<semaphore_mem>>)
    } else {
    }
    %add3A_615 = arith.constant 16 : i32
    %add3A_616 = arith.addi %arg1, %add3A_615 : i32
    %lt3A_617 = arith.constant 125 : i32
    %lt3A_618 = arith.cmpi slt, %add3A_616, %lt3A_617 : i32
    %convert_element_type3A_619 = arith.extui %lt3A_618 : i1 to i32
    %cond3A_620 = arith.constant 0 : i32
    %cond3A_621 = arith.cmpi ne, %convert_element_type3A_619, %cond3A_620 : i32
    scf.if %cond3A_621 {
      %mul3A_720 = arith.constant 80 : i32
      %mul3A_721 = arith.muli %add3A_616, %mul3A_720 : i32
      %mul3A_722 = arith.constant 80 : i32
      %mul3A_723 = arith.muli %add3A_616, %mul3A_722 : i32
      %dma_start3A_724 = arith.constant 0 : i32
      %dma_start3A_725 = tpu.memref_slice %arg5[%arg0, %mul3A_723, %dma_start3A_724] : memref<2x10000x128xf32, #tpu.memory_space<hbm>> -> memref<1x80x128xf32, #tpu.memory_space<hbm>>
      %dma_start3A_726 = tpu.memref_squeeze %dma_start3A_725 : memref<1x80x128xf32, #tpu.memory_space<hbm>> -> memref<80x128xf32, #tpu.memory_space<hbm>>
      %dma_start3A_727 = arith.constant 0 : i32
      %dma_start3A_728 = tpu.memref_slice %arg13[%mul3A_721, %dma_start3A_727] : memref<10000x128xf32, #tpu.memory_space<vmem_shared>> -> memref<80x128xf32, #tpu.memory_space<vmem_shared>>
      tpu.enqueue_dma source(%dma_start3A_728 : memref<80x128xf32, #tpu.memory_space<vmem_shared>>) target(%dma_start3A_726 : memref<80x128xf32, #tpu.memory_space<hbm>>) target_semaphore(%arg14 : memref<!tpu.dma_semaphore, #tpu.memory_space<semaphore_mem>>)
    } else {
    }
    %add3A_622 = arith.constant 32 : i32
    %add3A_623 = arith.addi %arg1, %add3A_622 : i32
    %lt3A_624 = arith.constant 125 : i32
    %lt3A_625 = arith.cmpi slt, %add3A_623, %lt3A_624 : i32
    %convert_element_type3A_626 = arith.extui %lt3A_625 : i1 to i32
    %cond3A_627 = arith.constant 0 : i32
    %cond3A_628 = arith.cmpi ne, %convert_element_type3A_626, %cond3A_627 : i32
    scf.if %cond3A_628 {
      %mul3A_720 = arith.constant 80 : i32
      %mul3A_721 = arith.muli %add3A_623, %mul3A_720 : i32
      %mul3A_722 = arith.constant 80 : i32
      %mul3A_723 = arith.muli %add3A_623, %mul3A_722 : i32
      %dma_start3A_724 = arith.constant 0 : i32
      %dma_start3A_725 = tpu.memref_slice %arg5[%arg0, %mul3A_723, %dma_start3A_724] : memref<2x10000x128xf32, #tpu.memory_space<hbm>> -> memref<1x80x128xf32, #tpu.memory_space<hbm>>
      %dma_start3A_726 = tpu.memref_squeeze %dma_start3A_725 : memref<1x80x128xf32, #tpu.memory_space<hbm>> -> memref<80x128xf32, #tpu.memory_space<hbm>>
      %dma_start3A_727 = arith.constant 0 : i32
      %dma_start3A_728 = tpu.memref_slice %arg13[%mul3A_721, %dma_start3A_727] : memref<10000x128xf32, #tpu.memory_space<vmem_shared>> -> memref<80x128xf32, #tpu.memory_space<vmem_shared>>
      tpu.enqueue_dma source(%dma_start3A_728 : memref<80x128xf32, #tpu.memory_space<vmem_shared>>) target(%dma_start3A_726 : memref<80x128xf32, #tpu.memory_space<hbm>>) target_semaphore(%arg14 : memref<!tpu.dma_semaphore, #tpu.memory_space<semaphore_mem>>)
    } else {
    }
    %add3A_629 = arith.constant 48 : i32
    %add3A_630 = arith.addi %arg1, %add3A_629 : i32
    %lt3A_631 = arith.constant 125 : i32
    %lt3A_632 = arith.cmpi slt, %add3A_630, %lt3A_631 : i32
    %convert_element_type3A_633 = arith.extui %lt3A_632 : i1 to i32
    %cond3A_634 = arith.constant 0 : i32
    %cond3A_635 = arith.cmpi ne, %convert_element_type3A_633, %cond3A_634 : i32
    scf.if %cond3A_635 {
      %mul3A_720 = arith.constant 80 : i32
      %mul3A_721 = arith.muli %add3A_630, %mul3A_720 : i32
      %mul3A_722 = arith.constant 80 : i32
      %mul3A_723 = arith.muli %add3A_630, %mul3A_722 : i32
      %dma_start3A_724 = arith.constant 0 : i32
      %dma_start3A_725 = tpu.memref_slice %arg5[%arg0, %mul3A_723, %dma_start3A_724] : memref<2x10000x128xf32, #tpu.memory_space<hbm>> -> memref<1x80x128xf32, #tpu.memory_space<hbm>>
      %dma_start3A_726 = tpu.memref_squeeze %dma_start3A_725 : memref<1x80x128xf32, #tpu.memory_space<hbm>> -> memref<80x128xf32, #tpu.memory_space<hbm>>
      %dma_start3A_727 = arith.constant 0 : i32
      %dma_start3A_728 = tpu.memref_slice %arg13[%mul3A_721, %dma_start3A_727] : memref<10000x128xf32, #tpu.memory_space<vmem_shared>> -> memref<80x128xf32, #tpu.memory_space<vmem_shared>>
      tpu.enqueue_dma source(%dma_start3A_728 : memref<80x128xf32, #tpu.memory_space<vmem_shared>>) target(%dma_start3A_726 : memref<80x128xf32, #tpu.memory_space<hbm>>) target_semaphore(%arg14 : memref<!tpu.dma_semaphore, #tpu.memory_space<semaphore_mem>>)
    } else {
    }
    %add3A_636 = arith.constant 64 : i32
    %add3A_637 = arith.addi %arg1, %add3A_636 : i32
    %lt3A_638 = arith.constant 125 : i32
    %lt3A_639 = arith.cmpi slt, %add3A_637, %lt3A_638 : i32
    %convert_element_type3A_640 = arith.extui %lt3A_639 : i1 to i32
    %cond3A_641 = arith.constant 0 : i32
    %cond3A_642 = arith.cmpi ne, %convert_element_type3A_640, %cond3A_641 : i32
    scf.if %cond3A_642 {
      %mul3A_720 = arith.constant 80 : i32
      %mul3A_721 = arith.muli %add3A_637, %mul3A_720 : i32
      %mul3A_722 = arith.constant 80 : i32
      %mul3A_723 = arith.muli %add3A_637, %mul3A_722 : i32
      %dma_start3A_724 = arith.constant 0 : i32
      %dma_start3A_725 = tpu.memref_slice %arg5[%arg0, %mul3A_723, %dma_start3A_724] : memref<2x10000x128xf32, #tpu.memory_space<hbm>> -> memref<1x80x128xf32, #tpu.memory_space<hbm>>
      %dma_start3A_726 = tpu.memref_squeeze %dma_start3A_725 : memref<1x80x128xf32, #tpu.memory_space<hbm>> -> memref<80x128xf32, #tpu.memory_space<hbm>>
      %dma_start3A_727 = arith.constant 0 : i32
      %dma_start3A_728 = tpu.memref_slice %arg13[%mul3A_721, %dma_start3A_727] : memref<10000x128xf32, #tpu.memory_space<vmem_shared>> -> memref<80x128xf32, #tpu.memory_space<vmem_shared>>
      tpu.enqueue_dma source(%dma_start3A_728 : memref<80x128xf32, #tpu.memory_space<vmem_shared>>) target(%dma_start3A_726 : memref<80x128xf32, #tpu.memory_space<hbm>>) target_semaphore(%arg14 : memref<!tpu.dma_semaphore, #tpu.memory_space<semaphore_mem>>)
    } else {
    }
    %add3A_643 = arith.constant 80 : i32
    %add3A_644 = arith.addi %arg1, %add3A_643 : i32
    %lt3A_645 = arith.constant 125 : i32
    %lt3A_646 = arith.cmpi slt, %add3A_644, %lt3A_645 : i32
    %convert_element_type3A_647 = arith.extui %lt3A_646 : i1 to i32
    %cond3A_648 = arith.constant 0 : i32
    %cond3A_649 = arith.cmpi ne, %convert_element_type3A_647, %cond3A_648 : i32
    scf.if %cond3A_649 {
      %mul3A_720 = arith.constant 80 : i32
      %mul3A_721 = arith.muli %add3A_644, %mul3A_720 : i32
      %mul3A_722 = arith.constant 80 : i32
      %mul3A_723 = arith.muli %add3A_644, %mul3A_722 : i32
      %dma_start3A_724 = arith.constant 0 : i32
      %dma_start3A_725 = tpu.memref_slice %arg5[%arg0, %mul3A_723, %dma_start3A_724] : memref<2x10000x128xf32, #tpu.memory_space<hbm>> -> memref<1x80x128xf32, #tpu.memory_space<hbm>>
      %dma_start3A_726 = tpu.memref_squeeze %dma_start3A_725 : memref<1x80x128xf32, #tpu.memory_space<hbm>> -> memref<80x128xf32, #tpu.memory_space<hbm>>
      %dma_start3A_727 = arith.constant 0 : i32
      %dma_start3A_728 = tpu.memref_slice %arg13[%mul3A_721, %dma_start3A_727] : memref<10000x128xf32, #tpu.memory_space<vmem_shared>> -> memref<80x128xf32, #tpu.memory_space<vmem_shared>>
      tpu.enqueue_dma source(%dma_start3A_728 : memref<80x128xf32, #tpu.memory_space<vmem_shared>>) target(%dma_start3A_726 : memref<80x128xf32, #tpu.memory_space<hbm>>) target_semaphore(%arg14 : memref<!tpu.dma_semaphore, #tpu.memory_space<semaphore_mem>>)
    } else {
    }
    %add3A_650 = arith.constant 96 : i32
    %add3A_651 = arith.addi %arg1, %add3A_650 : i32
    %lt3A_652 = arith.constant 125 : i32
    %lt3A_653 = arith.cmpi slt, %add3A_651, %lt3A_652 : i32
    %convert_element_type3A_654 = arith.extui %lt3A_653 : i1 to i32
    %cond3A_655 = arith.constant 0 : i32
    %cond3A_656 = arith.cmpi ne, %convert_element_type3A_654, %cond3A_655 : i32
    scf.if %cond3A_656 {
      %mul3A_720 = arith.constant 80 : i32
      %mul3A_721 = arith.muli %add3A_651, %mul3A_720 : i32
      %mul3A_722 = arith.constant 80 : i32
      %mul3A_723 = arith.muli %add3A_651, %mul3A_722 : i32
      %dma_start3A_724 = arith.constant 0 : i32
      %dma_start3A_725 = tpu.memref_slice %arg5[%arg0, %mul3A_723, %dma_start3A_724] : memref<2x10000x128xf32, #tpu.memory_space<hbm>> -> memref<1x80x128xf32, #tpu.memory_space<hbm>>
      %dma_start3A_726 = tpu.memref_squeeze %dma_start3A_725 : memref<1x80x128xf32, #tpu.memory_space<hbm>> -> memref<80x128xf32, #tpu.memory_space<hbm>>
      %dma_start3A_727 = arith.constant 0 : i32
      %dma_start3A_728 = tpu.memref_slice %arg13[%mul3A_721, %dma_start3A_727] : memref<10000x128xf32, #tpu.memory_space<vmem_shared>> -> memref<80x128xf32, #tpu.memory_space<vmem_shared>>
      tpu.enqueue_dma source(%dma_start3A_728 : memref<80x128xf32, #tpu.memory_space<vmem_shared>>) target(%dma_start3A_726 : memref<80x128xf32, #tpu.memory_space<hbm>>) target_semaphore(%arg14 : memref<!tpu.dma_semaphore, #tpu.memory_space<semaphore_mem>>)
    } else {
    }
    %add3A_657 = arith.constant 112 : i32
    %add3A_658 = arith.addi %arg1, %add3A_657 : i32
    %lt3A_659 = arith.constant 125 : i32
    %lt3A_660 = arith.cmpi slt, %add3A_658, %lt3A_659 : i32
    %convert_element_type3A_661 = arith.extui %lt3A_660 : i1 to i32
    %cond3A_662 = arith.constant 0 : i32
    %cond3A_663 = arith.cmpi ne, %convert_element_type3A_661, %cond3A_662 : i32
    scf.if %cond3A_663 {
      %mul3A_720 = arith.constant 80 : i32
      %mul3A_721 = arith.muli %add3A_658, %mul3A_720 : i32
      %mul3A_722 = arith.constant 80 : i32
      %mul3A_723 = arith.muli %add3A_658, %mul3A_722 : i32
      %dma_start3A_724 = arith.constant 0 : i32
      %dma_start3A_725 = tpu.memref_slice %arg5[%arg0, %mul3A_723, %dma_start3A_724] : memref<2x10000x128xf32, #tpu.memory_space<hbm>> -> memref<1x80x128xf32, #tpu.memory_space<hbm>>
      %dma_start3A_726 = tpu.memref_squeeze %dma_start3A_725 : memref<1x80x128xf32, #tpu.memory_space<hbm>> -> memref<80x128xf32, #tpu.memory_space<hbm>>
      %dma_start3A_727 = arith.constant 0 : i32
      %dma_start3A_728 = tpu.memref_slice %arg13[%mul3A_721, %dma_start3A_727] : memref<10000x128xf32, #tpu.memory_space<vmem_shared>> -> memref<80x128xf32, #tpu.memory_space<vmem_shared>>
      tpu.enqueue_dma source(%dma_start3A_728 : memref<80x128xf32, #tpu.memory_space<vmem_shared>>) target(%dma_start3A_726 : memref<80x128xf32, #tpu.memory_space<hbm>>) target_semaphore(%arg14 : memref<!tpu.dma_semaphore, #tpu.memory_space<semaphore_mem>>)
    } else {
    }
    %add3A_664 = arith.constant 0 : i32
    %add3A_665 = arith.addi %arg1, %add3A_664 : i32
    %lt3A_666 = arith.constant 125 : i32
    %lt3A_667 = arith.cmpi slt, %add3A_665, %lt3A_666 : i32
    %convert_element_type3A_668 = arith.extui %lt3A_667 : i1 to i32
    %cond3A_669 = arith.constant 0 : i32
    %cond3A_670 = arith.cmpi ne, %convert_element_type3A_668, %cond3A_669 : i32
    scf.if %cond3A_670 {
      %mul3A_720 = arith.constant 80 : i32
      %mul3A_721 = arith.muli %add3A_665, %mul3A_720 : i32
      %mul3A_722 = arith.constant 80 : i32
      %mul3A_723 = arith.muli %add3A_665, %mul3A_722 : i32
      %dma_wait3A_724 = arith.constant 0 : i32
      %dma_wait3A_725 = tpu.memref_slice %arg5[%arg0, %mul3A_723, %dma_wait3A_724] : memref<2x10000x128xf32, #tpu.memory_space<hbm>> -> memref<1x80x128xf32, #tpu.memory_space<hbm>>
      %dma_wait3A_726 = tpu.memref_squeeze %dma_wait3A_725 : memref<1x80x128xf32, #tpu.memory_space<hbm>> -> memref<80x128xf32, #tpu.memory_space<hbm>>
      %dma_wait3A_727 = arith.constant 0 : i32
      %dma_wait3A_728 = tpu.memref_slice %arg13[%mul3A_721, %dma_wait3A_727] : memref<10000x128xf32, #tpu.memory_space<vmem_shared>> -> memref<80x128xf32, #tpu.memory_space<vmem_shared>>
      tpu.wait_dma2 semaphore(%arg14 : memref<!tpu.dma_semaphore, #tpu.memory_space<semaphore_mem>>) src(%dma_wait3A_728 : memref<80x128xf32, #tpu.memory_space<vmem_shared>>) dst(%dma_wait3A_726 : memref<80x128xf32, #tpu.memory_space<hbm>>)
    } else {
    }
    %add3A_671 = arith.constant 16 : i32
    %add3A_672 = arith.addi %arg1, %add3A_671 : i32
    %lt3A_673 = arith.constant 125 : i32
    %lt3A_674 = arith.cmpi slt, %add3A_672, %lt3A_673 : i32
    %convert_element_type3A_675 = arith.extui %lt3A_674 : i1 to i32
    %cond3A_676 = arith.constant 0 : i32
    %cond3A_677 = arith.cmpi ne, %convert_element_type3A_675, %cond3A_676 : i32
    scf.if %cond3A_677 {
      %mul3A_720 = arith.constant 80 : i32
      %mul3A_721 = arith.muli %add3A_672, %mul3A_720 : i32
      %mul3A_722 = arith.constant 80 : i32
      %mul3A_723 = arith.muli %add3A_672, %mul3A_722 : i32
      %dma_wait3A_724 = arith.constant 0 : i32
      %dma_wait3A_725 = tpu.memref_slice %arg5[%arg0, %mul3A_723, %dma_wait3A_724] : memref<2x10000x128xf32, #tpu.memory_space<hbm>> -> memref<1x80x128xf32, #tpu.memory_space<hbm>>
      %dma_wait3A_726 = tpu.memref_squeeze %dma_wait3A_725 : memref<1x80x128xf32, #tpu.memory_space<hbm>> -> memref<80x128xf32, #tpu.memory_space<hbm>>
      %dma_wait3A_727 = arith.constant 0 : i32
      %dma_wait3A_728 = tpu.memref_slice %arg13[%mul3A_721, %dma_wait3A_727] : memref<10000x128xf32, #tpu.memory_space<vmem_shared>> -> memref<80x128xf32, #tpu.memory_space<vmem_shared>>
      tpu.wait_dma2 semaphore(%arg14 : memref<!tpu.dma_semaphore, #tpu.memory_space<semaphore_mem>>) src(%dma_wait3A_728 : memref<80x128xf32, #tpu.memory_space<vmem_shared>>) dst(%dma_wait3A_726 : memref<80x128xf32, #tpu.memory_space<hbm>>)
    } else {
    }
    %add3A_678 = arith.constant 32 : i32
    %add3A_679 = arith.addi %arg1, %add3A_678 : i32
    %lt3A_680 = arith.constant 125 : i32
    %lt3A_681 = arith.cmpi slt, %add3A_679, %lt3A_680 : i32
    %convert_element_type3A_682 = arith.extui %lt3A_681 : i1 to i32
    %cond3A_683 = arith.constant 0 : i32
    %cond3A_684 = arith.cmpi ne, %convert_element_type3A_682, %cond3A_683 : i32
    scf.if %cond3A_684 {
      %mul3A_720 = arith.constant 80 : i32
      %mul3A_721 = arith.muli %add3A_679, %mul3A_720 : i32
      %mul3A_722 = arith.constant 80 : i32
      %mul3A_723 = arith.muli %add3A_679, %mul3A_722 : i32
      %dma_wait3A_724 = arith.constant 0 : i32
      %dma_wait3A_725 = tpu.memref_slice %arg5[%arg0, %mul3A_723, %dma_wait3A_724] : memref<2x10000x128xf32, #tpu.memory_space<hbm>> -> memref<1x80x128xf32, #tpu.memory_space<hbm>>
      %dma_wait3A_726 = tpu.memref_squeeze %dma_wait3A_725 : memref<1x80x128xf32, #tpu.memory_space<hbm>> -> memref<80x128xf32, #tpu.memory_space<hbm>>
      %dma_wait3A_727 = arith.constant 0 : i32
      %dma_wait3A_728 = tpu.memref_slice %arg13[%mul3A_721, %dma_wait3A_727] : memref<10000x128xf32, #tpu.memory_space<vmem_shared>> -> memref<80x128xf32, #tpu.memory_space<vmem_shared>>
      tpu.wait_dma2 semaphore(%arg14 : memref<!tpu.dma_semaphore, #tpu.memory_space<semaphore_mem>>) src(%dma_wait3A_728 : memref<80x128xf32, #tpu.memory_space<vmem_shared>>) dst(%dma_wait3A_726 : memref<80x128xf32, #tpu.memory_space<hbm>>)
    } else {
    }
    %add3A_685 = arith.constant 48 : i32
    %add3A_686 = arith.addi %arg1, %add3A_685 : i32
    %lt3A_687 = arith.constant 125 : i32
    %lt3A_688 = arith.cmpi slt, %add3A_686, %lt3A_687 : i32
    %convert_element_type3A_689 = arith.extui %lt3A_688 : i1 to i32
    %cond3A_690 = arith.constant 0 : i32
    %cond3A_691 = arith.cmpi ne, %convert_element_type3A_689, %cond3A_690 : i32
    scf.if %cond3A_691 {
      %mul3A_720 = arith.constant 80 : i32
      %mul3A_721 = arith.muli %add3A_686, %mul3A_720 : i32
      %mul3A_722 = arith.constant 80 : i32
      %mul3A_723 = arith.muli %add3A_686, %mul3A_722 : i32
      %dma_wait3A_724 = arith.constant 0 : i32
      %dma_wait3A_725 = tpu.memref_slice %arg5[%arg0, %mul3A_723, %dma_wait3A_724] : memref<2x10000x128xf32, #tpu.memory_space<hbm>> -> memref<1x80x128xf32, #tpu.memory_space<hbm>>
      %dma_wait3A_726 = tpu.memref_squeeze %dma_wait3A_725 : memref<1x80x128xf32, #tpu.memory_space<hbm>> -> memref<80x128xf32, #tpu.memory_space<hbm>>
      %dma_wait3A_727 = arith.constant 0 : i32
      %dma_wait3A_728 = tpu.memref_slice %arg13[%mul3A_721, %dma_wait3A_727] : memref<10000x128xf32, #tpu.memory_space<vmem_shared>> -> memref<80x128xf32, #tpu.memory_space<vmem_shared>>
      tpu.wait_dma2 semaphore(%arg14 : memref<!tpu.dma_semaphore, #tpu.memory_space<semaphore_mem>>) src(%dma_wait3A_728 : memref<80x128xf32, #tpu.memory_space<vmem_shared>>) dst(%dma_wait3A_726 : memref<80x128xf32, #tpu.memory_space<hbm>>)
    } else {
    }
    %add3A_692 = arith.constant 64 : i32
    %add3A_693 = arith.addi %arg1, %add3A_692 : i32
    %lt3A_694 = arith.constant 125 : i32
    %lt3A_695 = arith.cmpi slt, %add3A_693, %lt3A_694 : i32
    %convert_element_type3A_696 = arith.extui %lt3A_695 : i1 to i32
    %cond3A_697 = arith.constant 0 : i32
    %cond3A_698 = arith.cmpi ne, %convert_element_type3A_696, %cond3A_697 : i32
    scf.if %cond3A_698 {
      %mul3A_720 = arith.constant 80 : i32
      %mul3A_721 = arith.muli %add3A_693, %mul3A_720 : i32
      %mul3A_722 = arith.constant 80 : i32
      %mul3A_723 = arith.muli %add3A_693, %mul3A_722 : i32
      %dma_wait3A_724 = arith.constant 0 : i32
      %dma_wait3A_725 = tpu.memref_slice %arg5[%arg0, %mul3A_723, %dma_wait3A_724] : memref<2x10000x128xf32, #tpu.memory_space<hbm>> -> memref<1x80x128xf32, #tpu.memory_space<hbm>>
      %dma_wait3A_726 = tpu.memref_squeeze %dma_wait3A_725 : memref<1x80x128xf32, #tpu.memory_space<hbm>> -> memref<80x128xf32, #tpu.memory_space<hbm>>
      %dma_wait3A_727 = arith.constant 0 : i32
      %dma_wait3A_728 = tpu.memref_slice %arg13[%mul3A_721, %dma_wait3A_727] : memref<10000x128xf32, #tpu.memory_space<vmem_shared>> -> memref<80x128xf32, #tpu.memory_space<vmem_shared>>
      tpu.wait_dma2 semaphore(%arg14 : memref<!tpu.dma_semaphore, #tpu.memory_space<semaphore_mem>>) src(%dma_wait3A_728 : memref<80x128xf32, #tpu.memory_space<vmem_shared>>) dst(%dma_wait3A_726 : memref<80x128xf32, #tpu.memory_space<hbm>>)
    } else {
    }
    %add3A_699 = arith.constant 80 : i32
    %add3A_700 = arith.addi %arg1, %add3A_699 : i32
    %lt3A_701 = arith.constant 125 : i32
    %lt3A_702 = arith.cmpi slt, %add3A_700, %lt3A_701 : i32
    %convert_element_type3A_703 = arith.extui %lt3A_702 : i1 to i32
    %cond3A_704 = arith.constant 0 : i32
    %cond3A_705 = arith.cmpi ne, %convert_element_type3A_703, %cond3A_704 : i32
    scf.if %cond3A_705 {
      %mul3A_720 = arith.constant 80 : i32
      %mul3A_721 = arith.muli %add3A_700, %mul3A_720 : i32
      %mul3A_722 = arith.constant 80 : i32
      %mul3A_723 = arith.muli %add3A_700, %mul3A_722 : i32
      %dma_wait3A_724 = arith.constant 0 : i32
      %dma_wait3A_725 = tpu.memref_slice %arg5[%arg0, %mul3A_723, %dma_wait3A_724] : memref<2x10000x128xf32, #tpu.memory_space<hbm>> -> memref<1x80x128xf32, #tpu.memory_space<hbm>>
      %dma_wait3A_726 = tpu.memref_squeeze %dma_wait3A_725 : memref<1x80x128xf32, #tpu.memory_space<hbm>> -> memref<80x128xf32, #tpu.memory_space<hbm>>
      %dma_wait3A_727 = arith.constant 0 : i32
      %dma_wait3A_728 = tpu.memref_slice %arg13[%mul3A_721, %dma_wait3A_727] : memref<10000x128xf32, #tpu.memory_space<vmem_shared>> -> memref<80x128xf32, #tpu.memory_space<vmem_shared>>
      tpu.wait_dma2 semaphore(%arg14 : memref<!tpu.dma_semaphore, #tpu.memory_space<semaphore_mem>>) src(%dma_wait3A_728 : memref<80x128xf32, #tpu.memory_space<vmem_shared>>) dst(%dma_wait3A_726 : memref<80x128xf32, #tpu.memory_space<hbm>>)
    } else {
    }
    %add3A_706 = arith.constant 96 : i32
    %add3A_707 = arith.addi %arg1, %add3A_706 : i32
    %lt3A_708 = arith.constant 125 : i32
    %lt3A_709 = arith.cmpi slt, %add3A_707, %lt3A_708 : i32
    %convert_element_type3A_710 = arith.extui %lt3A_709 : i1 to i32
    %cond3A_711 = arith.constant 0 : i32
    %cond3A_712 = arith.cmpi ne, %convert_element_type3A_710, %cond3A_711 : i32
    scf.if %cond3A_712 {
      %mul3A_720 = arith.constant 80 : i32
      %mul3A_721 = arith.muli %add3A_707, %mul3A_720 : i32
      %mul3A_722 = arith.constant 80 : i32
      %mul3A_723 = arith.muli %add3A_707, %mul3A_722 : i32
      %dma_wait3A_724 = arith.constant 0 : i32
      %dma_wait3A_725 = tpu.memref_slice %arg5[%arg0, %mul3A_723, %dma_wait3A_724] : memref<2x10000x128xf32, #tpu.memory_space<hbm>> -> memref<1x80x128xf32, #tpu.memory_space<hbm>>
      %dma_wait3A_726 = tpu.memref_squeeze %dma_wait3A_725 : memref<1x80x128xf32, #tpu.memory_space<hbm>> -> memref<80x128xf32, #tpu.memory_space<hbm>>
      %dma_wait3A_727 = arith.constant 0 : i32
      %dma_wait3A_728 = tpu.memref_slice %arg13[%mul3A_721, %dma_wait3A_727] : memref<10000x128xf32, #tpu.memory_space<vmem_shared>> -> memref<80x128xf32, #tpu.memory_space<vmem_shared>>
      tpu.wait_dma2 semaphore(%arg14 : memref<!tpu.dma_semaphore, #tpu.memory_space<semaphore_mem>>) src(%dma_wait3A_728 : memref<80x128xf32, #tpu.memory_space<vmem_shared>>) dst(%dma_wait3A_726 : memref<80x128xf32, #tpu.memory_space<hbm>>)
    } else {
    }
    %add3A_713 = arith.constant 112 : i32
    %add3A_714 = arith.addi %arg1, %add3A_713 : i32
    %lt3A_715 = arith.constant 125 : i32
    %lt3A_716 = arith.cmpi slt, %add3A_714, %lt3A_715 : i32
    %convert_element_type3A_717 = arith.extui %lt3A_716 : i1 to i32
    %cond3A_718 = arith.constant 0 : i32
    %cond3A_719 = arith.cmpi ne, %convert_element_type3A_717, %cond3A_718 : i32
    scf.if %cond3A_719 {
      %mul3A_720 = arith.constant 80 : i32
      %mul3A_721 = arith.muli %add3A_714, %mul3A_720 : i32
      %mul3A_722 = arith.constant 80 : i32
      %mul3A_723 = arith.muli %add3A_714, %mul3A_722 : i32
      %dma_wait3A_724 = arith.constant 0 : i32
      %dma_wait3A_725 = tpu.memref_slice %arg5[%arg0, %mul3A_723, %dma_wait3A_724] : memref<2x10000x128xf32, #tpu.memory_space<hbm>> -> memref<1x80x128xf32, #tpu.memory_space<hbm>>
      %dma_wait3A_726 = tpu.memref_squeeze %dma_wait3A_725 : memref<1x80x128xf32, #tpu.memory_space<hbm>> -> memref<80x128xf32, #tpu.memory_space<hbm>>
      %dma_wait3A_727 = arith.constant 0 : i32
      %dma_wait3A_728 = tpu.memref_slice %arg13[%mul3A_721, %dma_wait3A_727] : memref<10000x128xf32, #tpu.memory_space<vmem_shared>> -> memref<80x128xf32, #tpu.memory_space<vmem_shared>>
      tpu.wait_dma2 semaphore(%arg14 : memref<!tpu.dma_semaphore, #tpu.memory_space<semaphore_mem>>) src(%dma_wait3A_728 : memref<80x128xf32, #tpu.memory_space<vmem_shared>>) dst(%dma_wait3A_726 : memref<80x128xf32, #tpu.memory_space<hbm>>)
    } else {
    }
    return
  }
}

module attributes {stable_mosaic.version = 14 : i64} {
  func.func @body(%arg0: i32, %arg1: i32, %arg2: memref<10000x128xf32, #tpu.memory_space<vmem>>, %arg3: memref<1x128x128xf32, #tpu.memory_space<vmem>>, %arg4: memref<10000x128xf32, #tpu.memory_space<vmem>>) attributes {dimension_semantics = [#tpu.dimension_semantics<arbitrary>, #tpu.dimension_semantics<arbitrary>], iteration_bounds = array<i64: 1, 27>, scalar_prefetch = 0 : i64, scratch_operands = 0 : i64, tpu.core_type = #tpu.core_type<tc>, window_params = [{transform_indices = @transform_0, window_bounds = array<i64: 10000, 128>}, {transform_indices = @transform_1, window_bounds = array<i64: 1, 128, 128>}, {transform_indices = @transform_2, window_bounds = array<i64: 10000, 128>}]} {
    %get3A = arith.constant 0 : index
    %get3A_0 = arith.constant 0 : index
    %get3A_1 = vector.load %arg2[%get3A, %get3A_0] : memref<10000x128xf32, #tpu.memory_space<vmem>>, vector<10000x128xf32>
    %get3A_2 = arith.constant 0 : index
    %get3A_3 = arith.constant 0 : index
    %get3A_4 = arith.constant 0 : index
    %get3A_5 = vector.load %arg3[%get3A_2, %get3A_3, %get3A_4] : memref<1x128x128xf32, #tpu.memory_space<vmem>>, vector<1x128x128xf32>
    %get3A_6 = vector.shape_cast %get3A_5 : vector<1x128x128xf32> to vector<128x128xf32>
    %dot_general3A = arith.constant dense<0.000000e+00> : vector<10000x128xf32>
    %dot_general3A_7 = tpu.matmul %get3A_1, %get3A_6, %dot_general3A {dimension_numbers = #tpu.dot_dimension_numbers<[1], [0], [0], [1], [0, 0, 1, 1], [], []>, transpose_lhs_hint = false} : vector<10000x128xf32>, vector<128x128xf32>, vector<10000x128xf32> -> vector<10000x128xf32>
    %swap3A = arith.constant 0 : index
    %swap3A_8 = arith.constant 0 : index
    %swap3A_9 = vector.load %arg4[%swap3A, %swap3A_8] : memref<10000x128xf32, #tpu.memory_space<vmem>>, vector<10000x128xf32>
    tpu.vector_store %arg4[%swap3A, %swap3A_8], %dot_general3A_7 {strides = array<i32>} : memref<10000x128xf32, #tpu.memory_space<vmem>>, vector<10000x128xf32>,
    return
  }
  func.func @transform_0(%arg0: i32, %arg1: i32) -> (i32, i32) {
    %c0_i32 = arith.constant 0 : i32
    %c0_i32_0 = arith.constant 0 : i32
    return %arg0, %c0_i32 : i32, i32
  }
  func.func @transform_1(%arg0: i32, %arg1: i32) -> (i32, i32, i32) {
    %c0_i32 = arith.constant 0 : i32
    %c0_i32_0 = arith.constant 0 : i32
    %c0_i32_1 = arith.constant 0 : i32
    return %arg1, %c0_i32, %c0_i32_0 : i32, i32, i32
  }
  func.func @transform_2(%arg0: i32, %arg1: i32) -> (i32, i32) {
    %mul3A = arith.constant 1 : i32
    %mul3A_0 = arith.muli %arg1, %mul3A : i32
    %add3A = arith.addi %mul3A_0, %arg0 : i32
    %c0_i32 = arith.constant 0 : i32
    %c0_i32_1 = arith.constant 0 : i32
    return %add3A, %c0_i32 : i32, i32
  }
}

module attributes {stable_mosaic.version = 14 : i64} {
  func.func @body(%arg0: i32, %arg1: i32, %arg2: memref<2x2000x128xf32, #tpu.memory_space<vmem>>, %arg3: memref<1x128xf32, #tpu.memory_space<vmem>>, %arg4: memref<1x128xf32, #tpu.memory_space<vmem>>, %arg5: memref<2000x128xf32, #tpu.memory_space<vmem>>, %arg6: memref<10000x128xf32, #tpu.memory_space<vmem>>, %arg7: memref<8x128xf32, #tpu.memory_space<vmem>>) attributes {dimension_semantics = [#tpu.dimension_semantics<arbitrary>, #tpu.dimension_semantics<arbitrary>], iteration_bounds = array<i64: 2, 5>, scalar_prefetch = 0 : i64, scratch_operands = 2 : i64, tpu.core_type = #tpu.core_type<tc>, window_params = [{transform_indices = @transform_0, window_bounds = array<i64: 2, 2000, 128>}, {pipeline_mode = #tpu.pipeline_mode<synchronous>, transform_indices = @transform_1, window_bounds = array<i64: 1, 128>}, {pipeline_mode = #tpu.pipeline_mode<synchronous>, transform_indices = @transform_2, window_bounds = array<i64: 1, 128>}, {transform_indices = @transform_3, window_bounds = array<i64: 2000, 128>}]} {
    %eq3A = arith.constant 0 : i32
    %eq3A_0 = arith.cmpi eq, %arg0, %eq3A : i32
    %convert_element_type3A = arith.extui %eq3A_0 : i1 to i32
    %cond3A = arith.constant 0 : i32
    %cond3A_1 = arith.cmpi ne, %convert_element_type3A, %cond3A : i32
    scf.if %cond3A_1 {
      %get3A = arith.constant 0 : index
      %get3A_7 = arith.constant 0 : index
      %get3A_8 = arith.constant 0 : index
      %get3A_9 = vector.load %arg2[%get3A, %get3A_7, %get3A_8] : memref<2x2000x128xf32, #tpu.memory_space<vmem>>, vector<1x2000x128xf32>
      %get3A_10 = vector.shape_cast %get3A_9 : vector<1x2000x128xf32> to vector<2000x128xf32>
      %get3A_11 = arith.constant 1 : index
      %get3A_12 = arith.constant 0 : index
      %get3A_13 = arith.constant 0 : index
      %get3A_14 = vector.load %arg2[%get3A_11, %get3A_12, %get3A_13] : memref<2x2000x128xf32, #tpu.memory_space<vmem>>, vector<1x2000x128xf32>
      %get3A_15 = vector.shape_cast %get3A_14 : vector<1x2000x128xf32> to vector<2000x128xf32>
      %add3A = arith.addf %get3A_10, %get3A_15 : vector<2000x128xf32>
      %mul3A = arith.constant 2000 : i32
      %mul3A_16 = arith.muli %arg1, %mul3A : i32
      %swap3A = arith.index_cast %mul3A_16 : i32 to index
      %swap3A_17 = arith.constant 0 : index
      %swap3A_18 = vector.load %arg6[%swap3A, %swap3A_17] : memref<10000x128xf32, #tpu.memory_space<vmem>>, vector<2000x128xf32>
      tpu.vector_store %arg6[%swap3A, %swap3A_17], %add3A {strides = array<i32>} : memref<10000x128xf32, #tpu.memory_space<vmem>>, vector<2000x128xf32>,
      %eq3A_19 = arith.constant 0 : i32
      %eq3A_20 = arith.cmpi eq, %arg1, %eq3A_19 : i32
      %convert_element_type3A_21 = arith.extui %eq3A_20 : i1 to i32
      %cond3A_22 = arith.constant 0 : i32
      %cond3A_23 = arith.cmpi ne, %convert_element_type3A_21, %cond3A_22 : i32
      scf.if %cond3A_23 {
        %broadcast_in_dim3A = arith.constant 0.000000e+00 : f32
        %broadcast_in_dim3A_51 = vector.broadcast %broadcast_in_dim3A : f32 to vector<8x128xf32>
        %swap3A_52 = arith.constant 0 : index
        %swap3A_53 = arith.constant 0 : index
        %swap3A_54 = vector.load %arg7[%swap3A_52, %swap3A_53] : memref<8x128xf32, #tpu.memory_space<vmem>>, vector<8x128xf32>
        tpu.vector_store %arg7[%swap3A_52, %swap3A_53], %broadcast_in_dim3A_51 {strides = array<i32>} : memref<8x128xf32, #tpu.memory_space<vmem>>, vector<8x128xf32>,
      } else {
      }
      %get3A_24 = arith.constant 0 : index
      %get3A_25 = arith.constant 0 : index
      %get3A_26 = vector.load %arg7[%get3A_24, %get3A_25] : memref<8x128xf32, #tpu.memory_space<vmem>>, vector<1x128xf32>
      %get3A_27 = vector.shape_cast %get3A_26 : vector<1x128xf32> to vector<128xf32>
      %reduce_sum3A = arith.constant dense<0.000000e+00> : vector<128xf32>
      %reduce_sum3A_28 = vector.multi_reduction <add>, %add3A, %reduce_sum3A [0] : vector<2000x128xf32> to vector<128xf32>
      %add3A_29 = arith.addf %get3A_27, %reduce_sum3A_28 : vector<128xf32>
      %swap3A_30 = arith.constant 0 : index
      %swap3A_31 = arith.constant 0 : index
      %swap3A_32 = vector.load %arg7[%swap3A_30, %swap3A_31] : memref<8x128xf32, #tpu.memory_space<vmem>>, vector<1x128xf32>
      %swap3A_33 = vector.shape_cast %swap3A_32 : vector<1x128xf32> to vector<128xf32>
      %swap3A_34 = vector.shape_cast %add3A_29 : vector<128xf32> to vector<1x128xf32>
      tpu.vector_store %arg7[%swap3A_30, %swap3A_31], %swap3A_34 {strides = array<i32>} : memref<8x128xf32, #tpu.memory_space<vmem>>, vector<1x128xf32>,
      %get3A_35 = arith.constant 1 : index
      %get3A_36 = arith.constant 0 : index
      %get3A_37 = vector.load %arg7[%get3A_35, %get3A_36] : memref<8x128xf32, #tpu.memory_space<vmem>>, vector<1x128xf32>
      %get3A_38 = vector.shape_cast %get3A_37 : vector<1x128xf32> to vector<128xf32>
      %mul3A_39 = arith.mulf %add3A, %add3A : vector<2000x128xf32>
      %reduce_sum3A_40 = arith.constant dense<0.000000e+00> : vector<128xf32>
      %reduce_sum3A_41 = vector.multi_reduction <add>, %mul3A_39, %reduce_sum3A_40 [0] : vector<2000x128xf32> to vector<128xf32>
      %add3A_42 = arith.addf %get3A_38, %reduce_sum3A_41 : vector<128xf32>
      %swap3A_43 = arith.constant 1 : index
      %swap3A_44 = arith.constant 0 : index
      %swap3A_45 = vector.load %arg7[%swap3A_43, %swap3A_44] : memref<8x128xf32, #tpu.memory_space<vmem>>, vector<1x128xf32>
      %swap3A_46 = vector.shape_cast %swap3A_45 : vector<1x128xf32> to vector<128xf32>
      %swap3A_47 = vector.shape_cast %add3A_42 : vector<128xf32> to vector<1x128xf32>
      tpu.vector_store %arg7[%swap3A_43, %swap3A_44], %swap3A_47 {strides = array<i32>} : memref<8x128xf32, #tpu.memory_space<vmem>>, vector<1x128xf32>,
      %swap3A_48 = arith.constant 0 : index
      %swap3A_49 = arith.constant 0 : index
      %swap3A_50 = vector.load %arg5[%swap3A_48, %swap3A_49] : memref<2000x128xf32, #tpu.memory_space<vmem>>, vector<2000x128xf32>
      tpu.vector_store %arg5[%swap3A_48, %swap3A_49], %add3A {strides = array<i32>} : memref<2000x128xf32, #tpu.memory_space<vmem>>, vector<2000x128xf32>,
    } else {
    }
    %eq3A_2 = arith.constant 1 : i32
    %eq3A_3 = arith.cmpi eq, %arg0, %eq3A_2 : i32
    %convert_element_type3A_4 = arith.extui %eq3A_3 : i1 to i32
    %cond3A_5 = arith.constant 0 : i32
    %cond3A_6 = arith.cmpi ne, %convert_element_type3A_4, %cond3A_5 : i32
    scf.if %cond3A_6 {
      %get3A = arith.constant 0 : index
      %get3A_7 = arith.constant 0 : index
      %get3A_8 = vector.load %arg7[%get3A, %get3A_7] : memref<8x128xf32, #tpu.memory_space<vmem>>, vector<1x128xf32>
      %mul3A = arith.constant 9.99999974E-5 : f32
      %mul3A_9 = vector.broadcast %mul3A : f32 to vector<1x128xf32>
      %mul3A_10 = arith.mulf %get3A_8, %mul3A_9 : vector<1x128xf32>
      %get3A_11 = arith.constant 1 : index
      %get3A_12 = arith.constant 0 : index
      %get3A_13 = vector.load %arg7[%get3A_11, %get3A_12] : memref<8x128xf32, #tpu.memory_space<vmem>>, vector<1x128xf32>
      %mul3A_14 = arith.constant 9.99999974E-5 : f32
      %mul3A_15 = vector.broadcast %mul3A_14 : f32 to vector<1x128xf32>
      %mul3A_16 = arith.mulf %get3A_13, %mul3A_15 : vector<1x128xf32>
      %mul3A_17 = arith.mulf %mul3A_10, %mul3A_10 : vector<1x128xf32>
      %sub3A = arith.subf %mul3A_16, %mul3A_17 : vector<1x128xf32>
      %get3A_18 = arith.constant 0 : index
      %get3A_19 = arith.constant 0 : index
      %get3A_20 = vector.load %arg3[%get3A_18, %get3A_19] : memref<1x128xf32, #tpu.memory_space<vmem>>, vector<1x128xf32>
      %add3A = arith.constant 9.99999974E-6 : f32
      %add3A_21 = vector.broadcast %add3A : f32 to vector<1x128xf32>
      %add3A_22 = arith.addf %sub3A, %add3A_21 : vector<1x128xf32>
      %rsqrt3A = math.rsqrt %add3A_22 : vector<1x128xf32>
      %mul3A_23 = arith.mulf %get3A_20, %rsqrt3A : vector<1x128xf32>
      %mul3A_24 = arith.constant 2000 : i32
      %mul3A_25 = arith.muli %arg1, %mul3A_24 : i32
      %get3A_26 = arith.index_cast %mul3A_25 : i32 to index
      %get3A_27 = arith.constant 0 : index
      %get3A_28 = vector.load %arg6[%get3A_26, %get3A_27] : memref<10000x128xf32, #tpu.memory_space<vmem>>, vector<2000x128xf32>
      %sub3A_29 = vector.broadcast %mul3A_10 : vector<1x128xf32> to vector<2000x128xf32>
      %sub3A_30 = arith.subf %get3A_28, %sub3A_29 : vector<2000x128xf32>
      %mul3A_31 = vector.broadcast %mul3A_23 : vector<1x128xf32> to vector<2000x128xf32>
      %mul3A_32 = arith.mulf %sub3A_30, %mul3A_31 : vector<2000x128xf32>
      %get3A_33 = arith.constant 0 : index
      %get3A_34 = arith.constant 0 : index
      %get3A_35 = vector.load %arg4[%get3A_33, %get3A_34] : memref<1x128xf32, #tpu.memory_space<vmem>>, vector<1x128xf32>
      %add3A_36 = vector.broadcast %get3A_35 : vector<1x128xf32> to vector<2000x128xf32>
      %add3A_37 = arith.addf %mul3A_32, %add3A_36 : vector<2000x128xf32>
      %max3A = arith.constant 0.000000e+00 : f32
      %max3A_38 = vector.broadcast %max3A : f32 to vector<2000x128xf32>
      %max3A_39 = arith.maximumf %add3A_37, %max3A_38 : vector<2000x128xf32>
      %swap3A = arith.constant 0 : index
      %swap3A_40 = arith.constant 0 : index
      %swap3A_41 = vector.load %arg5[%swap3A, %swap3A_40] : memref<2000x128xf32, #tpu.memory_space<vmem>>, vector<2000x128xf32>
      tpu.vector_store %arg5[%swap3A, %swap3A_40], %max3A_39 {strides = array<i32>} : memref<2000x128xf32, #tpu.memory_space<vmem>>, vector<2000x128xf32>,
    } else {
    }
    return
  }
  func.func @transform_0(%arg0: i32, %arg1: i32) -> (i32, i32, i32) {
    %sub3A = arith.constant 1 : i32
    %sub3A_0 = arith.subi %sub3A, %arg0 : i32
    %mul3A = arith.muli %arg1, %sub3A_0 : i32
    %c0_i32 = arith.constant 0 : i32
    %c0_i32_1 = arith.constant 0 : i32
    %c0_i32_2 = arith.constant 0 : i32
    return %c0_i32, %mul3A, %c0_i32_1 : i32, i32, i32
  }
  func.func @transform_1(%arg0: i32, %arg1: i32) -> (i32, i32) {
    %c0_i32 = arith.constant 0 : i32
    %c0_i32_0 = arith.constant 0 : i32
    %c0_i32_1 = arith.constant 0 : i32
    return %c0_i32, %c0_i32_0 : i32, i32
  }
  func.func @transform_2(%arg0: i32, %arg1: i32) -> (i32, i32) {
    %c0_i32 = arith.constant 0 : i32
    %c0_i32_0 = arith.constant 0 : i32
    %c0_i32_1 = arith.constant 0 : i32
    return %c0_i32, %c0_i32_0 : i32, i32
  }
  func.func @transform_3(%arg0: i32, %arg1: i32) -> (i32, i32) {
    %c0_i32 = arith.constant 0 : i32
    %c0_i32_0 = arith.constant 0 : i32
    return %arg1, %c0_i32 : i32, i32
  }
}

</mosaic_0001>

<sc_bundles>
// kernel: kernel.5.cloned.1.call-start
scs
__scs_entry_jumppad:
0x0: {  	(pc) =	sbr.rel $0x88, $3  }
0x1: {  	(tag) =	ssettag $0x0;
	lr =	simm.s32 $0x1  }
0x2: {  	[smem:$0x3F9B] =	sst lr;
	_ =	strace $0xD0000000  }
0x3: {  	_ = 	snop  }
0x4: {  	_ = 	snop  }
0x5: {  	_ = 	snop  }
0x6: {  	_ = 	snop  }
0x7: {  	_ = 	snop  }
__scs_overlays_trampoline_lowered:
0x8: {  	[smem:$0x3FAA] =	sst s0  }
0x9: {  	[smem:$0x3FAB] =	sst s1  }
0xa: {  	[smem:$0x3FAC] =	sst s2  }
0xb: {  	[smem:$0x3FAD] =	sst s3  }
0xc: {  	[smem:$0x3FAE] =	sst s4  }
0xd: {  	[smem:$0x3FAF] =	sst s5  }
0xe: {  	[smem:$0x3FB0] =	sst s6  }
0xf: {  	[smem:$0x3FB1] =	sst s7  }
0x10: {  	[smem:$0x3FB2] =	sst s8  }
0x11: {  	[smem:$0x3FB3] =	sst s9;
	s0 =	simm.s32 @!p0 $0x0  }
0x12: {  	s1 =	sld [smem:$0x3F99];
	s0 =	simm.s32 @p0 $0x1  }
0x13: {  	[smem:$0x3FB4] =	sst s0;
	s0 =	simm.s32 @!p1 $0x0  }
0x14: {  	s2 =	sld [smem:$0x3F98];
	s0 =	simm.s32 @p1 $0x1  }
0x15: {  	[smem:$0x3FB5] =	sst s0;
	s0 =	simm.s32 @!p2 $0x0  }
0x16: {  	s3 =	sld [smem:$0x3FDB];
	s0 =	simm.s32 @p2 $0x1  }
0x17: {  	s4 =	simm.s32 $0x1BF5;
	[smem:$0x3FB7] =	sst s0  }
0x18: {  	s0 =	sld [smem:$0x3F9A];
	_ =	swait.ge [sflag:s4], $0x0  }
0x19: {  	s7 =	sld [smem:$0x3F9B]  }
0x1a: {  	s8 =	sadd.s32 $0xFFFFE003, lr  }
0x1b: {  	s9 =	sadd.s32 $0xFFFFFEF7, lr;
	s5 =	simm.s32 $0xFFFFFFFF;
	p2 =	slt.u32 s8, $0xFFFFF086  }
0x1c: {  	p1 =	slt.u32 s9, $0xF7A;
	s5 =	simm.s32 @!p2 $0x0  }
0x1d: {  	s5 =	simm.s32 @p1 $0x1;
	p0 =	seq.s32 s7, s2  }
0x1e: {  	s7 =	smul.u32 @!p0 $0xF7A, s2;
	p2 =	seq.s32 @!p0 s5, $0x0  }
0x1f: {  	s9 =	smul.u32 $0xF7A, s1;
	s8 =	simm.s32 @!p0 $0x1BF5;
	p2 =	por !p2, p0  }
0x20: {  	[sflag:s8] =	ssyncset.s32 @!p0 $0xFFFFF086;
	s6 =	sadd.s32 @!p0 s3, s7;
	s7 =	simm.s32 @!p0 $0x108  }
0x21: {  	s3 =	sadd.s32 s3, s9;
	s6 =	sadd.s32 @!p0 $0x88, s6;
	s7 =	simm.s32 @p2 $0x1082  }
0x22: {  	[simem:s7], [sflag:s8] =	dma.local @!p0 [hbm:s6], $0xF7A  }
0x23: {  	s9 =	sor.u32 $0xD0000000, s2;
	s6 =	simm.s32 $0x108;
	_ =	swait.ge @!p0 [sflag:s8], $0x0  }
0x24: {  	s3 =	sadd.s32 $0x88, s3;
	s6 =	simm.s32 @!p1 $0x1082;
	[sflag:s4] =	ssyncset.s32 $0xFFFFF086  }
0x25: {  	[simem:s6], [sflag:s4] =	dma.local [hbm:s3], $0xF7A  }
0x26: {  	[smem:$0x3F9B] =	sst s1;
	(tag) =	ssettag s2;
	_ =	strace s9  }
0x27: {  	s1 =	sld [smem:$0x3FAB]  }
0x28: {  	s2 =	sld [smem:$0x3FAC]  }
0x29: {  	s4 =	sld [smem:$0x3FAE]  }
0x2a: {  	p0 =	seq.s32 s5, $0x0;
	s5 =	sld [smem:$0x3FAF]  }
0x2b: {  	s6 =	sld [smem:$0x3FB0]  }
0x2c: {  	s7 =	sld [smem:$0x3FB1]  }
0x2d: {  	s3 =	simm.s32 $0x108;
	s8 =	sld [smem:$0x3FB2]  }
0x2e: {  	s3 =	simm.s32 @!p0 $0x1082;
	s9 =	sld [smem:$0x3FB3]  }
0x2f: {  	lr =	sadd.s32 s0, s3;
	s0 =	sld [smem:$0x3FAA]  }
0x30: {  	s3 =	sld [smem:$0x3FAD]  }
0x31: {  	[smem:$0x3FB6] =	sst s10  }
0x32: {  	s10 =	sld [smem:$0x3FB4];
	_ =	sdelay $0x3  }
0x33: {  	p0 =	seq.s32 s10, $0x1;
	s10 =	sld [smem:$0x3FB6];
	_ =	sdelay $0x3  }
0x34: {  	[smem:$0x3FB6] =	sst s10  }
0x35: {  	s10 =	sld [smem:$0x3FB5];
	_ =	sdelay $0x3  }
0x36: {  	p1 =	seq.s32 s10, $0x1;
	s10 =	sld [smem:$0x3FB6];
	_ =	sdelay $0x3  }
0x37: {  	[smem:$0x3FB6] =	sst s10  }
0x38: {  	s10 =	sld [smem:$0x3FB7]  }
0x39: {  	_ = 	snop;
	(pc) =	sbr.ind lr, $3  }
0x3a: {  	_ = 	snop  }
0x3b: {  	_ = 	snop  }
0x3c: {  	p2 =	seq.s32 s10, $0x1;
	s10 =	sld [smem:$0x3FB6]  }
0x3d: {  	_ =	shalt  }
0x3e: {  	_ =	shalt  }
0x3f: {  	_ =	shalt  }
0x40: {  	_ =	shalt  }
0x41: {  	_ =	shalt  }
0x42: {  	_ =	shalt  }
0x43: {  	_ =	shalt  }
0x44: {  	_ =	shalt  }
0x45: {  	_ =	shalt  }
0x46: {  	_ =	shalt  }
0x47: {  	_ =	shalt  }
0x48: {  	_ =	shalt  }
0x49: {  	_ =	shalt  }
0x4a: {  	_ =	shalt  }
0x4b: {  	_ =	shalt  }
0x4c: {  	_ =	shalt  }
0x4d: {  	_ =	shalt  }
0x4e: {  	_ =	shalt  }
0x4f: {  	_ =	shalt  }
0x50: {  	_ =	shalt  }
0x51: {  	_ =	shalt  }
0x52: {  	_ =	shalt  }
0x53: {  	_ =	shalt  }
0x54: {  	_ =	shalt  }
0x55: {  	_ =	shalt  }
0x56: {  	_ =	shalt  }
0x57: {  	_ =	shalt  }
0x58: {  	_ =	shalt  }
0x59: {  	_ =	shalt  }
0x5a: {  	_ =	shalt  }
0x5b: {  	_ =	shalt  }
0x5c: {  	_ =	shalt  }
0x5d: {  	_ =	shalt  }
0x5e: {  	_ =	shalt  }
0x5f: {  	_ =	shalt  }
0x60: {  	_ =	shalt  }
0x61: {  	_ =	shalt  }
0x62: {  	_ =	shalt  }
0x63: {  	_ =	shalt  }
0x64: {  	_ =	shalt  }
0x65: {  	_ =	shalt  }
0x66: {  	_ =	shalt  }
0x67: {  	_ =	shalt  }
0x68: {  	_ =	shalt  }
0x69: {  	_ =	shalt  }
0x6a: {  	_ =	shalt  }
0x6b: {  	_ =	shalt  }
0x6c: {  	_ =	shalt  }
0x6d: {  	_ =	shalt  }
0x6e: {  	_ =	shalt  }
0x6f: {  	_ =	shalt  }
0x70: {  	_ =	shalt  }
0x71: {  	_ =	shalt  }
0x72: {  	_ =	shalt  }
0x73: {  	_ =	shalt  }
0x74: {  	_ =	shalt  }
0x75: {  	_ =	shalt  }
0x76: {  	_ =	shalt  }
0x77: {  	_ =	shalt  }
0x78: {  	_ =	shalt  }
0x79: {  	_ =	shalt  }
0x7a: {  	_ =	shalt  }
0x7b: {  	_ =	shalt  }
0x7c: {  	_ =	shalt  }
0x7d: {  	_ =	shalt  }
0x7e: {  	_ =	shalt  }
0x7f: {  	_ =	shalt  }
0x80: {  	_ =	shalt  }
0x81: {  	_ =	shalt  }
0x82: {  	_ =	shalt  }
0x83: {  	_ =	shalt  }
0x84: {  	_ =	shalt  }
0x85: {  	_ =	shalt  }
0x86: {  	_ =	shalt  }
0x87: {  	_ =	shalt  }
.Lfunc_end0:
.L_simem_size_0:
called_computation_lowered:
.L_overlay_start_0:
0x88: {  	s2 =	sld [smem:$0x3FD9]  }
0x89: {  	s3 =	sld [smem:$0x3FFE];
	_ =	sdelay $0x1  }
0x8a: {  	s1 =	srdreg.scid  }
0x8b: {  	s0 =	sand.u32 $0x1, s1  }
0x8c: {  	s17 =	sshll.u32 s0, $0xA;
	s2 =	sadd.s32 s3, s2  }
0x8d: {  	s2 =	sadd.s32 s2, s17  }
0x8e: {  	[smem:$0x3FC2] =	sst s2  }
0x8f: {  	_ = 	snop  }
0x90: {  	s2 =	sld [smem:$0x3FD0];
	(tm) =	ssettm $0x1  }
0x91: {  	s18 =	sld [smem:$0x3FFB];
	_ =	sdelay $0x3  }
0x92: {  	_ =	strace s18  }
0x93: {  	s3 =	sld [smem:$0x3FFC];
	_ =	sdelay $0x3  }
0x94: {  	_ =	strace s3  }
0x95: {  	s3 =	sld [smem:$0x3FFD];
	_ =	sdelay $0x3  }
0x96: {  	_ =	strace s3  }
0x97: {  	_ =	strace $0x8FFFFFFF  }
0x98: {  	s19 =	sld [smem:$0x3FDB];
	_ =	sdelay $0x1  }
0x99: {  	s4 =	simm.s32 $_scs_section_size  }
0x9a: {  	s5 =	simm.s32 $_size__tile_overlayer_lowered;
	s6 =	simm.s32 $_tile_overlayer_lowered  }
0x9b: {  	s22 =	simm.s32 $0x1BFF;
	s21 =	sshll.u32 s6, $0x1;
	s3 =	sadd.s32 s4, s19  }
0x9c: {  	s7 =	simm.s32 $0x0;
	s20 =	sshll.u32 s5, $0x1;
	s5 =	sadd.s32 s21, s3  }
0x9d: {  	[timem:s7], [sflag:s22] =	dma.local [hbm:s5], s20  }
0x9e: {  	_ =	swait.ge [sflag:s22], s20  }
0x9f: {  	s4 =	ssub.s32 $0x0, s20;
	[sflag:s22] =	ssyncset.done $0x0  }
0xa0: {  	[sflag:s22] =	ssyncadd.s32 s4;
	_ =	sdelay $0x1  }
0xa1: {  	s23 =	simm.s32 $0x1B8B  }
0xa2: {  	_ =	swait.ge [sflag:s23], $0x1  }
0xa3: {  	[sflag:s23] =	ssyncset.done $0x0  }
0xa4: {  	s25 =	simm.s32 $0x1B8E;
	s24 =	sld [smem:$0x3FFE];
	[sflag:s23] =	ssyncadd.s32 $0xFFFFFFFF  }
0xa5: {  	s26 =	simm.s32 $execute0_lowered;
	[smem:$0x3FD2] =	sst s25  }
0xa6: {  	s5 =	sshll.u32 s26, $0x1;
	_ =	strace $0x80000046;
	[dreg:$0x1] =	wrdreg $0xFFFFFFFF  }
0xa7: {  	s28 =	simm.s32 $_size_execute0_lowered;
	s3 =	sadd.s32 s3, s5;
	[dreg:$0x0] =	wrdreg $0x0  }
0xa8: {  	s5 =	sshll.u32 s28, $0x1;
	[dreg:$0x2] =	wrdreg s3  }
0xa9: {  	[dreg:$0x3] =	wrdreg s5  }
0xaa: {  	[dreg:$0x4] =	wrdreg $0xC0  }
0xab: {  	_ =	task [dreg:s7], $0x5FFFF  }
0xac: {  	[dreg:$0x1] =	wrdreg $0xFFFFFFFF  }
0xad: {  	[dreg:$0x0] =	wrdreg $0x60  }
0xae: {  	[dreg:$0x2] =	wrdreg s24  }
0xaf: {  	[dreg:$0x3] =	wrdreg s2  }
0xb0: {  	[dreg:$0x4] =	wrdreg $0xB8000  }
0xb1: {  	[dreg:$0x5] =	wrdreg $0x9  }
0xb2: {  	_ =	task.clear_ibuf [dreg:s7], $0x6FFFF;
	_ =	strace $0x90000046  }
0xb3: {  	s29 =	simm.s32 $0x9;
	_ =	strace $0x80000048  }
0xb4: {  	_ =	swait.ge [sflag:s29], $0x1  }
0xb5: {  	[sflag:s29] =	ssyncadd.s32 $0xFFFFFFFF  }
0xb6: {  	_ =	strace $0x90000048  }
0xb7: {  	_ =	sfence  }
0xb8: {  	s30 =	sld [smem:$0x0];
	_ =	sdelay $0x2  }
0xb9: {  	s31 =	sshll.u32 s1, $0xD;
	s1 =	sshrl.u32 s1, $0x2  }
0xba: {  	s3 =	sand.u32 $0x4000, s31;
	s1 =	sadd.s32 s1, s30  }
0xbb: {  	s0 =	sor.u32 s3, s0;
	s1 =	sshll.u32 s1, $0x11  }
0xbc: {  	s0 =	sor.u32 s1, s0  }
0xbd: {  	s0 =	sadd.s32 $0x8F2B, s0  }
0xbe: {  	[sflag:s0] =	ssyncadd.remote.s32 $0x1  }
0xbf: {  	_ =	sfence.sel $0xFFFF  }
0xc0: {  	[dreg:$0x0] =	wrdreg $0xFFFFFFFF;
	(pc) =	sbr.abs _section_cstart, $3  }
0xc1: {  	[dreg:$0x1] =	wrdreg $0xFFFFFFFF  }
0xc2: {  	_ =	task.clear_ibuf [dreg:s7], $0x2FFFF;
	_ =	strace $0x9FFFFFFF  }
0xc3: {  	(tm) =	ssettm $0x7FFFFFFF  }
tec
execute0_lowered:
.L_overlay_start_1:
0x0: {  	(tag) =	ssettag $0x1  }
0x1: {  	s0 =	srdreg.scid;
	s19 =	stileid.u32  }
0x2: {  	s4 =	sand.u32 $0x1, s0;
	s13 =	sshll.u32 s19, $0x1;
	s8 =	sor.u32 $0x10, s19  }
0x3: {  	s0 =	sor.u32 s4, s13;
	s2 =	ssub.s32 $0x2, s4;
	s4 =	smul.u32 $0x138800, s4  }
0x4: {  	s10 =	sor.u32 $0x30, s19;
	s17 =	smul.u32 $0x2800, s8  }
0x5: {  	s1 =	rddreg [dreg:$0x0];
	s12 =	sor.u32 $0x40, s19;
	s20 =	smul.u32 $0x2800, s10  }
0x6: {  	s7 =	rddreg [dreg:$0x1];
	s5 =	sadd.s32 $0x1600, s1;
	s22 =	smul.u32 $0x2800, s12  }
0x7: {  	s9 =	sor.u32 $0x20, s19;
	s26 =	sadd.s32 $0x448200, s1;
	s0 =	smul.u32 $0x5000, s0  }
0x8: {  	p0 =	sgt.u32 s19, $0xC;
	s8 =	smul.u32 $0xA000, s8;
	s3 =	sshrl.u32 s2, $0x1  }
0x9: {  	s25 =	sadd.s32 s4, s17;
	s6 =	sshrl.u32 s0, $0x3;
	s0 =	ssub.s32 s2, s3  }
0xa: {  	s3 =	sor.u32 $0x50, s19;
	s2 =	sor.u32 $0x60, s19;
	s21 =	sadd.s32 s5, s6  }
0xb: {  	s14 =	sadd.s32 s7, s6;
	s11 =	sadd.s32 $0x200, s6;
	s15 =	sadd.s32 $0x400, s6  }
0xc: {  	s18 =	sadd.s32 $0x600, s6;
	s6 =	sadd.s32 $0x800, s6;
	s24 =	smul.u32 $0x2800, s3  }
0xd: {  	s17 =	smul.u32 $0x2800, s2;
	[dreg:$0x5] =	wrdreg s14;
	s13 =	sadd.s32 s5, s11  }
0xe: {  	s3 =	smul.u32 $0xA000, s3;
	s11 =	sadd.s32 s7, s11;
	[dreg:$0x6] =	wrdreg s13  }
0xf: {  	s2 =	smul.u32 $0xA000, s2;
	s16 =	sadd.s32 s5, s15;
	[dreg:$0x7] =	wrdreg s11  }
0x10: {  	s0 =	smax.u32 s0, $0x1;
	s14 =	smul.u32 $0x2800, s19;
	[dreg:$0x8] =	wrdreg s16  }
0x11: {  	s13 =	sadd.s32 s7, s15;
	s15 =	smul.u32 $0x2800, s9;
	s16 =	sadd.s32 s5, s18  }
0x12: {  	s5 =	sadd.s32 s5, s6;
	s6 =	sadd.s32 s7, s6;
	[dreg:$0x9] =	wrdreg s13  }
0x13: {  	s11 =	simm.s32 $0x0;
	s17 =	sadd.s32 s4, s17;
	[dreg:$0xa] =	wrdreg s16  }
0x14: {  	s9 =	smul.u32 $0xA000, s9;
	s2 =	sshrl.u32 s2, $0x2;
	[dreg:$0xc] =	wrdreg s5  }
0x15: {  	s13 =	sadd.s32 s7, s18;
	[dreg:$0xd] =	wrdreg s6;
	s23 =	sadd.s32 s14, s4  }
0x16: {  	s14 =	sor.u32 $0x70, s19;
	s16 =	sadd.s32 s4, s20;
	[smem:$0x7FF] =	sst s11  }
0x17: {  	s5 =	sadd.s32 s4, s22;
	s7 =	sadd.s32 s4, s24;
	[dreg:$0xb] =	wrdreg s13  }
0x18: {  	s15 =	sadd.s32 s4, s15;
	s18 =	smul.u32 $0x2800, s14;
	s6 =	sshrl.u32 s23, $0x3  }
0x19: {  	s13 =	sshrl.u32 s25, $0x3;
	s16 =	sshrl.u32 s16, $0x3;
	s5 =	sshrl.u32 s5, $0x3  }
0x1a: {  	s22 =	sshrl.u32 s7, $0x3;
	s23 =	sshrl.u32 s17, $0x3;
	s25 =	smul.u32 $0xA000, s19  }
0x1b: {  	s7 =	smul.u32 $0xA000, s12;
	s12 =	sshrl.u32 s9, $0x2;
	s17 =	sadd.s32 $0x14200, s21  }
0x1c: {  	s19 =	sadd.s32 $0x14600, s21;
	s9 =	simm.s32 $0x4;
	s6 =	sadd.s32 s26, s6  }
0x1d: {  	s15 =	sshrl.u32 s15, $0x3;
	s20 =	sadd.s32 s26, s16;
	[dreg:$0xe] =	wrdreg s6  }
0x1e: {  	s5 =	sadd.s32 s26, s5;
	s24 =	sadd.s32 s26, s23;
	[dreg:$0x11] =	wrdreg s20  }
0x1f: {  	s16 =	sadd.s32 $0x14000, s21;
	s4 =	sadd.s32 s4, s18;
	[dreg:$0x12] =	wrdreg s5  }
0x20: {  	s6 =	sadd.s32 s26, s13;
	s5 =	sadd.s32 s26, s22;
	[dreg:$0x14] =	wrdreg s24  }
0x21: {  	s20 =	rddreg [dreg:$0x2];
	s22 =	sadd.s32 $0x29600, s1;
	s13 =	smul.u32 $0xA000, s14  }
0x22: {  	s14 =	sshrl.u32 s3, $0x2;
	s18 =	sadd.s32 $0x14400, s21;
	[dreg:$0xf] =	wrdreg s6  }
0x23: {  	s1 =	simm.s32 $0x2C00;
	s6 =	sadd.s32 s26, s15;
	[dreg:$0x13] =	wrdreg s5  }
0x24: {  	s4 =	sshrl.u32 s4, $0x3;
	s5 =	sshrl.u32 s7, $0x2;
	s29 =	sadd.s32 s14, s20  }
0x25: {  	s30 =	sadd.s32 s2, s20;
	s7 =	simm.s32 $0x4000;
	s14 =	simm.s32 $0x0  }
0x26: {  	[dreg:$0x10] =	wrdreg s6;
	s4 =	sadd.s32 s26, s4;
	s26 =	smul.u32 $0xA000, s10  }
0x27: {  	s6 =	sshrl.u32 s25, $0x2;
	s10 =	sshrl.u32 s8, $0x2;
	s25 =	sadd.s32 s12, s20  }
0x28: {  	s28 =	sadd.s32 s5, s20;
	s15 =	sshrl.u32 s13, $0x2;
	[dreg:$0x15] =	wrdreg s4  }
0x29: {  	s8 =	simm.s32 $0x1;
	_ =	strace $0x80000047;
	[dreg:$0x16] =	wrdreg s0  }
0x2a: {  	s12 =	simm.s32 $0x3000;
	s13 =	simm.s32 $0x50;
	[dreg:$0x17] =	wrdreg s16  }
0x2b: {  	s5 =	simm.s32 $0x2B80;
	s23 =	sadd.s32 s6, s20;
	[dreg:$0x18] =	wrdreg s17  }
0x2c: {  	s24 =	sadd.s32 s10, s20;
	s31 =	sadd.s32 s15, s20;
	[dreg:$0x19] =	wrdreg s18  }
0x2d: {  	s6 =	simm.s32 $0x2000;
	s10 =	simm.s32 $0x1000;
	[dreg:$0x1a] =	wrdreg s19  }
0x2e: {  	s15 =	simm.s32 $0x6800;
	s4 =	sshrl.u32 s26, $0x2;
	[dreg:$0x4] =	wrdreg s21  }
0x2f: {  	s21 =	sadd.s32 $0x14800, s21;
	s18 =	simm.s32 $0x9000;
	s19 =	simm.s32 $0x5  }
0x30: {  	s17 =	simm.s32 $0x2;
	s0 =	simm.s32 $0x3;
	s26 =	sadd.s32 s4, s20  }
0x31: {  	v0 =	vimm.f32 $0.0e+00;
	[dreg:$0x1b] =	wrdreg s21;
	s21 =	simm.s32 $0x6;
	s4 =	simm.s32 $0x2B00  }
.LBB2_1:
0x32: {  	s2 =	rddreg [dreg:$0x4]  }
0x33: {  	[tilespmem:s11], [sflag:$0x4] =	stream.linear.gather [hbm4b:s2+s11], $0xC80, $0x38;
	[tilespmem:$0x1F080] =	vst v63  }
0x34: {  	s16 =	rddreg [dreg:$0x5]  }
0x35: {  	[tilespmem:s6], [sflag:$0x4] =	stream.linear.gather [hbm4b:s16+s11], $0xC80, $0x38;
	[tilespmem:$0x1F080] =	vst v63  }
0x36: {  	s2 =	simm.s32 $0x0;
	s16 =	simm.s32 $0x200  }
.LBB2_2:
0x37: {  	p1 =	sne.s32 s16, $0x9E00;
	[tilespmem:s2+$0x4070] =	vst v0  }
0x38: {  	[tilespmem:s2+$0x4000] =	vst v0  }
0x39: {  	[tilespmem:s2+$0x4010] =	vst v0  }
.Ltmp0:
0x3a: {  	[tilespmem:s2+$0x4020] =	vst v0;
	(pc) =	sbr.rel @p1 .LBB2_2-.Ltmp0, $4  }
0x3b: {  	[tilespmem:s2+$0x4030] =	vst v0  }
0x3c: {  	[tilespmem:s2+$0x4040] =	vst v0  }
0x3d: {  	[tilespmem:s2+$0x4050] =	vst v0  }
0x3e: {  	[tilespmem:s2+$0x4060] =	vst v0;
	s2 =	sshra.s32 s16, $0x2;
	s16 =	sadd.s32 $0x200, s16  }
0x3f: {  	[tilespmem:s2+$0x4070] =	vst v0  }
0x40: {  	[tilespmem:s2+$0x4000] =	vst v0  }
0x41: {  	[tilespmem:s2+$0x4010] =	vst v0  }
0x42: {  	[tilespmem:s2+$0x4020] =	vst v0  }
0x43: {  	[tilespmem:s2+$0x4030] =	vst v0  }
0x44: {  	[tilespmem:s2+$0x4040] =	vst v0  }
0x45: {  	[tilespmem:s2+$0x4050] =	vst v0  }
0x46: {  	[tilespmem:s2+$0x4060] =	vst v0  }
0x47: {  	[spmem:s23] =	stream.linear.scatter [tilespmem:s7], [sflag:$0x1], $0x2800, $0x38;
	[tilespmem:$0x1F080] =	vst v63  }
0x48: {  	_ = 	snop  }
0x49: {  	[spmem:s24] =	stream.linear.scatter [tilespmem:s7], [sflag:$0x1], $0x2800, $0x38;
	[tilespmem:$0x1F080] =	vst v63  }
0x4a: {  	_ = 	snop  }
0x4b: {  	[spmem:s25] =	stream.linear.scatter [tilespmem:s7], [sflag:$0x1], $0x2800, $0x38;
	[tilespmem:$0x1F080] =	vst v63  }
0x4c: {  	_ = 	snop  }
0x4d: {  	[spmem:s26] =	stream.linear.scatter [tilespmem:s7], [sflag:$0x1], $0x2800, $0x38;
	[tilespmem:$0x1F080] =	vst v63  }
0x4e: {  	_ = 	snop  }
0x4f: {  	[spmem:s28] =	stream.linear.scatter [tilespmem:s7], [sflag:$0x1], $0x2800, $0x38;
	[tilespmem:$0x1F080] =	vst v63  }
0x50: {  	_ = 	snop  }
0x51: {  	[spmem:s29] =	stream.linear.scatter [tilespmem:s7], [sflag:$0x1], $0x2800, $0x38;
	[tilespmem:$0x1F080] =	vst v63  }
0x52: {  	_ = 	snop  }
0x53: {  	[spmem:s30] =	stream.linear.scatter [tilespmem:s7], [sflag:$0x1], $0x2800, $0x38;
	[tilespmem:$0x1F080] =	vst v63  }
0x54: {  	s2 =	simm.s32 @!p0 $0x4000  }
0x55: {  	[spmem:s31] =	stream.linear.scatter @!p0 [tilespmem:s2], [sflag:$0x1], $0x2800, $0x38;
	[tilespmem:$0x1F080] =	vst v63  }
0x56: {  	_ =	swait.ge [sflag:s8], $0x2800  }
0x57: {  	[sflag:s8] =	ssyncset.done $0x0  }
0x58: {  	[sflag:s8] =	ssyncadd.s32 $0xFFFFD800  }
0x59: {  	_ =	swait.ge [sflag:s8], $0x2800  }
0x5a: {  	[sflag:s8] =	ssyncset.done $0x0  }
0x5b: {  	[sflag:s8] =	ssyncadd.s32 $0xFFFFD800  }
0x5c: {  	_ =	swait.ge [sflag:s8], $0x2800  }
0x5d: {  	[sflag:s8] =	ssyncset.done $0x0  }
0x5e: {  	[sflag:s8] =	ssyncadd.s32 $0xFFFFD800  }
0x5f: {  	_ =	swait.ge [sflag:s8], $0x2800  }
0x60: {  	[sflag:s8] =	ssyncset.done $0x0  }
0x61: {  	[sflag:s8] =	ssyncadd.s32 $0xFFFFD800  }
0x62: {  	_ =	swait.ge [sflag:s8], $0x2800  }
0x63: {  	[sflag:s8] =	ssyncset.done $0x0  }
0x64: {  	[sflag:s8] =	ssyncadd.s32 $0xFFFFD800  }
0x65: {  	_ =	swait.ge [sflag:s8], $0x2800  }
0x66: {  	[sflag:s8] =	ssyncset.done $0x0  }
0x67: {  	[sflag:s8] =	ssyncadd.s32 $0xFFFFD800  }
0x68: {  	_ =	swait.ge [sflag:s8], $0x2800  }
0x69: {  	[sflag:s8] =	ssyncset.done $0x0  }
0x6a: {  	s2 =	simm.s32 @!p0 $0x1;
	[sflag:s8] =	ssyncadd.s32 $0xFFFFD800  }
0x6b: {  	_ =	swait.ge @!p0 [sflag:s2], $0x2800  }
0x6c: {  	[sflag:s2] =	ssyncset.done @!p0 $0x0  }
0x6d: {  	[sflag:s2] =	ssyncadd.s32 @!p0 $0xFFFFD800  }
0x6e: {  	_ =	swait.ge [sflag:s9], $0xC80  }
0x6f: {  	[sflag:s9] =	ssyncset.done $0x0  }
0x70: {  	[sflag:s9] =	ssyncadd.s32 $0xFFFFF380  }
0x71: {  	_ =	swait.ge [sflag:s9], $0xC80  }
0x72: {  	[sflag:s9] =	ssyncset.done $0x0  }
0x73: {  	s16 =	simm.s32 $0x0;
	[sflag:s9] =	ssyncadd.s32 $0xFFFFF380  }
0x74: {  	v5 =	vld [tilespmem:s16+$0x2000]  }
0x75: {  	v4 =	vld [tilespmem:s16+$0x2010]  }
0x76: {  	v3 =	vld [tilespmem:s16+$0x2020]  }
0x77: {  	v2 =	vld [tilespmem:s16+$0x2030]  }
0x78: {  	v1 =	vld [tilespmem:s16+$0x2040]  }
0x79: {  	v7 =	vld [tilespmem:s16+$0x0]  }
0x7a: {  	s2 =	simm.s32 $0x200;
	v6 =	vld [tilespmem:s16+$0x10]  }
.LBB2_4:
0x7b: {  	p1 =	sne.s32 s2, $0x3000;
	v8 =	vld [tilespmem:s16+$0x20]  }
0x7c: {  	v9 =	vmul.u32 $0x2710, v5;
	v10 =	vld [tilespmem:s16+$0x30]  }
0x7d: {  	s3 =	sshra.s32 s2, $0x2;
	v11 =	vmul.u32 $0x2710, v4;
	v12 =	vld [tilespmem:s16+$0x40]  }
0x7e: {  	v5 =	vld [tilespmem:s3+$0x2000];
	v7 =	vadd.s32 v7, v9;
	v9 =	vmul.u32 $0x2710, v3  }
0x7f: {  	v4 =	vld [tilespmem:s3+$0x2010];
	[tilespmem:s16+$0x0] =	vst v7;
	v6 =	vadd.s32 v6, v11;
	v7 =	vmul.u32 $0x2710, v2  }
.Ltmp1:
0x80: {  	v3 =	vld [tilespmem:s3+$0x2020];
	[tilespmem:s16+$0x10] =	vst v6;
	v6 =	vadd.s32 v8, v9;
	v8 =	vmul.u32 $0x2710, v1;
	(pc) =	sbr.rel @p1 .LBB2_4-.Ltmp1, $4  }
0x81: {  	v2 =	vld [tilespmem:s3+$0x2030];
	[tilespmem:s16+$0x20] =	vst v6;
	v6 =	vadd.s32 v10, v7  }
0x82: {  	v1 =	vld [tilespmem:s3+$0x2040];
	[tilespmem:s16+$0x30] =	vst v6;
	v6 =	vadd.s32 v12, v8  }
0x83: {  	v7 =	vld [tilespmem:s3+$0x0];
	[tilespmem:s16+$0x40] =	vst v6;
	s16 =	smov.u32 s3  }
0x84: {  	s2 =	sadd.s32 $0x200, s2;
	v6 =	vld [tilespmem:s16+$0x10]  }
0x85: {  	v8 =	vld [tilespmem:s16+$0x20]  }
0x86: {  	v5 =	vmul.u32 $0x2710, v5;
	v9 =	vld [tilespmem:s16+$0x30]  }
0x87: {  	v4 =	vmul.u32 $0x2710, v4;
	v10 =	vld [tilespmem:s16+$0x40]  }
0x88: {  	v3 =	vmul.u32 $0x2710, v3;
	v5 =	vadd.s32 v7, v5  }
0x89: {  	v2 =	vmul.u32 $0x2710, v2;
	[tilespmem:s16+$0x0] =	vst v5;
	v4 =	vadd.s32 v6, v4  }
0x8a: {  	v1 =	vmul.u32 $0x2710, v1;
	[tilespmem:s16+$0x10] =	vst v4;
	v3 =	vadd.s32 v8, v3  }
0x8b: {  	v2 =	vadd.s32 v9, v2;
	[tilespmem:s16+$0x20] =	vst v3  }
0x8c: {  	v1 =	vadd.s32 v10, v1;
	[tilespmem:s16+$0x30] =	vst v2  }
0x8d: {  	s2 =	simm.s32 $0x0;
	s3 =	rddreg [dreg:$0x17];
	[tilespmem:s16+$0x40] =	vst v1  }
0x8e: {  	[tilespmem:s6], [sflag:$0x4] =	stream.linear.gather [hbm4b:s3+s2], $0xC80, $0x38;
	[tilespmem:$0x1F080] =	vst v63  }
0x8f: {  	s16 =	rddreg [dreg:$0x6]  }
0x90: {  	[tilespmem:s10], [sflag:$0x5] =	stream.linear.gather [hbm4b:s16+s2], $0xC80, $0x38;
	[tilespmem:$0x1F080] =	vst v63  }
0x91: {  	s16 =	rddreg [dreg:$0x7]  }
0x92: {  	[tilespmem:s12], [sflag:$0x5] =	stream.linear.gather [hbm4b:s16+s2], $0xC80, $0x38;
	[tilespmem:$0x1F080] =	vst v63  }
0x93: {  	[bflag:$0x0] =	sbarrier.arrive $0xFFFF  }
0x94: {  	[tilespmem:s7], [sflag:$0x1] =	stream.indirect.gather [hbm4b:s22+s13], $0x80, s2, s13, $0xb8;
	[tilespmem:$0x1F080] =	vst v63  }
0x95: {  	s3 =	simm.s32 $0x80  }
0x96: {  	[tilespmem:s15], [sflag:$0x2] =	stream.indirect.gather [hbm4b:s22+s13], $0x80, s3, s13, $0xb8;
	[tilespmem:$0x1F080] =	vst v63  }
0x97: {  	s16 =	simm.s32 $0x100  }
0x98: {  	[tilespmem:s18], [sflag:$0x3] =	stream.indirect.gather [hbm4b:s22+s13], $0x80, s16, s13, $0xb8;
	[tilespmem:$0x1F080] =	vst v63  }
0x99: {  	_ =	swait.ge [sflag:s19], $0xC80  }
0x9a: {  	[sflag:s19] =	ssyncset.done $0x0  }
0x9b: {  	[sflag:s19] =	ssyncadd.s32 $0xFFFFF380  }
0x9c: {  	_ =	swait.ge [sflag:s19], $0xC80  }
0x9d: {  	[sflag:s19] =	ssyncset.done $0x0  }
0x9e: {  	s16 =	simm.s32 $0x0;
	[sflag:s19] =	ssyncadd.s32 $0xFFFFF380  }
0x9f: {  	v5 =	vld [tilespmem:s16+$0x3000]  }
0xa0: {  	v4 =	vld [tilespmem:s16+$0x3010]  }
0xa1: {  	v3 =	vld [tilespmem:s16+$0x3020]  }
0xa2: {  	v2 =	vld [tilespmem:s16+$0x3030]  }
0xa3: {  	v1 =	vld [tilespmem:s16+$0x3040]  }
0xa4: {  	v7 =	vld [tilespmem:s16+$0x1000]  }
0xa5: {  	s2 =	simm.s32 $0x200;
	v6 =	vld [tilespmem:s16+$0x1010]  }
.LBB2_6:
0xa6: {  	p1 =	sne.s32 s2, $0x3000;
	v8 =	vld [tilespmem:s16+$0x1020]  }
0xa7: {  	v9 =	vmul.u32 $0x2710, v5;
	v10 =	vld [tilespmem:s16+$0x1030]  }
0xa8: {  	s3 =	sshra.s32 s2, $0x2;
	v11 =	vmul.u32 $0x2710, v4;
	v12 =	vld [tilespmem:s16+$0x1040]  }
0xa9: {  	v5 =	vld [tilespmem:s3+$0x3000];
	v7 =	vadd.s32 v7, v9;
	v9 =	vmul.u32 $0x2710, v3  }
0xaa: {  	v4 =	vld [tilespmem:s3+$0x3010];
	[tilespmem:s16+$0x1000] =	vst v7;
	v6 =	vadd.s32 v6, v11;
	v7 =	vmul.u32 $0x2710, v2  }
.Ltmp2:
0xab: {  	v3 =	vld [tilespmem:s3+$0x3020];
	[tilespmem:s16+$0x1010] =	vst v6;
	v6 =	vadd.s32 v8, v9;
	v8 =	vmul.u32 $0x2710, v1;
	(pc) =	sbr.rel @p1 .LBB2_6-.Ltmp2, $4  }
0xac: {  	v2 =	vld [tilespmem:s3+$0x3030];
	[tilespmem:s16+$0x1020] =	vst v6;
	v6 =	vadd.s32 v10, v7  }
0xad: {  	v1 =	vld [tilespmem:s3+$0x3040];
	[tilespmem:s16+$0x1030] =	vst v6;
	v6 =	vadd.s32 v12, v8  }
0xae: {  	v7 =	vld [tilespmem:s3+$0x1000];
	[tilespmem:s16+$0x1040] =	vst v6;
	s16 =	smov.u32 s3  }
0xaf: {  	s2 =	sadd.s32 $0x200, s2;
	v6 =	vld [tilespmem:s16+$0x1010]  }
0xb0: {  	v8 =	vld [tilespmem:s16+$0x1020]  }
0xb1: {  	v5 =	vmul.u32 $0x2710, v5;
	v9 =	vld [tilespmem:s16+$0x1030]  }
0xb2: {  	v4 =	vmul.u32 $0x2710, v4;
	v10 =	vld [tilespmem:s16+$0x1040]  }
0xb3: {  	v3 =	vmul.u32 $0x2710, v3;
	v5 =	vadd.s32 v7, v5  }
0xb4: {  	v2 =	vmul.u32 $0x2710, v2;
	[tilespmem:s16+$0x1000] =	vst v5;
	v4 =	vadd.s32 v6, v4  }
0xb5: {  	v1 =	vmul.u32 $0x2710, v1;
	[tilespmem:s16+$0x1010] =	vst v4;
	v3 =	vadd.s32 v8, v3  }
0xb6: {  	v2 =	vadd.s32 v9, v2;
	[tilespmem:s16+$0x1020] =	vst v3  }
0xb7: {  	v1 =	vadd.s32 v10, v1;
	[tilespmem:s16+$0x1030] =	vst v2  }
0xb8: {  	s2 =	simm.s32 $0x0;
	s3 =	rddreg [dreg:$0x18];
	[tilespmem:s16+$0x1040] =	vst v1  }
0xb9: {  	[tilespmem:s12], [sflag:$0x5] =	stream.linear.gather [hbm4b:s3+s2], $0xC80, $0x38;
	[tilespmem:$0x1F080] =	vst v63  }
0xba: {  	_ =	swait.ge [sflag:s9], $0xC80  }
0xbb: {  	[sflag:s9] =	ssyncset.done $0x0  }
0xbc: {  	[sflag:s9] =	ssyncadd.s32 $0xFFFFF380  }
0xbd: {  	_ =	swait.ge [sflag:s8], $0x2800  }
0xbe: {  	[sflag:s8] =	ssyncset.done $0x0  }
0xbf: {  	s16 =	simm.s32 $0x2000;
	[sflag:s8] =	ssyncadd.s32 $0xFFFFD800  }
0xc0: {  	[spmem:s20] =	stream.indirect.scatter.add.f32 [tilespmem:s7], [sflag:$0x6], $0x80, s16, s13, $0xb8;
	[tilespmem:$0x1F080] =	vst v63  }
0xc1: {  	_ =	swait.ge [sflag:s21], $0x2800  }
0xc2: {  	[sflag:s21] =	ssyncset.done $0x0  }
0xc3: {  	s3 =	simm.s32 $0x180;
	[sflag:s21] =	ssyncadd.s32 $0xFFFFD800  }
0xc4: {  	[tilespmem:s7], [sflag:$0x1] =	stream.indirect.gather [hbm4b:s22+s13], $0x80, s3, s13, $0xb8;
	[tilespmem:$0x1F080] =	vst v63  }
0xc5: {  	_ =	swait.ge [sflag:s17], $0x2800  }
0xc6: {  	[sflag:s17] =	ssyncset.done $0x0  }
0xc7: {  	s16 =	simm.s32 $0x2080;
	[sflag:s17] =	ssyncadd.s32 $0xFFFFD800  }
0xc8: {  	[spmem:s20] =	stream.indirect.scatter.add.f32 [tilespmem:s15], [sflag:$0x6], $0x80, s16, s13, $0xb8;
	[tilespmem:$0x1F080] =	vst v63  }
0xc9: {  	_ =	swait.ge [sflag:s21], $0x2800  }
0xca: {  	[sflag:s21] =	ssyncset.done $0x0  }
0xcb: {  	s3 =	simm.s32 $0x200;
	[sflag:s21] =	ssyncadd.s32 $0xFFFFD800  }
0xcc: {  	[tilespmem:s15], [sflag:$0x2] =	stream.indirect.gather [hbm4b:s22+s13], $0x80, s3, s13, $0xb8;
	[tilespmem:$0x1F080] =	vst v63  }
0xcd: {  	_ =	swait.ge [sflag:s0], $0x2800  }
0xce: {  	[sflag:s0] =	ssyncset.done $0x0  }
0xcf: {  	s16 =	simm.s32 $0x2100;
	[sflag:s0] =	ssyncadd.s32 $0xFFFFD800  }
0xd0: {  	[spmem:s20] =	stream.indirect.scatter.add.f32 [tilespmem:s18], [sflag:$0x6], $0x80, s16, s13, $0xb8;
	[tilespmem:$0x1F080] =	vst v63  }
0xd1: {  	_ =	swait.ge [sflag:s21], $0x2800  }
0xd2: {  	[sflag:s21] =	ssyncset.done $0x0  }
0xd3: {  	s2 =	simm.s32 $0x280;
	s16 =	simm.s32 $0x600;
	[sflag:s21] =	ssyncadd.s32 $0xFFFFD800  }
.LBB2_8:
0xd4: {  	[tilespmem:s18], [sflag:$0x3] =	stream.indirect.gather [hbm4b:s22+s13], $0x80, s2, s13, $0xb8;
	[tilespmem:$0x1F080] =	vst v63  }
0xd5: {  	s2 =	smov.u32 s16  }
0xd6: {  	p1 =	sne.s32 s16, $0x2400;
	s16 =	sadd.s32 $0x600, s16;
	_ =	swait.ge [sflag:s8], $0x2800  }
0xd7: {  	s2 =	sshra.s32 s2, $0x2;
	[sflag:s8] =	ssyncset.done $0x0  }
0xd8: {  	s3 =	sadd.s32 $0x2000, s2;
	[sflag:s8] =	ssyncadd.s32 $0xFFFFD800  }
0xd9: {  	[spmem:s20] =	stream.indirect.scatter.add.f32 [tilespmem:s7], [sflag:$0x6], $0x80, s3, s13, $0xb8;
	[tilespmem:$0x1F080] =	vst v63  }
0xda: {  	_ =	swait.ge [sflag:s21], $0x2800  }
0xdb: {  	[sflag:s21] =	ssyncset.done $0x0  }
0xdc: {  	s3 =	sadd.s32 $0x180, s2;
	[sflag:s21] =	ssyncadd.s32 $0xFFFFD800  }
0xdd: {  	[tilespmem:s7], [sflag:$0x1] =	stream.indirect.gather [hbm4b:s22+s13], $0x80, s3, s13, $0xb8;
	[tilespmem:$0x1F080] =	vst v63  }
0xde: {  	_ =	swait.ge [sflag:s17], $0x2800  }
0xdf: {  	[sflag:s17] =	ssyncset.done $0x0  }
0xe0: {  	s3 =	sadd.s32 $0x2080, s2;
	[sflag:s17] =	ssyncadd.s32 $0xFFFFD800  }
0xe1: {  	[spmem:s20] =	stream.indirect.scatter.add.f32 [tilespmem:s15], [sflag:$0x6], $0x80, s3, s13, $0xb8;
	[tilespmem:$0x1F080] =	vst v63  }
0xe2: {  	_ =	swait.ge [sflag:s21], $0x2800  }
0xe3: {  	[sflag:s21] =	ssyncset.done $0x0  }
0xe4: {  	s3 =	sadd.s32 $0x200, s2;
	[sflag:s21] =	ssyncadd.s32 $0xFFFFD800  }
0xe5: {  	[tilespmem:s15], [sflag:$0x2] =	stream.indirect.gather [hbm4b:s22+s13], $0x80, s3, s13, $0xb8;
	[tilespmem:$0x1F080] =	vst v63  }
0xe6: {  	_ =	swait.ge [sflag:s0], $0x2800  }
0xe7: {  	[sflag:s0] =	ssyncset.done $0x0  }
.Ltmp3:
0xe8: {  	s3 =	sadd.s32 $0x2100, s2;
	[sflag:s0] =	ssyncadd.s32 $0xFFFFD800;
	(pc) =	sbr.rel @p1 .LBB2_8-.Ltmp3, $4  }
0xe9: {  	[spmem:s20] =	stream.indirect.scatter.add.f32 [tilespmem:s18], [sflag:$0x6], $0x80, s3, s13, $0xb8;
	[tilespmem:$0x1F080] =	vst v63  }
0xea: {  	_ =	swait.ge [sflag:s21], $0x2800  }
0xeb: {  	[sflag:s21] =	ssyncset.done $0x0  }
0xec: {  	s2 =	sadd.s32 $0x280, s2;
	[sflag:s21] =	ssyncadd.s32 $0xFFFFD800  }
0xed: {  	[tilespmem:s18], [sflag:$0x3] =	stream.indirect.gather [hbm4b:s22+s13], $0x80, s2, s13, $0xb8;
	[tilespmem:$0x1F080] =	vst v63  }
0xee: {  	_ =	swait.ge [sflag:s8], $0x2800  }
0xef: {  	[sflag:s8] =	ssyncset.done $0x0  }
0xf0: {  	s16 =	simm.s32 $0x2A80;
	[sflag:s8] =	ssyncadd.s32 $0xFFFFD800  }
0xf1: {  	[spmem:s20] =	stream.indirect.scatter.add.f32 [tilespmem:s7], [sflag:$0x6], $0x80, s16, s13, $0xb8;
	[tilespmem:$0x1F080] =	vst v63  }
0xf2: {  	_ =	swait.ge [sflag:s21], $0x2800  }
0xf3: {  	[sflag:s21] =	ssyncset.done $0x0  }
0xf4: {  	s3 =	simm.s32 $0xC00;
	[sflag:s21] =	ssyncadd.s32 $0xFFFFD800  }
0xf5: {  	[tilespmem:s7], [sflag:$0x1] =	stream.indirect.gather [hbm4b:s22+s13], $0x80, s3, s13, $0xb8;
	[tilespmem:$0x1F080] =	vst v63  }
0xf6: {  	_ =	swait.ge [sflag:s17], $0x2800  }
0xf7: {  	[sflag:s17] =	ssyncset.done $0x0  }
0xf8: {  	[sflag:s17] =	ssyncadd.s32 $0xFFFFD800  }
0xf9: {  	[spmem:s20] =	stream.indirect.scatter.add.f32 [tilespmem:s15], [sflag:$0x6], $0x80, s4, s13, $0xb8;
	[tilespmem:$0x1F080] =	vst v63  }
0xfa: {  	_ =	swait.ge [sflag:s21], $0x2800  }
0xfb: {  	[sflag:s21] =	ssyncset.done $0x0  }
0xfc: {  	[sflag:s21] =	ssyncadd.s32 $0xFFFFD800  }
0xfd: {  	_ =	swait.ge [sflag:s0], $0x2800  }
0xfe: {  	[sflag:s0] =	ssyncset.done $0x0  }
0xff: {  	[sflag:s0] =	ssyncadd.s32 $0xFFFFD800  }
0x100: {  	[spmem:s20] =	stream.indirect.scatter.add.f32 [tilespmem:s18], [sflag:$0x6], $0x80, s5, s13, $0xb8;
	[tilespmem:$0x1F080] =	vst v63  }
0x101: {  	_ =	swait.ge [sflag:s21], $0x2800  }
0x102: {  	[sflag:s21] =	ssyncset.done $0x0  }
0x103: {  	[sflag:s21] =	ssyncadd.s32 $0xFFFFD800  }
0x104: {  	_ =	swait.ge [sflag:s8], $0x2800  }
0x105: {  	[sflag:s8] =	ssyncset.done $0x0  }
0x106: {  	[sflag:s8] =	ssyncadd.s32 $0xFFFFD800  }
0x107: {  	[spmem:s20] =	stream.indirect.scatter.add.f32 [tilespmem:s7], [sflag:$0x6], $0x80, s1, s13, $0xb8;
	[tilespmem:$0x1F080] =	vst v63  }
0x108: {  	_ =	swait.ge [sflag:s21], $0x2800  }
0x109: {  	[sflag:s21] =	ssyncset.done $0x0  }
0x10a: {  	s2 =	simm.s32 $0x0;
	s3 =	rddreg [dreg:$0x8];
	[sflag:s21] =	ssyncadd.s32 $0xFFFFD800  }
0x10b: {  	[tilespmem:s2], [sflag:$0x4] =	stream.linear.gather [hbm4b:s3+s2], $0xC80, $0x38;
	[tilespmem:$0x1F080] =	vst v63  }
0x10c: {  	s16 =	rddreg [dreg:$0x9]  }
0x10d: {  	[tilespmem:s6], [sflag:$0x4] =	stream.linear.gather [hbm4b:s16+s2], $0xC80, $0x38;
	[tilespmem:$0x1F080] =	vst v63  }
0x10e: {  	_ = 	snop  }
0x10f: {  	[tilespmem:s7], [sflag:$0x1] =	stream.indirect.gather [hbm4b:s22+s13], $0x80, s10, s13, $0xb8;
	[tilespmem:$0x1F080] =	vst v63  }
0x110: {  	s3 =	simm.s32 $0x1080  }
0x111: {  	[tilespmem:s15], [sflag:$0x2] =	stream.indirect.gather [hbm4b:s22+s13], $0x80, s3, s13, $0xb8;
	[tilespmem:$0x1F080] =	vst v63  }
0x112: {  	s16 =	simm.s32 $0x1100  }
0x113: {  	[tilespmem:s18], [sflag:$0x3] =	stream.indirect.gather [hbm4b:s22+s13], $0x80, s16, s13, $0xb8;
	[tilespmem:$0x1F080] =	vst v63  }
0x114: {  	_ =	swait.ge [sflag:s9], $0xC80  }
0x115: {  	[sflag:s9] =	ssyncset.done $0x0  }
0x116: {  	[sflag:s9] =	ssyncadd.s32 $0xFFFFF380  }
0x117: {  	_ =	swait.ge [sflag:s9], $0xC80  }
0x118: {  	[sflag:s9] =	ssyncset.done $0x0  }
0x119: {  	s16 =	simm.s32 $0x0;
	[sflag:s9] =	ssyncadd.s32 $0xFFFFF380  }
0x11a: {  	v5 =	vld [tilespmem:s16+$0x2000]  }
0x11b: {  	v4 =	vld [tilespmem:s16+$0x2010]  }
0x11c: {  	v3 =	vld [tilespmem:s16+$0x2020]  }
0x11d: {  	v2 =	vld [tilespmem:s16+$0x2030]  }
0x11e: {  	v1 =	vld [tilespmem:s16+$0x2040]  }
0x11f: {  	v7 =	vld [tilespmem:s16+$0x0]  }
0x120: {  	s2 =	simm.s32 $0x200;
	v6 =	vld [tilespmem:s16+$0x10]  }
.LBB2_10:
0x121: {  	p1 =	sne.s32 s2, $0x3000;
	v8 =	vld [tilespmem:s16+$0x20]  }
0x122: {  	v9 =	vmul.u32 $0x2710, v5;
	v10 =	vld [tilespmem:s16+$0x30]  }
0x123: {  	s3 =	sshra.s32 s2, $0x2;
	v11 =	vmul.u32 $0x2710, v4;
	v12 =	vld [tilespmem:s16+$0x40]  }
0x124: {  	v5 =	vld [tilespmem:s3+$0x2000];
	v7 =	vadd.s32 v7, v9;
	v9 =	vmul.u32 $0x2710, v3  }
0x125: {  	v4 =	vld [tilespmem:s3+$0x2010];
	[tilespmem:s16+$0x0] =	vst v7;
	v6 =	vadd.s32 v6, v11;
	v7 =	vmul.u32 $0x2710, v2  }
.Ltmp4:
0x126: {  	v3 =	vld [tilespmem:s3+$0x2020];
	[tilespmem:s16+$0x10] =	vst v6;
	v6 =	vadd.s32 v8, v9;
	v8 =	vmul.u32 $0x2710, v1;
	(pc) =	sbr.rel @p1 .LBB2_10-.Ltmp4, $4  }
0x127: {  	v2 =	vld [tilespmem:s3+$0x2030];
	[tilespmem:s16+$0x20] =	vst v6;
	v6 =	vadd.s32 v10, v7  }
0x128: {  	v1 =	vld [tilespmem:s3+$0x2040];
	[tilespmem:s16+$0x30] =	vst v6;
	v6 =	vadd.s32 v12, v8  }
0x129: {  	v7 =	vld [tilespmem:s3+$0x0];
	[tilespmem:s16+$0x40] =	vst v6;
	s16 =	smov.u32 s3  }
0x12a: {  	s2 =	sadd.s32 $0x200, s2;
	v6 =	vld [tilespmem:s16+$0x10]  }
0x12b: {  	v8 =	vld [tilespmem:s16+$0x20]  }
0x12c: {  	v5 =	vmul.u32 $0x2710, v5;
	v9 =	vld [tilespmem:s16+$0x30]  }
0x12d: {  	v4 =	vmul.u32 $0x2710, v4;
	v10 =	vld [tilespmem:s16+$0x40]  }
0x12e: {  	v3 =	vmul.u32 $0x2710, v3;
	v5 =	vadd.s32 v7, v5  }
0x12f: {  	v2 =	vmul.u32 $0x2710, v2;
	[tilespmem:s16+$0x0] =	vst v5;
	v4 =	vadd.s32 v6, v4  }
0x130: {  	v1 =	vmul.u32 $0x2710, v1;
	[tilespmem:s16+$0x10] =	vst v4;
	v3 =	vadd.s32 v8, v3  }
0x131: {  	v2 =	vadd.s32 v9, v2;
	[tilespmem:s16+$0x20] =	vst v3  }
0x132: {  	v1 =	vadd.s32 v10, v1;
	[tilespmem:s16+$0x30] =	vst v2  }
0x133: {  	s2 =	rddreg [dreg:$0x19];
	[tilespmem:s16+$0x40] =	vst v1;
	s16 =	simm.s32 $0x0  }
0x134: {  	[tilespmem:s6], [sflag:$0x4] =	stream.linear.gather [hbm4b:s2+s16], $0xC80, $0x38;
	[tilespmem:$0x1F080] =	vst v63  }
0x135: {  	_ =	swait.ge [sflag:s19], $0xC80  }
0x136: {  	[sflag:s19] =	ssyncset.done $0x0  }
0x137: {  	[sflag:s19] =	ssyncadd.s32 $0xFFFFF380  }
0x138: {  	_ =	swait.ge [sflag:s8], $0x2800  }
0x139: {  	[sflag:s8] =	ssyncset.done $0x0  }
0x13a: {  	[sflag:s8] =	ssyncadd.s32 $0xFFFFD800  }
0x13b: {  	[spmem:s20] =	stream.indirect.scatter.add.f32 [tilespmem:s7], [sflag:$0x6], $0x80, s12, s13, $0xb8;
	[tilespmem:$0x1F080] =	vst v63  }
0x13c: {  	_ =	swait.ge [sflag:s21], $0x2800  }
0x13d: {  	[sflag:s21] =	ssyncset.done $0x0  }
0x13e: {  	s3 =	simm.s32 $0x1180;
	[sflag:s21] =	ssyncadd.s32 $0xFFFFD800  }
0x13f: {  	[tilespmem:s7], [sflag:$0x1] =	stream.indirect.gather [hbm4b:s22+s13], $0x80, s3, s13, $0xb8;
	[tilespmem:$0x1F080] =	vst v63  }
0x140: {  	_ =	swait.ge [sflag:s17], $0x2800  }
0x141: {  	[sflag:s17] =	ssyncset.done $0x0  }
0x142: {  	s3 =	simm.s32 $0x3080;
	[sflag:s17] =	ssyncadd.s32 $0xFFFFD800  }
0x143: {  	[spmem:s20] =	stream.indirect.scatter.add.f32 [tilespmem:s15], [sflag:$0x6], $0x80, s3, s13, $0xb8;
	[tilespmem:$0x1F080] =	vst v63  }
0x144: {  	_ =	swait.ge [sflag:s21], $0x2800  }
0x145: {  	[sflag:s21] =	ssyncset.done $0x0  }
0x146: {  	s3 =	simm.s32 $0x1200;
	[sflag:s21] =	ssyncadd.s32 $0xFFFFD800  }
0x147: {  	[tilespmem:s15], [sflag:$0x2] =	stream.indirect.gather [hbm4b:s22+s13], $0x80, s3, s13, $0xb8;
	[tilespmem:$0x1F080] =	vst v63  }
0x148: {  	_ =	swait.ge [sflag:s0], $0x2800  }
0x149: {  	[sflag:s0] =	ssyncset.done $0x0  }
0x14a: {  	s3 =	simm.s32 $0x3100;
	[sflag:s0] =	ssyncadd.s32 $0xFFFFD800  }
0x14b: {  	[spmem:s20] =	stream.indirect.scatter.add.f32 [tilespmem:s18], [sflag:$0x6], $0x80, s3, s13, $0xb8;
	[tilespmem:$0x1F080] =	vst v63  }
0x14c: {  	_ =	swait.ge [sflag:s21], $0x2800  }
0x14d: {  	[sflag:s21] =	ssyncset.done $0x0  }
0x14e: {  	s3 =	simm.s32 $0x1280;
	[sflag:s21] =	ssyncadd.s32 $0xFFFFD800  }
0x14f: {  	[tilespmem:s18], [sflag:$0x3] =	stream.indirect.gather [hbm4b:s22+s13], $0x80, s3, s13, $0xb8;
	[tilespmem:$0x1F080] =	vst v63  }
0x150: {  	_ =	swait.ge [sflag:s8], $0x2800  }
0x151: {  	[sflag:s8] =	ssyncset.done $0x0  }
0x152: {  	s3 =	simm.s32 $0x3180;
	[sflag:s8] =	ssyncadd.s32 $0xFFFFD800  }
0x153: {  	[spmem:s20] =	stream.indirect.scatter.add.f32 [tilespmem:s7], [sflag:$0x6], $0x80, s3, s13, $0xb8;
	[tilespmem:$0x1F080] =	vst v63  }
0x154: {  	_ =	swait.ge [sflag:s21], $0x2800  }
0x155: {  	[sflag:s21] =	ssyncset.done $0x0  }
0x156: {  	s3 =	simm.s32 $0x1300;
	[sflag:s21] =	ssyncadd.s32 $0xFFFFD800  }
0x157: {  	[tilespmem:s7], [sflag:$0x1] =	stream.indirect.gather [hbm4b:s22+s13], $0x80, s3, s13, $0xb8;
	[tilespmem:$0x1F080] =	vst v63  }
0x158: {  	_ =	swait.ge [sflag:s17], $0x2800  }
0x159: {  	[sflag:s17] =	ssyncset.done $0x0  }
0x15a: {  	s3 =	simm.s32 $0x3200;
	[sflag:s17] =	ssyncadd.s32 $0xFFFFD800  }
0x15b: {  	[spmem:s20] =	stream.indirect.scatter.add.f32 [tilespmem:s15], [sflag:$0x6], $0x80, s3, s13, $0xb8;
	[tilespmem:$0x1F080] =	vst v63  }
0x15c: {  	_ =	swait.ge [sflag:s21], $0x2800  }
0x15d: {  	[sflag:s21] =	ssyncset.done $0x0  }
0x15e: {  	s3 =	simm.s32 $0x1380;
	[sflag:s21] =	ssyncadd.s32 $0xFFFFD800  }
0x15f: {  	[tilespmem:s15], [sflag:$0x2] =	stream.indirect.gather [hbm4b:s22+s13], $0x80, s3, s13, $0xb8;
	[tilespmem:$0x1F080] =	vst v63  }
0x160: {  	_ =	swait.ge [sflag:s0], $0x2800  }
0x161: {  	[sflag:s0] =	ssyncset.done $0x0  }
0x162: {  	s3 =	simm.s32 $0x3280;
	[sflag:s0] =	ssyncadd.s32 $0xFFFFD800  }
0x163: {  	[spmem:s20] =	stream.indirect.scatter.add.f32 [tilespmem:s18], [sflag:$0x6], $0x80, s3, s13, $0xb8;
	[tilespmem:$0x1F080] =	vst v63  }
0x164: {  	_ =	swait.ge [sflag:s21], $0x2800  }
0x165: {  	[sflag:s21] =	ssyncset.done $0x0  }
0x166: {  	s3 =	simm.s32 $0x1400;
	[sflag:s21] =	ssyncadd.s32 $0xFFFFD800  }
0x167: {  	[tilespmem:s18], [sflag:$0x3] =	stream.indirect.gather [hbm4b:s22+s13], $0x80, s3, s13, $0xb8;
	[tilespmem:$0x1F080] =	vst v63  }
0x168: {  	_ =	swait.ge [sflag:s8], $0x2800  }
0x169: {  	[sflag:s8] =	ssyncset.done $0x0  }
0x16a: {  	s3 =	simm.s32 $0x3300;
	[sflag:s8] =	ssyncadd.s32 $0xFFFFD800  }
0x16b: {  	[spmem:s20] =	stream.indirect.scatter.add.f32 [tilespmem:s7], [sflag:$0x6], $0x80, s3, s13, $0xb8;
	[tilespmem:$0x1F080] =	vst v63  }
0x16c: {  	_ =	swait.ge [sflag:s21], $0x2800  }
0x16d: {  	[sflag:s21] =	ssyncset.done $0x0  }
0x16e: {  	s3 =	simm.s32 $0x1480;
	[sflag:s21] =	ssyncadd.s32 $0xFFFFD800  }
0x16f: {  	[tilespmem:s7], [sflag:$0x1] =	stream.indirect.gather [hbm4b:s22+s13], $0x80, s3, s13, $0xb8;
	[tilespmem:$0x1F080] =	vst v63  }
0x170: {  	_ =	swait.ge [sflag:s17], $0x2800  }
0x171: {  	[sflag:s17] =	ssyncset.done $0x0  }
0x172: {  	s3 =	simm.s32 $0x3380;
	[sflag:s17] =	ssyncadd.s32 $0xFFFFD800  }
0x173: {  	[spmem:s20] =	stream.indirect.scatter.add.f32 [tilespmem:s15], [sflag:$0x6], $0x80, s3, s13, $0xb8;
	[tilespmem:$0x1F080] =	vst v63  }
0x174: {  	_ =	swait.ge [sflag:s21], $0x2800  }
0x175: {  	[sflag:s21] =	ssyncset.done $0x0  }
0x176: {  	s3 =	simm.s32 $0x1500;
	[sflag:s21] =	ssyncadd.s32 $0xFFFFD800  }
0x177: {  	[tilespmem:s15], [sflag:$0x2] =	stream.indirect.gather [hbm4b:s22+s13], $0x80, s3, s13, $0xb8;
	[tilespmem:$0x1F080] =	vst v63  }
0x178: {  	_ =	swait.ge [sflag:s0], $0x2800  }
0x179: {  	[sflag:s0] =	ssyncset.done $0x0  }
0x17a: {  	s3 =	simm.s32 $0x3400;
	[sflag:s0] =	ssyncadd.s32 $0xFFFFD800  }
0x17b: {  	[spmem:s20] =	stream.indirect.scatter.add.f32 [tilespmem:s18], [sflag:$0x6], $0x80, s3, s13, $0xb8;
	[tilespmem:$0x1F080] =	vst v63  }
0x17c: {  	_ =	swait.ge [sflag:s21], $0x2800  }
0x17d: {  	[sflag:s21] =	ssyncset.done $0x0  }
0x17e: {  	s3 =	simm.s32 $0x1580;
	[sflag:s21] =	ssyncadd.s32 $0xFFFFD800  }
0x17f: {  	[tilespmem:s18], [sflag:$0x3] =	stream.indirect.gather [hbm4b:s22+s13], $0x80, s3, s13, $0xb8;
	[tilespmem:$0x1F080] =	vst v63  }
0x180: {  	_ =	swait.ge [sflag:s8], $0x2800  }
0x181: {  	[sflag:s8] =	ssyncset.done $0x0  }
0x182: {  	s3 =	simm.s32 $0x3480;
	[sflag:s8] =	ssyncadd.s32 $0xFFFFD800  }
0x183: {  	[spmem:s20] =	stream.indirect.scatter.add.f32 [tilespmem:s7], [sflag:$0x6], $0x80, s3, s13, $0xb8;
	[tilespmem:$0x1F080] =	vst v63  }
0x184: {  	_ =	swait.ge [sflag:s21], $0x2800  }
0x185: {  	[sflag:s21] =	ssyncset.done $0x0  }
0x186: {  	s3 =	simm.s32 $0x1600;
	[sflag:s21] =	ssyncadd.s32 $0xFFFFD800  }
0x187: {  	[tilespmem:s7], [sflag:$0x1] =	stream.indirect.gather [hbm4b:s22+s13], $0x80, s3, s13, $0xb8;
	[tilespmem:$0x1F080] =	vst v63  }
0x188: {  	_ =	swait.ge [sflag:s17], $0x2800  }
0x189: {  	[sflag:s17] =	ssyncset.done $0x0  }
0x18a: {  	s3 =	simm.s32 $0x3500;
	[sflag:s17] =	ssyncadd.s32 $0xFFFFD800  }
0x18b: {  	[spmem:s20] =	stream.indirect.scatter.add.f32 [tilespmem:s15], [sflag:$0x6], $0x80, s3, s13, $0xb8;
	[tilespmem:$0x1F080] =	vst v63  }
0x18c: {  	_ =	swait.ge [sflag:s21], $0x2800  }
0x18d: {  	[sflag:s21] =	ssyncset.done $0x0  }
0x18e: {  	s3 =	simm.s32 $0x1680;
	[sflag:s21] =	ssyncadd.s32 $0xFFFFD800  }
0x18f: {  	[tilespmem:s15], [sflag:$0x2] =	stream.indirect.gather [hbm4b:s22+s13], $0x80, s3, s13, $0xb8;
	[tilespmem:$0x1F080] =	vst v63  }
0x190: {  	_ =	swait.ge [sflag:s0], $0x2800  }
0x191: {  	[sflag:s0] =	ssyncset.done $0x0  }
0x192: {  	s3 =	simm.s32 $0x3580;
	[sflag:s0] =	ssyncadd.s32 $0xFFFFD800  }
0x193: {  	[spmem:s20] =	stream.indirect.scatter.add.f32 [tilespmem:s18], [sflag:$0x6], $0x80, s3, s13, $0xb8;
	[tilespmem:$0x1F080] =	vst v63  }
0x194: {  	_ =	swait.ge [sflag:s21], $0x2800  }
0x195: {  	[sflag:s21] =	ssyncset.done $0x0  }
0x196: {  	s3 =	simm.s32 $0x1700;
	[sflag:s21] =	ssyncadd.s32 $0xFFFFD800  }
0x197: {  	[tilespmem:s18], [sflag:$0x3] =	stream.indirect.gather [hbm4b:s22+s13], $0x80, s3, s13, $0xb8;
	[tilespmem:$0x1F080] =	vst v63  }
0x198: {  	_ =	swait.ge [sflag:s8], $0x2800  }
0x199: {  	[sflag:s8] =	ssyncset.done $0x0  }
0x19a: {  	s3 =	simm.s32 $0x3600;
	[sflag:s8] =	ssyncadd.s32 $0xFFFFD800  }
0x19b: {  	[spmem:s20] =	stream.indirect.scatter.add.f32 [tilespmem:s7], [sflag:$0x6], $0x80, s3, s13, $0xb8;
	[tilespmem:$0x1F080] =	vst v63  }
0x19c: {  	_ =	swait.ge [sflag:s21], $0x2800  }
0x19d: {  	[sflag:s21] =	ssyncset.done $0x0  }
0x19e: {  	s3 =	simm.s32 $0x1780;
	[sflag:s21] =	ssyncadd.s32 $0xFFFFD800  }
0x19f: {  	[tilespmem:s7], [sflag:$0x1] =	stream.indirect.gather [hbm4b:s22+s13], $0x80, s3, s13, $0xb8;
	[tilespmem:$0x1F080] =	vst v63  }
0x1a0: {  	_ =	swait.ge [sflag:s17], $0x2800  }
0x1a1: {  	[sflag:s17] =	ssyncset.done $0x0  }
0x1a2: {  	s3 =	simm.s32 $0x3680;
	[sflag:s17] =	ssyncadd.s32 $0xFFFFD800  }
0x1a3: {  	[spmem:s20] =	stream.indirect.scatter.add.f32 [tilespmem:s15], [sflag:$0x6], $0x80, s3, s13, $0xb8;
	[tilespmem:$0x1F080] =	vst v63  }
0x1a4: {  	_ =	swait.ge [sflag:s21], $0x2800  }
0x1a5: {  	[sflag:s21] =	ssyncset.done $0x0  }
0x1a6: {  	s3 =	simm.s32 $0x1800;
	[sflag:s21] =	ssyncadd.s32 $0xFFFFD800  }
0x1a7: {  	[tilespmem:s15], [sflag:$0x2] =	stream.indirect.gather [hbm4b:s22+s13], $0x80, s3, s13, $0xb8;
	[tilespmem:$0x1F080] =	vst v63  }
0x1a8: {  	_ =	swait.ge [sflag:s0], $0x2800  }
0x1a9: {  	[sflag:s0] =	ssyncset.done $0x0  }
0x1aa: {  	s3 =	simm.s32 $0x3700;
	[sflag:s0] =	ssyncadd.s32 $0xFFFFD800  }
0x1ab: {  	[spmem:s20] =	stream.indirect.scatter.add.f32 [tilespmem:s18], [sflag:$0x6], $0x80, s3, s13, $0xb8;
	[tilespmem:$0x1F080] =	vst v63  }
0x1ac: {  	_ =	swait.ge [sflag:s21], $0x2800  }
0x1ad: {  	[sflag:s21] =	ssyncset.done $0x0  }
0x1ae: {  	s3 =	simm.s32 $0x1880;
	[sflag:s21] =	ssyncadd.s32 $0xFFFFD800  }
0x1af: {  	[tilespmem:s18], [sflag:$0x3] =	stream.indirect.gather [hbm4b:s22+s13], $0x80, s3, s13, $0xb8;
	[tilespmem:$0x1F080] =	vst v63  }
0x1b0: {  	_ =	swait.ge [sflag:s8], $0x2800  }
0x1b1: {  	[sflag:s8] =	ssyncset.done $0x0  }
0x1b2: {  	s3 =	simm.s32 $0x3780;
	[sflag:s8] =	ssyncadd.s32 $0xFFFFD800  }
0x1b3: {  	[spmem:s20] =	stream.indirect.scatter.add.f32 [tilespmem:s7], [sflag:$0x6], $0x80, s3, s13, $0xb8;
	[tilespmem:$0x1F080] =	vst v63  }
0x1b4: {  	_ =	swait.ge [sflag:s21], $0x2800  }
0x1b5: {  	[sflag:s21] =	ssyncset.done $0x0  }
0x1b6: {  	s3 =	simm.s32 $0x1900;
	[sflag:s21] =	ssyncadd.s32 $0xFFFFD800  }
0x1b7: {  	[tilespmem:s7], [sflag:$0x1] =	stream.indirect.gather [hbm4b:s22+s13], $0x80, s3, s13, $0xb8;
	[tilespmem:$0x1F080] =	vst v63  }
0x1b8: {  	_ =	swait.ge [sflag:s17], $0x2800  }
0x1b9: {  	[sflag:s17] =	ssyncset.done $0x0  }
0x1ba: {  	s3 =	simm.s32 $0x3800;
	[sflag:s17] =	ssyncadd.s32 $0xFFFFD800  }
0x1bb: {  	[spmem:s20] =	stream.indirect.scatter.add.f32 [tilespmem:s15], [sflag:$0x6], $0x80, s3, s13, $0xb8;
	[tilespmem:$0x1F080] =	vst v63  }
0x1bc: {  	_ =	swait.ge [sflag:s21], $0x2800  }
0x1bd: {  	[sflag:s21] =	ssyncset.done $0x0  }
0x1be: {  	s3 =	simm.s32 $0x1980;
	[sflag:s21] =	ssyncadd.s32 $0xFFFFD800  }
0x1bf: {  	[tilespmem:s15], [sflag:$0x2] =	stream.indirect.gather [hbm4b:s22+s13], $0x80, s3, s13, $0xb8;
	[tilespmem:$0x1F080] =	vst v63  }
0x1c0: {  	_ =	swait.ge [sflag:s0], $0x2800  }
0x1c1: {  	[sflag:s0] =	ssyncset.done $0x0  }
0x1c2: {  	s3 =	simm.s32 $0x3880;
	[sflag:s0] =	ssyncadd.s32 $0xFFFFD800  }
0x1c3: {  	[spmem:s20] =	stream.indirect.scatter.add.f32 [tilespmem:s18], [sflag:$0x6], $0x80, s3, s13, $0xb8;
	[tilespmem:$0x1F080] =	vst v63  }
0x1c4: {  	_ =	swait.ge [sflag:s21], $0x2800  }
0x1c5: {  	[sflag:s21] =	ssyncset.done $0x0  }
0x1c6: {  	s3 =	simm.s32 $0x1A00;
	[sflag:s21] =	ssyncadd.s32 $0xFFFFD800  }
0x1c7: {  	[tilespmem:s18], [sflag:$0x3] =	stream.indirect.gather [hbm4b:s22+s13], $0x80, s3, s13, $0xb8;
	[tilespmem:$0x1F080] =	vst v63  }
0x1c8: {  	_ =	swait.ge [sflag:s8], $0x2800  }
0x1c9: {  	[sflag:s8] =	ssyncset.done $0x0  }
0x1ca: {  	s3 =	simm.s32 $0x3900;
	[sflag:s8] =	ssyncadd.s32 $0xFFFFD800  }
0x1cb: {  	[spmem:s20] =	stream.indirect.scatter.add.f32 [tilespmem:s7], [sflag:$0x6], $0x80, s3, s13, $0xb8;
	[tilespmem:$0x1F080] =	vst v63  }
0x1cc: {  	_ =	swait.ge [sflag:s21], $0x2800  }
0x1cd: {  	[sflag:s21] =	ssyncset.done $0x0  }
0x1ce: {  	s3 =	simm.s32 $0x1A80;
	[sflag:s21] =	ssyncadd.s32 $0xFFFFD800  }
0x1cf: {  	[tilespmem:s7], [sflag:$0x1] =	stream.indirect.gather [hbm4b:s22+s13], $0x80, s3, s13, $0xb8;
	[tilespmem:$0x1F080] =	vst v63  }
0x1d0: {  	_ =	swait.ge [sflag:s17], $0x2800  }
0x1d1: {  	[sflag:s17] =	ssyncset.done $0x0  }
0x1d2: {  	s3 =	simm.s32 $0x3980;
	[sflag:s17] =	ssyncadd.s32 $0xFFFFD800  }
0x1d3: {  	[spmem:s20] =	stream.indirect.scatter.add.f32 [tilespmem:s15], [sflag:$0x6], $0x80, s3, s13, $0xb8;
	[tilespmem:$0x1F080] =	vst v63  }
0x1d4: {  	_ =	swait.ge [sflag:s21], $0x2800  }
0x1d5: {  	[sflag:s21] =	ssyncset.done $0x0  }
0x1d6: {  	s3 =	simm.s32 $0x1B00;
	[sflag:s21] =	ssyncadd.s32 $0xFFFFD800  }
0x1d7: {  	[tilespmem:s15], [sflag:$0x2] =	stream.indirect.gather [hbm4b:s22+s13], $0x80, s3, s13, $0xb8;
	[tilespmem:$0x1F080] =	vst v63  }
0x1d8: {  	_ =	swait.ge [sflag:s0], $0x2800  }
0x1d9: {  	[sflag:s0] =	ssyncset.done $0x0  }
0x1da: {  	s3 =	simm.s32 $0x3A00;
	[sflag:s0] =	ssyncadd.s32 $0xFFFFD800  }
0x1db: {  	[spmem:s20] =	stream.indirect.scatter.add.f32 [tilespmem:s18], [sflag:$0x6], $0x80, s3, s13, $0xb8;
	[tilespmem:$0x1F080] =	vst v63  }
0x1dc: {  	_ =	swait.ge [sflag:s21], $0x2800  }
0x1dd: {  	[sflag:s21] =	ssyncset.done $0x0  }
0x1de: {  	s3 =	simm.s32 $0x1B80;
	[sflag:s21] =	ssyncadd.s32 $0xFFFFD800  }
0x1df: {  	[tilespmem:s18], [sflag:$0x3] =	stream.indirect.gather [hbm4b:s22+s13], $0x80, s3, s13, $0xb8;
	[tilespmem:$0x1F080] =	vst v63  }
0x1e0: {  	_ =	swait.ge [sflag:s8], $0x2800  }
0x1e1: {  	[sflag:s8] =	ssyncset.done $0x0  }
0x1e2: {  	s3 =	simm.s32 $0x3A80;
	[sflag:s8] =	ssyncadd.s32 $0xFFFFD800  }
0x1e3: {  	[spmem:s20] =	stream.indirect.scatter.add.f32 [tilespmem:s7], [sflag:$0x6], $0x80, s3, s13, $0xb8;
	[tilespmem:$0x1F080] =	vst v63  }
0x1e4: {  	_ =	swait.ge [sflag:s21], $0x2800  }
0x1e5: {  	[sflag:s21] =	ssyncset.done $0x0  }
0x1e6: {  	s3 =	simm.s32 $0x1C00;
	[sflag:s21] =	ssyncadd.s32 $0xFFFFD800  }
0x1e7: {  	[tilespmem:s7], [sflag:$0x1] =	stream.indirect.gather [hbm4b:s22+s13], $0x80, s3, s13, $0xb8;
	[tilespmem:$0x1F080] =	vst v63  }
0x1e8: {  	_ =	swait.ge [sflag:s17], $0x2800  }
0x1e9: {  	[sflag:s17] =	ssyncset.done $0x0  }
0x1ea: {  	s3 =	simm.s32 $0x3B00;
	[sflag:s17] =	ssyncadd.s32 $0xFFFFD800  }
0x1eb: {  	[spmem:s20] =	stream.indirect.scatter.add.f32 [tilespmem:s15], [sflag:$0x6], $0x80, s3, s13, $0xb8;
	[tilespmem:$0x1F080] =	vst v63  }
0x1ec: {  	_ =	swait.ge [sflag:s21], $0x2800  }
0x1ed: {  	[sflag:s21] =	ssyncset.done $0x0  }
0x1ee: {  	[sflag:s21] =	ssyncadd.s32 $0xFFFFD800  }
0x1ef: {  	_ =	swait.ge [sflag:s0], $0x2800  }
0x1f0: {  	[sflag:s0] =	ssyncset.done $0x0  }
0x1f1: {  	s3 =	simm.s32 $0x3B80;
	[sflag:s0] =	ssyncadd.s32 $0xFFFFD800  }
0x1f2: {  	[spmem:s20] =	stream.indirect.scatter.add.f32 [tilespmem:s18], [sflag:$0x6], $0x80, s3, s13, $0xb8;
	[tilespmem:$0x1F080] =	vst v63  }
0x1f3: {  	_ =	swait.ge [sflag:s21], $0x2800  }
0x1f4: {  	[sflag:s21] =	ssyncset.done $0x0  }
0x1f5: {  	[sflag:s21] =	ssyncadd.s32 $0xFFFFD800  }
0x1f6: {  	_ =	swait.ge [sflag:s8], $0x2800  }
0x1f7: {  	[sflag:s8] =	ssyncset.done $0x0  }
0x1f8: {  	s3 =	simm.s32 $0x3C00;
	[sflag:s8] =	ssyncadd.s32 $0xFFFFD800  }
0x1f9: {  	[spmem:s20] =	stream.indirect.scatter.add.f32 [tilespmem:s7], [sflag:$0x6], $0x80, s3, s13, $0xb8;
	[tilespmem:$0x1F080] =	vst v63  }
0x1fa: {  	_ =	swait.ge [sflag:s21], $0x2800  }
0x1fb: {  	[sflag:s21] =	ssyncset.done $0x0  }
0x1fc: {  	s3 =	rddreg [dreg:$0xa];
	[sflag:s21] =	ssyncadd.s32 $0xFFFFD800  }
0x1fd: {  	[tilespmem:s10], [sflag:$0x5] =	stream.linear.gather [hbm4b:s3+s16], $0xC80, $0x38;
	[tilespmem:$0x1F080] =	vst v63  }
0x1fe: {  	s3 =	rddreg [dreg:$0xb]  }
0x1ff: {  	[tilespmem:s12], [sflag:$0x5] =	stream.linear.gather [hbm4b:s3+s16], $0xC80, $0x38;
	[tilespmem:$0x1F080] =	vst v63  }
0x200: {  	_ = 	snop  }
0x201: {  	[tilespmem:s7], [sflag:$0x1] =	stream.indirect.gather [hbm4b:s22+s13], $0x80, s16, s13, $0xb8;
	[tilespmem:$0x1F080] =	vst v63  }
0x202: {  	s3 =	simm.s32 $0x80  }
0x203: {  	[tilespmem:s15], [sflag:$0x2] =	stream.indirect.gather [hbm4b:s22+s13], $0x80, s3, s13, $0xb8;
	[tilespmem:$0x1F080] =	vst v63  }
0x204: {  	s16 =	simm.s32 $0x100  }
0x205: {  	[tilespmem:s18], [sflag:$0x3] =	stream.indirect.gather [hbm4b:s22+s13], $0x80, s16, s13, $0xb8;
	[tilespmem:$0x1F080] =	vst v63  }
0x206: {  	_ =	swait.ge [sflag:s19], $0xC80  }
0x207: {  	[sflag:s19] =	ssyncset.done $0x0  }
0x208: {  	[sflag:s19] =	ssyncadd.s32 $0xFFFFF380  }
0x209: {  	_ =	swait.ge [sflag:s19], $0xC80  }
0x20a: {  	[sflag:s19] =	ssyncset.done $0x0  }
0x20b: {  	s16 =	simm.s32 $0x0;
	[sflag:s19] =	ssyncadd.s32 $0xFFFFF380  }
0x20c: {  	v5 =	vld [tilespmem:s16+$0x3000]  }
0x20d: {  	v4 =	vld [tilespmem:s16+$0x3010]  }
0x20e: {  	v3 =	vld [tilespmem:s16+$0x3020]  }
0x20f: {  	v2 =	vld [tilespmem:s16+$0x3030]  }
0x210: {  	v1 =	vld [tilespmem:s16+$0x3040]  }
0x211: {  	v7 =	vld [tilespmem:s16+$0x1000]  }
0x212: {  	s2 =	simm.s32 $0x200;
	v6 =	vld [tilespmem:s16+$0x1010]  }
.LBB2_12:
0x213: {  	p1 =	sne.s32 s2, $0x3000;
	v8 =	vld [tilespmem:s16+$0x1020]  }
0x214: {  	v9 =	vmul.u32 $0x2710, v5;
	v10 =	vld [tilespmem:s16+$0x1030]  }
0x215: {  	s3 =	sshra.s32 s2, $0x2;
	v11 =	vmul.u32 $0x2710, v4;
	v12 =	vld [tilespmem:s16+$0x1040]  }
0x216: {  	v5 =	vld [tilespmem:s3+$0x3000];
	v7 =	vadd.s32 v7, v9;
	v9 =	vmul.u32 $0x2710, v3  }
0x217: {  	v4 =	vld [tilespmem:s3+$0x3010];
	[tilespmem:s16+$0x1000] =	vst v7;
	v6 =	vadd.s32 v6, v11;
	v7 =	vmul.u32 $0x2710, v2  }
.Ltmp5:
0x218: {  	v3 =	vld [tilespmem:s3+$0x3020];
	[tilespmem:s16+$0x1010] =	vst v6;
	v6 =	vadd.s32 v8, v9;
	v8 =	vmul.u32 $0x2710, v1;
	(pc) =	sbr.rel @p1 .LBB2_12-.Ltmp5, $4  }
0x219: {  	v2 =	vld [tilespmem:s3+$0x3030];
	[tilespmem:s16+$0x1020] =	vst v6;
	v6 =	vadd.s32 v10, v7  }
0x21a: {  	v1 =	vld [tilespmem:s3+$0x3040];
	[tilespmem:s16+$0x1030] =	vst v6;
	v6 =	vadd.s32 v12, v8  }
0x21b: {  	v7 =	vld [tilespmem:s3+$0x1000];
	[tilespmem:s16+$0x1040] =	vst v6;
	s16 =	smov.u32 s3  }
0x21c: {  	s2 =	sadd.s32 $0x200, s2;
	v6 =	vld [tilespmem:s16+$0x1010]  }
0x21d: {  	v8 =	vld [tilespmem:s16+$0x1020]  }
0x21e: {  	v5 =	vmul.u32 $0x2710, v5;
	v9 =	vld [tilespmem:s16+$0x1030]  }
0x21f: {  	v4 =	vmul.u32 $0x2710, v4;
	v10 =	vld [tilespmem:s16+$0x1040]  }
0x220: {  	v3 =	vmul.u32 $0x2710, v3;
	v5 =	vadd.s32 v7, v5  }
0x221: {  	v2 =	vmul.u32 $0x2710, v2;
	[tilespmem:s16+$0x1000] =	vst v5;
	v4 =	vadd.s32 v6, v4  }
0x222: {  	v1 =	vmul.u32 $0x2710, v1;
	[tilespmem:s16+$0x1010] =	vst v4;
	v3 =	vadd.s32 v8, v3  }
0x223: {  	v2 =	vadd.s32 v9, v2;
	[tilespmem:s16+$0x1020] =	vst v3  }
0x224: {  	v1 =	vadd.s32 v10, v1;
	[tilespmem:s16+$0x1030] =	vst v2  }
0x225: {  	s2 =	rddreg [dreg:$0x1a];
	[tilespmem:s16+$0x1040] =	vst v1;
	s16 =	simm.s32 $0x0  }
0x226: {  	[tilespmem:s12], [sflag:$0x5] =	stream.linear.gather [hbm4b:s2+s16], $0xC80, $0x38;
	[tilespmem:$0x1F080] =	vst v63  }
0x227: {  	_ =	swait.ge [sflag:s9], $0xC80  }
0x228: {  	[sflag:s9] =	ssyncset.done $0x0  }
0x229: {  	[sflag:s9] =	ssyncadd.s32 $0xFFFFF380  }
0x22a: {  	_ =	swait.ge [sflag:s8], $0x2800  }
0x22b: {  	[sflag:s8] =	ssyncset.done $0x0  }
0x22c: {  	[sflag:s8] =	ssyncadd.s32 $0xFFFFD800  }
0x22d: {  	[spmem:s20] =	stream.indirect.scatter.add.f32 [tilespmem:s7], [sflag:$0x6], $0x80, s6, s13, $0xb8;
	[tilespmem:$0x1F080] =	vst v63  }
0x22e: {  	_ =	swait.ge [sflag:s21], $0x2800  }
0x22f: {  	[sflag:s21] =	ssyncset.done $0x0  }
0x230: {  	s3 =	simm.s32 $0x180;
	[sflag:s21] =	ssyncadd.s32 $0xFFFFD800  }
0x231: {  	[tilespmem:s7], [sflag:$0x1] =	stream.indirect.gather [hbm4b:s22+s13], $0x80, s3, s13, $0xb8;
	[tilespmem:$0x1F080] =	vst v63  }
0x232: {  	_ =	swait.ge [sflag:s17], $0x2800  }
0x233: {  	[sflag:s17] =	ssyncset.done $0x0  }
0x234: {  	s3 =	simm.s32 $0x2080;
	[sflag:s17] =	ssyncadd.s32 $0xFFFFD800  }
0x235: {  	[spmem:s20] =	stream.indirect.scatter.add.f32 [tilespmem:s15], [sflag:$0x6], $0x80, s3, s13, $0xb8;
	[tilespmem:$0x1F080] =	vst v63  }
0x236: {  	_ =	swait.ge [sflag:s21], $0x2800  }
0x237: {  	[sflag:s21] =	ssyncset.done $0x0  }
0x238: {  	s3 =	simm.s32 $0x200;
	[sflag:s21] =	ssyncadd.s32 $0xFFFFD800  }
0x239: {  	[tilespmem:s15], [sflag:$0x2] =	stream.indirect.gather [hbm4b:s22+s13], $0x80, s3, s13, $0xb8;
	[tilespmem:$0x1F080] =	vst v63  }
0x23a: {  	_ =	swait.ge [sflag:s0], $0x2800  }
0x23b: {  	[sflag:s0] =	ssyncset.done $0x0  }
0x23c: {  	s3 =	simm.s32 $0x2100;
	[sflag:s0] =	ssyncadd.s32 $0xFFFFD800  }
0x23d: {  	[spmem:s20] =	stream.indirect.scatter.add.f32 [tilespmem:s18], [sflag:$0x6], $0x80, s3, s13, $0xb8;
	[tilespmem:$0x1F080] =	vst v63  }
0x23e: {  	_ =	swait.ge [sflag:s21], $0x2800  }
0x23f: {  	[sflag:s21] =	ssyncset.done $0x0  }
0x240: {  	s3 =	simm.s32 $0x280;
	[sflag:s21] =	ssyncadd.s32 $0xFFFFD800  }
0x241: {  	[tilespmem:s18], [sflag:$0x3] =	stream.indirect.gather [hbm4b:s22+s13], $0x80, s3, s13, $0xb8;
	[tilespmem:$0x1F080] =	vst v63  }
0x242: {  	_ =	swait.ge [sflag:s8], $0x2800  }
0x243: {  	[sflag:s8] =	ssyncset.done $0x0  }
0x244: {  	s3 =	simm.s32 $0x2180;
	[sflag:s8] =	ssyncadd.s32 $0xFFFFD800  }
0x245: {  	[spmem:s20] =	stream.indirect.scatter.add.f32 [tilespmem:s7], [sflag:$0x6], $0x80, s3, s13, $0xb8;
	[tilespmem:$0x1F080] =	vst v63  }
0x246: {  	_ =	swait.ge [sflag:s21], $0x2800  }
0x247: {  	[sflag:s21] =	ssyncset.done $0x0  }
0x248: {  	s3 =	simm.s32 $0x300;
	[sflag:s21] =	ssyncadd.s32 $0xFFFFD800  }
0x249: {  	[tilespmem:s7], [sflag:$0x1] =	stream.indirect.gather [hbm4b:s22+s13], $0x80, s3, s13, $0xb8;
	[tilespmem:$0x1F080] =	vst v63  }
0x24a: {  	_ =	swait.ge [sflag:s17], $0x2800  }
0x24b: {  	[sflag:s17] =	ssyncset.done $0x0  }
0x24c: {  	s3 =	simm.s32 $0x2200;
	[sflag:s17] =	ssyncadd.s32 $0xFFFFD800  }
0x24d: {  	[spmem:s20] =	stream.indirect.scatter.add.f32 [tilespmem:s15], [sflag:$0x6], $0x80, s3, s13, $0xb8;
	[tilespmem:$0x1F080] =	vst v63  }
0x24e: {  	_ =	swait.ge [sflag:s21], $0x2800  }
0x24f: {  	[sflag:s21] =	ssyncset.done $0x0  }
0x250: {  	s3 =	simm.s32 $0x380;
	[sflag:s21] =	ssyncadd.s32 $0xFFFFD800  }
0x251: {  	[tilespmem:s15], [sflag:$0x2] =	stream.indirect.gather [hbm4b:s22+s13], $0x80, s3, s13, $0xb8;
	[tilespmem:$0x1F080] =	vst v63  }
0x252: {  	_ =	swait.ge [sflag:s0], $0x2800  }
0x253: {  	[sflag:s0] =	ssyncset.done $0x0  }
0x254: {  	s3 =	simm.s32 $0x2280;
	[sflag:s0] =	ssyncadd.s32 $0xFFFFD800  }
0x255: {  	[spmem:s20] =	stream.indirect.scatter.add.f32 [tilespmem:s18], [sflag:$0x6], $0x80, s3, s13, $0xb8;
	[tilespmem:$0x1F080] =	vst v63  }
0x256: {  	_ =	swait.ge [sflag:s21], $0x2800  }
0x257: {  	[sflag:s21] =	ssyncset.done $0x0  }
0x258: {  	s3 =	simm.s32 $0x400;
	[sflag:s21] =	ssyncadd.s32 $0xFFFFD800  }
0x259: {  	[tilespmem:s18], [sflag:$0x3] =	stream.indirect.gather [hbm4b:s22+s13], $0x80, s3, s13, $0xb8;
	[tilespmem:$0x1F080] =	vst v63  }
0x25a: {  	_ =	swait.ge [sflag:s8], $0x2800  }
0x25b: {  	[sflag:s8] =	ssyncset.done $0x0  }
0x25c: {  	s3 =	simm.s32 $0x2300;
	[sflag:s8] =	ssyncadd.s32 $0xFFFFD800  }
0x25d: {  	[spmem:s20] =	stream.indirect.scatter.add.f32 [tilespmem:s7], [sflag:$0x6], $0x80, s3, s13, $0xb8;
	[tilespmem:$0x1F080] =	vst v63  }
0x25e: {  	_ =	swait.ge [sflag:s21], $0x2800  }
0x25f: {  	[sflag:s21] =	ssyncset.done $0x0  }
0x260: {  	s3 =	simm.s32 $0x480;
	[sflag:s21] =	ssyncadd.s32 $0xFFFFD800  }
0x261: {  	[tilespmem:s7], [sflag:$0x1] =	stream.indirect.gather [hbm4b:s22+s13], $0x80, s3, s13, $0xb8;
	[tilespmem:$0x1F080] =	vst v63  }
0x262: {  	_ =	swait.ge [sflag:s17], $0x2800  }
0x263: {  	[sflag:s17] =	ssyncset.done $0x0  }
0x264: {  	s3 =	simm.s32 $0x2380;
	[sflag:s17] =	ssyncadd.s32 $0xFFFFD800  }
0x265: {  	[spmem:s20] =	stream.indirect.scatter.add.f32 [tilespmem:s15], [sflag:$0x6], $0x80, s3, s13, $0xb8;
	[tilespmem:$0x1F080] =	vst v63  }
0x266: {  	_ =	swait.ge [sflag:s21], $0x2800  }
0x267: {  	[sflag:s21] =	ssyncset.done $0x0  }
0x268: {  	s3 =	simm.s32 $0x500;
	[sflag:s21] =	ssyncadd.s32 $0xFFFFD800  }
0x269: {  	[tilespmem:s15], [sflag:$0x2] =	stream.indirect.gather [hbm4b:s22+s13], $0x80, s3, s13, $0xb8;
	[tilespmem:$0x1F080] =	vst v63  }
0x26a: {  	_ =	swait.ge [sflag:s0], $0x2800  }
0x26b: {  	[sflag:s0] =	ssyncset.done $0x0  }
0x26c: {  	s3 =	simm.s32 $0x2400;
	[sflag:s0] =	ssyncadd.s32 $0xFFFFD800  }
0x26d: {  	[spmem:s20] =	stream.indirect.scatter.add.f32 [tilespmem:s18], [sflag:$0x6], $0x80, s3, s13, $0xb8;
	[tilespmem:$0x1F080] =	vst v63  }
0x26e: {  	_ =	swait.ge [sflag:s21], $0x2800  }
0x26f: {  	[sflag:s21] =	ssyncset.done $0x0  }
0x270: {  	s3 =	simm.s32 $0x580;
	[sflag:s21] =	ssyncadd.s32 $0xFFFFD800  }
0x271: {  	[tilespmem:s18], [sflag:$0x3] =	stream.indirect.gather [hbm4b:s22+s13], $0x80, s3, s13, $0xb8;
	[tilespmem:$0x1F080] =	vst v63  }
0x272: {  	_ =	swait.ge [sflag:s8], $0x2800  }
0x273: {  	[sflag:s8] =	ssyncset.done $0x0  }
0x274: {  	s3 =	simm.s32 $0x2480;
	[sflag:s8] =	ssyncadd.s32 $0xFFFFD800  }
0x275: {  	[spmem:s20] =	stream.indirect.scatter.add.f32 [tilespmem:s7], [sflag:$0x6], $0x80, s3, s13, $0xb8;
	[tilespmem:$0x1F080] =	vst v63  }
0x276: {  	_ =	swait.ge [sflag:s21], $0x2800  }
0x277: {  	[sflag:s21] =	ssyncset.done $0x0  }
0x278: {  	s3 =	simm.s32 $0x600;
	[sflag:s21] =	ssyncadd.s32 $0xFFFFD800  }
0x279: {  	[tilespmem:s7], [sflag:$0x1] =	stream.indirect.gather [hbm4b:s22+s13], $0x80, s3, s13, $0xb8;
	[tilespmem:$0x1F080] =	vst v63  }
0x27a: {  	_ =	swait.ge [sflag:s17], $0x2800  }
0x27b: {  	[sflag:s17] =	ssyncset.done $0x0  }
0x27c: {  	s3 =	simm.s32 $0x2500;
	[sflag:s17] =	ssyncadd.s32 $0xFFFFD800  }
0x27d: {  	[spmem:s20] =	stream.indirect.scatter.add.f32 [tilespmem:s15], [sflag:$0x6], $0x80, s3, s13, $0xb8;
	[tilespmem:$0x1F080] =	vst v63  }
0x27e: {  	_ =	swait.ge [sflag:s21], $0x2800  }
0x27f: {  	[sflag:s21] =	ssyncset.done $0x0  }
0x280: {  	s3 =	simm.s32 $0x680;
	[sflag:s21] =	ssyncadd.s32 $0xFFFFD800  }
0x281: {  	[tilespmem:s15], [sflag:$0x2] =	stream.indirect.gather [hbm4b:s22+s13], $0x80, s3, s13, $0xb8;
	[tilespmem:$0x1F080] =	vst v63  }
0x282: {  	_ =	swait.ge [sflag:s0], $0x2800  }
0x283: {  	[sflag:s0] =	ssyncset.done $0x0  }
0x284: {  	s3 =	simm.s32 $0x2580;
	[sflag:s0] =	ssyncadd.s32 $0xFFFFD800  }
0x285: {  	[spmem:s20] =	stream.indirect.scatter.add.f32 [tilespmem:s18], [sflag:$0x6], $0x80, s3, s13, $0xb8;
	[tilespmem:$0x1F080] =	vst v63  }
0x286: {  	_ =	swait.ge [sflag:s21], $0x2800  }
0x287: {  	[sflag:s21] =	ssyncset.done $0x0  }
0x288: {  	s3 =	simm.s32 $0x700;
	[sflag:s21] =	ssyncadd.s32 $0xFFFFD800  }
0x289: {  	[tilespmem:s18], [sflag:$0x3] =	stream.indirect.gather [hbm4b:s22+s13], $0x80, s3, s13, $0xb8;
	[tilespmem:$0x1F080] =	vst v63  }
0x28a: {  	_ =	swait.ge [sflag:s8], $0x2800  }
0x28b: {  	[sflag:s8] =	ssyncset.done $0x0  }
0x28c: {  	s3 =	simm.s32 $0x2600;
	[sflag:s8] =	ssyncadd.s32 $0xFFFFD800  }
0x28d: {  	[spmem:s20] =	stream.indirect.scatter.add.f32 [tilespmem:s7], [sflag:$0x6], $0x80, s3, s13, $0xb8;
	[tilespmem:$0x1F080] =	vst v63  }
0x28e: {  	_ =	swait.ge [sflag:s21], $0x2800  }
0x28f: {  	[sflag:s21] =	ssyncset.done $0x0  }
0x290: {  	s3 =	simm.s32 $0x780;
	[sflag:s21] =	ssyncadd.s32 $0xFFFFD800  }
0x291: {  	[tilespmem:s7], [sflag:$0x1] =	stream.indirect.gather [hbm4b:s22+s13], $0x80, s3, s13, $0xb8;
	[tilespmem:$0x1F080] =	vst v63  }
0x292: {  	_ =	swait.ge [sflag:s17], $0x2800  }
0x293: {  	[sflag:s17] =	ssyncset.done $0x0  }
0x294: {  	s3 =	simm.s32 $0x2680;
	[sflag:s17] =	ssyncadd.s32 $0xFFFFD800  }
0x295: {  	[spmem:s20] =	stream.indirect.scatter.add.f32 [tilespmem:s15], [sflag:$0x6], $0x80, s3, s13, $0xb8;
	[tilespmem:$0x1F080] =	vst v63  }
0x296: {  	_ =	swait.ge [sflag:s21], $0x2800  }
0x297: {  	[sflag:s21] =	ssyncset.done $0x0  }
0x298: {  	s3 =	simm.s32 $0x800;
	[sflag:s21] =	ssyncadd.s32 $0xFFFFD800  }
0x299: {  	[tilespmem:s15], [sflag:$0x2] =	stream.indirect.gather [hbm4b:s22+s13], $0x80, s3, s13, $0xb8;
	[tilespmem:$0x1F080] =	vst v63  }
0x29a: {  	_ =	swait.ge [sflag:s0], $0x2800  }
0x29b: {  	[sflag:s0] =	ssyncset.done $0x0  }
0x29c: {  	s3 =	simm.s32 $0x2700;
	[sflag:s0] =	ssyncadd.s32 $0xFFFFD800  }
0x29d: {  	[spmem:s20] =	stream.indirect.scatter.add.f32 [tilespmem:s18], [sflag:$0x6], $0x80, s3, s13, $0xb8;
	[tilespmem:$0x1F080] =	vst v63  }
0x29e: {  	_ =	swait.ge [sflag:s21], $0x2800  }
0x29f: {  	[sflag:s21] =	ssyncset.done $0x0  }
0x2a0: {  	s3 =	simm.s32 $0x880;
	[sflag:s21] =	ssyncadd.s32 $0xFFFFD800  }
0x2a1: {  	[tilespmem:s18], [sflag:$0x3] =	stream.indirect.gather [hbm4b:s22+s13], $0x80, s3, s13, $0xb8;
	[tilespmem:$0x1F080] =	vst v63  }
0x2a2: {  	_ =	swait.ge [sflag:s8], $0x2800  }
0x2a3: {  	[sflag:s8] =	ssyncset.done $0x0  }
0x2a4: {  	s3 =	simm.s32 $0x2780;
	[sflag:s8] =	ssyncadd.s32 $0xFFFFD800  }
0x2a5: {  	[spmem:s20] =	stream.indirect.scatter.add.f32 [tilespmem:s7], [sflag:$0x6], $0x80, s3, s13, $0xb8;
	[tilespmem:$0x1F080] =	vst v63  }
0x2a6: {  	_ =	swait.ge [sflag:s21], $0x2800  }
0x2a7: {  	[sflag:s21] =	ssyncset.done $0x0  }
0x2a8: {  	s3 =	simm.s32 $0x900;
	[sflag:s21] =	ssyncadd.s32 $0xFFFFD800  }
0x2a9: {  	[tilespmem:s7], [sflag:$0x1] =	stream.indirect.gather [hbm4b:s22+s13], $0x80, s3, s13, $0xb8;
	[tilespmem:$0x1F080] =	vst v63  }
0x2aa: {  	_ =	swait.ge [sflag:s17], $0x2800  }
0x2ab: {  	[sflag:s17] =	ssyncset.done $0x0  }
0x2ac: {  	s3 =	simm.s32 $0x2800;
	[sflag:s17] =	ssyncadd.s32 $0xFFFFD800  }
0x2ad: {  	[spmem:s20] =	stream.indirect.scatter.add.f32 [tilespmem:s15], [sflag:$0x6], $0x80, s3, s13, $0xb8;
	[tilespmem:$0x1F080] =	vst v63  }
0x2ae: {  	_ =	swait.ge [sflag:s21], $0x2800  }
0x2af: {  	[sflag:s21] =	ssyncset.done $0x0  }
0x2b0: {  	s3 =	simm.s32 $0x980;
	[sflag:s21] =	ssyncadd.s32 $0xFFFFD800  }
0x2b1: {  	[tilespmem:s15], [sflag:$0x2] =	stream.indirect.gather [hbm4b:s22+s13], $0x80, s3, s13, $0xb8;
	[tilespmem:$0x1F080] =	vst v63  }
0x2b2: {  	_ =	swait.ge [sflag:s0], $0x2800  }
0x2b3: {  	[sflag:s0] =	ssyncset.done $0x0  }
0x2b4: {  	s3 =	simm.s32 $0x2880;
	[sflag:s0] =	ssyncadd.s32 $0xFFFFD800  }
0x2b5: {  	[spmem:s20] =	stream.indirect.scatter.add.f32 [tilespmem:s18], [sflag:$0x6], $0x80, s3, s13, $0xb8;
	[tilespmem:$0x1F080] =	vst v63  }
0x2b6: {  	_ =	swait.ge [sflag:s21], $0x2800  }
0x2b7: {  	[sflag:s21] =	ssyncset.done $0x0  }
0x2b8: {  	s3 =	simm.s32 $0xA00;
	[sflag:s21] =	ssyncadd.s32 $0xFFFFD800  }
0x2b9: {  	[tilespmem:s18], [sflag:$0x3] =	stream.indirect.gather [hbm4b:s22+s13], $0x80, s3, s13, $0xb8;
	[tilespmem:$0x1F080] =	vst v63  }
0x2ba: {  	_ =	swait.ge [sflag:s8], $0x2800  }
0x2bb: {  	[sflag:s8] =	ssyncset.done $0x0  }
0x2bc: {  	s3 =	simm.s32 $0x2900;
	[sflag:s8] =	ssyncadd.s32 $0xFFFFD800  }
0x2bd: {  	[spmem:s20] =	stream.indirect.scatter.add.f32 [tilespmem:s7], [sflag:$0x6], $0x80, s3, s13, $0xb8;
	[tilespmem:$0x1F080] =	vst v63  }
0x2be: {  	_ =	swait.ge [sflag:s21], $0x2800  }
0x2bf: {  	[sflag:s21] =	ssyncset.done $0x0  }
0x2c0: {  	s3 =	simm.s32 $0xA80;
	[sflag:s21] =	ssyncadd.s32 $0xFFFFD800  }
0x2c1: {  	[tilespmem:s7], [sflag:$0x1] =	stream.indirect.gather [hbm4b:s22+s13], $0x80, s3, s13, $0xb8;
	[tilespmem:$0x1F080] =	vst v63  }
0x2c2: {  	_ =	swait.ge [sflag:s17], $0x2800  }
0x2c3: {  	[sflag:s17] =	ssyncset.done $0x0  }
0x2c4: {  	s3 =	simm.s32 $0x2980;
	[sflag:s17] =	ssyncadd.s32 $0xFFFFD800  }
0x2c5: {  	[spmem:s20] =	stream.indirect.scatter.add.f32 [tilespmem:s15], [sflag:$0x6], $0x80, s3, s13, $0xb8;
	[tilespmem:$0x1F080] =	vst v63  }
0x2c6: {  	_ =	swait.ge [sflag:s21], $0x2800  }
0x2c7: {  	[sflag:s21] =	ssyncset.done $0x0  }
0x2c8: {  	s3 =	simm.s32 $0xB00;
	[sflag:s21] =	ssyncadd.s32 $0xFFFFD800  }
0x2c9: {  	[tilespmem:s15], [sflag:$0x2] =	stream.indirect.gather [hbm4b:s22+s13], $0x80, s3, s13, $0xb8;
	[tilespmem:$0x1F080] =	vst v63  }
0x2ca: {  	_ =	swait.ge [sflag:s0], $0x2800  }
0x2cb: {  	[sflag:s0] =	ssyncset.done $0x0  }
0x2cc: {  	s3 =	simm.s32 $0x2A00;
	[sflag:s0] =	ssyncadd.s32 $0xFFFFD800  }
0x2cd: {  	[spmem:s20] =	stream.indirect.scatter.add.f32 [tilespmem:s18], [sflag:$0x6], $0x80, s3, s13, $0xb8;
	[tilespmem:$0x1F080] =	vst v63  }
0x2ce: {  	_ =	swait.ge [sflag:s21], $0x2800  }
0x2cf: {  	[sflag:s21] =	ssyncset.done $0x0  }
0x2d0: {  	s3 =	simm.s32 $0xB80;
	[sflag:s21] =	ssyncadd.s32 $0xFFFFD800  }
0x2d1: {  	[tilespmem:s18], [sflag:$0x3] =	stream.indirect.gather [hbm4b:s22+s13], $0x80, s3, s13, $0xb8;
	[tilespmem:$0x1F080] =	vst v63  }
0x2d2: {  	_ =	swait.ge [sflag:s8], $0x2800  }
0x2d3: {  	[sflag:s8] =	ssyncset.done $0x0  }
0x2d4: {  	s3 =	simm.s32 $0x2A80;
	[sflag:s8] =	ssyncadd.s32 $0xFFFFD800  }
0x2d5: {  	[spmem:s20] =	stream.indirect.scatter.add.f32 [tilespmem:s7], [sflag:$0x6], $0x80, s3, s13, $0xb8;
	[tilespmem:$0x1F080] =	vst v63  }
0x2d6: {  	_ =	swait.ge [sflag:s21], $0x2800  }
0x2d7: {  	[sflag:s21] =	ssyncset.done $0x0  }
0x2d8: {  	s3 =	simm.s32 $0xC00;
	[sflag:s21] =	ssyncadd.s32 $0xFFFFD800  }
0x2d9: {  	[tilespmem:s7], [sflag:$0x1] =	stream.indirect.gather [hbm4b:s22+s13], $0x80, s3, s13, $0xb8;
	[tilespmem:$0x1F080] =	vst v63  }
0x2da: {  	_ =	swait.ge [sflag:s17], $0x2800  }
0x2db: {  	[sflag:s17] =	ssyncset.done $0x0  }
0x2dc: {  	[sflag:s17] =	ssyncadd.s32 $0xFFFFD800  }
0x2dd: {  	[spmem:s20] =	stream.indirect.scatter.add.f32 [tilespmem:s15], [sflag:$0x6], $0x80, s4, s13, $0xb8;
	[tilespmem:$0x1F080] =	vst v63  }
0x2de: {  	_ =	swait.ge [sflag:s21], $0x2800  }
0x2df: {  	[sflag:s21] =	ssyncset.done $0x0  }
0x2e0: {  	[sflag:s21] =	ssyncadd.s32 $0xFFFFD800  }
0x2e1: {  	_ =	swait.ge [sflag:s0], $0x2800  }
0x2e2: {  	[sflag:s0] =	ssyncset.done $0x0  }
0x2e3: {  	[sflag:s0] =	ssyncadd.s32 $0xFFFFD800  }
0x2e4: {  	[spmem:s20] =	stream.indirect.scatter.add.f32 [tilespmem:s18], [sflag:$0x6], $0x80, s5, s13, $0xb8;
	[tilespmem:$0x1F080] =	vst v63  }
0x2e5: {  	_ =	swait.ge [sflag:s21], $0x2800  }
0x2e6: {  	[sflag:s21] =	ssyncset.done $0x0  }
0x2e7: {  	[sflag:s21] =	ssyncadd.s32 $0xFFFFD800  }
0x2e8: {  	_ =	swait.ge [sflag:s8], $0x2800  }
0x2e9: {  	[sflag:s8] =	ssyncset.done $0x0  }
0x2ea: {  	[sflag:s8] =	ssyncadd.s32 $0xFFFFD800  }
0x2eb: {  	[spmem:s20] =	stream.indirect.scatter.add.f32 [tilespmem:s7], [sflag:$0x6], $0x80, s1, s13, $0xb8;
	[tilespmem:$0x1F080] =	vst v63  }
0x2ec: {  	_ =	swait.ge [sflag:s21], $0x2800  }
0x2ed: {  	[sflag:s21] =	ssyncset.done $0x0  }
0x2ee: {  	s3 =	rddreg [dreg:$0xc];
	[sflag:s21] =	ssyncadd.s32 $0xFFFFD800  }
0x2ef: {  	[tilespmem:s16], [sflag:$0x4] =	stream.linear.gather [hbm4b:s3+s16], $0xC80, $0x38;
	[tilespmem:$0x1F080] =	vst v63  }
0x2f0: {  	s3 =	rddreg [dreg:$0xd]  }
0x2f1: {  	[tilespmem:s6], [sflag:$0x4] =	stream.linear.gather [hbm4b:s3+s16], $0xC80, $0x38;
	[tilespmem:$0x1F080] =	vst v63  }
0x2f2: {  	_ = 	snop  }
0x2f3: {  	[tilespmem:s7], [sflag:$0x1] =	stream.indirect.gather [hbm4b:s22+s13], $0x80, s10, s13, $0xb8;
	[tilespmem:$0x1F080] =	vst v63  }
0x2f4: {  	s3 =	simm.s32 $0x1080  }
0x2f5: {  	[tilespmem:s15], [sflag:$0x2] =	stream.indirect.gather [hbm4b:s22+s13], $0x80, s3, s13, $0xb8;
	[tilespmem:$0x1F080] =	vst v63  }
0x2f6: {  	s16 =	simm.s32 $0x1100  }
0x2f7: {  	[tilespmem:s18], [sflag:$0x3] =	stream.indirect.gather [hbm4b:s22+s13], $0x80, s16, s13, $0xb8;
	[tilespmem:$0x1F080] =	vst v63  }
0x2f8: {  	_ =	swait.ge [sflag:s9], $0xC80  }
0x2f9: {  	[sflag:s9] =	ssyncset.done $0x0  }
0x2fa: {  	[sflag:s9] =	ssyncadd.s32 $0xFFFFF380  }
0x2fb: {  	_ =	swait.ge [sflag:s9], $0xC80  }
0x2fc: {  	[sflag:s9] =	ssyncset.done $0x0  }
0x2fd: {  	s16 =	simm.s32 $0x0;
	[sflag:s9] =	ssyncadd.s32 $0xFFFFF380  }
0x2fe: {  	v5 =	vld [tilespmem:s16+$0x2000]  }
0x2ff: {  	v4 =	vld [tilespmem:s16+$0x2010]  }
0x300: {  	v3 =	vld [tilespmem:s16+$0x2020]  }
0x301: {  	v2 =	vld [tilespmem:s16+$0x2030]  }
0x302: {  	v1 =	vld [tilespmem:s16+$0x2040]  }
0x303: {  	v7 =	vld [tilespmem:s16+$0x0]  }
0x304: {  	s2 =	simm.s32 $0x200;
	v6 =	vld [tilespmem:s16+$0x10]  }
.LBB2_14:
0x305: {  	p1 =	sne.s32 s2, $0x3000;
	v8 =	vld [tilespmem:s16+$0x20]  }
0x306: {  	v9 =	vmul.u32 $0x2710, v5;
	v10 =	vld [tilespmem:s16+$0x30]  }
0x307: {  	s3 =	sshra.s32 s2, $0x2;
	v11 =	vmul.u32 $0x2710, v4;
	v12 =	vld [tilespmem:s16+$0x40]  }
0x308: {  	v5 =	vld [tilespmem:s3+$0x2000];
	v7 =	vadd.s32 v7, v9;
	v9 =	vmul.u32 $0x2710, v3  }
0x309: {  	v4 =	vld [tilespmem:s3+$0x2010];
	[tilespmem:s16+$0x0] =	vst v7;
	v6 =	vadd.s32 v6, v11;
	v7 =	vmul.u32 $0x2710, v2  }
.Ltmp6:
0x30a: {  	v3 =	vld [tilespmem:s3+$0x2020];
	[tilespmem:s16+$0x10] =	vst v6;
	v6 =	vadd.s32 v8, v9;
	v8 =	vmul.u32 $0x2710, v1;
	(pc) =	sbr.rel @p1 .LBB2_14-.Ltmp6, $4  }
0x30b: {  	v2 =	vld [tilespmem:s3+$0x2030];
	[tilespmem:s16+$0x20] =	vst v6;
	v6 =	vadd.s32 v10, v7  }
0x30c: {  	v1 =	vld [tilespmem:s3+$0x2040];
	[tilespmem:s16+$0x30] =	vst v6;
	v6 =	vadd.s32 v12, v8  }
0x30d: {  	v7 =	vld [tilespmem:s3+$0x0];
	[tilespmem:s16+$0x40] =	vst v6;
	s16 =	smov.u32 s3  }
0x30e: {  	s2 =	sadd.s32 $0x200, s2;
	v6 =	vld [tilespmem:s16+$0x10]  }
0x30f: {  	v8 =	vld [tilespmem:s16+$0x20]  }
0x310: {  	v5 =	vmul.u32 $0x2710, v5;
	v9 =	vld [tilespmem:s16+$0x30]  }
0x311: {  	v4 =	vmul.u32 $0x2710, v4;
	v10 =	vld [tilespmem:s16+$0x40]  }
0x312: {  	v3 =	vmul.u32 $0x2710, v3;
	v5 =	vadd.s32 v7, v5  }
0x313: {  	v2 =	vmul.u32 $0x2710, v2;
	[tilespmem:s16+$0x0] =	vst v5;
	v4 =	vadd.s32 v6, v4  }
0x314: {  	v1 =	vmul.u32 $0x2710, v1;
	[tilespmem:s16+$0x10] =	vst v4;
	v3 =	vadd.s32 v8, v3  }
0x315: {  	v2 =	vadd.s32 v9, v2;
	[tilespmem:s16+$0x20] =	vst v3  }
0x316: {  	v1 =	vadd.s32 v10, v1;
	[tilespmem:s16+$0x30] =	vst v2  }
0x317: {  	s2 =	rddreg [dreg:$0x1b];
	[tilespmem:s16+$0x40] =	vst v1  }
0x318: {  	[tilespmem:s6], [sflag:$0x4] =	stream.linear.gather [hbm4b:s2+s11], $0xC80, $0x38;
	[tilespmem:$0x1F080] =	vst v63  }
0x319: {  	_ =	swait.ge [sflag:s19], $0xC80  }
0x31a: {  	[sflag:s19] =	ssyncset.done $0x0  }
0x31b: {  	[sflag:s19] =	ssyncadd.s32 $0xFFFFF380  }
0x31c: {  	_ =	swait.ge [sflag:s8], $0x2800  }
0x31d: {  	[sflag:s8] =	ssyncset.done $0x0  }
0x31e: {  	[sflag:s8] =	ssyncadd.s32 $0xFFFFD800  }
0x31f: {  	[spmem:s20] =	stream.indirect.scatter.add.f32 [tilespmem:s7], [sflag:$0x6], $0x80, s12, s13, $0xb8;
	[tilespmem:$0x1F080] =	vst v63  }
0x320: {  	_ =	swait.ge [sflag:s21], $0x2800  }
0x321: {  	[sflag:s21] =	ssyncset.done $0x0  }
0x322: {  	s16 =	simm.s32 $0x1180;
	[sflag:s21] =	ssyncadd.s32 $0xFFFFD800  }
0x323: {  	[tilespmem:s7], [sflag:$0x1] =	stream.indirect.gather [hbm4b:s22+s13], $0x80, s16, s13, $0xb8;
	[tilespmem:$0x1F080] =	vst v63  }
0x324: {  	_ =	swait.ge [sflag:s17], $0x2800  }
0x325: {  	[sflag:s17] =	ssyncset.done $0x0  }
0x326: {  	s3 =	simm.s32 $0x3080;
	[sflag:s17] =	ssyncadd.s32 $0xFFFFD800  }
0x327: {  	[spmem:s20] =	stream.indirect.scatter.add.f32 [tilespmem:s15], [sflag:$0x6], $0x80, s3, s13, $0xb8;
	[tilespmem:$0x1F080] =	vst v63  }
0x328: {  	_ =	swait.ge [sflag:s21], $0x2800  }
0x329: {  	[sflag:s21] =	ssyncset.done $0x0  }
0x32a: {  	s16 =	simm.s32 $0x1200;
	[sflag:s21] =	ssyncadd.s32 $0xFFFFD800  }
0x32b: {  	[tilespmem:s15], [sflag:$0x2] =	stream.indirect.gather [hbm4b:s22+s13], $0x80, s16, s13, $0xb8;
	[tilespmem:$0x1F080] =	vst v63  }
0x32c: {  	_ =	swait.ge [sflag:s0], $0x2800  }
0x32d: {  	[sflag:s0] =	ssyncset.done $0x0  }
0x32e: {  	s3 =	simm.s32 $0x3100;
	[sflag:s0] =	ssyncadd.s32 $0xFFFFD800  }
0x32f: {  	[spmem:s20] =	stream.indirect.scatter.add.f32 [tilespmem:s18], [sflag:$0x6], $0x80, s3, s13, $0xb8;
	[tilespmem:$0x1F080] =	vst v63  }
0x330: {  	_ =	swait.ge [sflag:s21], $0x2800  }
0x331: {  	[sflag:s21] =	ssyncset.done $0x0  }
0x332: {  	s16 =	simm.s32 $0x1280;
	[sflag:s21] =	ssyncadd.s32 $0xFFFFD800  }
0x333: {  	[tilespmem:s18], [sflag:$0x3] =	stream.indirect.gather [hbm4b:s22+s13], $0x80, s16, s13, $0xb8;
	[tilespmem:$0x1F080] =	vst v63  }
0x334: {  	_ =	swait.ge [sflag:s8], $0x2800  }
0x335: {  	[sflag:s8] =	ssyncset.done $0x0  }
0x336: {  	s3 =	simm.s32 $0x3180;
	[sflag:s8] =	ssyncadd.s32 $0xFFFFD800  }
0x337: {  	[spmem:s20] =	stream.indirect.scatter.add.f32 [tilespmem:s7], [sflag:$0x6], $0x80, s3, s13, $0xb8;
	[tilespmem:$0x1F080] =	vst v63  }
0x338: {  	_ =	swait.ge [sflag:s21], $0x2800  }
0x339: {  	[sflag:s21] =	ssyncset.done $0x0  }
0x33a: {  	s16 =	simm.s32 $0x1300;
	[sflag:s21] =	ssyncadd.s32 $0xFFFFD800  }
0x33b: {  	[tilespmem:s7], [sflag:$0x1] =	stream.indirect.gather [hbm4b:s22+s13], $0x80, s16, s13, $0xb8;
	[tilespmem:$0x1F080] =	vst v63  }
0x33c: {  	_ =	swait.ge [sflag:s17], $0x2800  }
0x33d: {  	[sflag:s17] =	ssyncset.done $0x0  }
0x33e: {  	s3 =	simm.s32 $0x3200;
	[sflag:s17] =	ssyncadd.s32 $0xFFFFD800  }
0x33f: {  	[spmem:s20] =	stream.indirect.scatter.add.f32 [tilespmem:s15], [sflag:$0x6], $0x80, s3, s13, $0xb8;
	[tilespmem:$0x1F080] =	vst v63  }
0x340: {  	_ =	swait.ge [sflag:s21], $0x2800  }
0x341: {  	[sflag:s21] =	ssyncset.done $0x0  }
0x342: {  	s16 =	simm.s32 $0x1380;
	[sflag:s21] =	ssyncadd.s32 $0xFFFFD800  }
0x343: {  	[tilespmem:s15], [sflag:$0x2] =	stream.indirect.gather [hbm4b:s22+s13], $0x80, s16, s13, $0xb8;
	[tilespmem:$0x1F080] =	vst v63  }
0x344: {  	_ =	swait.ge [sflag:s0], $0x2800  }
0x345: {  	[sflag:s0] =	ssyncset.done $0x0  }
0x346: {  	s3 =	simm.s32 $0x3280;
	[sflag:s0] =	ssyncadd.s32 $0xFFFFD800  }
0x347: {  	[spmem:s20] =	stream.indirect.scatter.add.f32 [tilespmem:s18], [sflag:$0x6], $0x80, s3, s13, $0xb8;
	[tilespmem:$0x1F080] =	vst v63  }
0x348: {  	_ =	swait.ge [sflag:s21], $0x2800  }
0x349: {  	[sflag:s21] =	ssyncset.done $0x0  }
0x34a: {  	s16 =	simm.s32 $0x1400;
	[sflag:s21] =	ssyncadd.s32 $0xFFFFD800  }
0x34b: {  	[tilespmem:s18], [sflag:$0x3] =	stream.indirect.gather [hbm4b:s22+s13], $0x80, s16, s13, $0xb8;
	[tilespmem:$0x1F080] =	vst v63  }
0x34c: {  	_ =	swait.ge [sflag:s8], $0x2800  }
0x34d: {  	[sflag:s8] =	ssyncset.done $0x0  }
0x34e: {  	s3 =	simm.s32 $0x3300;
	[sflag:s8] =	ssyncadd.s32 $0xFFFFD800  }
0x34f: {  	[spmem:s20] =	stream.indirect.scatter.add.f32 [tilespmem:s7], [sflag:$0x6], $0x80, s3, s13, $0xb8;
	[tilespmem:$0x1F080] =	vst v63  }
0x350: {  	_ =	swait.ge [sflag:s21], $0x2800  }
0x351: {  	[sflag:s21] =	ssyncset.done $0x0  }
0x352: {  	s16 =	simm.s32 $0x1480;
	[sflag:s21] =	ssyncadd.s32 $0xFFFFD800  }
0x353: {  	[tilespmem:s7], [sflag:$0x1] =	stream.indirect.gather [hbm4b:s22+s13], $0x80, s16, s13, $0xb8;
	[tilespmem:$0x1F080] =	vst v63  }
0x354: {  	_ =	swait.ge [sflag:s17], $0x2800  }
0x355: {  	[sflag:s17] =	ssyncset.done $0x0  }
0x356: {  	s3 =	simm.s32 $0x3380;
	[sflag:s17] =	ssyncadd.s32 $0xFFFFD800  }
0x357: {  	[spmem:s20] =	stream.indirect.scatter.add.f32 [tilespmem:s15], [sflag:$0x6], $0x80, s3, s13, $0xb8;
	[tilespmem:$0x1F080] =	vst v63  }
0x358: {  	_ =	swait.ge [sflag:s21], $0x2800  }
0x359: {  	[sflag:s21] =	ssyncset.done $0x0  }
0x35a: {  	s16 =	simm.s32 $0x1500;
	[sflag:s21] =	ssyncadd.s32 $0xFFFFD800  }
0x35b: {  	[tilespmem:s15], [sflag:$0x2] =	stream.indirect.gather [hbm4b:s22+s13], $0x80, s16, s13, $0xb8;
	[tilespmem:$0x1F080] =	vst v63  }
0x35c: {  	_ =	swait.ge [sflag:s0], $0x2800  }
0x35d: {  	[sflag:s0] =	ssyncset.done $0x0  }
0x35e: {  	s3 =	simm.s32 $0x3400;
	[sflag:s0] =	ssyncadd.s32 $0xFFFFD800  }
0x35f: {  	[spmem:s20] =	stream.indirect.scatter.add.f32 [tilespmem:s18], [sflag:$0x6], $0x80, s3, s13, $0xb8;
	[tilespmem:$0x1F080] =	vst v63  }
0x360: {  	_ =	swait.ge [sflag:s21], $0x2800  }
0x361: {  	[sflag:s21] =	ssyncset.done $0x0  }
0x362: {  	s16 =	simm.s32 $0x1580;
	[sflag:s21] =	ssyncadd.s32 $0xFFFFD800  }
0x363: {  	[tilespmem:s18], [sflag:$0x3] =	stream.indirect.gather [hbm4b:s22+s13], $0x80, s16, s13, $0xb8;
	[tilespmem:$0x1F080] =	vst v63  }
0x364: {  	_ =	swait.ge [sflag:s8], $0x2800  }
0x365: {  	[sflag:s8] =	ssyncset.done $0x0  }
0x366: {  	s3 =	simm.s32 $0x3480;
	[sflag:s8] =	ssyncadd.s32 $0xFFFFD800  }
0x367: {  	[spmem:s20] =	stream.indirect.scatter.add.f32 [tilespmem:s7], [sflag:$0x6], $0x80, s3, s13, $0xb8;
	[tilespmem:$0x1F080] =	vst v63  }
0x368: {  	_ =	swait.ge [sflag:s21], $0x2800  }
0x369: {  	[sflag:s21] =	ssyncset.done $0x0  }
0x36a: {  	s16 =	simm.s32 $0x1600;
	[sflag:s21] =	ssyncadd.s32 $0xFFFFD800  }
0x36b: {  	[tilespmem:s7], [sflag:$0x1] =	stream.indirect.gather [hbm4b:s22+s13], $0x80, s16, s13, $0xb8;
	[tilespmem:$0x1F080] =	vst v63  }
0x36c: {  	_ =	swait.ge [sflag:s17], $0x2800  }
0x36d: {  	[sflag:s17] =	ssyncset.done $0x0  }
0x36e: {  	s3 =	simm.s32 $0x3500;
	[sflag:s17] =	ssyncadd.s32 $0xFFFFD800  }
0x36f: {  	[spmem:s20] =	stream.indirect.scatter.add.f32 [tilespmem:s15], [sflag:$0x6], $0x80, s3, s13, $0xb8;
	[tilespmem:$0x1F080] =	vst v63  }
0x370: {  	_ =	swait.ge [sflag:s21], $0x2800  }
0x371: {  	[sflag:s21] =	ssyncset.done $0x0  }
0x372: {  	s16 =	simm.s32 $0x1680;
	[sflag:s21] =	ssyncadd.s32 $0xFFFFD800  }
0x373: {  	[tilespmem:s15], [sflag:$0x2] =	stream.indirect.gather [hbm4b:s22+s13], $0x80, s16, s13, $0xb8;
	[tilespmem:$0x1F080] =	vst v63  }
0x374: {  	_ =	swait.ge [sflag:s0], $0x2800  }
0x375: {  	[sflag:s0] =	ssyncset.done $0x0  }
0x376: {  	s3 =	simm.s32 $0x3580;
	[sflag:s0] =	ssyncadd.s32 $0xFFFFD800  }
0x377: {  	[spmem:s20] =	stream.indirect.scatter.add.f32 [tilespmem:s18], [sflag:$0x6], $0x80, s3, s13, $0xb8;
	[tilespmem:$0x1F080] =	vst v63  }
0x378: {  	_ =	swait.ge [sflag:s21], $0x2800  }
0x379: {  	[sflag:s21] =	ssyncset.done $0x0  }
0x37a: {  	s16 =	simm.s32 $0x1700;
	[sflag:s21] =	ssyncadd.s32 $0xFFFFD800  }
0x37b: {  	[tilespmem:s18], [sflag:$0x3] =	stream.indirect.gather [hbm4b:s22+s13], $0x80, s16, s13, $0xb8;
	[tilespmem:$0x1F080] =	vst v63  }
0x37c: {  	_ =	swait.ge [sflag:s8], $0x2800  }
0x37d: {  	[sflag:s8] =	ssyncset.done $0x0  }
0x37e: {  	s3 =	simm.s32 $0x3600;
	[sflag:s8] =	ssyncadd.s32 $0xFFFFD800  }
0x37f: {  	[spmem:s20] =	stream.indirect.scatter.add.f32 [tilespmem:s7], [sflag:$0x6], $0x80, s3, s13, $0xb8;
	[tilespmem:$0x1F080] =	vst v63  }
0x380: {  	_ =	swait.ge [sflag:s21], $0x2800  }
0x381: {  	[sflag:s21] =	ssyncset.done $0x0  }
0x382: {  	s16 =	simm.s32 $0x1780;
	[sflag:s21] =	ssyncadd.s32 $0xFFFFD800  }
0x383: {  	[tilespmem:s7], [sflag:$0x1] =	stream.indirect.gather [hbm4b:s22+s13], $0x80, s16, s13, $0xb8;
	[tilespmem:$0x1F080] =	vst v63  }
0x384: {  	_ =	swait.ge [sflag:s17], $0x2800  }
0x385: {  	[sflag:s17] =	ssyncset.done $0x0  }
0x386: {  	s3 =	simm.s32 $0x3680;
	[sflag:s17] =	ssyncadd.s32 $0xFFFFD800  }
0x387: {  	[spmem:s20] =	stream.indirect.scatter.add.f32 [tilespmem:s15], [sflag:$0x6], $0x80, s3, s13, $0xb8;
	[tilespmem:$0x1F080] =	vst v63  }
0x388: {  	_ =	swait.ge [sflag:s21], $0x2800  }
0x389: {  	[sflag:s21] =	ssyncset.done $0x0  }
0x38a: {  	s16 =	simm.s32 $0x1800;
	[sflag:s21] =	ssyncadd.s32 $0xFFFFD800  }
0x38b: {  	[tilespmem:s15], [sflag:$0x2] =	stream.indirect.gather [hbm4b:s22+s13], $0x80, s16, s13, $0xb8;
	[tilespmem:$0x1F080] =	vst v63  }
0x38c: {  	_ =	swait.ge [sflag:s0], $0x2800  }
0x38d: {  	[sflag:s0] =	ssyncset.done $0x0  }
0x38e: {  	s3 =	simm.s32 $0x3700;
	[sflag:s0] =	ssyncadd.s32 $0xFFFFD800  }
0x38f: {  	[spmem:s20] =	stream.indirect.scatter.add.f32 [tilespmem:s18], [sflag:$0x6], $0x80, s3, s13, $0xb8;
	[tilespmem:$0x1F080] =	vst v63  }
0x390: {  	_ =	swait.ge [sflag:s21], $0x2800  }
0x391: {  	[sflag:s21] =	ssyncset.done $0x0  }
0x392: {  	s16 =	simm.s32 $0x1880;
	[sflag:s21] =	ssyncadd.s32 $0xFFFFD800  }
0x393: {  	[tilespmem:s18], [sflag:$0x3] =	stream.indirect.gather [hbm4b:s22+s13], $0x80, s16, s13, $0xb8;
	[tilespmem:$0x1F080] =	vst v63  }
0x394: {  	_ =	swait.ge [sflag:s8], $0x2800  }
0x395: {  	[sflag:s8] =	ssyncset.done $0x0  }
0x396: {  	s3 =	simm.s32 $0x3780;
	[sflag:s8] =	ssyncadd.s32 $0xFFFFD800  }
0x397: {  	[spmem:s20] =	stream.indirect.scatter.add.f32 [tilespmem:s7], [sflag:$0x6], $0x80, s3, s13, $0xb8;
	[tilespmem:$0x1F080] =	vst v63  }
0x398: {  	_ =	swait.ge [sflag:s21], $0x2800  }
0x399: {  	[sflag:s21] =	ssyncset.done $0x0  }
0x39a: {  	s16 =	simm.s32 $0x1900;
	[sflag:s21] =	ssyncadd.s32 $0xFFFFD800  }
0x39b: {  	[tilespmem:s7], [sflag:$0x1] =	stream.indirect.gather [hbm4b:s22+s13], $0x80, s16, s13, $0xb8;
	[tilespmem:$0x1F080] =	vst v63  }
0x39c: {  	_ =	swait.ge [sflag:s17], $0x2800  }
0x39d: {  	[sflag:s17] =	ssyncset.done $0x0  }
0x39e: {  	s3 =	simm.s32 $0x3800;
	[sflag:s17] =	ssyncadd.s32 $0xFFFFD800  }
0x39f: {  	[spmem:s20] =	stream.indirect.scatter.add.f32 [tilespmem:s15], [sflag:$0x6], $0x80, s3, s13, $0xb8;
	[tilespmem:$0x1F080] =	vst v63  }
0x3a0: {  	_ =	swait.ge [sflag:s21], $0x2800  }
0x3a1: {  	[sflag:s21] =	ssyncset.done $0x0  }
0x3a2: {  	s16 =	simm.s32 $0x1980;
	[sflag:s21] =	ssyncadd.s32 $0xFFFFD800  }
0x3a3: {  	[tilespmem:s15], [sflag:$0x2] =	stream.indirect.gather [hbm4b:s22+s13], $0x80, s16, s13, $0xb8;
	[tilespmem:$0x1F080] =	vst v63  }
0x3a4: {  	_ =	swait.ge [sflag:s0], $0x2800  }
0x3a5: {  	[sflag:s0] =	ssyncset.done $0x0  }
0x3a6: {  	s3 =	simm.s32 $0x3880;
	[sflag:s0] =	ssyncadd.s32 $0xFFFFD800  }
0x3a7: {  	[spmem:s20] =	stream.indirect.scatter.add.f32 [tilespmem:s18], [sflag:$0x6], $0x80, s3, s13, $0xb8;
	[tilespmem:$0x1F080] =	vst v63  }
0x3a8: {  	_ =	swait.ge [sflag:s21], $0x2800  }
0x3a9: {  	[sflag:s21] =	ssyncset.done $0x0  }
0x3aa: {  	s16 =	simm.s32 $0x1A00;
	[sflag:s21] =	ssyncadd.s32 $0xFFFFD800  }
0x3ab: {  	[tilespmem:s18], [sflag:$0x3] =	stream.indirect.gather [hbm4b:s22+s13], $0x80, s16, s13, $0xb8;
	[tilespmem:$0x1F080] =	vst v63  }
0x3ac: {  	_ =	swait.ge [sflag:s8], $0x2800  }
0x3ad: {  	[sflag:s8] =	ssyncset.done $0x0  }
0x3ae: {  	s3 =	simm.s32 $0x3900;
	[sflag:s8] =	ssyncadd.s32 $0xFFFFD800  }
0x3af: {  	[spmem:s20] =	stream.indirect.scatter.add.f32 [tilespmem:s7], [sflag:$0x6], $0x80, s3, s13, $0xb8;
	[tilespmem:$0x1F080] =	vst v63  }
0x3b0: {  	_ =	swait.ge [sflag:s21], $0x2800  }
0x3b1: {  	[sflag:s21] =	ssyncset.done $0x0  }
0x3b2: {  	s16 =	simm.s32 $0x1A80;
	[sflag:s21] =	ssyncadd.s32 $0xFFFFD800  }
0x3b3: {  	[tilespmem:s7], [sflag:$0x1] =	stream.indirect.gather [hbm4b:s22+s13], $0x80, s16, s13, $0xb8;
	[tilespmem:$0x1F080] =	vst v63  }
0x3b4: {  	_ =	swait.ge [sflag:s17], $0x2800  }
0x3b5: {  	[sflag:s17] =	ssyncset.done $0x0  }
0x3b6: {  	s3 =	simm.s32 $0x3980;
	[sflag:s17] =	ssyncadd.s32 $0xFFFFD800  }
0x3b7: {  	[spmem:s20] =	stream.indirect.scatter.add.f32 [tilespmem:s15], [sflag:$0x6], $0x80, s3, s13, $0xb8;
	[tilespmem:$0x1F080] =	vst v63  }
0x3b8: {  	_ =	swait.ge [sflag:s21], $0x2800  }
0x3b9: {  	[sflag:s21] =	ssyncset.done $0x0  }
0x3ba: {  	s16 =	simm.s32 $0x1B00;
	[sflag:s21] =	ssyncadd.s32 $0xFFFFD800  }
0x3bb: {  	[tilespmem:s15], [sflag:$0x2] =	stream.indirect.gather [hbm4b:s22+s13], $0x80, s16, s13, $0xb8;
	[tilespmem:$0x1F080] =	vst v63  }
0x3bc: {  	_ =	swait.ge [sflag:s0], $0x2800  }
0x3bd: {  	[sflag:s0] =	ssyncset.done $0x0  }
0x3be: {  	s3 =	simm.s32 $0x3A00;
	[sflag:s0] =	ssyncadd.s32 $0xFFFFD800  }
0x3bf: {  	[spmem:s20] =	stream.indirect.scatter.add.f32 [tilespmem:s18], [sflag:$0x6], $0x80, s3, s13, $0xb8;
	[tilespmem:$0x1F080] =	vst v63  }
0x3c0: {  	_ =	swait.ge [sflag:s21], $0x2800  }
0x3c1: {  	[sflag:s21] =	ssyncset.done $0x0  }
0x3c2: {  	s16 =	simm.s32 $0x1B80;
	[sflag:s21] =	ssyncadd.s32 $0xFFFFD800  }
0x3c3: {  	[tilespmem:s18], [sflag:$0x3] =	stream.indirect.gather [hbm4b:s22+s13], $0x80, s16, s13, $0xb8;
	[tilespmem:$0x1F080] =	vst v63  }
0x3c4: {  	_ =	swait.ge [sflag:s8], $0x2800  }
0x3c5: {  	[sflag:s8] =	ssyncset.done $0x0  }
0x3c6: {  	s3 =	simm.s32 $0x3A80;
	[sflag:s8] =	ssyncadd.s32 $0xFFFFD800  }
0x3c7: {  	[spmem:s20] =	stream.indirect.scatter.add.f32 [tilespmem:s7], [sflag:$0x6], $0x80, s3, s13, $0xb8;
	[tilespmem:$0x1F080] =	vst v63  }
0x3c8: {  	_ =	swait.ge [sflag:s21], $0x2800  }
0x3c9: {  	[sflag:s21] =	ssyncset.done $0x0  }
0x3ca: {  	s16 =	simm.s32 $0x1C00;
	[sflag:s21] =	ssyncadd.s32 $0xFFFFD800  }
0x3cb: {  	[tilespmem:s7], [sflag:$0x1] =	stream.indirect.gather [hbm4b:s22+s13], $0x80, s16, s13, $0xb8;
	[tilespmem:$0x1F080] =	vst v63  }
0x3cc: {  	_ =	swait.ge [sflag:s17], $0x2800  }
0x3cd: {  	[sflag:s17] =	ssyncset.done $0x0  }
0x3ce: {  	s3 =	simm.s32 $0x3B00;
	[sflag:s17] =	ssyncadd.s32 $0xFFFFD800  }
0x3cf: {  	[spmem:s20] =	stream.indirect.scatter.add.f32 [tilespmem:s15], [sflag:$0x6], $0x80, s3, s13, $0xb8;
	[tilespmem:$0x1F080] =	vst v63  }
0x3d0: {  	_ =	swait.ge [sflag:s21], $0x2800  }
0x3d1: {  	[sflag:s21] =	ssyncset.done $0x0  }
0x3d2: {  	[sflag:s21] =	ssyncadd.s32 $0xFFFFD800  }
0x3d3: {  	_ =	swait.ge [sflag:s0], $0x2800  }
0x3d4: {  	[sflag:s0] =	ssyncset.done $0x0  }
0x3d5: {  	s16 =	simm.s32 $0x3B80;
	[sflag:s0] =	ssyncadd.s32 $0xFFFFD800  }
0x3d6: {  	[spmem:s20] =	stream.indirect.scatter.add.f32 [tilespmem:s18], [sflag:$0x6], $0x80, s16, s13, $0xb8;
	[tilespmem:$0x1F080] =	vst v63  }
0x3d7: {  	_ =	swait.ge [sflag:s21], $0x2800  }
0x3d8: {  	[sflag:s21] =	ssyncset.done $0x0  }
0x3d9: {  	[sflag:s21] =	ssyncadd.s32 $0xFFFFD800  }
0x3da: {  	_ =	swait.ge [sflag:s8], $0x2800  }
0x3db: {  	[sflag:s8] =	ssyncset.done $0x0  }
0x3dc: {  	s3 =	simm.s32 $0x3C00;
	[sflag:s8] =	ssyncadd.s32 $0xFFFFD800  }
0x3dd: {  	[spmem:s20] =	stream.indirect.scatter.add.f32 [tilespmem:s7], [sflag:$0x6], $0x80, s3, s13, $0xb8;
	[tilespmem:$0x1F080] =	vst v63  }
0x3de: {  	_ =	swait.ge [sflag:s21], $0x2800  }
0x3df: {  	[sflag:s21] =	ssyncset.done $0x0  }
0x3e0: {  	[sflag:s21] =	ssyncadd.s32 $0xFFFFD800  }
0x3e1: {  	[tilespmem:s7], [sflag:$0x1] =	stream.indirect.gather [hbm4b:s22+s13], $0x80, s11, s13, $0xb8;
	[tilespmem:$0x1F080] =	vst v63  }
0x3e2: {  	s16 =	simm.s32 $0x80  }
0x3e3: {  	[tilespmem:s15], [sflag:$0x2] =	stream.indirect.gather [hbm4b:s22+s13], $0x80, s16, s13, $0xb8;
	[tilespmem:$0x1F080] =	vst v63  }
0x3e4: {  	s3 =	simm.s32 $0x100  }
0x3e5: {  	[tilespmem:s18], [sflag:$0x3] =	stream.indirect.gather [hbm4b:s22+s13], $0x80, s3, s13, $0xb8;
	[tilespmem:$0x1F080] =	vst v63  }
0x3e6: {  	_ =	swait.ge [sflag:s9], $0xC80  }
0x3e7: {  	[sflag:s9] =	ssyncset.done $0x0  }
0x3e8: {  	[sflag:s9] =	ssyncadd.s32 $0xFFFFF380  }
0x3e9: {  	_ =	swait.ge [sflag:s8], $0x2800  }
0x3ea: {  	[sflag:s8] =	ssyncset.done $0x0  }
0x3eb: {  	[sflag:s8] =	ssyncadd.s32 $0xFFFFD800  }
0x3ec: {  	[spmem:s20] =	stream.indirect.scatter.add.f32 [tilespmem:s7], [sflag:$0x6], $0x80, s6, s13, $0xb8;
	[tilespmem:$0x1F080] =	vst v63  }
0x3ed: {  	_ =	swait.ge [sflag:s21], $0x2800  }
0x3ee: {  	[sflag:s21] =	ssyncset.done $0x0  }
0x3ef: {  	s16 =	simm.s32 $0x180;
	[sflag:s21] =	ssyncadd.s32 $0xFFFFD800  }
0x3f0: {  	[tilespmem:s7], [sflag:$0x1] =	stream.indirect.gather [hbm4b:s22+s13], $0x80, s16, s13, $0xb8;
	[tilespmem:$0x1F080] =	vst v63  }
0x3f1: {  	_ =	swait.ge [sflag:s17], $0x2800  }
0x3f2: {  	[sflag:s17] =	ssyncset.done $0x0  }
0x3f3: {  	s3 =	simm.s32 $0x2080;
	[sflag:s17] =	ssyncadd.s32 $0xFFFFD800  }
0x3f4: {  	[spmem:s20] =	stream.indirect.scatter.add.f32 [tilespmem:s15], [sflag:$0x6], $0x80, s3, s13, $0xb8;
	[tilespmem:$0x1F080] =	vst v63  }
0x3f5: {  	_ =	swait.ge [sflag:s21], $0x2800  }
0x3f6: {  	[sflag:s21] =	ssyncset.done $0x0  }
0x3f7: {  	s16 =	simm.s32 $0x200;
	[sflag:s21] =	ssyncadd.s32 $0xFFFFD800  }
0x3f8: {  	[tilespmem:s15], [sflag:$0x2] =	stream.indirect.gather [hbm4b:s22+s13], $0x80, s16, s13, $0xb8;
	[tilespmem:$0x1F080] =	vst v63  }
0x3f9: {  	_ =	swait.ge [sflag:s0], $0x2800  }
0x3fa: {  	[sflag:s0] =	ssyncset.done $0x0  }
0x3fb: {  	s3 =	simm.s32 $0x2100;
	[sflag:s0] =	ssyncadd.s32 $0xFFFFD800  }
0x3fc: {  	[spmem:s20] =	stream.indirect.scatter.add.f32 [tilespmem:s18], [sflag:$0x6], $0x80, s3, s13, $0xb8;
	[tilespmem:$0x1F080] =	vst v63  }
0x3fd: {  	_ =	swait.ge [sflag:s21], $0x2800  }
0x3fe: {  	[sflag:s21] =	ssyncset.done $0x0  }
0x3ff: {  	s16 =	simm.s32 $0x280;
	[sflag:s21] =	ssyncadd.s32 $0xFFFFD800  }
0x400: {  	[tilespmem:s18], [sflag:$0x3] =	stream.indirect.gather [hbm4b:s22+s13], $0x80, s16, s13, $0xb8;
	[tilespmem:$0x1F080] =	vst v63  }
0x401: {  	_ =	swait.ge [sflag:s8], $0x2800  }
0x402: {  	[sflag:s8] =	ssyncset.done $0x0  }
0x403: {  	s3 =	simm.s32 $0x2180;
	[sflag:s8] =	ssyncadd.s32 $0xFFFFD800  }
0x404: {  	[spmem:s20] =	stream.indirect.scatter.add.f32 [tilespmem:s7], [sflag:$0x6], $0x80, s3, s13, $0xb8;
	[tilespmem:$0x1F080] =	vst v63  }
0x405: {  	_ =	swait.ge [sflag:s21], $0x2800  }
0x406: {  	[sflag:s21] =	ssyncset.done $0x0  }
0x407: {  	s16 =	simm.s32 $0x300;
	[sflag:s21] =	ssyncadd.s32 $0xFFFFD800  }
0x408: {  	[tilespmem:s7], [sflag:$0x1] =	stream.indirect.gather [hbm4b:s22+s13], $0x80, s16, s13, $0xb8;
	[tilespmem:$0x1F080] =	vst v63  }
0x409: {  	_ =	swait.ge [sflag:s17], $0x2800  }
0x40a: {  	[sflag:s17] =	ssyncset.done $0x0  }
0x40b: {  	s3 =	simm.s32 $0x2200;
	[sflag:s17] =	ssyncadd.s32 $0xFFFFD800  }
0x40c: {  	[spmem:s20] =	stream.indirect.scatter.add.f32 [tilespmem:s15], [sflag:$0x6], $0x80, s3, s13, $0xb8;
	[tilespmem:$0x1F080] =	vst v63  }
0x40d: {  	_ =	swait.ge [sflag:s21], $0x2800  }
0x40e: {  	[sflag:s21] =	ssyncset.done $0x0  }
0x40f: {  	s16 =	simm.s32 $0x380;
	[sflag:s21] =	ssyncadd.s32 $0xFFFFD800  }
0x410: {  	[tilespmem:s15], [sflag:$0x2] =	stream.indirect.gather [hbm4b:s22+s13], $0x80, s16, s13, $0xb8;
	[tilespmem:$0x1F080] =	vst v63  }
0x411: {  	_ =	swait.ge [sflag:s0], $0x2800  }
0x412: {  	[sflag:s0] =	ssyncset.done $0x0  }
0x413: {  	s3 =	simm.s32 $0x2280;
	[sflag:s0] =	ssyncadd.s32 $0xFFFFD800  }
0x414: {  	[spmem:s20] =	stream.indirect.scatter.add.f32 [tilespmem:s18], [sflag:$0x6], $0x80, s3, s13, $0xb8;
	[tilespmem:$0x1F080] =	vst v63  }
0x415: {  	_ =	swait.ge [sflag:s21], $0x2800  }
0x416: {  	[sflag:s21] =	ssyncset.done $0x0  }
0x417: {  	s16 =	simm.s32 $0x400;
	[sflag:s21] =	ssyncadd.s32 $0xFFFFD800  }
0x418: {  	[tilespmem:s18], [sflag:$0x3] =	stream.indirect.gather [hbm4b:s22+s13], $0x80, s16, s13, $0xb8;
	[tilespmem:$0x1F080] =	vst v63  }
0x419: {  	_ =	swait.ge [sflag:s8], $0x2800  }
0x41a: {  	[sflag:s8] =	ssyncset.done $0x0  }
0x41b: {  	s3 =	simm.s32 $0x2300;
	[sflag:s8] =	ssyncadd.s32 $0xFFFFD800  }
0x41c: {  	[spmem:s20] =	stream.indirect.scatter.add.f32 [tilespmem:s7], [sflag:$0x6], $0x80, s3, s13, $0xb8;
	[tilespmem:$0x1F080] =	vst v63  }
0x41d: {  	_ =	swait.ge [sflag:s21], $0x2800  }
0x41e: {  	[sflag:s21] =	ssyncset.done $0x0  }
0x41f: {  	s16 =	simm.s32 $0x480;
	[sflag:s21] =	ssyncadd.s32 $0xFFFFD800  }
0x420: {  	[tilespmem:s7], [sflag:$0x1] =	stream.indirect.gather [hbm4b:s22+s13], $0x80, s16, s13, $0xb8;
	[tilespmem:$0x1F080] =	vst v63  }
0x421: {  	_ =	swait.ge [sflag:s17], $0x2800  }
0x422: {  	[sflag:s17] =	ssyncset.done $0x0  }
0x423: {  	s3 =	simm.s32 $0x2380;
	[sflag:s17] =	ssyncadd.s32 $0xFFFFD800  }
0x424: {  	[spmem:s20] =	stream.indirect.scatter.add.f32 [tilespmem:s15], [sflag:$0x6], $0x80, s3, s13, $0xb8;
	[tilespmem:$0x1F080] =	vst v63  }
0x425: {  	_ =	swait.ge [sflag:s21], $0x2800  }
0x426: {  	[sflag:s21] =	ssyncset.done $0x0  }
0x427: {  	s16 =	simm.s32 $0x500;
	[sflag:s21] =	ssyncadd.s32 $0xFFFFD800  }
0x428: {  	[tilespmem:s15], [sflag:$0x2] =	stream.indirect.gather [hbm4b:s22+s13], $0x80, s16, s13, $0xb8;
	[tilespmem:$0x1F080] =	vst v63  }
0x429: {  	_ =	swait.ge [sflag:s0], $0x2800  }
0x42a: {  	[sflag:s0] =	ssyncset.done $0x0  }
0x42b: {  	s3 =	simm.s32 $0x2400;
	[sflag:s0] =	ssyncadd.s32 $0xFFFFD800  }
0x42c: {  	[spmem:s20] =	stream.indirect.scatter.add.f32 [tilespmem:s18], [sflag:$0x6], $0x80, s3, s13, $0xb8;
	[tilespmem:$0x1F080] =	vst v63  }
0x42d: {  	_ =	swait.ge [sflag:s21], $0x2800  }
0x42e: {  	[sflag:s21] =	ssyncset.done $0x0  }
0x42f: {  	s16 =	simm.s32 $0x580;
	[sflag:s21] =	ssyncadd.s32 $0xFFFFD800  }
0x430: {  	[tilespmem:s18], [sflag:$0x3] =	stream.indirect.gather [hbm4b:s22+s13], $0x80, s16, s13, $0xb8;
	[tilespmem:$0x1F080] =	vst v63  }
0x431: {  	_ =	swait.ge [sflag:s8], $0x2800  }
0x432: {  	[sflag:s8] =	ssyncset.done $0x0  }
0x433: {  	s3 =	simm.s32 $0x2480;
	[sflag:s8] =	ssyncadd.s32 $0xFFFFD800  }
0x434: {  	[spmem:s20] =	stream.indirect.scatter.add.f32 [tilespmem:s7], [sflag:$0x6], $0x80, s3, s13, $0xb8;
	[tilespmem:$0x1F080] =	vst v63  }
0x435: {  	_ =	swait.ge [sflag:s21], $0x2800  }
0x436: {  	[sflag:s21] =	ssyncset.done $0x0  }
0x437: {  	s16 =	simm.s32 $0x600;
	[sflag:s21] =	ssyncadd.s32 $0xFFFFD800  }
0x438: {  	[tilespmem:s7], [sflag:$0x1] =	stream.indirect.gather [hbm4b:s22+s13], $0x80, s16, s13, $0xb8;
	[tilespmem:$0x1F080] =	vst v63  }
0x439: {  	_ =	swait.ge [sflag:s17], $0x2800  }
0x43a: {  	[sflag:s17] =	ssyncset.done $0x0  }
0x43b: {  	s3 =	simm.s32 $0x2500;
	[sflag:s17] =	ssyncadd.s32 $0xFFFFD800  }
0x43c: {  	[spmem:s20] =	stream.indirect.scatter.add.f32 [tilespmem:s15], [sflag:$0x6], $0x80, s3, s13, $0xb8;
	[tilespmem:$0x1F080] =	vst v63  }
0x43d: {  	_ =	swait.ge [sflag:s21], $0x2800  }
0x43e: {  	[sflag:s21] =	ssyncset.done $0x0  }
0x43f: {  	s16 =	simm.s32 $0x680;
	[sflag:s21] =	ssyncadd.s32 $0xFFFFD800  }
0x440: {  	[tilespmem:s15], [sflag:$0x2] =	stream.indirect.gather [hbm4b:s22+s13], $0x80, s16, s13, $0xb8;
	[tilespmem:$0x1F080] =	vst v63  }
0x441: {  	_ =	swait.ge [sflag:s0], $0x2800  }
0x442: {  	[sflag:s0] =	ssyncset.done $0x0  }
0x443: {  	s3 =	simm.s32 $0x2580;
	[sflag:s0] =	ssyncadd.s32 $0xFFFFD800  }
0x444: {  	[spmem:s20] =	stream.indirect.scatter.add.f32 [tilespmem:s18], [sflag:$0x6], $0x80, s3, s13, $0xb8;
	[tilespmem:$0x1F080] =	vst v63  }
0x445: {  	_ =	swait.ge [sflag:s21], $0x2800  }
0x446: {  	[sflag:s21] =	ssyncset.done $0x0  }
0x447: {  	s16 =	simm.s32 $0x700;
	[sflag:s21] =	ssyncadd.s32 $0xFFFFD800  }
0x448: {  	[tilespmem:s18], [sflag:$0x3] =	stream.indirect.gather [hbm4b:s22+s13], $0x80, s16, s13, $0xb8;
	[tilespmem:$0x1F080] =	vst v63  }
0x449: {  	_ =	swait.ge [sflag:s8], $0x2800  }
0x44a: {  	[sflag:s8] =	ssyncset.done $0x0  }
0x44b: {  	s3 =	simm.s32 $0x2600;
	[sflag:s8] =	ssyncadd.s32 $0xFFFFD800  }
0x44c: {  	[spmem:s20] =	stream.indirect.scatter.add.f32 [tilespmem:s7], [sflag:$0x6], $0x80, s3, s13, $0xb8;
	[tilespmem:$0x1F080] =	vst v63  }
0x44d: {  	_ =	swait.ge [sflag:s21], $0x2800  }
0x44e: {  	[sflag:s21] =	ssyncset.done $0x0  }
0x44f: {  	s16 =	simm.s32 $0x780;
	[sflag:s21] =	ssyncadd.s32 $0xFFFFD800  }
0x450: {  	[tilespmem:s7], [sflag:$0x1] =	stream.indirect.gather [hbm4b:s22+s13], $0x80, s16, s13, $0xb8;
	[tilespmem:$0x1F080] =	vst v63  }
0x451: {  	_ =	swait.ge [sflag:s17], $0x2800  }
0x452: {  	[sflag:s17] =	ssyncset.done $0x0  }
0x453: {  	s3 =	simm.s32 $0x2680;
	[sflag:s17] =	ssyncadd.s32 $0xFFFFD800  }
0x454: {  	[spmem:s20] =	stream.indirect.scatter.add.f32 [tilespmem:s15], [sflag:$0x6], $0x80, s3, s13, $0xb8;
	[tilespmem:$0x1F080] =	vst v63  }
0x455: {  	_ =	swait.ge [sflag:s21], $0x2800  }
0x456: {  	[sflag:s21] =	ssyncset.done $0x0  }
0x457: {  	s16 =	simm.s32 $0x800;
	[sflag:s21] =	ssyncadd.s32 $0xFFFFD800  }
0x458: {  	[tilespmem:s15], [sflag:$0x2] =	stream.indirect.gather [hbm4b:s22+s13], $0x80, s16, s13, $0xb8;
	[tilespmem:$0x1F080] =	vst v63  }
0x459: {  	_ =	swait.ge [sflag:s0], $0x2800  }
0x45a: {  	[sflag:s0] =	ssyncset.done $0x0  }
0x45b: {  	s3 =	simm.s32 $0x2700;
	[sflag:s0] =	ssyncadd.s32 $0xFFFFD800  }
0x45c: {  	[spmem:s20] =	stream.indirect.scatter.add.f32 [tilespmem:s18], [sflag:$0x6], $0x80, s3, s13, $0xb8;
	[tilespmem:$0x1F080] =	vst v63  }
0x45d: {  	_ =	swait.ge [sflag:s21], $0x2800  }
0x45e: {  	[sflag:s21] =	ssyncset.done $0x0  }
0x45f: {  	s16 =	simm.s32 $0x880;
	[sflag:s21] =	ssyncadd.s32 $0xFFFFD800  }
0x460: {  	[tilespmem:s18], [sflag:$0x3] =	stream.indirect.gather [hbm4b:s22+s13], $0x80, s16, s13, $0xb8;
	[tilespmem:$0x1F080] =	vst v63  }
0x461: {  	_ =	swait.ge [sflag:s8], $0x2800  }
0x462: {  	[sflag:s8] =	ssyncset.done $0x0  }
0x463: {  	s3 =	simm.s32 $0x2780;
	[sflag:s8] =	ssyncadd.s32 $0xFFFFD800  }
0x464: {  	[spmem:s20] =	stream.indirect.scatter.add.f32 [tilespmem:s7], [sflag:$0x6], $0x80, s3, s13, $0xb8;
	[tilespmem:$0x1F080] =	vst v63  }
0x465: {  	_ =	swait.ge [sflag:s21], $0x2800  }
0x466: {  	[sflag:s21] =	ssyncset.done $0x0  }
0x467: {  	s16 =	simm.s32 $0x900;
	[sflag:s21] =	ssyncadd.s32 $0xFFFFD800  }
0x468: {  	[tilespmem:s7], [sflag:$0x1] =	stream.indirect.gather [hbm4b:s22+s13], $0x80, s16, s13, $0xb8;
	[tilespmem:$0x1F080] =	vst v63  }
0x469: {  	_ =	swait.ge [sflag:s17], $0x2800  }
0x46a: {  	[sflag:s17] =	ssyncset.done $0x0  }
0x46b: {  	s3 =	simm.s32 $0x2800;
	[sflag:s17] =	ssyncadd.s32 $0xFFFFD800  }
0x46c: {  	[spmem:s20] =	stream.indirect.scatter.add.f32 [tilespmem:s15], [sflag:$0x6], $0x80, s3, s13, $0xb8;
	[tilespmem:$0x1F080] =	vst v63  }
0x46d: {  	_ =	swait.ge [sflag:s21], $0x2800  }
0x46e: {  	[sflag:s21] =	ssyncset.done $0x0  }
0x46f: {  	s16 =	simm.s32 $0x980;
	[sflag:s21] =	ssyncadd.s32 $0xFFFFD800  }
0x470: {  	[tilespmem:s15], [sflag:$0x2] =	stream.indirect.gather [hbm4b:s22+s13], $0x80, s16, s13, $0xb8;
	[tilespmem:$0x1F080] =	vst v63  }
0x471: {  	_ =	swait.ge [sflag:s0], $0x2800  }
0x472: {  	[sflag:s0] =	ssyncset.done $0x0  }
0x473: {  	s3 =	simm.s32 $0x2880;
	[sflag:s0] =	ssyncadd.s32 $0xFFFFD800  }
0x474: {  	[spmem:s20] =	stream.indirect.scatter.add.f32 [tilespmem:s18], [sflag:$0x6], $0x80, s3, s13, $0xb8;
	[tilespmem:$0x1F080] =	vst v63  }
0x475: {  	_ =	swait.ge [sflag:s21], $0x2800  }
0x476: {  	[sflag:s21] =	ssyncset.done $0x0  }
0x477: {  	s16 =	simm.s32 $0xA00;
	[sflag:s21] =	ssyncadd.s32 $0xFFFFD800  }
0x478: {  	[tilespmem:s18], [sflag:$0x3] =	stream.indirect.gather [hbm4b:s22+s13], $0x80, s16, s13, $0xb8;
	[tilespmem:$0x1F080] =	vst v63  }
0x479: {  	_ =	swait.ge [sflag:s8], $0x2800  }
0x47a: {  	[sflag:s8] =	ssyncset.done $0x0  }
0x47b: {  	s3 =	simm.s32 $0x2900;
	[sflag:s8] =	ssyncadd.s32 $0xFFFFD800  }
0x47c: {  	[spmem:s20] =	stream.indirect.scatter.add.f32 [tilespmem:s7], [sflag:$0x6], $0x80, s3, s13, $0xb8;
	[tilespmem:$0x1F080] =	vst v63  }
0x47d: {  	_ =	swait.ge [sflag:s21], $0x2800  }
0x47e: {  	[sflag:s21] =	ssyncset.done $0x0  }
0x47f: {  	s16 =	simm.s32 $0xA80;
	[sflag:s21] =	ssyncadd.s32 $0xFFFFD800  }
0x480: {  	[tilespmem:s7], [sflag:$0x1] =	stream.indirect.gather [hbm4b:s22+s13], $0x80, s16, s13, $0xb8;
	[tilespmem:$0x1F080] =	vst v63  }
0x481: {  	_ =	swait.ge [sflag:s17], $0x2800  }
0x482: {  	[sflag:s17] =	ssyncset.done $0x0  }
0x483: {  	s3 =	simm.s32 $0x2980;
	[sflag:s17] =	ssyncadd.s32 $0xFFFFD800  }
0x484: {  	[spmem:s20] =	stream.indirect.scatter.add.f32 [tilespmem:s15], [sflag:$0x6], $0x80, s3, s13, $0xb8;
	[tilespmem:$0x1F080] =	vst v63  }
0x485: {  	_ =	swait.ge [sflag:s21], $0x2800  }
0x486: {  	[sflag:s21] =	ssyncset.done $0x0  }
0x487: {  	s16 =	simm.s32 $0xB00;
	[sflag:s21] =	ssyncadd.s32 $0xFFFFD800  }
0x488: {  	[tilespmem:s15], [sflag:$0x2] =	stream.indirect.gather [hbm4b:s22+s13], $0x80, s16, s13, $0xb8;
	[tilespmem:$0x1F080] =	vst v63  }
0x489: {  	_ =	swait.ge [sflag:s0], $0x2800  }
0x48a: {  	[sflag:s0] =	ssyncset.done $0x0  }
0x48b: {  	s3 =	simm.s32 $0x2A00;
	[sflag:s0] =	ssyncadd.s32 $0xFFFFD800  }
0x48c: {  	[spmem:s20] =	stream.indirect.scatter.add.f32 [tilespmem:s18], [sflag:$0x6], $0x80, s3, s13, $0xb8;
	[tilespmem:$0x1F080] =	vst v63  }
0x48d: {  	_ =	swait.ge [sflag:s21], $0x2800  }
0x48e: {  	[sflag:s21] =	ssyncset.done $0x0  }
0x48f: {  	s16 =	simm.s32 $0xB80;
	[sflag:s21] =	ssyncadd.s32 $0xFFFFD800  }
0x490: {  	[tilespmem:s18], [sflag:$0x3] =	stream.indirect.gather [hbm4b:s22+s13], $0x80, s16, s13, $0xb8;
	[tilespmem:$0x1F080] =	vst v63  }
0x491: {  	_ =	swait.ge [sflag:s8], $0x2800  }
0x492: {  	[sflag:s8] =	ssyncset.done $0x0  }
0x493: {  	s3 =	simm.s32 $0x2A80;
	[sflag:s8] =	ssyncadd.s32 $0xFFFFD800  }
0x494: {  	[spmem:s20] =	stream.indirect.scatter.add.f32 [tilespmem:s7], [sflag:$0x6], $0x80, s3, s13, $0xb8;
	[tilespmem:$0x1F080] =	vst v63  }
0x495: {  	_ =	swait.ge [sflag:s21], $0x2800  }
0x496: {  	[sflag:s21] =	ssyncset.done $0x0  }
0x497: {  	s16 =	simm.s32 $0xC00;
	[sflag:s21] =	ssyncadd.s32 $0xFFFFD800  }
0x498: {  	[tilespmem:s7], [sflag:$0x1] =	stream.indirect.gather [hbm4b:s22+s13], $0x80, s16, s13, $0xb8;
	[tilespmem:$0x1F080] =	vst v63  }
0x499: {  	_ =	swait.ge [sflag:s17], $0x2800  }
0x49a: {  	[sflag:s17] =	ssyncset.done $0x0  }
0x49b: {  	[sflag:s17] =	ssyncadd.s32 $0xFFFFD800  }
0x49c: {  	[spmem:s20] =	stream.indirect.scatter.add.f32 [tilespmem:s15], [sflag:$0x6], $0x80, s4, s13, $0xb8;
	[tilespmem:$0x1F080] =	vst v63  }
0x49d: {  	_ =	swait.ge [sflag:s21], $0x2800  }
0x49e: {  	[sflag:s21] =	ssyncset.done $0x0  }
0x49f: {  	[sflag:s21] =	ssyncadd.s32 $0xFFFFD800  }
0x4a0: {  	_ =	swait.ge [sflag:s0], $0x2800  }
0x4a1: {  	[sflag:s0] =	ssyncset.done $0x0  }
0x4a2: {  	[sflag:s0] =	ssyncadd.s32 $0xFFFFD800  }
0x4a3: {  	[spmem:s20] =	stream.indirect.scatter.add.f32 [tilespmem:s18], [sflag:$0x6], $0x80, s5, s13, $0xb8;
	[tilespmem:$0x1F080] =	vst v63  }
0x4a4: {  	_ =	swait.ge [sflag:s21], $0x2800  }
0x4a5: {  	[sflag:s21] =	ssyncset.done $0x0  }
0x4a6: {  	[sflag:s21] =	ssyncadd.s32 $0xFFFFD800  }
0x4a7: {  	_ =	swait.ge [sflag:s8], $0x2800  }
0x4a8: {  	[sflag:s8] =	ssyncset.done $0x0  }
0x4a9: {  	[sflag:s8] =	ssyncadd.s32 $0xFFFFD800  }
0x4aa: {  	[spmem:s20] =	stream.indirect.scatter.add.f32 [tilespmem:s7], [sflag:$0x6], $0x80, s1, s13, $0xb8;
	[tilespmem:$0x1F080] =	vst v63  }
0x4ab: {  	_ =	swait.ge [sflag:s21], $0x2800  }
0x4ac: {  	[sflag:s21] =	ssyncset.done $0x0  }
0x4ad: {  	s3 =	stileid.u32;
	[sflag:s21] =	ssyncadd.s32 $0xFFFFD800  }
0x4ae: {  	s2 =	sshll.u32 s3, $0x6;
	[bflag:$0x0] =	sbarrier.arrive $0xFFFF  }
0x4af: {  	s3 =	sshrl.u32 s23, $0x3;
	s2 =	sor.u32 $0x1C01, s2;
	s16 =	rddreg [dreg:$0xe]  }
0x4b0: {  	[hbm:s16], [sflag:s2] =	dma.local [spmem:s3], $0x500  }
0x4b1: {  	s3 =	sshrl.u32 s24, $0x3;
	s16 =	rddreg [dreg:$0xf]  }
0x4b2: {  	[hbm:s16], [sflag:s2] =	dma.local [spmem:s3], $0x500  }
0x4b3: {  	s3 =	sshrl.u32 s25, $0x3;
	s16 =	rddreg [dreg:$0x10]  }
0x4b4: {  	[hbm:s16], [sflag:s2] =	dma.local [spmem:s3], $0x500  }
0x4b5: {  	s3 =	sshrl.u32 s26, $0x3;
	s16 =	rddreg [dreg:$0x11]  }
0x4b6: {  	[hbm:s16], [sflag:s2] =	dma.local [spmem:s3], $0x500  }
0x4b7: {  	s3 =	sshrl.u32 s28, $0x3;
	s16 =	rddreg [dreg:$0x12]  }
0x4b8: {  	[hbm:s16], [sflag:s2] =	dma.local [spmem:s3], $0x500  }
0x4b9: {  	s3 =	sshrl.u32 s29, $0x3;
	s16 =	rddreg [dreg:$0x13]  }
0x4ba: {  	[hbm:s16], [sflag:s2] =	dma.local [spmem:s3], $0x500  }
0x4bb: {  	s3 =	sshrl.u32 s30, $0x3;
	s16 =	rddreg [dreg:$0x14]  }
0x4bc: {  	[hbm:s16], [sflag:s2] =	dma.local [spmem:s3], $0x500  }
0x4bd: {  	s3 =	sshrl.u32 @!p0 s31, $0x3;
	s16 =	rddreg [dreg:$0x15]  }
0x4be: {  	[hbm:s16], [sflag:s2] =	dma.local @!p0 [spmem:s3], $0x500  }
0x4bf: {  	_ =	swait.ge [sflag:s8], $0x500  }
0x4c0: {  	[sflag:s8] =	ssyncset.done $0x0  }
0x4c1: {  	[sflag:s8] =	ssyncadd.s32 $0xFFFFFB00  }
0x4c2: {  	_ =	swait.ge [sflag:s8], $0x500  }
0x4c3: {  	[sflag:s8] =	ssyncset.done $0x0  }
0x4c4: {  	[sflag:s8] =	ssyncadd.s32 $0xFFFFFB00  }
0x4c5: {  	_ =	swait.ge [sflag:s8], $0x500  }
0x4c6: {  	[sflag:s8] =	ssyncset.done $0x0  }
0x4c7: {  	[sflag:s8] =	ssyncadd.s32 $0xFFFFFB00  }
0x4c8: {  	_ =	swait.ge [sflag:s8], $0x500  }
0x4c9: {  	[sflag:s8] =	ssyncset.done $0x0  }
0x4ca: {  	[sflag:s8] =	ssyncadd.s32 $0xFFFFFB00  }
0x4cb: {  	_ =	swait.ge [sflag:s8], $0x500  }
0x4cc: {  	[sflag:s8] =	ssyncset.done $0x0  }
0x4cd: {  	[sflag:s8] =	ssyncadd.s32 $0xFFFFFB00  }
0x4ce: {  	_ =	swait.ge [sflag:s8], $0x500  }
0x4cf: {  	[sflag:s8] =	ssyncset.done $0x0  }
0x4d0: {  	[sflag:s8] =	ssyncadd.s32 $0xFFFFFB00  }
0x4d1: {  	_ =	swait.ge [sflag:s8], $0x500  }
0x4d2: {  	[sflag:s8] =	ssyncset.done $0x0  }
0x4d3: {  	s2 =	simm.s32 @!p0 $0x1;
	[sflag:s8] =	ssyncadd.s32 $0xFFFFFB00  }
0x4d4: {  	_ =	swait.ge @!p0 [sflag:s2], $0x500  }
0x4d5: {  	s14 =	sadd.s32 $0x1, s14;
	s16 =	rddreg [dreg:$0x16]  }
0x4d6: {  	p1 =	sne.s32 s14, s16  }
.Ltmp7:
0x4d7: {  	_ = 	snop;
	(pc) =	sbr.rel @p1 .LBB2_1-.Ltmp7, $3  }
0x4d8: {  	_ =	sdelay $0x1  }
0x4d9: {  	[sflag:s2] =	ssyncset.done @!p0 $0x0  }
0x4da: {  	[sflag:s2] =	ssyncadd.s32 @!p0 $0xFFFFFB00  }
0x4db: {  	_ =	sfence.sel $0x180000  }
0x4dc: {  	[bflag:$0x0] =	sbarrier.arrive $0xFFFF  }
0x4dd: {  	_ =	strace $0x90000047  }
0x4de: {  	s0 =	stileid.u32;
	[bflag:$0x2] =	sbarrier.arrive $0xFFFF  }
0x4df: {  	p0 =	sne.s32 s0, $0x0;
	s0 =	rddreg [dreg:$0x3]  }
0x4e0: {  	s0 =	sadd.s32 @!p0 $0x100000, s0  }
0x4e1: {  	[sflag:s0] =	ssyncadd.tile.s32 @!p0 $0x1;
	_ =	shalt  }
.Lfunc_end2:
_tile_overlayer_lowered:
.L_overlay_start_2:
0x4e2: {  	(tag) =	ssettag $0x2  }
0x4e3: {  	s0 =	rddreg [dreg:$0x0];
	s2 =	stileid.u32  }
0x4e4: {  	s1 =	rddreg [dreg:$0x1];
	p0 =	sne.s32 s2, $0x0  }
0x4e5: {  	s3 =	rddreg [dreg:$0x2];
	[bflag:$0x3] =	sbarrier.arrive $0xFFFF;
	s2 =	simm.s32 @!p0 $0x1C06  }
0x4e6: {  	[timem:s3], [sflag:s2] =	dma.local @!p0 [hbm:s0], s1  }
0x4e7: {  	s0 =	simm.s32 @!p0 $0x6  }
0x4e8: {  	_ =	swait.ge @!p0 [sflag:s0], s1  }
0x4e9: {  	s1 =	ssub.s32 @!p0 $0x0, s1;
	[sflag:s0] =	ssyncset.done @!p0 $0x0  }
0x4ea: {  	[sflag:s0] =	ssyncadd.s32 @!p0 s1  }
0x4eb: {  	[bflag:$0x3] =	sbarrier.arrive $0xFFFF  }
0x4ec: {  	_ =	shalt  }

</sc_bundles>
